<compile_context>
chip_gen: v7x
topology: tpu7x:2x2x1
jax: 0.10.2.dev20260603
libtpu: 0.0.44.dev20260713+nightly
codegen_flags: <defaults>
</compile_context>

<pallas_src>
import functools
import jax
import jax.numpy as jnp
from jax import lax
from jax.experimental import pallas as pl
from jax.experimental.pallas import tpu as pltpu
from jax.experimental.pallas import tpu_sc as plsc

EPS = 1e-5

N = 10000
D = 128
H = 64
E = 320000
NC = 2
NS = 16
NW = NC * NS
CH = 128
GRP = 3
NCHUNK = E // CH
BASE = NCHUNK // NW
EXTRA = NCHUNK % NW
RNDS = BASE // GRP
KMAX = BASE + 1
AW = 8
NP = N + 112
RPT = NP // NS


def _bn(v, g, be):
    m = jnp.mean(v, axis=0, keepdims=True)
    var = jnp.mean((v - m) * (v - m), axis=0, keepdims=True)
    return (v - m) / jnp.sqrt(var + EPS) * g + be


def _tc_a1_body(x_ref, wl_ref, y_ref):
    y = lax.dot_general(x_ref[...], wl_ref[...], (((1,), (1,)), ((), ())),
                        preferred_element_type=jnp.float32)
    y_ref[0:N, :] = y.astype(jnp.bfloat16)
    y_ref[N:NP, :] = jnp.zeros((NP - N, H), jnp.bfloat16)


def _tc_a1(x, wl):
    return pl.pallas_call(
        _tc_a1_body,
        out_shape=jax.ShapeDtypeStruct((NP, H), jnp.bfloat16),
    )(x, wl)


def _tc_a2_body(x_ref, wr_ref, b_ref, r_ref):
    r_ref[...] = lax.dot_general(x_ref[...], wr_ref[...],
                                 (((1,), (1,)), ((), ())),
                                 preferred_element_type=jnp.float32) + b_ref[...]


def _tc_a2(x, wr, b):
    return pl.pallas_call(
        _tc_a2_body,
        out_shape=jax.ShapeDtypeStruct((N, H), jnp.float32),
    )(x, wr, b)


def _tc_b_body(acc_ref, deg16_ref, r1_ref, wl_ref, g_ref,
               be_ref, y2_ref, h1_ref, inv16_ref):
    deg = (deg16_ref[0, 0:N, :] + deg16_ref[1, 0:N, :])[:, 0:1]
    invdeg = 1.0 / jnp.maximum(deg, 1.0)
    agg = (acc_ref[0, 0:N, :].astype(jnp.float32)
           + acc_ref[1, 0:N, :].astype(jnp.float32))
    pre = agg * invdeg + r1_ref[...]
    h1 = jnp.maximum(_bn(pre, g_ref[...], be_ref[...]), 0.0)
    y2 = lax.dot_general(h1, wl_ref[...], (((1,), (1,)), ((), ())),
                         preferred_element_type=jnp.float32)
    y2_ref[0:N, :] = y2.astype(jnp.bfloat16)
    y2_ref[N:NP, :] = jnp.zeros((NP - N, H), jnp.bfloat16)
    h1_ref[...] = h1
    inv16_ref[0:N, :] = jnp.broadcast_to(invdeg, (N, AW))
    inv16_ref[N:NP, :] = jnp.zeros((NP - N, AW), jnp.float32)


def _tc_b(acc1, deg16, r1, wl, g, be):
    return pl.pallas_call(
        _tc_b_body,
        out_shape=[jax.ShapeDtypeStruct((NP, H), jnp.bfloat16),
                   jax.ShapeDtypeStruct((N, H), jnp.float32),
                   jax.ShapeDtypeStruct((NP, AW), jnp.float32)],
    )(acc1, deg16, r1, wl, g, be)


def _tc_b2_body(h1_ref, wr_ref, b_ref, r2_ref):
    r2_ref[...] = lax.dot_general(h1_ref[...], wr_ref[...],
                                  (((1,), (1,)), ((), ())),
                                  preferred_element_type=jnp.float32) + b_ref[...]


def _tc_b2(h1, wr, b):
    return pl.pallas_call(
        _tc_b2_body,
        out_shape=jax.ShapeDtypeStruct((N, H), jnp.float32),
    )(h1, wr, b)


def _tc_c_body(acc_ref, w16_ref, inv16_ref, r2_ref, wl3_ref, wr3_ref, b3_ref,
               g_ref, be_ref, wc1_ref, bc1_ref, wc2_ref, bc2_ref, out_ref):
    invdeg = inv16_ref[0:N, :][:, 0:1]
    agg = (acc_ref[0, 0:N, :].astype(jnp.float32)
           + acc_ref[1, 0:N, :].astype(jnp.float32))
    pre = agg * invdeg + r2_ref[...]
    h2 = jnp.maximum(_bn(pre, g_ref[...], be_ref[...]), 0.0)
    y3 = lax.dot_general(h2, wl3_ref[...], (((1,), (1,)), ((), ())),
                         preferred_element_type=jnp.float32)
    z3 = lax.dot_general(h2, wr3_ref[...], (((1,), (1,)), ((), ())),
                         preferred_element_type=jnp.float32)
    w = (w16_ref[0, 0:N, :] + w16_ref[1, 0:N, :])[:, 0:1]
    s = (jnp.sum(y3 * w) + jnp.sum(z3)) * (1.0 / N) + b3_ref[0, 0]
    hh = jnp.maximum(s * wc1_ref[...] + bc1_ref[...], 0.0)
    logit = jnp.sum(hh * wc2_ref[...]) + bc2_ref[0, 0]
    out_ref[...] = (1.0 / (1.0 + jnp.exp(-logit))).reshape(1, 1)


def _tc_c(acc2, w16, inv16, r2, wl3, wr3, b3, g, be, wc1, bc1, wc2, bc2):
    return pl.pallas_call(
        _tc_c_body,
        out_shape=jax.ShapeDtypeStruct((1, 1), jnp.float32),
    )(acc2, w16, inv16, r2, wl3, wr3, b3, g, be, wc1, bc1, wc2, bc2)


_MESH = plsc.VectorSubcoreMesh(core_axis_name="c", subcore_axis_name="s",
                               num_cores=NC, num_subcores=NS)


def _sc1_body(y_hbm, src_hbm, dst_hbm, zrow_hbm, zaw_hbm, ones_hbm,
              acc_out, deg_out,
              idx_s, idx_d, rows, ones_v, acc_sh, deg_sh,
              sem_g0, sem_g1, sem_s0, sem_s1, sem_d):
    c = lax.axis_index("c")
    s = lax.axis_index("s")
    wid = s * NC + c
    row0 = s * RPT
    start = wid * BASE + jnp.minimum(wid, EXTRA)
    has_extra = wid < EXTRA
    pltpu.sync_copy(zrow_hbm, acc_sh.at[pl.ds(row0, RPT)])
    pltpu.sync_copy(zaw_hbm, deg_sh.at[pl.ds(row0, RPT)])
    pltpu.sync_copy(ones_hbm, ones_v)
    pltpu.sync_copy(src_hbm.at[pl.ds(start, BASE)], idx_s.at[pl.ds(0, BASE)])
    pltpu.sync_copy(dst_hbm.at[pl.ds(start, BASE)], idx_d.at[pl.ds(0, BASE)])

    @pl.when(has_extra)
    def _():
        pltpu.sync_copy(src_hbm.at[pl.ds(start + BASE, 1)],
                        idx_s.at[pl.ds(BASE, 1)])
        pltpu.sync_copy(dst_hbm.at[pl.ds(start + BASE, 1)],
                        idx_d.at[pl.ds(BASE, 1)])

    plsc.subcore_barrier()

    sems_g = (sem_g0, sem_g1)
    sems_s = (sem_s0, sem_s1)

    for b in range(GRP):
        pltpu.async_copy(y_hbm.at[idx_s.at[b]], rows.at[b], sem_g0)

    def round_(r, p):
        base = p * GRP
        ob = (1 - p) * GRP
        @pl.when(r + 1 < RNDS)
        def _():
            @pl.when(r >= 1)
            def _():
                for b in range(GRP):
                    pltpu.make_async_copy(
                        rows.at[ob + b], acc_sh.at[idx_d.at[0]],
                        sems_s[1 - p]).wait()
            for b in range(GRP):
                pltpu.async_copy(y_hbm.at[idx_s.at[(r + 1) * GRP + b]],
                                 rows.at[ob + b], sems_g[1 - p])
        for b in range(GRP):
            pltpu.make_async_copy(
                y_hbm.at[idx_s.at[r * GRP + b]], rows.at[base + b],
                sems_g[p]).wait()
        for b in range(GRP):
            j = r * GRP + b
            pltpu.async_copy(rows.at[base + b], acc_sh.at[idx_d.at[j]],
                             sems_s[p], add=True)
            pltpu.async_copy(ones_v, deg_sh.at[idx_d.at[j]], sem_d, add=True)

    def body(r, carry):
        @pl.when(r % 2 == 0)
        def _():
            round_(r, 0)

        @pl.when(r % 2 == 1)
        def _():
            round_(r, 1)
        return carry

    lax.fori_loop(0, RNDS, body, 0)
    for b in range(GRP):
        pltpu.make_async_copy(rows.at[b], acc_sh.at[idx_d.at[0]], sem_s0).wait()
        pltpu.make_async_copy(rows.at[GRP + b], acc_sh.at[idx_d.at[0]],
                              sem_s1).wait()

    @pl.when(has_extra)
    def _():
        pltpu.async_copy(y_hbm.at[idx_s.at[BASE]], rows.at[0], sem_g0)
        pltpu.make_async_copy(y_hbm.at[idx_s.at[BASE]], rows.at[0],
                              sem_g0).wait()
        pltpu.sync_copy(rows.at[0], acc_sh.at[idx_d.at[BASE]], add=True)
        pltpu.sync_copy(ones_v, deg_sh.at[idx_d.at[BASE]], add=True)

    def dbody(j, carry):
        pltpu.make_async_copy(ones_v, deg_sh.at[idx_d.at[0]], sem_d).wait()
        return carry

    lax.fori_loop(0, BASE, dbody, 0)
    plsc.subcore_barrier()
    pltpu.sync_copy(acc_sh.at[pl.ds(row0, RPT)], acc_out.at[c, pl.ds(row0, RPT)])
    pltpu.sync_copy(deg_sh.at[pl.ds(row0, RPT)], deg_out.at[c, pl.ds(row0, RPT)])


def _sc2_body(y_hbm, inv_hbm, src_hbm, dst_hbm, zrow_hbm, zaw_hbm,
              acc_out, w_out,
              idx_s, idx_d, rows, aux, acc_sh, w_sh,
              sem_g0, sem_g1, sem_s0, sem_s1, sem_t0, sem_t1):
    c = lax.axis_index("c")
    s = lax.axis_index("s")
    wid = s * NC + c
    row0 = s * RPT
    start = wid * BASE + jnp.minimum(wid, EXTRA)
    has_extra = wid < EXTRA
    pltpu.sync_copy(zrow_hbm, acc_sh.at[pl.ds(row0, RPT)])
    pltpu.sync_copy(zaw_hbm, w_sh.at[pl.ds(row0, RPT)])
    pltpu.sync_copy(src_hbm.at[pl.ds(start, BASE)], idx_s.at[pl.ds(0, BASE)])
    pltpu.sync_copy(dst_hbm.at[pl.ds(start, BASE)], idx_d.at[pl.ds(0, BASE)])

    @pl.when(has_extra)
    def _():
        pltpu.sync_copy(src_hbm.at[pl.ds(start + BASE, 1)],
                        idx_s.at[pl.ds(BASE, 1)])
        pltpu.sync_copy(dst_hbm.at[pl.ds(start + BASE, 1)],
                        idx_d.at[pl.ds(BASE, 1)])

    plsc.subcore_barrier()

    sems_g = (sem_g0, sem_g1)
    sems_s = (sem_s0, sem_s1)
    sems_t = (sem_t0, sem_t1)

    for b in range(GRP):
        pltpu.async_copy(y_hbm.at[idx_s.at[b]], rows.at[b], sem_g0)
        pltpu.async_copy(inv_hbm.at[idx_d.at[b]], aux.at[b], sem_g0)

    def round_(r, p):
        base = p * GRP
        ob = (1 - p) * GRP
        @pl.when(r + 1 < RNDS)
        def _():
            @pl.when(r >= 1)
            def _():
                for b in range(GRP):
                    pltpu.make_async_copy(
                        rows.at[ob + b], acc_sh.at[idx_d.at[0]],
                        sems_s[1 - p]).wait()
                    pltpu.make_async_copy(
                        aux.at[ob + b], w_sh.at[idx_s.at[0]],
                        sems_t[1 - p]).wait()
            for b in range(GRP):
                j = (r + 1) * GRP + b
                pltpu.async_copy(y_hbm.at[idx_s.at[j]], rows.at[ob + b],
                                 sems_g[1 - p])
                pltpu.async_copy(inv_hbm.at[idx_d.at[j]], aux.at[ob + b],
                                 sems_g[1 - p])
        for b in range(GRP):
            j = r * GRP + b
            pltpu.make_async_copy(
                y_hbm.at[idx_s.at[j]], rows.at[base + b], sems_g[p]).wait()
            pltpu.make_async_copy(
                inv_hbm.at[idx_d.at[j]], aux.at[base + b], sems_g[p]).wait()
        for b in range(GRP):
            j = r * GRP + b
            pltpu.async_copy(rows.at[base + b], acc_sh.at[idx_d.at[j]],
                             sems_s[p], add=True)
            pltpu.async_copy(aux.at[base + b], w_sh.at[idx_s.at[j]],
                             sems_t[p], add=True)

    def body(r, carry):
        @pl.when(r % 2 == 0)
        def _():
            round_(r, 0)

        @pl.when(r % 2 == 1)
        def _():
            round_(r, 1)
        return carry

    lax.fori_loop(0, RNDS, body, 0)
    for b in range(GRP):
        pltpu.make_async_copy(rows.at[b], acc_sh.at[idx_d.at[0]], sem_s0).wait()
        pltpu.make_async_copy(rows.at[GRP + b], acc_sh.at[idx_d.at[0]],
                              sem_s1).wait()
        pltpu.make_async_copy(aux.at[b], w_sh.at[idx_s.at[0]], sem_t0).wait()
        pltpu.make_async_copy(aux.at[GRP + b], w_sh.at[idx_s.at[0]],
                              sem_t1).wait()

    @pl.when(has_extra)
    def _():
        pltpu.async_copy(y_hbm.at[idx_s.at[BASE]], rows.at[0], sem_g0)
        pltpu.make_async_copy(y_hbm.at[idx_s.at[BASE]], rows.at[0],
                              sem_g0).wait()
        pltpu.sync_copy(rows.at[0], acc_sh.at[idx_d.at[BASE]], add=True)
        pltpu.async_copy(inv_hbm.at[idx_d.at[BASE]], aux.at[0], sem_g0)
        pltpu.make_async_copy(inv_hbm.at[idx_d.at[BASE]], aux.at[0],
                              sem_g0).wait()
        pltpu.sync_copy(aux.at[0], w_sh.at[idx_s.at[BASE]], add=True)

    plsc.subcore_barrier()
    pltpu.sync_copy(acc_sh.at[pl.ds(row0, RPT)], acc_out.at[c, pl.ds(row0, RPT)])
    pltpu.sync_copy(w_sh.at[pl.ds(row0, RPT)], w_out.at[c, pl.ds(row0, RPT)])


@functools.partial(
    pl.kernel,
    out_type=[jax.ShapeDtypeStruct((NC, NP, H), jnp.bfloat16),
              jax.ShapeDtypeStruct((NC, NP, AW), jnp.float32)],
    mesh=_MESH,
    scratch_types=[
        pltpu.VMEM((KMAX, CH), jnp.int32),
        pltpu.VMEM((KMAX, CH), jnp.int32),
        pltpu.VMEM((2 * GRP, CH, H), jnp.bfloat16),
        pltpu.VMEM((CH, AW), jnp.float32),
        pltpu.VMEM_SHARED((NP, H), jnp.bfloat16),
        pltpu.VMEM_SHARED((NP, AW), jnp.float32),
        pltpu.SemaphoreType.DMA,
        pltpu.SemaphoreType.DMA,
        pltpu.SemaphoreType.DMA,
        pltpu.SemaphoreType.DMA,
        pltpu.SemaphoreType.DMA,
    ],
    compiler_params=pltpu.CompilerParams(use_tc_tiling_on_sc=False),
)
def _sc1(*refs):
    _sc1_body(*refs)


@functools.partial(
    pl.kernel,
    out_type=[jax.ShapeDtypeStruct((NC, NP, H), jnp.bfloat16),
              jax.ShapeDtypeStruct((NC, NP, AW), jnp.float32)],
    mesh=_MESH,
    scratch_types=[
        pltpu.VMEM((KMAX, CH), jnp.int32),
        pltpu.VMEM((KMAX, CH), jnp.int32),
        pltpu.VMEM((2 * GRP, CH, H), jnp.bfloat16),
        pltpu.VMEM((2 * GRP, CH, AW), jnp.float32),
        pltpu.VMEM_SHARED((NP, H), jnp.bfloat16),
        pltpu.VMEM_SHARED((NP, AW), jnp.float32),
        pltpu.SemaphoreType.DMA,
        pltpu.SemaphoreType.DMA,
        pltpu.SemaphoreType.DMA,
        pltpu.SemaphoreType.DMA,
        pltpu.SemaphoreType.DMA,
        pltpu.SemaphoreType.DMA,
    ],
    compiler_params=pltpu.CompilerParams(use_tc_tiling_on_sc=False),
)
def _sc2(*refs):
    _sc2_body(*refs)


def kernel(x, edge_index, Wl1, Wr1, b1, Wl2, Wr2, b2, Wl3, Wr3, b3,
           g1, be1, g2, be2, Wc1, bc1, Wc2, bc2):
    ei = edge_index.astype(jnp.int32)
    src2 = ei[0].reshape(NCHUNK, CH)
    dst2 = ei[1].reshape(NCHUNK, CH)

    zrow = jnp.zeros((RPT, H), jnp.bfloat16)
    zaw = jnp.zeros((RPT, AW), jnp.float32)
    onesaw = jnp.ones((CH, AW), jnp.float32)

    b1r = b1.reshape(1, H)
    b2r = b2.reshape(1, H)
    b3r = b3.reshape(1, 1)
    g1r, be1r = g1.reshape(1, H), be1.reshape(1, H)
    g2r, be2r = g2.reshape(1, H), be2.reshape(1, H)
    wc1r = Wc1.reshape(1, H)
    bc1r = bc1.reshape(1, H)
    wc2r = Wc2.reshape(1, H)
    bc2r = bc2.reshape(1, 1)

    y1 = _tc_a1(x, Wl1)
    acc1, deg16 = _sc1(y1, src2, dst2, zrow, zaw, onesaw)
    r1 = _tc_a2(x, Wr1, b1r)
    y2, h1, inv16 = _tc_b(acc1, deg16, r1, Wl2, g1r, be1r)
    acc2, w16 = _sc2(y2, inv16, src2, dst2, zrow, zaw)
    r2 = _tc_b2(h1, Wr2, b2r)

    out = _tc_c(acc2, w16, inv16, r2, Wl3, Wr3, b3r, g2r, be2r,
                wc1r, bc1r, wc2r, bc2r)
    return out

# --- scband reference (transcript-rebuilt; emitter-appended) ---
"""Pipeline reference for scband-graph-sagefraud-detector-20323785244835 (READ-ONLY COPY).

The authoritative reference and input builder live on the scoring server;
editing this copy changes nothing except your own understanding.
"""

import jax, jax.numpy as jnp
import numpy as np

EPS = 1e-5

def sage_conv(x, edge_index, Wl, Wr, b):
    # PyG-style SAGEConv with mean aggregation:
    # out = lin_l(mean_{j in N(i)} x_j) + lin_r(x_i)
    src = edge_index[0]
    dst = edge_index[1]
    N = x.shape[0]
    msg = x[src]
    agg = jax.ops.segment_sum(msg, dst, num_segments=N)
    deg = jax.ops.segment_sum(jnp.ones((edge_index.shape[1],), x.dtype), dst, num_segments=N)
    agg = agg / jnp.clip(deg, 1.0, None)[:, None]
    return agg @ Wl.T + x @ Wr.T + b

def batch_norm(x, gamma, beta):
    mean = jnp.mean(x, axis=0, keepdims=True)
    var = jnp.var(x, axis=0, keepdims=True)
    return (x - mean) / jnp.sqrt(var + EPS) * gamma + beta

def setup_inputs(seed: int = 0) -> dict:
    key = jax.random.key(seed)
    ks = jax.random.split(key, 20)
    N, D, H, O, E = 10000, 128, 64, 1, 320000
    x = jax.random.normal(ks[0], (N, D), dtype=jnp.float32)
    edge_index = jax.random.randint(ks[1], (2, E), 0, N, dtype=jnp.int64)
    def lin(k, fan_out, fan_in):
        bound = 1.0 / np.sqrt(fan_in)
        return jax.random.uniform(k, (fan_out, fan_in), dtype=jnp.float32, minval=-bound, maxval=bound)
    inp = {
        'x': x,
        'edge_index': edge_index,
        'Wl1': lin(ks[2], H, D), 'Wr1': lin(ks[3], H, D), 'b1': jnp.zeros((H,), jnp.float32),
        'Wl2': lin(ks[4], H, H), 'Wr2': lin(ks[5], H, H), 'b2': jnp.zeros((H,), jnp.float32),
        'Wl3': lin(ks[6], O, H), 'Wr3': lin(ks[7], O, H), 'b3': jnp.zeros((O,), jnp.float32),
        'g1': jnp.ones((H,), jnp.float32), 'be1': jnp.zeros((H,), jnp.float32),
        'g2': jnp.ones((H,), jnp.float32), 'be2': jnp.zeros((H,), jnp.float32),
        'Wc1': lin(ks[8], H, O), 'bc1': jnp.zeros((H,), jnp.float32),
        'Wc2': lin(ks[9], 1, H), 'bc2': jnp.zeros((1,), jnp.float32),
    }
    return inp

def reference(x, edge_index, Wl1, Wr1, b1, Wl2, Wr2, b2, Wl3, Wr3, b3, g1, be1, g2, be2, Wc1, bc1, Wc2, bc2):
    h = sage_conv(x, edge_index, Wl1, Wr1, b1)
    h = batch_norm(h, g1, be1)
    h = jax.nn.relu(h)
    # dropout is identity in eval/deterministic mode
    h = sage_conv(h, edge_index, Wl2, Wr2, b2)
    h = batch_norm(h, g2, be2)
    h = jax.nn.relu(h)
    h = sage_conv(h, edge_index, Wl3, Wr3, b3)
    h = jnp.mean(h, axis=0, keepdims=True)  # [1, 1]
    h = jax.nn.relu(h @ Wc1.T + bc1)
    h = jax.nn.sigmoid(h @ Wc2.T + bc2)
    return h

if __name__ == "__main__":
    import jax
    _d = setup_inputs()
    print(jax.jit(kernel)(*tuple(_d.values())))

</pallas_src>

<mosaic_0001>
#map = affine_map<(d0, d1) -> (0, 0)>
#map1 = affine_map<(d0, d1) -> (0, 0, 0)>
module attributes {stable_mosaic.version = 14 : i64} {
  func.func @_sc1(%arg0: i32, %arg1: i32, %arg2: memref<10112x64xbf16, #tpu.memory_space<hbm>>, %arg3: memref<2500x128xi32, #tpu.memory_space<hbm>>, %arg4: memref<2500x128xi32, #tpu.memory_space<hbm>>, %arg5: memref<632x64xbf16, #tpu.memory_space<hbm>>, %arg6: memref<632x8xf32, #tpu.memory_space<hbm>>, %arg7: memref<128x8xf32, #tpu.memory_space<hbm>>, %arg8: memref<2x10112x64xbf16, #tpu.memory_space<hbm>>, %arg9: memref<2x10112x8xf32, #tpu.memory_space<hbm>>, %arg10: memref<79x128xi32, #tpu.memory_space<vmem>>, %arg11: memref<79x128xi32, #tpu.memory_space<vmem>>, %arg12: memref<6x128x64xbf16, #tpu.memory_space<vmem>>, %arg13: memref<128x8xf32, #tpu.memory_space<vmem>>, %arg14: memref<10112x64xbf16, #tpu.memory_space<vmem_shared>>, %arg15: memref<10112x8xf32, #tpu.memory_space<vmem_shared>>, %arg16: memref<!tpu.dma_semaphore, #tpu.memory_space<semaphore_mem>>, %arg17: memref<!tpu.dma_semaphore, #tpu.memory_space<semaphore_mem>>, %arg18: memref<!tpu.dma_semaphore, #tpu.memory_space<semaphore_mem>>, %arg19: memref<!tpu.dma_semaphore, #tpu.memory_space<semaphore_mem>>, %arg20: memref<!tpu.dma_semaphore, #tpu.memory_space<semaphore_mem>>) attributes {dimension_semantics = [#tpu.dimension_semantics<core_parallel>, #tpu.dimension_semantics<subcore_parallel>], iteration_bounds = array<i64: 2, 16>, scalar_prefetch = 0 : i64, scratch_operands = 11 : i64, tpu.core_type = #tpu.core_type<sc_vector_subcore>, window_params = [{transform_indices = #map}, {transform_indices = #map}, {transform_indices = #map}, {transform_indices = #map}, {transform_indices = #map}, {transform_indices = #map}, {transform_indices = #map1}, {transform_indices = #map1}]} {
    %mul3A = arith.constant 2 : i32
    %mul3A_0 = arith.muli %arg1, %mul3A : i32
    %add3A = arith.addi %mul3A_0, %arg0 : i32
    %mul3A_1 = arith.constant 632 : i32
    %mul3A_2 = arith.muli %arg1, %mul3A_1 : i32
    %mul3A_3 = arith.constant 78 : i32
    %mul3A_4 = arith.muli %add3A, %mul3A_3 : i32
    %min3A = arith.constant 4 : i32
    %min3A_5 = arith.minsi %add3A, %min3A : i32
    %add3A_6 = arith.addi %mul3A_4, %min3A_5 : i32
    %lt3A = arith.constant 4 : i32
    %lt3A_7 = arith.cmpi slt, %add3A, %lt3A : i32
    "tpu.region"() ({
      %run_scoped3A = tpu.sem_alloc : memref<!tpu.dma_semaphore, #tpu.memory_space<semaphore_mem>>
      %dma_start3A_130 = arith.constant 0 : i32
      %dma_start3A_131 = tpu.memref_slice %arg14[%mul3A_2, %dma_start3A_130] : memref<10112x64xbf16, #tpu.memory_space<vmem_shared>> -> memref<632x64xbf16, #tpu.memory_space<vmem_shared>>
      tpu.enqueue_dma source(%arg5 : memref<632x64xbf16, #tpu.memory_space<hbm>>) target(%dma_start3A_131 : memref<632x64xbf16, #tpu.memory_space<vmem_shared>>) target_semaphore(%run_scoped3A : memref<!tpu.dma_semaphore, #tpu.memory_space<semaphore_mem>>)
      %dma_wait3A_132 = arith.constant 0 : i32
      %dma_wait3A_133 = tpu.memref_slice %arg14[%mul3A_2, %dma_wait3A_132] : memref<10112x64xbf16, #tpu.memory_space<vmem_shared>> -> memref<632x64xbf16, #tpu.memory_space<vmem_shared>>
      tpu.wait_dma2 semaphore(%run_scoped3A : memref<!tpu.dma_semaphore, #tpu.memory_space<semaphore_mem>>) src(%arg5 : memref<632x64xbf16, #tpu.memory_space<hbm>>) dst(%dma_wait3A_133 : memref<632x64xbf16, #tpu.memory_space<vmem_shared>>)
      tpu.yield
    }) : () -> ()
    "tpu.region"() ({
      %run_scoped3A = tpu.sem_alloc : memref<!tpu.dma_semaphore, #tpu.memory_space<semaphore_mem>>
      %dma_start3A_130 = arith.constant 0 : i32
      %dma_start3A_131 = tpu.memref_slice %arg15[%mul3A_2, %dma_start3A_130] : memref<10112x8xf32, #tpu.memory_space<vmem_shared>> -> memref<632x8xf32, #tpu.memory_space<vmem_shared>>
      tpu.enqueue_dma source(%arg6 : memref<632x8xf32, #tpu.memory_space<hbm>>) target(%dma_start3A_131 : memref<632x8xf32, #tpu.memory_space<vmem_shared>>) target_semaphore(%run_scoped3A : memref<!tpu.dma_semaphore, #tpu.memory_space<semaphore_mem>>)
      %dma_wait3A_132 = arith.constant 0 : i32
      %dma_wait3A_133 = tpu.memref_slice %arg15[%mul3A_2, %dma_wait3A_132] : memref<10112x8xf32, #tpu.memory_space<vmem_shared>> -> memref<632x8xf32, #tpu.memory_space<vmem_shared>>
      tpu.wait_dma2 semaphore(%run_scoped3A : memref<!tpu.dma_semaphore, #tpu.memory_space<semaphore_mem>>) src(%arg6 : memref<632x8xf32, #tpu.memory_space<hbm>>) dst(%dma_wait3A_133 : memref<632x8xf32, #tpu.memory_space<vmem_shared>>)
      tpu.yield
    }) : () -> ()
    "tpu.region"() ({
      %run_scoped3A = tpu.sem_alloc : memref<!tpu.dma_semaphore, #tpu.memory_space<semaphore_mem>>
      tpu.enqueue_dma source(%arg7 : memref<128x8xf32, #tpu.memory_space<hbm>>) target(%arg13 : memref<128x8xf32, #tpu.memory_space<vmem>>) target_semaphore(%run_scoped3A : memref<!tpu.dma_semaphore, #tpu.memory_space<semaphore_mem>>)
      tpu.wait_dma2 semaphore(%run_scoped3A : memref<!tpu.dma_semaphore, #tpu.memory_space<semaphore_mem>>) src(%arg7 : memref<128x8xf32, #tpu.memory_space<hbm>>) dst(%arg13 : memref<128x8xf32, #tpu.memory_space<vmem>>)
      tpu.yield
    }) : () -> ()
    "tpu.region"() ({
      %run_scoped3A = tpu.sem_alloc : memref<!tpu.dma_semaphore, #tpu.memory_space<semaphore_mem>>
      %dma_start3A_130 = arith.constant 0 : i32
      %dma_start3A_131 = arith.constant 0 : i32
      %dma_start3A_132 = tpu.memref_slice %arg10[%dma_start3A_130, %dma_start3A_131] : memref<79x128xi32, #tpu.memory_space<vmem>> -> memref<78x128xi32, #tpu.memory_space<vmem>>
      %dma_start3A_133 = arith.constant 0 : i32
      %dma_start3A_134 = tpu.memref_slice %arg3[%add3A_6, %dma_start3A_133] : memref<2500x128xi32, #tpu.memory_space<hbm>> -> memref<78x128xi32, #tpu.memory_space<hbm>>
      %dma_start3A_135 = arith.constant 0 : i32
      %dma_start3A_136 = arith.constant 0 : i32
      %dma_start3A_137 = tpu.memref_slice %arg10[%dma_start3A_135, %dma_start3A_136] : memref<79x128xi32, #tpu.memory_space<vmem>> -> memref<78x128xi32, #tpu.memory_space<vmem>>
      %dma_start3A_138 = arith.constant 0 : i32
      %dma_start3A_139 = tpu.memref_slice %arg3[%add3A_6, %dma_start3A_138] : memref<2500x128xi32, #tpu.memory_space<hbm>> -> memref<78x128xi32, #tpu.memory_space<hbm>>
      tpu.enqueue_dma source(%dma_start3A_139 : memref<78x128xi32, #tpu.memory_space<hbm>>) target(%dma_start3A_137 : memref<78x128xi32, #tpu.memory_space<vmem>>) target_semaphore(%run_scoped3A : memref<!tpu.dma_semaphore, #tpu.memory_space<semaphore_mem>>)
      %dma_wait3A_140 = arith.constant 0 : i32
      %dma_wait3A_141 = arith.constant 0 : i32
      %dma_wait3A_142 = tpu.memref_slice %arg10[%dma_wait3A_140, %dma_wait3A_141] : memref<79x128xi32, #tpu.memory_space<vmem>> -> memref<78x128xi32, #tpu.memory_space<vmem>>
      %dma_wait3A_143 = arith.constant 0 : i32
      %dma_wait3A_144 = tpu.memref_slice %arg3[%add3A_6, %dma_wait3A_143] : memref<2500x128xi32, #tpu.memory_space<hbm>> -> memref<78x128xi32, #tpu.memory_space<hbm>>
      %dma_wait3A_145 = arith.constant 0 : i32
      %dma_wait3A_146 = arith.constant 0 : i32
      %dma_wait3A_147 = tpu.memref_slice %arg10[%dma_wait3A_145, %dma_wait3A_146] : memref<79x128xi32, #tpu.memory_space<vmem>> -> memref<78x128xi32, #tpu.memory_space<vmem>>
      %dma_wait3A_148 = arith.constant 0 : i32
      %dma_wait3A_149 = tpu.memref_slice %arg3[%add3A_6, %dma_wait3A_148] : memref<2500x128xi32, #tpu.memory_space<hbm>> -> memref<78x128xi32, #tpu.memory_space<hbm>>
      tpu.wait_dma2 semaphore(%run_scoped3A : memref<!tpu.dma_semaphore, #tpu.memory_space<semaphore_mem>>) src(%dma_wait3A_149 : memref<78x128xi32, #tpu.memory_space<hbm>>) dst(%dma_wait3A_147 : memref<78x128xi32, #tpu.memory_space<vmem>>)
      tpu.yield
    }) : () -> ()
    "tpu.region"() ({
      %run_scoped3A = tpu.sem_alloc : memref<!tpu.dma_semaphore, #tpu.memory_space<semaphore_mem>>
      %dma_start3A_130 = arith.constant 0 : i32
      %dma_start3A_131 = arith.constant 0 : i32
      %dma_start3A_132 = tpu.memref_slice %arg11[%dma_start3A_130, %dma_start3A_131] : memref<79x128xi32, #tpu.memory_space<vmem>> -> memref<78x128xi32, #tpu.memory_space<vmem>>
      %dma_start3A_133 = arith.constant 0 : i32
      %dma_start3A_134 = tpu.memref_slice %arg4[%add3A_6, %dma_start3A_133] : memref<2500x128xi32, #tpu.memory_space<hbm>> -> memref<78x128xi32, #tpu.memory_space<hbm>>
      %dma_start3A_135 = arith.constant 0 : i32
      %dma_start3A_136 = arith.constant 0 : i32
      %dma_start3A_137 = tpu.memref_slice %arg11[%dma_start3A_135, %dma_start3A_136] : memref<79x128xi32, #tpu.memory_space<vmem>> -> memref<78x128xi32, #tpu.memory_space<vmem>>
      %dma_start3A_138 = arith.constant 0 : i32
      %dma_start3A_139 = tpu.memref_slice %arg4[%add3A_6, %dma_start3A_138] : memref<2500x128xi32, #tpu.memory_space<hbm>> -> memref<78x128xi32, #tpu.memory_space<hbm>>
      tpu.enqueue_dma source(%dma_start3A_139 : memref<78x128xi32, #tpu.memory_space<hbm>>) target(%dma_start3A_137 : memref<78x128xi32, #tpu.memory_space<vmem>>) target_semaphore(%run_scoped3A : memref<!tpu.dma_semaphore, #tpu.memory_space<semaphore_mem>>)
      %dma_wait3A_140 = arith.constant 0 : i32
      %dma_wait3A_141 = arith.constant 0 : i32
      %dma_wait3A_142 = tpu.memref_slice %arg11[%dma_wait3A_140, %dma_wait3A_141] : memref<79x128xi32, #tpu.memory_space<vmem>> -> memref<78x128xi32, #tpu.memory_space<vmem>>
      %dma_wait3A_143 = arith.constant 0 : i32
      %dma_wait3A_144 = tpu.memref_slice %arg4[%add3A_6, %dma_wait3A_143] : memref<2500x128xi32, #tpu.memory_space<hbm>> -> memref<78x128xi32, #tpu.memory_space<hbm>>
      %dma_wait3A_145 = arith.constant 0 : i32
      %dma_wait3A_146 = arith.constant 0 : i32
      %dma_wait3A_147 = tpu.memref_slice %arg11[%dma_wait3A_145, %dma_wait3A_146] : memref<79x128xi32, #tpu.memory_space<vmem>> -> memref<78x128xi32, #tpu.memory_space<vmem>>
      %dma_wait3A_148 = arith.constant 0 : i32
      %dma_wait3A_149 = tpu.memref_slice %arg4[%add3A_6, %dma_wait3A_148] : memref<2500x128xi32, #tpu.memory_space<hbm>> -> memref<78x128xi32, #tpu.memory_space<hbm>>
      tpu.wait_dma2 semaphore(%run_scoped3A : memref<!tpu.dma_semaphore, #tpu.memory_space<semaphore_mem>>) src(%dma_wait3A_149 : memref<78x128xi32, #tpu.memory_space<hbm>>) dst(%dma_wait3A_147 : memref<78x128xi32, #tpu.memory_space<vmem>>)
      tpu.yield
    }) : () -> ()
    %convert_element_type3A = arith.extui %lt3A_7 : i1 to i32
    %cond3A = arith.constant 0 : i32
    %cond3A_8 = arith.cmpi ne, %convert_element_type3A, %cond3A : i32
    scf.if %cond3A_8 {
      %add3A_130 = arith.constant 78 : i32
      %add3A_131 = arith.addi %add3A_6, %add3A_130 : i32
      "tpu.region"() ({
        %run_scoped3A = tpu.sem_alloc : memref<!tpu.dma_semaphore, #tpu.memory_space<semaphore_mem>>
        %dma_start3A_134 = arith.constant 78 : i32
        %dma_start3A_135 = arith.constant 0 : i32
        %dma_start3A_136 = tpu.memref_slice %arg10[%dma_start3A_134, %dma_start3A_135] : memref<79x128xi32, #tpu.memory_space<vmem>> -> memref<1x128xi32, #tpu.memory_space<vmem>>
        %dma_start3A_137 = arith.constant 0 : i32
        %dma_start3A_138 = tpu.memref_slice %arg3[%add3A_131, %dma_start3A_137] : memref<2500x128xi32, #tpu.memory_space<hbm>> -> memref<1x128xi32, #tpu.memory_space<hbm>>
        %dma_start3A_139 = arith.constant 78 : i32
        %dma_start3A_140 = arith.constant 0 : i32
        %dma_start3A_141 = tpu.memref_slice %arg10[%dma_start3A_139, %dma_start3A_140] : memref<79x128xi32, #tpu.memory_space<vmem>> -> memref<1x128xi32, #tpu.memory_space<vmem>>
        %dma_start3A_142 = arith.constant 0 : i32
        %dma_start3A_143 = tpu.memref_slice %arg3[%add3A_131, %dma_start3A_142] : memref<2500x128xi32, #tpu.memory_space<hbm>> -> memref<1x128xi32, #tpu.memory_space<hbm>>
        tpu.enqueue_dma source(%dma_start3A_143 : memref<1x128xi32, #tpu.memory_space<hbm>>) target(%dma_start3A_141 : memref<1x128xi32, #tpu.memory_space<vmem>>) target_semaphore(%run_scoped3A : memref<!tpu.dma_semaphore, #tpu.memory_space<semaphore_mem>>)
        %dma_wait3A_144 = arith.constant 78 : i32
        %dma_wait3A_145 = arith.constant 0 : i32
        %dma_wait3A_146 = tpu.memref_slice %arg10[%dma_wait3A_144, %dma_wait3A_145] : memref<79x128xi32, #tpu.memory_space<vmem>> -> memref<1x128xi32, #tpu.memory_space<vmem>>
        %dma_wait3A_147 = arith.constant 0 : i32
        %dma_wait3A_148 = tpu.memref_slice %arg3[%add3A_131, %dma_wait3A_147] : memref<2500x128xi32, #tpu.memory_space<hbm>> -> memref<1x128xi32, #tpu.memory_space<hbm>>
        %dma_wait3A_149 = arith.constant 78 : i32
        %dma_wait3A_150 = arith.constant 0 : i32
        %dma_wait3A_151 = tpu.memref_slice %arg10[%dma_wait3A_149, %dma_wait3A_150] : memref<79x128xi32, #tpu.memory_space<vmem>> -> memref<1x128xi32, #tpu.memory_space<vmem>>
        %dma_wait3A_152 = arith.constant 0 : i32
        %dma_wait3A_153 = tpu.memref_slice %arg3[%add3A_131, %dma_wait3A_152] : memref<2500x128xi32, #tpu.memory_space<hbm>> -> memref<1x128xi32, #tpu.memory_space<hbm>>
        tpu.wait_dma2 semaphore(%run_scoped3A : memref<!tpu.dma_semaphore, #tpu.memory_space<semaphore_mem>>) src(%dma_wait3A_153 : memref<1x128xi32, #tpu.memory_space<hbm>>) dst(%dma_wait3A_151 : memref<1x128xi32, #tpu.memory_space<vmem>>)
        tpu.yield
      }) : () -> ()
      %add3A_132 = arith.constant 78 : i32
      %add3A_133 = arith.addi %add3A_6, %add3A_132 : i32
      "tpu.region"() ({
        %run_scoped3A = tpu.sem_alloc : memref<!tpu.dma_semaphore, #tpu.memory_space<semaphore_mem>>
        %dma_start3A_134 = arith.constant 78 : i32
        %dma_start3A_135 = arith.constant 0 : i32
        %dma_start3A_136 = tpu.memref_slice %arg11[%dma_start3A_134, %dma_start3A_135] : memref<79x128xi32, #tpu.memory_space<vmem>> -> memref<1x128xi32, #tpu.memory_space<vmem>>
        %dma_start3A_137 = arith.constant 0 : i32
        %dma_start3A_138 = tpu.memref_slice %arg4[%add3A_133, %dma_start3A_137] : memref<2500x128xi32, #tpu.memory_space<hbm>> -> memref<1x128xi32, #tpu.memory_space<hbm>>
        %dma_start3A_139 = arith.constant 78 : i32
        %dma_start3A_140 = arith.constant 0 : i32
        %dma_start3A_141 = tpu.memref_slice %arg11[%dma_start3A_139, %dma_start3A_140] : memref<79x128xi32, #tpu.memory_space<vmem>> -> memref<1x128xi32, #tpu.memory_space<vmem>>
        %dma_start3A_142 = arith.constant 0 : i32
        %dma_start3A_143 = tpu.memref_slice %arg4[%add3A_133, %dma_start3A_142] : memref<2500x128xi32, #tpu.memory_space<hbm>> -> memref<1x128xi32, #tpu.memory_space<hbm>>
        tpu.enqueue_dma source(%dma_start3A_143 : memref<1x128xi32, #tpu.memory_space<hbm>>) target(%dma_start3A_141 : memref<1x128xi32, #tpu.memory_space<vmem>>) target_semaphore(%run_scoped3A : memref<!tpu.dma_semaphore, #tpu.memory_space<semaphore_mem>>)
        %dma_wait3A_144 = arith.constant 78 : i32
        %dma_wait3A_145 = arith.constant 0 : i32
        %dma_wait3A_146 = tpu.memref_slice %arg11[%dma_wait3A_144, %dma_wait3A_145] : memref<79x128xi32, #tpu.memory_space<vmem>> -> memref<1x128xi32, #tpu.memory_space<vmem>>
        %dma_wait3A_147 = arith.constant 0 : i32
        %dma_wait3A_148 = tpu.memref_slice %arg4[%add3A_133, %dma_wait3A_147] : memref<2500x128xi32, #tpu.memory_space<hbm>> -> memref<1x128xi32, #tpu.memory_space<hbm>>
        %dma_wait3A_149 = arith.constant 78 : i32
        %dma_wait3A_150 = arith.constant 0 : i32
        %dma_wait3A_151 = tpu.memref_slice %arg11[%dma_wait3A_149, %dma_wait3A_150] : memref<79x128xi32, #tpu.memory_space<vmem>> -> memref<1x128xi32, #tpu.memory_space<vmem>>
        %dma_wait3A_152 = arith.constant 0 : i32
        %dma_wait3A_153 = tpu.memref_slice %arg4[%add3A_133, %dma_wait3A_152] : memref<2500x128xi32, #tpu.memory_space<hbm>> -> memref<1x128xi32, #tpu.memory_space<hbm>>
        tpu.wait_dma2 semaphore(%run_scoped3A : memref<!tpu.dma_semaphore, #tpu.memory_space<semaphore_mem>>) src(%dma_wait3A_153 : memref<1x128xi32, #tpu.memory_space<hbm>>) dst(%dma_wait3A_151 : memref<1x128xi32, #tpu.memory_space<vmem>>)
        tpu.yield
      }) : () -> ()
    } else {
    }
    %barrier3A = arith.constant 0 : index
    tpu.barrier barrier_id(%barrier3A)
    %dma_start3A = arith.constant 0 : i32
    %dma_start3A_9 = arith.constant 0 : i32
    %dma_start3A_10 = arith.constant 0 : i32
    %dma_start3A_11 = arith.constant 0 : i32
    %dma_start3A_12 = tpu.memref_slice %arg12[%dma_start3A_9, %dma_start3A_10, %dma_start3A_11] : memref<6x128x64xbf16, #tpu.memory_space<vmem>> -> memref<1x128x64xbf16, #tpu.memory_space<vmem>>
    %dma_start3A_13 = tpu.memref_squeeze %dma_start3A_12 : memref<1x128x64xbf16, #tpu.memory_space<vmem>> -> memref<128x64xbf16, #tpu.memory_space<vmem>>
    %dma_start3A_14 = arith.constant 0 : i32
    %dma_start3A_15 = tpu.memref_slice %arg10[%dma_start3A, %dma_start3A_14] : memref<79x128xi32, #tpu.memory_space<vmem>> -> memref<1x128xi32, #tpu.memory_space<vmem>>
    %dma_start3A_16 = tpu.memref_squeeze %dma_start3A_15 : memref<1x128xi32, #tpu.memory_space<vmem>> -> memref<128xi32, #tpu.memory_space<vmem>>
    %dma_start3A_17 = arith.constant 0 : i32
    %dma_start3A_18 = arith.constant 0 : i32
    %dma_start3A_19 = tpu.memref_slice %arg2[%dma_start3A_17, %dma_start3A_18] : memref<10112x64xbf16, #tpu.memory_space<hbm>> -> memref<10112x64xbf16, #tpu.memory_space<hbm>>
    tpu.enqueue_indirect_dma source(%dma_start3A_19 : memref<10112x64xbf16, #tpu.memory_space<hbm>>) target(%dma_start3A_13 : memref<128x64xbf16, #tpu.memory_space<vmem>>) offsets(%dma_start3A_16 : memref<128xi32, #tpu.memory_space<vmem>>) semaphore(%arg16 : memref<!tpu.dma_semaphore, #tpu.memory_space<semaphore_mem>>)
    %dma_start3A_20 = arith.constant 1 : i32
    %dma_start3A_21 = arith.constant 1 : i32
    %dma_start3A_22 = arith.constant 0 : i32
    %dma_start3A_23 = arith.constant 0 : i32
    %dma_start3A_24 = tpu.memref_slice %arg12[%dma_start3A_21, %dma_start3A_22, %dma_start3A_23] : memref<6x128x64xbf16, #tpu.memory_space<vmem>> -> memref<1x128x64xbf16, #tpu.memory_space<vmem>>
    %dma_start3A_25 = tpu.memref_squeeze %dma_start3A_24 : memref<1x128x64xbf16, #tpu.memory_space<vmem>> -> memref<128x64xbf16, #tpu.memory_space<vmem>>
    %dma_start3A_26 = arith.constant 0 : i32
    %dma_start3A_27 = tpu.memref_slice %arg10[%dma_start3A_20, %dma_start3A_26] : memref<79x128xi32, #tpu.memory_space<vmem>> -> memref<1x128xi32, #tpu.memory_space<vmem>>
    %dma_start3A_28 = tpu.memref_squeeze %dma_start3A_27 : memref<1x128xi32, #tpu.memory_space<vmem>> -> memref<128xi32, #tpu.memory_space<vmem>>
    %dma_start3A_29 = arith.constant 0 : i32
    %dma_start3A_30 = arith.constant 0 : i32
    %dma_start3A_31 = tpu.memref_slice %arg2[%dma_start3A_29, %dma_start3A_30] : memref<10112x64xbf16, #tpu.memory_space<hbm>> -> memref<10112x64xbf16, #tpu.memory_space<hbm>>
    tpu.enqueue_indirect_dma source(%dma_start3A_31 : memref<10112x64xbf16, #tpu.memory_space<hbm>>) target(%dma_start3A_25 : memref<128x64xbf16, #tpu.memory_space<vmem>>) offsets(%dma_start3A_28 : memref<128xi32, #tpu.memory_space<vmem>>) semaphore(%arg16 : memref<!tpu.dma_semaphore, #tpu.memory_space<semaphore_mem>>)
    %dma_start3A_32 = arith.constant 2 : i32
    %dma_start3A_33 = arith.constant 2 : i32
    %dma_start3A_34 = arith.constant 0 : i32
    %dma_start3A_35 = arith.constant 0 : i32
    %dma_start3A_36 = tpu.memref_slice %arg12[%dma_start3A_33, %dma_start3A_34, %dma_start3A_35] : memref<6x128x64xbf16, #tpu.memory_space<vmem>> -> memref<1x128x64xbf16, #tpu.memory_space<vmem>>
    %dma_start3A_37 = tpu.memref_squeeze %dma_start3A_36 : memref<1x128x64xbf16, #tpu.memory_space<vmem>> -> memref<128x64xbf16, #tpu.memory_space<vmem>>
    %dma_start3A_38 = arith.constant 0 : i32
    %dma_start3A_39 = tpu.memref_slice %arg10[%dma_start3A_32, %dma_start3A_38] : memref<79x128xi32, #tpu.memory_space<vmem>> -> memref<1x128xi32, #tpu.memory_space<vmem>>
    %dma_start3A_40 = tpu.memref_squeeze %dma_start3A_39 : memref<1x128xi32, #tpu.memory_space<vmem>> -> memref<128xi32, #tpu.memory_space<vmem>>
    %dma_start3A_41 = arith.constant 0 : i32
    %dma_start3A_42 = arith.constant 0 : i32
    %dma_start3A_43 = tpu.memref_slice %arg2[%dma_start3A_41, %dma_start3A_42] : memref<10112x64xbf16, #tpu.memory_space<hbm>> -> memref<10112x64xbf16, #tpu.memory_space<hbm>>
    tpu.enqueue_indirect_dma source(%dma_start3A_43 : memref<10112x64xbf16, #tpu.memory_space<hbm>>) target(%dma_start3A_37 : memref<128x64xbf16, #tpu.memory_space<vmem>>) offsets(%dma_start3A_40 : memref<128xi32, #tpu.memory_space<vmem>>) semaphore(%arg16 : memref<!tpu.dma_semaphore, #tpu.memory_space<semaphore_mem>>)
    %scan3A = arith.constant 0 : i32
    %scan3A_44 = arith.constant 0 : i32
    %scan3A_45 = arith.constant 26 : i32
    %scan3A_46 = arith.addi %scan3A_44, %scan3A_45 : i32
    %scan3A_47 = arith.constant 1 : i32
    scf.for %scan3A_130 = %scan3A_44 to %scan3A_46 step %scan3A_47  : i32 {
      %jit3A = arith.constant 2 : i32
      %eq3A = arith.constant 0 : i32
      %eq3A_131 = arith.cmpi eq, %jit3A, %eq3A : i32
      %jit3A_132 = arith.constant 1 : i32
      %select_n3A = arith.select %eq3A_131, %jit3A_132, %jit3A : i32
      %rem3A = arith.remsi %scan3A_130, %select_n3A : i32
      %ne3A = arith.constant 0 : i32
      %ne3A_133 = arith.cmpi ne, %rem3A, %ne3A : i32
      %lt3A_134 = arith.constant 0 : i32
      %lt3A_135 = arith.cmpi slt, %rem3A, %lt3A_134 : i32
      %lt3A_136 = arith.constant 0 : i32
      %lt3A_137 = arith.cmpi slt, %select_n3A, %lt3A_136 : i32
      %ne3A_138 = arith.xori %lt3A_135, %lt3A_137 : i1
      %and3A = arith.andi %ne3A_138, %ne3A_133 : i1
      %add3A_139 = arith.addi %rem3A, %select_n3A : i32
      %select_n3A_140 = arith.select %and3A, %add3A_139, %rem3A : i32
      %eq3A_141 = arith.constant 0 : i32
      %eq3A_142 = arith.cmpi eq, %select_n3A_140, %eq3A_141 : i32
      %convert_element_type3A_143 = arith.extui %eq3A_142 : i1 to i32
      %cond3A_144 = arith.constant 0 : i32
      %cond3A_145 = arith.cmpi ne, %convert_element_type3A_143, %cond3A_144 : i32
      scf.if %cond3A_145 {
        %add3A_167 = arith.constant 1 : i32
        %add3A_168 = arith.addi %scan3A_130, %add3A_167 : i32
        %lt3A_169 = arith.constant 26 : i32
        %lt3A_170 = arith.cmpi slt, %add3A_168, %lt3A_169 : i32
        %convert_element_type3A_171 = arith.extui %lt3A_170 : i1 to i32
        %cond3A_172 = arith.constant 0 : i32
        %cond3A_173 = arith.cmpi ne, %convert_element_type3A_171, %cond3A_172 : i32
        scf.if %cond3A_173 {
          %ge3A = arith.constant 1 : i32
          %ge3A_282 = arith.cmpi sge, %scan3A_130, %ge3A : i32
          %convert_element_type3A_283 = arith.extui %ge3A_282 : i1 to i32
          %cond3A_284 = arith.constant 0 : i32
          %cond3A_285 = arith.cmpi ne, %convert_element_type3A_283, %cond3A_284 : i32
          scf.if %cond3A_285 {
            %dma_wait3A_337 = arith.constant 3 : i32
            %dma_wait3A_338 = arith.constant 0 : i32
            %dma_wait3A_339 = arith.constant 0 : i32
            %dma_wait3A_340 = arith.constant 0 : i32
            %dma_wait3A_341 = tpu.memref_slice %arg12[%dma_wait3A_337, %dma_wait3A_339, %dma_wait3A_340] : memref<6x128x64xbf16, #tpu.memory_space<vmem>> -> memref<1x128x64xbf16, #tpu.memory_space<vmem>>
            %dma_wait3A_342 = tpu.memref_squeeze %dma_wait3A_341 : memref<1x128x64xbf16, #tpu.memory_space<vmem>> -> memref<128x64xbf16, #tpu.memory_space<vmem>>
            %dma_wait3A_343 = arith.constant 0 : i32
            %dma_wait3A_344 = tpu.memref_slice %arg11[%dma_wait3A_338, %dma_wait3A_343] : memref<79x128xi32, #tpu.memory_space<vmem>> -> memref<1x128xi32, #tpu.memory_space<vmem>>
            %dma_wait3A_345 = tpu.memref_squeeze %dma_wait3A_344 : memref<1x128xi32, #tpu.memory_space<vmem>> -> memref<128xi32, #tpu.memory_space<vmem>>
            %dma_wait3A_346 = arith.constant 0 : i32
            %dma_wait3A_347 = arith.constant 0 : i32
            %dma_wait3A_348 = tpu.memref_slice %arg14[%dma_wait3A_346, %dma_wait3A_347] : memref<10112x64xbf16, #tpu.memory_space<vmem_shared>> -> memref<10112x64xbf16, #tpu.memory_space<vmem_shared>>
            tpu.wait_indirect_dma semaphore(%arg19 : memref<!tpu.dma_semaphore, #tpu.memory_space<semaphore_mem>>) src(%dma_wait3A_342 : memref<128x64xbf16, #tpu.memory_space<vmem>>) dst(%dma_wait3A_348 : memref<10112x64xbf16, #tpu.memory_space<vmem_shared>>)
            %dma_wait3A_349 = arith.constant 4 : i32
            %dma_wait3A_350 = arith.constant 0 : i32
            %dma_wait3A_351 = arith.constant 0 : i32
            %dma_wait3A_352 = arith.constant 0 : i32
            %dma_wait3A_353 = tpu.memref_slice %arg12[%dma_wait3A_349, %dma_wait3A_351, %dma_wait3A_352] : memref<6x128x64xbf16, #tpu.memory_space<vmem>> -> memref<1x128x64xbf16, #tpu.memory_space<vmem>>
            %dma_wait3A_354 = tpu.memref_squeeze %dma_wait3A_353 : memref<1x128x64xbf16, #tpu.memory_space<vmem>> -> memref<128x64xbf16, #tpu.memory_space<vmem>>
            %dma_wait3A_355 = arith.constant 0 : i32
            %dma_wait3A_356 = tpu.memref_slice %arg11[%dma_wait3A_350, %dma_wait3A_355] : memref<79x128xi32, #tpu.memory_space<vmem>> -> memref<1x128xi32, #tpu.memory_space<vmem>>
            %dma_wait3A_357 = tpu.memref_squeeze %dma_wait3A_356 : memref<1x128xi32, #tpu.memory_space<vmem>> -> memref<128xi32, #tpu.memory_space<vmem>>
            %dma_wait3A_358 = arith.constant 0 : i32
            %dma_wait3A_359 = arith.constant 0 : i32
            %dma_wait3A_360 = tpu.memref_slice %arg14[%dma_wait3A_358, %dma_wait3A_359] : memref<10112x64xbf16, #tpu.memory_space<vmem_shared>> -> memref<10112x64xbf16, #tpu.memory_space<vmem_shared>>
            tpu.wait_indirect_dma semaphore(%arg19 : memref<!tpu.dma_semaphore, #tpu.memory_space<semaphore_mem>>) src(%dma_wait3A_354 : memref<128x64xbf16, #tpu.memory_space<vmem>>) dst(%dma_wait3A_360 : memref<10112x64xbf16, #tpu.memory_space<vmem_shared>>)
            %dma_wait3A_361 = arith.constant 5 : i32
            %dma_wait3A_362 = arith.constant 0 : i32
            %dma_wait3A_363 = arith.constant 0 : i32
            %dma_wait3A_364 = arith.constant 0 : i32
            %dma_wait3A_365 = tpu.memref_slice %arg12[%dma_wait3A_361, %dma_wait3A_363, %dma_wait3A_364] : memref<6x128x64xbf16, #tpu.memory_space<vmem>> -> memref<1x128x64xbf16, #tpu.memory_space<vmem>>
            %dma_wait3A_366 = tpu.memref_squeeze %dma_wait3A_365 : memref<1x128x64xbf16, #tpu.memory_space<vmem>> -> memref<128x64xbf16, #tpu.memory_space<vmem>>
            %dma_wait3A_367 = arith.constant 0 : i32
            %dma_wait3A_368 = tpu.memref_slice %arg11[%dma_wait3A_362, %dma_wait3A_367] : memref<79x128xi32, #tpu.memory_space<vmem>> -> memref<1x128xi32, #tpu.memory_space<vmem>>
            %dma_wait3A_369 = tpu.memref_squeeze %dma_wait3A_368 : memref<1x128xi32, #tpu.memory_space<vmem>> -> memref<128xi32, #tpu.memory_space<vmem>>
            %dma_wait3A_370 = arith.constant 0 : i32
            %dma_wait3A_371 = arith.constant 0 : i32
            %dma_wait3A_372 = tpu.memref_slice %arg14[%dma_wait3A_370, %dma_wait3A_371] : memref<10112x64xbf16, #tpu.memory_space<vmem_shared>> -> memref<10112x64xbf16, #tpu.memory_space<vmem_shared>>
            tpu.wait_indirect_dma semaphore(%arg19 : memref<!tpu.dma_semaphore, #tpu.memory_space<semaphore_mem>>) src(%dma_wait3A_366 : memref<128x64xbf16, #tpu.memory_space<vmem>>) dst(%dma_wait3A_372 : memref<10112x64xbf16, #tpu.memory_space<vmem_shared>>)
          } else {
          }
          %add3A_286 = arith.constant 1 : i32
          %add3A_287 = arith.addi %scan3A_130, %add3A_286 : i32
          %mul3A_288 = arith.constant 3 : i32
          %mul3A_289 = arith.muli %add3A_287, %mul3A_288 : i32
          %add3A_290 = arith.constant 0 : i32
          %add3A_291 = arith.addi %mul3A_289, %add3A_290 : i32
          %dma_start3A_292 = arith.constant 3 : i32
          %dma_start3A_293 = arith.constant 0 : i32
          %dma_start3A_294 = arith.constant 0 : i32
          %dma_start3A_295 = tpu.memref_slice %arg12[%dma_start3A_292, %dma_start3A_293, %dma_start3A_294] : memref<6x128x64xbf16, #tpu.memory_space<vmem>> -> memref<1x128x64xbf16, #tpu.memory_space<vmem>>
          %dma_start3A_296 = tpu.memref_squeeze %dma_start3A_295 : memref<1x128x64xbf16, #tpu.memory_space<vmem>> -> memref<128x64xbf16, #tpu.memory_space<vmem>>
          %dma_start3A_297 = arith.constant 0 : i32
          %dma_start3A_298 = tpu.memref_slice %arg10[%add3A_291, %dma_start3A_297] : memref<79x128xi32, #tpu.memory_space<vmem>> -> memref<1x128xi32, #tpu.memory_space<vmem>>
          %dma_start3A_299 = tpu.memref_squeeze %dma_start3A_298 : memref<1x128xi32, #tpu.memory_space<vmem>> -> memref<128xi32, #tpu.memory_space<vmem>>
          %dma_start3A_300 = arith.constant 0 : i32
          %dma_start3A_301 = arith.constant 0 : i32
          %dma_start3A_302 = tpu.memref_slice %arg2[%dma_start3A_300, %dma_start3A_301] : memref<10112x64xbf16, #tpu.memory_space<hbm>> -> memref<10112x64xbf16, #tpu.memory_space<hbm>>
          tpu.enqueue_indirect_dma source(%dma_start3A_302 : memref<10112x64xbf16, #tpu.memory_space<hbm>>) target(%dma_start3A_296 : memref<128x64xbf16, #tpu.memory_space<vmem>>) offsets(%dma_start3A_299 : memref<128xi32, #tpu.memory_space<vmem>>) semaphore(%arg17 : memref<!tpu.dma_semaphore, #tpu.memory_space<semaphore_mem>>)
          %add3A_303 = arith.constant 1 : i32
          %add3A_304 = arith.addi %scan3A_130, %add3A_303 : i32
          %mul3A_305 = arith.constant 3 : i32
          %mul3A_306 = arith.muli %add3A_304, %mul3A_305 : i32
          %add3A_307 = arith.constant 1 : i32
          %add3A_308 = arith.addi %mul3A_306, %add3A_307 : i32
          %dma_start3A_309 = arith.constant 4 : i32
          %dma_start3A_310 = arith.constant 0 : i32
          %dma_start3A_311 = arith.constant 0 : i32
          %dma_start3A_312 = tpu.memref_slice %arg12[%dma_start3A_309, %dma_start3A_310, %dma_start3A_311] : memref<6x128x64xbf16, #tpu.memory_space<vmem>> -> memref<1x128x64xbf16, #tpu.memory_space<vmem>>
          %dma_start3A_313 = tpu.memref_squeeze %dma_start3A_312 : memref<1x128x64xbf16, #tpu.memory_space<vmem>> -> memref<128x64xbf16, #tpu.memory_space<vmem>>
          %dma_start3A_314 = arith.constant 0 : i32
          %dma_start3A_315 = tpu.memref_slice %arg10[%add3A_308, %dma_start3A_314] : memref<79x128xi32, #tpu.memory_space<vmem>> -> memref<1x128xi32, #tpu.memory_space<vmem>>
          %dma_start3A_316 = tpu.memref_squeeze %dma_start3A_315 : memref<1x128xi32, #tpu.memory_space<vmem>> -> memref<128xi32, #tpu.memory_space<vmem>>
          %dma_start3A_317 = arith.constant 0 : i32
          %dma_start3A_318 = arith.constant 0 : i32
          %dma_start3A_319 = tpu.memref_slice %arg2[%dma_start3A_317, %dma_start3A_318] : memref<10112x64xbf16, #tpu.memory_space<hbm>> -> memref<10112x64xbf16, #tpu.memory_space<hbm>>
          tpu.enqueue_indirect_dma source(%dma_start3A_319 : memref<10112x64xbf16, #tpu.memory_space<hbm>>) target(%dma_start3A_313 : memref<128x64xbf16, #tpu.memory_space<vmem>>) offsets(%dma_start3A_316 : memref<128xi32, #tpu.memory_space<vmem>>) semaphore(%arg17 : memref<!tpu.dma_semaphore, #tpu.memory_space<semaphore_mem>>)
          %add3A_320 = arith.constant 1 : i32
          %add3A_321 = arith.addi %scan3A_130, %add3A_320 : i32
          %mul3A_322 = arith.constant 3 : i32
          %mul3A_323 = arith.muli %add3A_321, %mul3A_322 : i32
          %add3A_324 = arith.constant 2 : i32
          %add3A_325 = arith.addi %mul3A_323, %add3A_324 : i32
          %dma_start3A_326 = arith.constant 5 : i32
          %dma_start3A_327 = arith.constant 0 : i32
          %dma_start3A_328 = arith.constant 0 : i32
          %dma_start3A_329 = tpu.memref_slice %arg12[%dma_start3A_326, %dma_start3A_327, %dma_start3A_328] : memref<6x128x64xbf16, #tpu.memory_space<vmem>> -> memref<1x128x64xbf16, #tpu.memory_space<vmem>>
          %dma_start3A_330 = tpu.memref_squeeze %dma_start3A_329 : memref<1x128x64xbf16, #tpu.memory_space<vmem>> -> memref<128x64xbf16, #tpu.memory_space<vmem>>
          %dma_start3A_331 = arith.constant 0 : i32
          %dma_start3A_332 = tpu.memref_slice %arg10[%add3A_325, %dma_start3A_331] : memref<79x128xi32, #tpu.memory_space<vmem>> -> memref<1x128xi32, #tpu.memory_space<vmem>>
          %dma_start3A_333 = tpu.memref_squeeze %dma_start3A_332 : memref<1x128xi32, #tpu.memory_space<vmem>> -> memref<128xi32, #tpu.memory_space<vmem>>
          %dma_start3A_334 = arith.constant 0 : i32
          %dma_start3A_335 = arith.constant 0 : i32
          %dma_start3A_336 = tpu.memref_slice %arg2[%dma_start3A_334, %dma_start3A_335] : memref<10112x64xbf16, #tpu.memory_space<hbm>> -> memref<10112x64xbf16, #tpu.memory_space<hbm>>
          tpu.enqueue_indirect_dma source(%dma_start3A_336 : memref<10112x64xbf16, #tpu.memory_space<hbm>>) target(%dma_start3A_330 : memref<128x64xbf16, #tpu.memory_space<vmem>>) offsets(%dma_start3A_333 : memref<128xi32, #tpu.memory_space<vmem>>) semaphore(%arg17 : memref<!tpu.dma_semaphore, #tpu.memory_space<semaphore_mem>>)
        } else {
        }
        %mul3A_174 = arith.constant 3 : i32
        %mul3A_175 = arith.muli %scan3A_130, %mul3A_174 : i32
        %add3A_176 = arith.constant 0 : i32
        %add3A_177 = arith.addi %mul3A_175, %add3A_176 : i32
        %dma_wait3A_178 = arith.constant 0 : i32
        %dma_wait3A_179 = arith.constant 0 : i32
        %dma_wait3A_180 = arith.constant 0 : i32
        %dma_wait3A_181 = tpu.memref_slice %arg12[%dma_wait3A_178, %dma_wait3A_179, %dma_wait3A_180] : memref<6x128x64xbf16, #tpu.memory_space<vmem>> -> memref<1x128x64xbf16, #tpu.memory_space<vmem>>
        %dma_wait3A_182 = tpu.memref_squeeze %dma_wait3A_181 : memref<1x128x64xbf16, #tpu.memory_space<vmem>> -> memref<128x64xbf16, #tpu.memory_space<vmem>>
        %dma_wait3A_183 = arith.constant 0 : i32
        %dma_wait3A_184 = tpu.memref_slice %arg10[%add3A_177, %dma_wait3A_183] : memref<79x128xi32, #tpu.memory_space<vmem>> -> memref<1x128xi32, #tpu.memory_space<vmem>>
        %dma_wait3A_185 = tpu.memref_squeeze %dma_wait3A_184 : memref<1x128xi32, #tpu.memory_space<vmem>> -> memref<128xi32, #tpu.memory_space<vmem>>
        %dma_wait3A_186 = arith.constant 0 : i32
        %dma_wait3A_187 = arith.constant 0 : i32
        %dma_wait3A_188 = tpu.memref_slice %arg2[%dma_wait3A_186, %dma_wait3A_187] : memref<10112x64xbf16, #tpu.memory_space<hbm>> -> memref<10112x64xbf16, #tpu.memory_space<hbm>>
        tpu.wait_indirect_dma semaphore(%arg16 : memref<!tpu.dma_semaphore, #tpu.memory_space<semaphore_mem>>) src(%dma_wait3A_188 : memref<10112x64xbf16, #tpu.memory_space<hbm>>) dst(%dma_wait3A_182 : memref<128x64xbf16, #tpu.memory_space<vmem>>)
        %mul3A_189 = arith.constant 3 : i32
        %mul3A_190 = arith.muli %scan3A_130, %mul3A_189 : i32
        %add3A_191 = arith.constant 1 : i32
        %add3A_192 = arith.addi %mul3A_190, %add3A_191 : i32
        %dma_wait3A_193 = arith.constant 1 : i32
        %dma_wait3A_194 = arith.constant 0 : i32
        %dma_wait3A_195 = arith.constant 0 : i32
        %dma_wait3A_196 = tpu.memref_slice %arg12[%dma_wait3A_193, %dma_wait3A_194, %dma_wait3A_195] : memref<6x128x64xbf16, #tpu.memory_space<vmem>> -> memref<1x128x64xbf16, #tpu.memory_space<vmem>>
        %dma_wait3A_197 = tpu.memref_squeeze %dma_wait3A_196 : memref<1x128x64xbf16, #tpu.memory_space<vmem>> -> memref<128x64xbf16, #tpu.memory_space<vmem>>
        %dma_wait3A_198 = arith.constant 0 : i32
        %dma_wait3A_199 = tpu.memref_slice %arg10[%add3A_192, %dma_wait3A_198] : memref<79x128xi32, #tpu.memory_space<vmem>> -> memref<1x128xi32, #tpu.memory_space<vmem>>
        %dma_wait3A_200 = tpu.memref_squeeze %dma_wait3A_199 : memref<1x128xi32, #tpu.memory_space<vmem>> -> memref<128xi32, #tpu.memory_space<vmem>>
        %dma_wait3A_201 = arith.constant 0 : i32
        %dma_wait3A_202 = arith.constant 0 : i32
        %dma_wait3A_203 = tpu.memref_slice %arg2[%dma_wait3A_201, %dma_wait3A_202] : memref<10112x64xbf16, #tpu.memory_space<hbm>> -> memref<10112x64xbf16, #tpu.memory_space<hbm>>
        tpu.wait_indirect_dma semaphore(%arg16 : memref<!tpu.dma_semaphore, #tpu.memory_space<semaphore_mem>>) src(%dma_wait3A_203 : memref<10112x64xbf16, #tpu.memory_space<hbm>>) dst(%dma_wait3A_197 : memref<128x64xbf16, #tpu.memory_space<vmem>>)
        %mul3A_204 = arith.constant 3 : i32
        %mul3A_205 = arith.muli %scan3A_130, %mul3A_204 : i32
        %add3A_206 = arith.constant 2 : i32
        %add3A_207 = arith.addi %mul3A_205, %add3A_206 : i32
        %dma_wait3A_208 = arith.constant 2 : i32
        %dma_wait3A_209 = arith.constant 0 : i32
        %dma_wait3A_210 = arith.constant 0 : i32
        %dma_wait3A_211 = tpu.memref_slice %arg12[%dma_wait3A_208, %dma_wait3A_209, %dma_wait3A_210] : memref<6x128x64xbf16, #tpu.memory_space<vmem>> -> memref<1x128x64xbf16, #tpu.memory_space<vmem>>
        %dma_wait3A_212 = tpu.memref_squeeze %dma_wait3A_211 : memref<1x128x64xbf16, #tpu.memory_space<vmem>> -> memref<128x64xbf16, #tpu.memory_space<vmem>>
        %dma_wait3A_213 = arith.constant 0 : i32
        %dma_wait3A_214 = tpu.memref_slice %arg10[%add3A_207, %dma_wait3A_213] : memref<79x128xi32, #tpu.memory_space<vmem>> -> memref<1x128xi32, #tpu.memory_space<vmem>>
        %dma_wait3A_215 = tpu.memref_squeeze %dma_wait3A_214 : memref<1x128xi32, #tpu.memory_space<vmem>> -> memref<128xi32, #tpu.memory_space<vmem>>
        %dma_wait3A_216 = arith.constant 0 : i32
        %dma_wait3A_217 = arith.constant 0 : i32
        %dma_wait3A_218 = tpu.memref_slice %arg2[%dma_wait3A_216, %dma_wait3A_217] : memref<10112x64xbf16, #tpu.memory_space<hbm>> -> memref<10112x64xbf16, #tpu.memory_space<hbm>>
        tpu.wait_indirect_dma semaphore(%arg16 : memref<!tpu.dma_semaphore, #tpu.memory_space<semaphore_mem>>) src(%dma_wait3A_218 : memref<10112x64xbf16, #tpu.memory_space<hbm>>) dst(%dma_wait3A_212 : memref<128x64xbf16, #tpu.memory_space<vmem>>)
        %mul3A_219 = arith.constant 3 : i32
        %mul3A_220 = arith.muli %scan3A_130, %mul3A_219 : i32
        %add3A_221 = arith.constant 0 : i32
        %add3A_222 = arith.addi %mul3A_220, %add3A_221 : i32
        %dma_start3A_223 = arith.constant 0 : i32
        %dma_start3A_224 = arith.constant 0 : i32
        %dma_start3A_225 = arith.constant 0 : i32
        %dma_start3A_226 = tpu.memref_slice %arg12[%dma_start3A_223, %dma_start3A_224, %dma_start3A_225] : memref<6x128x64xbf16, #tpu.memory_space<vmem>> -> memref<1x128x64xbf16, #tpu.memory_space<vmem>>
        %dma_start3A_227 = tpu.memref_squeeze %dma_start3A_226 : memref<1x128x64xbf16, #tpu.memory_space<vmem>> -> memref<128x64xbf16, #tpu.memory_space<vmem>>
        %dma_start3A_228 = arith.constant 0 : i32
        %dma_start3A_229 = tpu.memref_slice %arg11[%add3A_222, %dma_start3A_228] : memref<79x128xi32, #tpu.memory_space<vmem>> -> memref<1x128xi32, #tpu.memory_space<vmem>>
        %dma_start3A_230 = tpu.memref_squeeze %dma_start3A_229 : memref<1x128xi32, #tpu.memory_space<vmem>> -> memref<128xi32, #tpu.memory_space<vmem>>
        %dma_start3A_231 = arith.constant 0 : i32
        %dma_start3A_232 = arith.constant 0 : i32
        %dma_start3A_233 = tpu.memref_slice %arg14[%dma_start3A_231, %dma_start3A_232] : memref<10112x64xbf16, #tpu.memory_space<vmem_shared>> -> memref<10112x64xbf16, #tpu.memory_space<vmem_shared>>
        tpu.enqueue_indirect_dma source(%dma_start3A_227 : memref<128x64xbf16, #tpu.memory_space<vmem>>) target(%dma_start3A_233 : memref<10112x64xbf16, #tpu.memory_space<vmem_shared>>) offsets(%dma_start3A_230 : memref<128xi32, #tpu.memory_space<vmem>>) semaphore(%arg18 : memref<!tpu.dma_semaphore, #tpu.memory_space<semaphore_mem>>) {add = true}
        %dma_start3A_234 = arith.constant 0 : i32
        %dma_start3A_235 = tpu.memref_slice %arg11[%add3A_222, %dma_start3A_234] : memref<79x128xi32, #tpu.memory_space<vmem>> -> memref<1x128xi32, #tpu.memory_space<vmem>>
        %dma_start3A_236 = tpu.memref_squeeze %dma_start3A_235 : memref<1x128xi32, #tpu.memory_space<vmem>> -> memref<128xi32, #tpu.memory_space<vmem>>
        %dma_start3A_237 = arith.constant 0 : i32
        %dma_start3A_238 = arith.constant 0 : i32
        %dma_start3A_239 = tpu.memref_slice %arg15[%dma_start3A_237, %dma_start3A_238] : memref<10112x8xf32, #tpu.memory_space<vmem_shared>> -> memref<10112x8xf32, #tpu.memory_space<vmem_shared>>
        tpu.enqueue_indirect_dma source(%arg13 : memref<128x8xf32, #tpu.memory_space<vmem>>) target(%dma_start3A_239 : memref<10112x8xf32, #tpu.memory_space<vmem_shared>>) offsets(%dma_start3A_236 : memref<128xi32, #tpu.memory_space<vmem>>) semaphore(%arg20 : memref<!tpu.dma_semaphore, #tpu.memory_space<semaphore_mem>>) {add = true}
        %mul3A_240 = arith.constant 3 : i32
        %mul3A_241 = arith.muli %scan3A_130, %mul3A_240 : i32
        %add3A_242 = arith.constant 1 : i32
        %add3A_243 = arith.addi %mul3A_241, %add3A_242 : i32
        %dma_start3A_244 = arith.constant 1 : i32
        %dma_start3A_245 = arith.constant 0 : i32
        %dma_start3A_246 = arith.constant 0 : i32
        %dma_start3A_247 = tpu.memref_slice %arg12[%dma_start3A_244, %dma_start3A_245, %dma_start3A_246] : memref<6x128x64xbf16, #tpu.memory_space<vmem>> -> memref<1x128x64xbf16, #tpu.memory_space<vmem>>
        %dma_start3A_248 = tpu.memref_squeeze %dma_start3A_247 : memref<1x128x64xbf16, #tpu.memory_space<vmem>> -> memref<128x64xbf16, #tpu.memory_space<vmem>>
        %dma_start3A_249 = arith.constant 0 : i32
        %dma_start3A_250 = tpu.memref_slice %arg11[%add3A_243, %dma_start3A_249] : memref<79x128xi32, #tpu.memory_space<vmem>> -> memref<1x128xi32, #tpu.memory_space<vmem>>
        %dma_start3A_251 = tpu.memref_squeeze %dma_start3A_250 : memref<1x128xi32, #tpu.memory_space<vmem>> -> memref<128xi32, #tpu.memory_space<vmem>>
        %dma_start3A_252 = arith.constant 0 : i32
        %dma_start3A_253 = arith.constant 0 : i32
        %dma_start3A_254 = tpu.memref_slice %arg14[%dma_start3A_252, %dma_start3A_253] : memref<10112x64xbf16, #tpu.memory_space<vmem_shared>> -> memref<10112x64xbf16, #tpu.memory_space<vmem_shared>>
        tpu.enqueue_indirect_dma source(%dma_start3A_248 : memref<128x64xbf16, #tpu.memory_space<vmem>>) target(%dma_start3A_254 : memref<10112x64xbf16, #tpu.memory_space<vmem_shared>>) offsets(%dma_start3A_251 : memref<128xi32, #tpu.memory_space<vmem>>) semaphore(%arg18 : memref<!tpu.dma_semaphore, #tpu.memory_space<semaphore_mem>>) {add = true}
        %dma_start3A_255 = arith.constant 0 : i32
        %dma_start3A_256 = tpu.memref_slice %arg11[%add3A_243, %dma_start3A_255] : memref<79x128xi32, #tpu.memory_space<vmem>> -> memref<1x128xi32, #tpu.memory_space<vmem>>
        %dma_start3A_257 = tpu.memref_squeeze %dma_start3A_256 : memref<1x128xi32, #tpu.memory_space<vmem>> -> memref<128xi32, #tpu.memory_space<vmem>>
        %dma_start3A_258 = arith.constant 0 : i32
        %dma_start3A_259 = arith.constant 0 : i32
        %dma_start3A_260 = tpu.memref_slice %arg15[%dma_start3A_258, %dma_start3A_259] : memref<10112x8xf32, #tpu.memory_space<vmem_shared>> -> memref<10112x8xf32, #tpu.memory_space<vmem_shared>>
        tpu.enqueue_indirect_dma source(%arg13 : memref<128x8xf32, #tpu.memory_space<vmem>>) target(%dma_start3A_260 : memref<10112x8xf32, #tpu.memory_space<vmem_shared>>) offsets(%dma_start3A_257 : memref<128xi32, #tpu.memory_space<vmem>>) semaphore(%arg20 : memref<!tpu.dma_semaphore, #tpu.memory_space<semaphore_mem>>) {add = true}
        %mul3A_261 = arith.constant 3 : i32
        %mul3A_262 = arith.muli %scan3A_130, %mul3A_261 : i32
        %add3A_263 = arith.constant 2 : i32
        %add3A_264 = arith.addi %mul3A_262, %add3A_263 : i32
        %dma_start3A_265 = arith.constant 2 : i32
        %dma_start3A_266 = arith.constant 0 : i32
        %dma_start3A_267 = arith.constant 0 : i32
        %dma_start3A_268 = tpu.memref_slice %arg12[%dma_start3A_265, %dma_start3A_266, %dma_start3A_267] : memref<6x128x64xbf16, #tpu.memory_space<vmem>> -> memref<1x128x64xbf16, #tpu.memory_space<vmem>>
        %dma_start3A_269 = tpu.memref_squeeze %dma_start3A_268 : memref<1x128x64xbf16, #tpu.memory_space<vmem>> -> memref<128x64xbf16, #tpu.memory_space<vmem>>
        %dma_start3A_270 = arith.constant 0 : i32
        %dma_start3A_271 = tpu.memref_slice %arg11[%add3A_264, %dma_start3A_270] : memref<79x128xi32, #tpu.memory_space<vmem>> -> memref<1x128xi32, #tpu.memory_space<vmem>>
        %dma_start3A_272 = tpu.memref_squeeze %dma_start3A_271 : memref<1x128xi32, #tpu.memory_space<vmem>> -> memref<128xi32, #tpu.memory_space<vmem>>
        %dma_start3A_273 = arith.constant 0 : i32
        %dma_start3A_274 = arith.constant 0 : i32
        %dma_start3A_275 = tpu.memref_slice %arg14[%dma_start3A_273, %dma_start3A_274] : memref<10112x64xbf16, #tpu.memory_space<vmem_shared>> -> memref<10112x64xbf16, #tpu.memory_space<vmem_shared>>
        tpu.enqueue_indirect_dma source(%dma_start3A_269 : memref<128x64xbf16, #tpu.memory_space<vmem>>) target(%dma_start3A_275 : memref<10112x64xbf16, #tpu.memory_space<vmem_shared>>) offsets(%dma_start3A_272 : memref<128xi32, #tpu.memory_space<vmem>>) semaphore(%arg18 : memref<!tpu.dma_semaphore, #tpu.memory_space<semaphore_mem>>) {add = true}
        %dma_start3A_276 = arith.constant 0 : i32
        %dma_start3A_277 = tpu.memref_slice %arg11[%add3A_264, %dma_start3A_276] : memref<79x128xi32, #tpu.memory_space<vmem>> -> memref<1x128xi32, #tpu.memory_space<vmem>>
        %dma_start3A_278 = tpu.memref_squeeze %dma_start3A_277 : memref<1x128xi32, #tpu.memory_space<vmem>> -> memref<128xi32, #tpu.memory_space<vmem>>
        %dma_start3A_279 = arith.constant 0 : i32
        %dma_start3A_280 = arith.constant 0 : i32
        %dma_start3A_281 = tpu.memref_slice %arg15[%dma_start3A_279, %dma_start3A_280] : memref<10112x8xf32, #tpu.memory_space<vmem_shared>> -> memref<10112x8xf32, #tpu.memory_space<vmem_shared>>
        tpu.enqueue_indirect_dma source(%arg13 : memref<128x8xf32, #tpu.memory_space<vmem>>) target(%dma_start3A_281 : memref<10112x8xf32, #tpu.memory_space<vmem_shared>>) offsets(%dma_start3A_278 : memref<128xi32, #tpu.memory_space<vmem>>) semaphore(%arg20 : memref<!tpu.dma_semaphore, #tpu.memory_space<semaphore_mem>>) {add = true}
      } else {
      }
      %jit3A_146 = arith.constant 2 : i32
      %eq3A_147 = arith.constant 0 : i32
      %eq3A_148 = arith.cmpi eq, %jit3A_146, %eq3A_147 : i32
      %jit3A_149 = arith.constant 1 : i32
      %select_n3A_150 = arith.select %eq3A_148, %jit3A_149, %jit3A_146 : i32
      %rem3A_151 = arith.remsi %scan3A_130, %select_n3A_150 : i32
      %ne3A_152 = arith.constant 0 : i32
      %ne3A_153 = arith.cmpi ne, %rem3A_151, %ne3A_152 : i32
      %lt3A_154 = arith.constant 0 : i32
      %lt3A_155 = arith.cmpi slt, %rem3A_151, %lt3A_154 : i32
      %lt3A_156 = arith.constant 0 : i32
      %lt3A_157 = arith.cmpi slt, %select_n3A_150, %lt3A_156 : i32
      %ne3A_158 = arith.xori %lt3A_155, %lt3A_157 : i1
      %and3A_159 = arith.andi %ne3A_158, %ne3A_153 : i1
      %add3A_160 = arith.addi %rem3A_151, %select_n3A_150 : i32
      %select_n3A_161 = arith.select %and3A_159, %add3A_160, %rem3A_151 : i32
      %eq3A_162 = arith.constant 1 : i32
      %eq3A_163 = arith.cmpi eq, %select_n3A_161, %eq3A_162 : i32
      %convert_element_type3A_164 = arith.extui %eq3A_163 : i1 to i32
      %cond3A_165 = arith.constant 0 : i32
      %cond3A_166 = arith.cmpi ne, %convert_element_type3A_164, %cond3A_165 : i32
      scf.if %cond3A_166 {
        %add3A_167 = arith.constant 1 : i32
        %add3A_168 = arith.addi %scan3A_130, %add3A_167 : i32
        %lt3A_169 = arith.constant 26 : i32
        %lt3A_170 = arith.cmpi slt, %add3A_168, %lt3A_169 : i32
        %convert_element_type3A_171 = arith.extui %lt3A_170 : i1 to i32
        %cond3A_172 = arith.constant 0 : i32
        %cond3A_173 = arith.cmpi ne, %convert_element_type3A_171, %cond3A_172 : i32
        scf.if %cond3A_173 {
          %ge3A = arith.constant 1 : i32
          %ge3A_282 = arith.cmpi sge, %scan3A_130, %ge3A : i32
          %convert_element_type3A_283 = arith.extui %ge3A_282 : i1 to i32
          %cond3A_284 = arith.constant 0 : i32
          %cond3A_285 = arith.cmpi ne, %convert_element_type3A_283, %cond3A_284 : i32
          scf.if %cond3A_285 {
            %dma_wait3A_337 = arith.constant 0 : i32
            %dma_wait3A_338 = arith.constant 0 : i32
            %dma_wait3A_339 = arith.constant 0 : i32
            %dma_wait3A_340 = arith.constant 0 : i32
            %dma_wait3A_341 = tpu.memref_slice %arg12[%dma_wait3A_337, %dma_wait3A_339, %dma_wait3A_340] : memref<6x128x64xbf16, #tpu.memory_space<vmem>> -> memref<1x128x64xbf16, #tpu.memory_space<vmem>>
            %dma_wait3A_342 = tpu.memref_squeeze %dma_wait3A_341 : memref<1x128x64xbf16, #tpu.memory_space<vmem>> -> memref<128x64xbf16, #tpu.memory_space<vmem>>
            %dma_wait3A_343 = arith.constant 0 : i32
            %dma_wait3A_344 = tpu.memref_slice %arg11[%dma_wait3A_338, %dma_wait3A_343] : memref<79x128xi32, #tpu.memory_space<vmem>> -> memref<1x128xi32, #tpu.memory_space<vmem>>
            %dma_wait3A_345 = tpu.memref_squeeze %dma_wait3A_344 : memref<1x128xi32, #tpu.memory_space<vmem>> -> memref<128xi32, #tpu.memory_space<vmem>>
            %dma_wait3A_346 = arith.constant 0 : i32
            %dma_wait3A_347 = arith.constant 0 : i32
            %dma_wait3A_348 = tpu.memref_slice %arg14[%dma_wait3A_346, %dma_wait3A_347] : memref<10112x64xbf16, #tpu.memory_space<vmem_shared>> -> memref<10112x64xbf16, #tpu.memory_space<vmem_shared>>
            tpu.wait_indirect_dma semaphore(%arg18 : memref<!tpu.dma_semaphore, #tpu.memory_space<semaphore_mem>>) src(%dma_wait3A_342 : memref<128x64xbf16, #tpu.memory_space<vmem>>) dst(%dma_wait3A_348 : memref<10112x64xbf16, #tpu.memory_space<vmem_shared>>)
            %dma_wait3A_349 = arith.constant 1 : i32
            %dma_wait3A_350 = arith.constant 0 : i32
            %dma_wait3A_351 = arith.constant 0 : i32
            %dma_wait3A_352 = arith.constant 0 : i32
            %dma_wait3A_353 = tpu.memref_slice %arg12[%dma_wait3A_349, %dma_wait3A_351, %dma_wait3A_352] : memref<6x128x64xbf16, #tpu.memory_space<vmem>> -> memref<1x128x64xbf16, #tpu.memory_space<vmem>>
            %dma_wait3A_354 = tpu.memref_squeeze %dma_wait3A_353 : memref<1x128x64xbf16, #tpu.memory_space<vmem>> -> memref<128x64xbf16, #tpu.memory_space<vmem>>
            %dma_wait3A_355 = arith.constant 0 : i32
            %dma_wait3A_356 = tpu.memref_slice %arg11[%dma_wait3A_350, %dma_wait3A_355] : memref<79x128xi32, #tpu.memory_space<vmem>> -> memref<1x128xi32, #tpu.memory_space<vmem>>
            %dma_wait3A_357 = tpu.memref_squeeze %dma_wait3A_356 : memref<1x128xi32, #tpu.memory_space<vmem>> -> memref<128xi32, #tpu.memory_space<vmem>>
            %dma_wait3A_358 = arith.constant 0 : i32
            %dma_wait3A_359 = arith.constant 0 : i32
            %dma_wait3A_360 = tpu.memref_slice %arg14[%dma_wait3A_358, %dma_wait3A_359] : memref<10112x64xbf16, #tpu.memory_space<vmem_shared>> -> memref<10112x64xbf16, #tpu.memory_space<vmem_shared>>
            tpu.wait_indirect_dma semaphore(%arg18 : memref<!tpu.dma_semaphore, #tpu.memory_space<semaphore_mem>>) src(%dma_wait3A_354 : memref<128x64xbf16, #tpu.memory_space<vmem>>) dst(%dma_wait3A_360 : memref<10112x64xbf16, #tpu.memory_space<vmem_shared>>)
            %dma_wait3A_361 = arith.constant 2 : i32
            %dma_wait3A_362 = arith.constant 0 : i32
            %dma_wait3A_363 = arith.constant 0 : i32
            %dma_wait3A_364 = arith.constant 0 : i32
            %dma_wait3A_365 = tpu.memref_slice %arg12[%dma_wait3A_361, %dma_wait3A_363, %dma_wait3A_364] : memref<6x128x64xbf16, #tpu.memory_space<vmem>> -> memref<1x128x64xbf16, #tpu.memory_space<vmem>>
            %dma_wait3A_366 = tpu.memref_squeeze %dma_wait3A_365 : memref<1x128x64xbf16, #tpu.memory_space<vmem>> -> memref<128x64xbf16, #tpu.memory_space<vmem>>
            %dma_wait3A_367 = arith.constant 0 : i32
            %dma_wait3A_368 = tpu.memref_slice %arg11[%dma_wait3A_362, %dma_wait3A_367] : memref<79x128xi32, #tpu.memory_space<vmem>> -> memref<1x128xi32, #tpu.memory_space<vmem>>
            %dma_wait3A_369 = tpu.memref_squeeze %dma_wait3A_368 : memref<1x128xi32, #tpu.memory_space<vmem>> -> memref<128xi32, #tpu.memory_space<vmem>>
            %dma_wait3A_370 = arith.constant 0 : i32
            %dma_wait3A_371 = arith.constant 0 : i32
            %dma_wait3A_372 = tpu.memref_slice %arg14[%dma_wait3A_370, %dma_wait3A_371] : memref<10112x64xbf16, #tpu.memory_space<vmem_shared>> -> memref<10112x64xbf16, #tpu.memory_space<vmem_shared>>
            tpu.wait_indirect_dma semaphore(%arg18 : memref<!tpu.dma_semaphore, #tpu.memory_space<semaphore_mem>>) src(%dma_wait3A_366 : memref<128x64xbf16, #tpu.memory_space<vmem>>) dst(%dma_wait3A_372 : memref<10112x64xbf16, #tpu.memory_space<vmem_shared>>)
          } else {
          }
          %add3A_286 = arith.constant 1 : i32
          %add3A_287 = arith.addi %scan3A_130, %add3A_286 : i32
          %mul3A_288 = arith.constant 3 : i32
          %mul3A_289 = arith.muli %add3A_287, %mul3A_288 : i32
          %add3A_290 = arith.constant 0 : i32
          %add3A_291 = arith.addi %mul3A_289, %add3A_290 : i32
          %dma_start3A_292 = arith.constant 0 : i32
          %dma_start3A_293 = arith.constant 0 : i32
          %dma_start3A_294 = arith.constant 0 : i32
          %dma_start3A_295 = tpu.memref_slice %arg12[%dma_start3A_292, %dma_start3A_293, %dma_start3A_294] : memref<6x128x64xbf16, #tpu.memory_space<vmem>> -> memref<1x128x64xbf16, #tpu.memory_space<vmem>>
          %dma_start3A_296 = tpu.memref_squeeze %dma_start3A_295 : memref<1x128x64xbf16, #tpu.memory_space<vmem>> -> memref<128x64xbf16, #tpu.memory_space<vmem>>
          %dma_start3A_297 = arith.constant 0 : i32
          %dma_start3A_298 = tpu.memref_slice %arg10[%add3A_291, %dma_start3A_297] : memref<79x128xi32, #tpu.memory_space<vmem>> -> memref<1x128xi32, #tpu.memory_space<vmem>>
          %dma_start3A_299 = tpu.memref_squeeze %dma_start3A_298 : memref<1x128xi32, #tpu.memory_space<vmem>> -> memref<128xi32, #tpu.memory_space<vmem>>
          %dma_start3A_300 = arith.constant 0 : i32
          %dma_start3A_301 = arith.constant 0 : i32
          %dma_start3A_302 = tpu.memref_slice %arg2[%dma_start3A_300, %dma_start3A_301] : memref<10112x64xbf16, #tpu.memory_space<hbm>> -> memref<10112x64xbf16, #tpu.memory_space<hbm>>
          tpu.enqueue_indirect_dma source(%dma_start3A_302 : memref<10112x64xbf16, #tpu.memory_space<hbm>>) target(%dma_start3A_296 : memref<128x64xbf16, #tpu.memory_space<vmem>>) offsets(%dma_start3A_299 : memref<128xi32, #tpu.memory_space<vmem>>) semaphore(%arg16 : memref<!tpu.dma_semaphore, #tpu.memory_space<semaphore_mem>>)
          %add3A_303 = arith.constant 1 : i32
          %add3A_304 = arith.addi %scan3A_130, %add3A_303 : i32
          %mul3A_305 = arith.constant 3 : i32
          %mul3A_306 = arith.muli %add3A_304, %mul3A_305 : i32
          %add3A_307 = arith.constant 1 : i32
          %add3A_308 = arith.addi %mul3A_306, %add3A_307 : i32
          %dma_start3A_309 = arith.constant 1 : i32
          %dma_start3A_310 = arith.constant 0 : i32
          %dma_start3A_311 = arith.constant 0 : i32
          %dma_start3A_312 = tpu.memref_slice %arg12[%dma_start3A_309, %dma_start3A_310, %dma_start3A_311] : memref<6x128x64xbf16, #tpu.memory_space<vmem>> -> memref<1x128x64xbf16, #tpu.memory_space<vmem>>
          %dma_start3A_313 = tpu.memref_squeeze %dma_start3A_312 : memref<1x128x64xbf16, #tpu.memory_space<vmem>> -> memref<128x64xbf16, #tpu.memory_space<vmem>>
          %dma_start3A_314 = arith.constant 0 : i32
          %dma_start3A_315 = tpu.memref_slice %arg10[%add3A_308, %dma_start3A_314] : memref<79x128xi32, #tpu.memory_space<vmem>> -> memref<1x128xi32, #tpu.memory_space<vmem>>
          %dma_start3A_316 = tpu.memref_squeeze %dma_start3A_315 : memref<1x128xi32, #tpu.memory_space<vmem>> -> memref<128xi32, #tpu.memory_space<vmem>>
          %dma_start3A_317 = arith.constant 0 : i32
          %dma_start3A_318 = arith.constant 0 : i32
          %dma_start3A_319 = tpu.memref_slice %arg2[%dma_start3A_317, %dma_start3A_318] : memref<10112x64xbf16, #tpu.memory_space<hbm>> -> memref<10112x64xbf16, #tpu.memory_space<hbm>>
          tpu.enqueue_indirect_dma source(%dma_start3A_319 : memref<10112x64xbf16, #tpu.memory_space<hbm>>) target(%dma_start3A_313 : memref<128x64xbf16, #tpu.memory_space<vmem>>) offsets(%dma_start3A_316 : memref<128xi32, #tpu.memory_space<vmem>>) semaphore(%arg16 : memref<!tpu.dma_semaphore, #tpu.memory_space<semaphore_mem>>)
          %add3A_320 = arith.constant 1 : i32
          %add3A_321 = arith.addi %scan3A_130, %add3A_320 : i32
          %mul3A_322 = arith.constant 3 : i32
          %mul3A_323 = arith.muli %add3A_321, %mul3A_322 : i32
          %add3A_324 = arith.constant 2 : i32
          %add3A_325 = arith.addi %mul3A_323, %add3A_324 : i32
          %dma_start3A_326 = arith.constant 2 : i32
          %dma_start3A_327 = arith.constant 0 : i32
          %dma_start3A_328 = arith.constant 0 : i32
          %dma_start3A_329 = tpu.memref_slice %arg12[%dma_start3A_326, %dma_start3A_327, %dma_start3A_328] : memref<6x128x64xbf16, #tpu.memory_space<vmem>> -> memref<1x128x64xbf16, #tpu.memory_space<vmem>>
          %dma_start3A_330 = tpu.memref_squeeze %dma_start3A_329 : memref<1x128x64xbf16, #tpu.memory_space<vmem>> -> memref<128x64xbf16, #tpu.memory_space<vmem>>
          %dma_start3A_331 = arith.constant 0 : i32
          %dma_start3A_332 = tpu.memref_slice %arg10[%add3A_325, %dma_start3A_331] : memref<79x128xi32, #tpu.memory_space<vmem>> -> memref<1x128xi32, #tpu.memory_space<vmem>>
          %dma_start3A_333 = tpu.memref_squeeze %dma_start3A_332 : memref<1x128xi32, #tpu.memory_space<vmem>> -> memref<128xi32, #tpu.memory_space<vmem>>
          %dma_start3A_334 = arith.constant 0 : i32
          %dma_start3A_335 = arith.constant 0 : i32
          %dma_start3A_336 = tpu.memref_slice %arg2[%dma_start3A_334, %dma_start3A_335] : memref<10112x64xbf16, #tpu.memory_space<hbm>> -> memref<10112x64xbf16, #tpu.memory_space<hbm>>
          tpu.enqueue_indirect_dma source(%dma_start3A_336 : memref<10112x64xbf16, #tpu.memory_space<hbm>>) target(%dma_start3A_330 : memref<128x64xbf16, #tpu.memory_space<vmem>>) offsets(%dma_start3A_333 : memref<128xi32, #tpu.memory_space<vmem>>) semaphore(%arg16 : memref<!tpu.dma_semaphore, #tpu.memory_space<semaphore_mem>>)
        } else {
        }
        %mul3A_174 = arith.constant 3 : i32
        %mul3A_175 = arith.muli %scan3A_130, %mul3A_174 : i32
        %add3A_176 = arith.constant 0 : i32
        %add3A_177 = arith.addi %mul3A_175, %add3A_176 : i32
        %dma_wait3A_178 = arith.constant 3 : i32
        %dma_wait3A_179 = arith.constant 0 : i32
        %dma_wait3A_180 = arith.constant 0 : i32
        %dma_wait3A_181 = tpu.memref_slice %arg12[%dma_wait3A_178, %dma_wait3A_179, %dma_wait3A_180] : memref<6x128x64xbf16, #tpu.memory_space<vmem>> -> memref<1x128x64xbf16, #tpu.memory_space<vmem>>
        %dma_wait3A_182 = tpu.memref_squeeze %dma_wait3A_181 : memref<1x128x64xbf16, #tpu.memory_space<vmem>> -> memref<128x64xbf16, #tpu.memory_space<vmem>>
        %dma_wait3A_183 = arith.constant 0 : i32
        %dma_wait3A_184 = tpu.memref_slice %arg10[%add3A_177, %dma_wait3A_183] : memref<79x128xi32, #tpu.memory_space<vmem>> -> memref<1x128xi32, #tpu.memory_space<vmem>>
        %dma_wait3A_185 = tpu.memref_squeeze %dma_wait3A_184 : memref<1x128xi32, #tpu.memory_space<vmem>> -> memref<128xi32, #tpu.memory_space<vmem>>
        %dma_wait3A_186 = arith.constant 0 : i32
        %dma_wait3A_187 = arith.constant 0 : i32
        %dma_wait3A_188 = tpu.memref_slice %arg2[%dma_wait3A_186, %dma_wait3A_187] : memref<10112x64xbf16, #tpu.memory_space<hbm>> -> memref<10112x64xbf16, #tpu.memory_space<hbm>>
        tpu.wait_indirect_dma semaphore(%arg17 : memref<!tpu.dma_semaphore, #tpu.memory_space<semaphore_mem>>) src(%dma_wait3A_188 : memref<10112x64xbf16, #tpu.memory_space<hbm>>) dst(%dma_wait3A_182 : memref<128x64xbf16, #tpu.memory_space<vmem>>)
        %mul3A_189 = arith.constant 3 : i32
        %mul3A_190 = arith.muli %scan3A_130, %mul3A_189 : i32
        %add3A_191 = arith.constant 1 : i32
        %add3A_192 = arith.addi %mul3A_190, %add3A_191 : i32
        %dma_wait3A_193 = arith.constant 4 : i32
        %dma_wait3A_194 = arith.constant 0 : i32
        %dma_wait3A_195 = arith.constant 0 : i32
        %dma_wait3A_196 = tpu.memref_slice %arg12[%dma_wait3A_193, %dma_wait3A_194, %dma_wait3A_195] : memref<6x128x64xbf16, #tpu.memory_space<vmem>> -> memref<1x128x64xbf16, #tpu.memory_space<vmem>>
        %dma_wait3A_197 = tpu.memref_squeeze %dma_wait3A_196 : memref<1x128x64xbf16, #tpu.memory_space<vmem>> -> memref<128x64xbf16, #tpu.memory_space<vmem>>
        %dma_wait3A_198 = arith.constant 0 : i32
        %dma_wait3A_199 = tpu.memref_slice %arg10[%add3A_192, %dma_wait3A_198] : memref<79x128xi32, #tpu.memory_space<vmem>> -> memref<1x128xi32, #tpu.memory_space<vmem>>
        %dma_wait3A_200 = tpu.memref_squeeze %dma_wait3A_199 : memref<1x128xi32, #tpu.memory_space<vmem>> -> memref<128xi32, #tpu.memory_space<vmem>>
        %dma_wait3A_201 = arith.constant 0 : i32
        %dma_wait3A_202 = arith.constant 0 : i32
        %dma_wait3A_203 = tpu.memref_slice %arg2[%dma_wait3A_201, %dma_wait3A_202] : memref<10112x64xbf16, #tpu.memory_space<hbm>> -> memref<10112x64xbf16, #tpu.memory_space<hbm>>
        tpu.wait_indirect_dma semaphore(%arg17 : memref<!tpu.dma_semaphore, #tpu.memory_space<semaphore_mem>>) src(%dma_wait3A_203 : memref<10112x64xbf16, #tpu.memory_space<hbm>>) dst(%dma_wait3A_197 : memref<128x64xbf16, #tpu.memory_space<vmem>>)
        %mul3A_204 = arith.constant 3 : i32
        %mul3A_205 = arith.muli %scan3A_130, %mul3A_204 : i32
        %add3A_206 = arith.constant 2 : i32
        %add3A_207 = arith.addi %mul3A_205, %add3A_206 : i32
        %dma_wait3A_208 = arith.constant 5 : i32
        %dma_wait3A_209 = arith.constant 0 : i32
        %dma_wait3A_210 = arith.constant 0 : i32
        %dma_wait3A_211 = tpu.memref_slice %arg12[%dma_wait3A_208, %dma_wait3A_209, %dma_wait3A_210] : memref<6x128x64xbf16, #tpu.memory_space<vmem>> -> memref<1x128x64xbf16, #tpu.memory_space<vmem>>
        %dma_wait3A_212 = tpu.memref_squeeze %dma_wait3A_211 : memref<1x128x64xbf16, #tpu.memory_space<vmem>> -> memref<128x64xbf16, #tpu.memory_space<vmem>>
        %dma_wait3A_213 = arith.constant 0 : i32
        %dma_wait3A_214 = tpu.memref_slice %arg10[%add3A_207, %dma_wait3A_213] : memref<79x128xi32, #tpu.memory_space<vmem>> -> memref<1x128xi32, #tpu.memory_space<vmem>>
        %dma_wait3A_215 = tpu.memref_squeeze %dma_wait3A_214 : memref<1x128xi32, #tpu.memory_space<vmem>> -> memref<128xi32, #tpu.memory_space<vmem>>
        %dma_wait3A_216 = arith.constant 0 : i32
        %dma_wait3A_217 = arith.constant 0 : i32
        %dma_wait3A_218 = tpu.memref_slice %arg2[%dma_wait3A_216, %dma_wait3A_217] : memref<10112x64xbf16, #tpu.memory_space<hbm>> -> memref<10112x64xbf16, #tpu.memory_space<hbm>>
        tpu.wait_indirect_dma semaphore(%arg17 : memref<!tpu.dma_semaphore, #tpu.memory_space<semaphore_mem>>) src(%dma_wait3A_218 : memref<10112x64xbf16, #tpu.memory_space<hbm>>) dst(%dma_wait3A_212 : memref<128x64xbf16, #tpu.memory_space<vmem>>)
        %mul3A_219 = arith.constant 3 : i32
        %mul3A_220 = arith.muli %scan3A_130, %mul3A_219 : i32
        %add3A_221 = arith.constant 0 : i32
        %add3A_222 = arith.addi %mul3A_220, %add3A_221 : i32
        %dma_start3A_223 = arith.constant 3 : i32
        %dma_start3A_224 = arith.constant 0 : i32
        %dma_start3A_225 = arith.constant 0 : i32
        %dma_start3A_226 = tpu.memref_slice %arg12[%dma_start3A_223, %dma_start3A_224, %dma_start3A_225] : memref<6x128x64xbf16, #tpu.memory_space<vmem>> -> memref<1x128x64xbf16, #tpu.memory_space<vmem>>
        %dma_start3A_227 = tpu.memref_squeeze %dma_start3A_226 : memref<1x128x64xbf16, #tpu.memory_space<vmem>> -> memref<128x64xbf16, #tpu.memory_space<vmem>>
        %dma_start3A_228 = arith.constant 0 : i32
        %dma_start3A_229 = tpu.memref_slice %arg11[%add3A_222, %dma_start3A_228] : memref<79x128xi32, #tpu.memory_space<vmem>> -> memref<1x128xi32, #tpu.memory_space<vmem>>
        %dma_start3A_230 = tpu.memref_squeeze %dma_start3A_229 : memref<1x128xi32, #tpu.memory_space<vmem>> -> memref<128xi32, #tpu.memory_space<vmem>>
        %dma_start3A_231 = arith.constant 0 : i32
        %dma_start3A_232 = arith.constant 0 : i32
        %dma_start3A_233 = tpu.memref_slice %arg14[%dma_start3A_231, %dma_start3A_232] : memref<10112x64xbf16, #tpu.memory_space<vmem_shared>> -> memref<10112x64xbf16, #tpu.memory_space<vmem_shared>>
        tpu.enqueue_indirect_dma source(%dma_start3A_227 : memref<128x64xbf16, #tpu.memory_space<vmem>>) target(%dma_start3A_233 : memref<10112x64xbf16, #tpu.memory_space<vmem_shared>>) offsets(%dma_start3A_230 : memref<128xi32, #tpu.memory_space<vmem>>) semaphore(%arg19 : memref<!tpu.dma_semaphore, #tpu.memory_space<semaphore_mem>>) {add = true}
        %dma_start3A_234 = arith.constant 0 : i32
        %dma_start3A_235 = tpu.memref_slice %arg11[%add3A_222, %dma_start3A_234] : memref<79x128xi32, #tpu.memory_space<vmem>> -> memref<1x128xi32, #tpu.memory_space<vmem>>
        %dma_start3A_236 = tpu.memref_squeeze %dma_start3A_235 : memref<1x128xi32, #tpu.memory_space<vmem>> -> memref<128xi32, #tpu.memory_space<vmem>>
        %dma_start3A_237 = arith.constant 0 : i32
        %dma_start3A_238 = arith.constant 0 : i32
        %dma_start3A_239 = tpu.memref_slice %arg15[%dma_start3A_237, %dma_start3A_238] : memref<10112x8xf32, #tpu.memory_space<vmem_shared>> -> memref<10112x8xf32, #tpu.memory_space<vmem_shared>>
        tpu.enqueue_indirect_dma source(%arg13 : memref<128x8xf32, #tpu.memory_space<vmem>>) target(%dma_start3A_239 : memref<10112x8xf32, #tpu.memory_space<vmem_shared>>) offsets(%dma_start3A_236 : memref<128xi32, #tpu.memory_space<vmem>>) semaphore(%arg20 : memref<!tpu.dma_semaphore, #tpu.memory_space<semaphore_mem>>) {add = true}
        %mul3A_240 = arith.constant 3 : i32
        %mul3A_241 = arith.muli %scan3A_130, %mul3A_240 : i32
        %add3A_242 = arith.constant 1 : i32
        %add3A_243 = arith.addi %mul3A_241, %add3A_242 : i32
        %dma_start3A_244 = arith.constant 4 : i32
        %dma_start3A_245 = arith.constant 0 : i32
        %dma_start3A_246 = arith.constant 0 : i32
        %dma_start3A_247 = tpu.memref_slice %arg12[%dma_start3A_244, %dma_start3A_245, %dma_start3A_246] : memref<6x128x64xbf16, #tpu.memory_space<vmem>> -> memref<1x128x64xbf16, #tpu.memory_space<vmem>>
        %dma_start3A_248 = tpu.memref_squeeze %dma_start3A_247 : memref<1x128x64xbf16, #tpu.memory_space<vmem>> -> memref<128x64xbf16, #tpu.memory_space<vmem>>
        %dma_start3A_249 = arith.constant 0 : i32
        %dma_start3A_250 = tpu.memref_slice %arg11[%add3A_243, %dma_start3A_249] : memref<79x128xi32, #tpu.memory_space<vmem>> -> memref<1x128xi32, #tpu.memory_space<vmem>>
        %dma_start3A_251 = tpu.memref_squeeze %dma_start3A_250 : memref<1x128xi32, #tpu.memory_space<vmem>> -> memref<128xi32, #tpu.memory_space<vmem>>
        %dma_start3A_252 = arith.constant 0 : i32
        %dma_start3A_253 = arith.constant 0 : i32
        %dma_start3A_254 = tpu.memref_slice %arg14[%dma_start3A_252, %dma_start3A_253] : memref<10112x64xbf16, #tpu.memory_space<vmem_shared>> -> memref<10112x64xbf16, #tpu.memory_space<vmem_shared>>
        tpu.enqueue_indirect_dma source(%dma_start3A_248 : memref<128x64xbf16, #tpu.memory_space<vmem>>) target(%dma_start3A_254 : memref<10112x64xbf16, #tpu.memory_space<vmem_shared>>) offsets(%dma_start3A_251 : memref<128xi32, #tpu.memory_space<vmem>>) semaphore(%arg19 : memref<!tpu.dma_semaphore, #tpu.memory_space<semaphore_mem>>) {add = true}
        %dma_start3A_255 = arith.constant 0 : i32
        %dma_start3A_256 = tpu.memref_slice %arg11[%add3A_243, %dma_start3A_255] : memref<79x128xi32, #tpu.memory_space<vmem>> -> memref<1x128xi32, #tpu.memory_space<vmem>>
        %dma_start3A_257 = tpu.memref_squeeze %dma_start3A_256 : memref<1x128xi32, #tpu.memory_space<vmem>> -> memref<128xi32, #tpu.memory_space<vmem>>
        %dma_start3A_258 = arith.constant 0 : i32
        %dma_start3A_259 = arith.constant 0 : i32
        %dma_start3A_260 = tpu.memref_slice %arg15[%dma_start3A_258, %dma_start3A_259] : memref<10112x8xf32, #tpu.memory_space<vmem_shared>> -> memref<10112x8xf32, #tpu.memory_space<vmem_shared>>
        tpu.enqueue_indirect_dma source(%arg13 : memref<128x8xf32, #tpu.memory_space<vmem>>) target(%dma_start3A_260 : memref<10112x8xf32, #tpu.memory_space<vmem_shared>>) offsets(%dma_start3A_257 : memref<128xi32, #tpu.memory_space<vmem>>) semaphore(%arg20 : memref<!tpu.dma_semaphore, #tpu.memory_space<semaphore_mem>>) {add = true}
        %mul3A_261 = arith.constant 3 : i32
        %mul3A_262 = arith.muli %scan3A_130, %mul3A_261 : i32
        %add3A_263 = arith.constant 2 : i32
        %add3A_264 = arith.addi %mul3A_262, %add3A_263 : i32
        %dma_start3A_265 = arith.constant 5 : i32
        %dma_start3A_266 = arith.constant 0 : i32
        %dma_start3A_267 = arith.constant 0 : i32
        %dma_start3A_268 = tpu.memref_slice %arg12[%dma_start3A_265, %dma_start3A_266, %dma_start3A_267] : memref<6x128x64xbf16, #tpu.memory_space<vmem>> -> memref<1x128x64xbf16, #tpu.memory_space<vmem>>
        %dma_start3A_269 = tpu.memref_squeeze %dma_start3A_268 : memref<1x128x64xbf16, #tpu.memory_space<vmem>> -> memref<128x64xbf16, #tpu.memory_space<vmem>>
        %dma_start3A_270 = arith.constant 0 : i32
        %dma_start3A_271 = tpu.memref_slice %arg11[%add3A_264, %dma_start3A_270] : memref<79x128xi32, #tpu.memory_space<vmem>> -> memref<1x128xi32, #tpu.memory_space<vmem>>
        %dma_start3A_272 = tpu.memref_squeeze %dma_start3A_271 : memref<1x128xi32, #tpu.memory_space<vmem>> -> memref<128xi32, #tpu.memory_space<vmem>>
        %dma_start3A_273 = arith.constant 0 : i32
        %dma_start3A_274 = arith.constant 0 : i32
        %dma_start3A_275 = tpu.memref_slice %arg14[%dma_start3A_273, %dma_start3A_274] : memref<10112x64xbf16, #tpu.memory_space<vmem_shared>> -> memref<10112x64xbf16, #tpu.memory_space<vmem_shared>>
        tpu.enqueue_indirect_dma source(%dma_start3A_269 : memref<128x64xbf16, #tpu.memory_space<vmem>>) target(%dma_start3A_275 : memref<10112x64xbf16, #tpu.memory_space<vmem_shared>>) offsets(%dma_start3A_272 : memref<128xi32, #tpu.memory_space<vmem>>) semaphore(%arg19 : memref<!tpu.dma_semaphore, #tpu.memory_space<semaphore_mem>>) {add = true}
        %dma_start3A_276 = arith.constant 0 : i32
        %dma_start3A_277 = tpu.memref_slice %arg11[%add3A_264, %dma_start3A_276] : memref<79x128xi32, #tpu.memory_space<vmem>> -> memref<1x128xi32, #tpu.memory_space<vmem>>
        %dma_start3A_278 = tpu.memref_squeeze %dma_start3A_277 : memref<1x128xi32, #tpu.memory_space<vmem>> -> memref<128xi32, #tpu.memory_space<vmem>>
        %dma_start3A_279 = arith.constant 0 : i32
        %dma_start3A_280 = arith.constant 0 : i32
        %dma_start3A_281 = tpu.memref_slice %arg15[%dma_start3A_279, %dma_start3A_280] : memref<10112x8xf32, #tpu.memory_space<vmem_shared>> -> memref<10112x8xf32, #tpu.memory_space<vmem_shared>>
        tpu.enqueue_indirect_dma source(%arg13 : memref<128x8xf32, #tpu.memory_space<vmem>>) target(%dma_start3A_281 : memref<10112x8xf32, #tpu.memory_space<vmem_shared>>) offsets(%dma_start3A_278 : memref<128xi32, #tpu.memory_space<vmem>>) semaphore(%arg20 : memref<!tpu.dma_semaphore, #tpu.memory_space<semaphore_mem>>) {add = true}
      } else {
      }
    }
    %scan3A_48 = arith.constant 26 : i32
    %dma_wait3A = arith.constant 0 : i32
    %dma_wait3A_49 = arith.constant 0 : i32
    %dma_wait3A_50 = arith.constant 0 : i32
    %dma_wait3A_51 = arith.constant 0 : i32
    %dma_wait3A_52 = tpu.memref_slice %arg12[%dma_wait3A, %dma_wait3A_50, %dma_wait3A_51] : memref<6x128x64xbf16, #tpu.memory_space<vmem>> -> memref<1x128x64xbf16, #tpu.memory_space<vmem>>
    %dma_wait3A_53 = tpu.memref_squeeze %dma_wait3A_52 : memref<1x128x64xbf16, #tpu.memory_space<vmem>> -> memref<128x64xbf16, #tpu.memory_space<vmem>>
    %dma_wait3A_54 = arith.constant 0 : i32
    %dma_wait3A_55 = tpu.memref_slice %arg11[%dma_wait3A_49, %dma_wait3A_54] : memref<79x128xi32, #tpu.memory_space<vmem>> -> memref<1x128xi32, #tpu.memory_space<vmem>>
    %dma_wait3A_56 = tpu.memref_squeeze %dma_wait3A_55 : memref<1x128xi32, #tpu.memory_space<vmem>> -> memref<128xi32, #tpu.memory_space<vmem>>
    %dma_wait3A_57 = arith.constant 0 : i32
    %dma_wait3A_58 = arith.constant 0 : i32
    %dma_wait3A_59 = tpu.memref_slice %arg14[%dma_wait3A_57, %dma_wait3A_58] : memref<10112x64xbf16, #tpu.memory_space<vmem_shared>> -> memref<10112x64xbf16, #tpu.memory_space<vmem_shared>>
    tpu.wait_indirect_dma semaphore(%arg18 : memref<!tpu.dma_semaphore, #tpu.memory_space<semaphore_mem>>) src(%dma_wait3A_53 : memref<128x64xbf16, #tpu.memory_space<vmem>>) dst(%dma_wait3A_59 : memref<10112x64xbf16, #tpu.memory_space<vmem_shared>>)
    %dma_wait3A_60 = arith.constant 3 : i32
    %dma_wait3A_61 = arith.constant 0 : i32
    %dma_wait3A_62 = arith.constant 0 : i32
    %dma_wait3A_63 = arith.constant 0 : i32
    %dma_wait3A_64 = tpu.memref_slice %arg12[%dma_wait3A_60, %dma_wait3A_62, %dma_wait3A_63] : memref<6x128x64xbf16, #tpu.memory_space<vmem>> -> memref<1x128x64xbf16, #tpu.memory_space<vmem>>
    %dma_wait3A_65 = tpu.memref_squeeze %dma_wait3A_64 : memref<1x128x64xbf16, #tpu.memory_space<vmem>> -> memref<128x64xbf16, #tpu.memory_space<vmem>>
    %dma_wait3A_66 = arith.constant 0 : i32
    %dma_wait3A_67 = tpu.memref_slice %arg11[%dma_wait3A_61, %dma_wait3A_66] : memref<79x128xi32, #tpu.memory_space<vmem>> -> memref<1x128xi32, #tpu.memory_space<vmem>>
    %dma_wait3A_68 = tpu.memref_squeeze %dma_wait3A_67 : memref<1x128xi32, #tpu.memory_space<vmem>> -> memref<128xi32, #tpu.memory_space<vmem>>
    %dma_wait3A_69 = arith.constant 0 : i32
    %dma_wait3A_70 = arith.constant 0 : i32
    %dma_wait3A_71 = tpu.memref_slice %arg14[%dma_wait3A_69, %dma_wait3A_70] : memref<10112x64xbf16, #tpu.memory_space<vmem_shared>> -> memref<10112x64xbf16, #tpu.memory_space<vmem_shared>>
    tpu.wait_indirect_dma semaphore(%arg19 : memref<!tpu.dma_semaphore, #tpu.memory_space<semaphore_mem>>) src(%dma_wait3A_65 : memref<128x64xbf16, #tpu.memory_space<vmem>>) dst(%dma_wait3A_71 : memref<10112x64xbf16, #tpu.memory_space<vmem_shared>>)
    %dma_wait3A_72 = arith.constant 1 : i32
    %dma_wait3A_73 = arith.constant 0 : i32
    %dma_wait3A_74 = arith.constant 0 : i32
    %dma_wait3A_75 = arith.constant 0 : i32
    %dma_wait3A_76 = tpu.memref_slice %arg12[%dma_wait3A_72, %dma_wait3A_74, %dma_wait3A_75] : memref<6x128x64xbf16, #tpu.memory_space<vmem>> -> memref<1x128x64xbf16, #tpu.memory_space<vmem>>
    %dma_wait3A_77 = tpu.memref_squeeze %dma_wait3A_76 : memref<1x128x64xbf16, #tpu.memory_space<vmem>> -> memref<128x64xbf16, #tpu.memory_space<vmem>>
    %dma_wait3A_78 = arith.constant 0 : i32
    %dma_wait3A_79 = tpu.memref_slice %arg11[%dma_wait3A_73, %dma_wait3A_78] : memref<79x128xi32, #tpu.memory_space<vmem>> -> memref<1x128xi32, #tpu.memory_space<vmem>>
    %dma_wait3A_80 = tpu.memref_squeeze %dma_wait3A_79 : memref<1x128xi32, #tpu.memory_space<vmem>> -> memref<128xi32, #tpu.memory_space<vmem>>
    %dma_wait3A_81 = arith.constant 0 : i32
    %dma_wait3A_82 = arith.constant 0 : i32
    %dma_wait3A_83 = tpu.memref_slice %arg14[%dma_wait3A_81, %dma_wait3A_82] : memref<10112x64xbf16, #tpu.memory_space<vmem_shared>> -> memref<10112x64xbf16, #tpu.memory_space<vmem_shared>>
    tpu.wait_indirect_dma semaphore(%arg18 : memref<!tpu.dma_semaphore, #tpu.memory_space<semaphore_mem>>) src(%dma_wait3A_77 : memref<128x64xbf16, #tpu.memory_space<vmem>>) dst(%dma_wait3A_83 : memref<10112x64xbf16, #tpu.memory_space<vmem_shared>>)
    %dma_wait3A_84 = arith.constant 4 : i32
    %dma_wait3A_85 = arith.constant 0 : i32
    %dma_wait3A_86 = arith.constant 0 : i32
    %dma_wait3A_87 = arith.constant 0 : i32
    %dma_wait3A_88 = tpu.memref_slice %arg12[%dma_wait3A_84, %dma_wait3A_86, %dma_wait3A_87] : memref<6x128x64xbf16, #tpu.memory_space<vmem>> -> memref<1x128x64xbf16, #tpu.memory_space<vmem>>
    %dma_wait3A_89 = tpu.memref_squeeze %dma_wait3A_88 : memref<1x128x64xbf16, #tpu.memory_space<vmem>> -> memref<128x64xbf16, #tpu.memory_space<vmem>>
    %dma_wait3A_90 = arith.constant 0 : i32
    %dma_wait3A_91 = tpu.memref_slice %arg11[%dma_wait3A_85, %dma_wait3A_90] : memref<79x128xi32, #tpu.memory_space<vmem>> -> memref<1x128xi32, #tpu.memory_space<vmem>>
    %dma_wait3A_92 = tpu.memref_squeeze %dma_wait3A_91 : memref<1x128xi32, #tpu.memory_space<vmem>> -> memref<128xi32, #tpu.memory_space<vmem>>
    %dma_wait3A_93 = arith.constant 0 : i32
    %dma_wait3A_94 = arith.constant 0 : i32
    %dma_wait3A_95 = tpu.memref_slice %arg14[%dma_wait3A_93, %dma_wait3A_94] : memref<10112x64xbf16, #tpu.memory_space<vmem_shared>> -> memref<10112x64xbf16, #tpu.memory_space<vmem_shared>>
    tpu.wait_indirect_dma semaphore(%arg19 : memref<!tpu.dma_semaphore, #tpu.memory_space<semaphore_mem>>) src(%dma_wait3A_89 : memref<128x64xbf16, #tpu.memory_space<vmem>>) dst(%dma_wait3A_95 : memref<10112x64xbf16, #tpu.memory_space<vmem_shared>>)
    %dma_wait3A_96 = arith.constant 2 : i32
    %dma_wait3A_97 = arith.constant 0 : i32
    %dma_wait3A_98 = arith.constant 0 : i32
    %dma_wait3A_99 = arith.constant 0 : i32
    %dma_wait3A_100 = tpu.memref_slice %arg12[%dma_wait3A_96, %dma_wait3A_98, %dma_wait3A_99] : memref<6x128x64xbf16, #tpu.memory_space<vmem>> -> memref<1x128x64xbf16, #tpu.memory_space<vmem>>
    %dma_wait3A_101 = tpu.memref_squeeze %dma_wait3A_100 : memref<1x128x64xbf16, #tpu.memory_space<vmem>> -> memref<128x64xbf16, #tpu.memory_space<vmem>>
    %dma_wait3A_102 = arith.constant 0 : i32
    %dma_wait3A_103 = tpu.memref_slice %arg11[%dma_wait3A_97, %dma_wait3A_102] : memref<79x128xi32, #tpu.memory_space<vmem>> -> memref<1x128xi32, #tpu.memory_space<vmem>>
    %dma_wait3A_104 = tpu.memref_squeeze %dma_wait3A_103 : memref<1x128xi32, #tpu.memory_space<vmem>> -> memref<128xi32, #tpu.memory_space<vmem>>
    %dma_wait3A_105 = arith.constant 0 : i32
    %dma_wait3A_106 = arith.constant 0 : i32
    %dma_wait3A_107 = tpu.memref_slice %arg14[%dma_wait3A_105, %dma_wait3A_106] : memref<10112x64xbf16, #tpu.memory_space<vmem_shared>> -> memref<10112x64xbf16, #tpu.memory_space<vmem_shared>>
    tpu.wait_indirect_dma semaphore(%arg18 : memref<!tpu.dma_semaphore, #tpu.memory_space<semaphore_mem>>) src(%dma_wait3A_101 : memref<128x64xbf16, #tpu.memory_space<vmem>>) dst(%dma_wait3A_107 : memref<10112x64xbf16, #tpu.memory_space<vmem_shared>>)
    %dma_wait3A_108 = arith.constant 5 : i32
    %dma_wait3A_109 = arith.constant 0 : i32
    %dma_wait3A_110 = arith.constant 0 : i32
    %dma_wait3A_111 = arith.constant 0 : i32
    %dma_wait3A_112 = tpu.memref_slice %arg12[%dma_wait3A_108, %dma_wait3A_110, %dma_wait3A_111] : memref<6x128x64xbf16, #tpu.memory_space<vmem>> -> memref<1x128x64xbf16, #tpu.memory_space<vmem>>
    %dma_wait3A_113 = tpu.memref_squeeze %dma_wait3A_112 : memref<1x128x64xbf16, #tpu.memory_space<vmem>> -> memref<128x64xbf16, #tpu.memory_space<vmem>>
    %dma_wait3A_114 = arith.constant 0 : i32
    %dma_wait3A_115 = tpu.memref_slice %arg11[%dma_wait3A_109, %dma_wait3A_114] : memref<79x128xi32, #tpu.memory_space<vmem>> -> memref<1x128xi32, #tpu.memory_space<vmem>>
    %dma_wait3A_116 = tpu.memref_squeeze %dma_wait3A_115 : memref<1x128xi32, #tpu.memory_space<vmem>> -> memref<128xi32, #tpu.memory_space<vmem>>
    %dma_wait3A_117 = arith.constant 0 : i32
    %dma_wait3A_118 = arith.constant 0 : i32
    %dma_wait3A_119 = tpu.memref_slice %arg14[%dma_wait3A_117, %dma_wait3A_118] : memref<10112x64xbf16, #tpu.memory_space<vmem_shared>> -> memref<10112x64xbf16, #tpu.memory_space<vmem_shared>>
    tpu.wait_indirect_dma semaphore(%arg19 : memref<!tpu.dma_semaphore, #tpu.memory_space<semaphore_mem>>) src(%dma_wait3A_113 : memref<128x64xbf16, #tpu.memory_space<vmem>>) dst(%dma_wait3A_119 : memref<10112x64xbf16, #tpu.memory_space<vmem_shared>>)
    %convert_element_type3A_120 = arith.extui %lt3A_7 : i1 to i32
    %cond3A_121 = arith.constant 0 : i32
    %cond3A_122 = arith.cmpi ne, %convert_element_type3A_120, %cond3A_121 : i32
    scf.if %cond3A_122 {
      %dma_start3A_130 = arith.constant 78 : i32
      %dma_start3A_131 = arith.constant 0 : i32
      %dma_start3A_132 = arith.constant 0 : i32
      %dma_start3A_133 = arith.constant 0 : i32
      %dma_start3A_134 = tpu.memref_slice %arg12[%dma_start3A_131, %dma_start3A_132, %dma_start3A_133] : memref<6x128x64xbf16, #tpu.memory_space<vmem>> -> memref<1x128x64xbf16, #tpu.memory_space<vmem>>
      %dma_start3A_135 = tpu.memref_squeeze %dma_start3A_134 : memref<1x128x64xbf16, #tpu.memory_space<vmem>> -> memref<128x64xbf16, #tpu.memory_space<vmem>>
      %dma_start3A_136 = arith.constant 0 : i32
      %dma_start3A_137 = tpu.memref_slice %arg10[%dma_start3A_130, %dma_start3A_136] : memref<79x128xi32, #tpu.memory_space<vmem>> -> memref<1x128xi32, #tpu.memory_space<vmem>>
      %dma_start3A_138 = tpu.memref_squeeze %dma_start3A_137 : memref<1x128xi32, #tpu.memory_space<vmem>> -> memref<128xi32, #tpu.memory_space<vmem>>
      %dma_start3A_139 = arith.constant 0 : i32
      %dma_start3A_140 = arith.constant 0 : i32
      %dma_start3A_141 = tpu.memref_slice %arg2[%dma_start3A_139, %dma_start3A_140] : memref<10112x64xbf16, #tpu.memory_space<hbm>> -> memref<10112x64xbf16, #tpu.memory_space<hbm>>
      tpu.enqueue_indirect_dma source(%dma_start3A_141 : memref<10112x64xbf16, #tpu.memory_space<hbm>>) target(%dma_start3A_135 : memref<128x64xbf16, #tpu.memory_space<vmem>>) offsets(%dma_start3A_138 : memref<128xi32, #tpu.memory_space<vmem>>) semaphore(%arg16 : memref<!tpu.dma_semaphore, #tpu.memory_space<semaphore_mem>>)
      %dma_wait3A_142 = arith.constant 78 : i32
      %dma_wait3A_143 = arith.constant 0 : i32
      %dma_wait3A_144 = arith.constant 0 : i32
      %dma_wait3A_145 = arith.constant 0 : i32
      %dma_wait3A_146 = tpu.memref_slice %arg12[%dma_wait3A_143, %dma_wait3A_144, %dma_wait3A_145] : memref<6x128x64xbf16, #tpu.memory_space<vmem>> -> memref<1x128x64xbf16, #tpu.memory_space<vmem>>
      %dma_wait3A_147 = tpu.memref_squeeze %dma_wait3A_146 : memref<1x128x64xbf16, #tpu.memory_space<vmem>> -> memref<128x64xbf16, #tpu.memory_space<vmem>>
      %dma_wait3A_148 = arith.constant 0 : i32
      %dma_wait3A_149 = tpu.memref_slice %arg10[%dma_wait3A_142, %dma_wait3A_148] : memref<79x128xi32, #tpu.memory_space<vmem>> -> memref<1x128xi32, #tpu.memory_space<vmem>>
      %dma_wait3A_150 = tpu.memref_squeeze %dma_wait3A_149 : memref<1x128xi32, #tpu.memory_space<vmem>> -> memref<128xi32, #tpu.memory_space<vmem>>
      %dma_wait3A_151 = arith.constant 0 : i32
      %dma_wait3A_152 = arith.constant 0 : i32
      %dma_wait3A_153 = tpu.memref_slice %arg2[%dma_wait3A_151, %dma_wait3A_152] : memref<10112x64xbf16, #tpu.memory_space<hbm>> -> memref<10112x64xbf16, #tpu.memory_space<hbm>>
      tpu.wait_indirect_dma semaphore(%arg16 : memref<!tpu.dma_semaphore, #tpu.memory_space<semaphore_mem>>) src(%dma_wait3A_153 : memref<10112x64xbf16, #tpu.memory_space<hbm>>) dst(%dma_wait3A_147 : memref<128x64xbf16, #tpu.memory_space<vmem>>)
      %run_scoped3A = arith.constant 0 : i32
      %run_scoped3A_154 = arith.constant 78 : i32
      "tpu.region"() ({
        %run_scoped3A_156 = tpu.sem_alloc : memref<!tpu.dma_semaphore, #tpu.memory_space<semaphore_mem>>
        %dma_start3A_157 = arith.constant 0 : i32
        %dma_start3A_158 = arith.constant 0 : i32
        %dma_start3A_159 = tpu.memref_slice %arg12[%run_scoped3A, %dma_start3A_157, %dma_start3A_158] : memref<6x128x64xbf16, #tpu.memory_space<vmem>> -> memref<1x128x64xbf16, #tpu.memory_space<vmem>>
        %dma_start3A_160 = tpu.memref_squeeze %dma_start3A_159 : memref<1x128x64xbf16, #tpu.memory_space<vmem>> -> memref<128x64xbf16, #tpu.memory_space<vmem>>
        %dma_start3A_161 = arith.constant 0 : i32
        %dma_start3A_162 = tpu.memref_slice %arg11[%run_scoped3A_154, %dma_start3A_161] : memref<79x128xi32, #tpu.memory_space<vmem>> -> memref<1x128xi32, #tpu.memory_space<vmem>>
        %dma_start3A_163 = tpu.memref_squeeze %dma_start3A_162 : memref<1x128xi32, #tpu.memory_space<vmem>> -> memref<128xi32, #tpu.memory_space<vmem>>
        %dma_start3A_164 = arith.constant 0 : i32
        %dma_start3A_165 = arith.constant 0 : i32
        %dma_start3A_166 = tpu.memref_slice %arg14[%dma_start3A_164, %dma_start3A_165] : memref<10112x64xbf16, #tpu.memory_space<vmem_shared>> -> memref<10112x64xbf16, #tpu.memory_space<vmem_shared>>
        tpu.enqueue_indirect_dma source(%dma_start3A_160 : memref<128x64xbf16, #tpu.memory_space<vmem>>) target(%dma_start3A_166 : memref<10112x64xbf16, #tpu.memory_space<vmem_shared>>) offsets(%dma_start3A_163 : memref<128xi32, #tpu.memory_space<vmem>>) semaphore(%run_scoped3A_156 : memref<!tpu.dma_semaphore, #tpu.memory_space<semaphore_mem>>) {add = true}
        %dma_wait3A_167 = arith.constant 0 : i32
        %dma_wait3A_168 = arith.constant 0 : i32
        %dma_wait3A_169 = tpu.memref_slice %arg12[%run_scoped3A, %dma_wait3A_167, %dma_wait3A_168] : memref<6x128x64xbf16, #tpu.memory_space<vmem>> -> memref<1x128x64xbf16, #tpu.memory_space<vmem>>
        %dma_wait3A_170 = tpu.memref_squeeze %dma_wait3A_169 : memref<1x128x64xbf16, #tpu.memory_space<vmem>> -> memref<128x64xbf16, #tpu.memory_space<vmem>>
        %dma_wait3A_171 = arith.constant 0 : i32
        %dma_wait3A_172 = tpu.memref_slice %arg11[%run_scoped3A_154, %dma_wait3A_171] : memref<79x128xi32, #tpu.memory_space<vmem>> -> memref<1x128xi32, #tpu.memory_space<vmem>>
        %dma_wait3A_173 = tpu.memref_squeeze %dma_wait3A_172 : memref<1x128xi32, #tpu.memory_space<vmem>> -> memref<128xi32, #tpu.memory_space<vmem>>
        %dma_wait3A_174 = arith.constant 0 : i32
        %dma_wait3A_175 = arith.constant 0 : i32
        %dma_wait3A_176 = tpu.memref_slice %arg14[%dma_wait3A_174, %dma_wait3A_175] : memref<10112x64xbf16, #tpu.memory_space<vmem_shared>> -> memref<10112x64xbf16, #tpu.memory_space<vmem_shared>>
        tpu.wait_indirect_dma semaphore(%run_scoped3A_156 : memref<!tpu.dma_semaphore, #tpu.memory_space<semaphore_mem>>) src(%dma_wait3A_170 : memref<128x64xbf16, #tpu.memory_space<vmem>>) dst(%dma_wait3A_176 : memref<10112x64xbf16, #tpu.memory_space<vmem_shared>>)
        tpu.yield
      }) : () -> ()
      %run_scoped3A_155 = arith.constant 78 : i32
      "tpu.region"() ({
        %run_scoped3A_156 = tpu.sem_alloc : memref<!tpu.dma_semaphore, #tpu.memory_space<semaphore_mem>>
        %dma_start3A_157 = arith.constant 0 : i32
        %dma_start3A_158 = tpu.memref_slice %arg11[%run_scoped3A_155, %dma_start3A_157] : memref<79x128xi32, #tpu.memory_space<vmem>> -> memref<1x128xi32, #tpu.memory_space<vmem>>
        %dma_start3A_159 = tpu.memref_squeeze %dma_start3A_158 : memref<1x128xi32, #tpu.memory_space<vmem>> -> memref<128xi32, #tpu.memory_space<vmem>>
        %dma_start3A_160 = arith.constant 0 : i32
        %dma_start3A_161 = arith.constant 0 : i32
        %dma_start3A_162 = tpu.memref_slice %arg15[%dma_start3A_160, %dma_start3A_161] : memref<10112x8xf32, #tpu.memory_space<vmem_shared>> -> memref<10112x8xf32, #tpu.memory_space<vmem_shared>>
        tpu.enqueue_indirect_dma source(%arg13 : memref<128x8xf32, #tpu.memory_space<vmem>>) target(%dma_start3A_162 : memref<10112x8xf32, #tpu.memory_space<vmem_shared>>) offsets(%dma_start3A_159 : memref<128xi32, #tpu.memory_space<vmem>>) semaphore(%run_scoped3A_156 : memref<!tpu.dma_semaphore, #tpu.memory_space<semaphore_mem>>) {add = true}
        %dma_wait3A_163 = arith.constant 0 : i32
        %dma_wait3A_164 = tpu.memref_slice %arg11[%run_scoped3A_155, %dma_wait3A_163] : memref<79x128xi32, #tpu.memory_space<vmem>> -> memref<1x128xi32, #tpu.memory_space<vmem>>
        %dma_wait3A_165 = tpu.memref_squeeze %dma_wait3A_164 : memref<1x128xi32, #tpu.memory_space<vmem>> -> memref<128xi32, #tpu.memory_space<vmem>>
        %dma_wait3A_166 = arith.constant 0 : i32
        %dma_wait3A_167 = arith.constant 0 : i32
        %dma_wait3A_168 = tpu.memref_slice %arg15[%dma_wait3A_166, %dma_wait3A_167] : memref<10112x8xf32, #tpu.memory_space<vmem_shared>> -> memref<10112x8xf32, #tpu.memory_space<vmem_shared>>
        tpu.wait_indirect_dma semaphore(%run_scoped3A_156 : memref<!tpu.dma_semaphore, #tpu.memory_space<semaphore_mem>>) src(%arg13 : memref<128x8xf32, #tpu.memory_space<vmem>>) dst(%dma_wait3A_168 : memref<10112x8xf32, #tpu.memory_space<vmem_shared>>)
        tpu.yield
      }) : () -> ()
    } else {
    }
    %scan3A_123 = arith.constant 0 : i32
    %scan3A_124 = arith.constant 0 : i32
    %scan3A_125 = arith.constant 78 : i32
    %scan3A_126 = arith.addi %scan3A_124, %scan3A_125 : i32
    %scan3A_127 = arith.constant 1 : i32
    scf.for %scan3A_130 = %scan3A_124 to %scan3A_126 step %scan3A_127  : i32 {
      %dma_wait3A_131 = arith.constant 0 : i32
      %dma_wait3A_132 = arith.constant 0 : i32
      %dma_wait3A_133 = tpu.memref_slice %arg11[%dma_wait3A_131, %dma_wait3A_132] : memref<79x128xi32, #tpu.memory_space<vmem>> -> memref<1x128xi32, #tpu.memory_space<vmem>>
      %dma_wait3A_134 = tpu.memref_squeeze %dma_wait3A_133 : memref<1x128xi32, #tpu.memory_space<vmem>> -> memref<128xi32, #tpu.memory_space<vmem>>
      %dma_wait3A_135 = arith.constant 0 : i32
      %dma_wait3A_136 = arith.constant 0 : i32
      %dma_wait3A_137 = tpu.memref_slice %arg15[%dma_wait3A_135, %dma_wait3A_136] : memref<10112x8xf32, #tpu.memory_space<vmem_shared>> -> memref<10112x8xf32, #tpu.memory_space<vmem_shared>>
      tpu.wait_indirect_dma semaphore(%arg20 : memref<!tpu.dma_semaphore, #tpu.memory_space<semaphore_mem>>) src(%arg13 : memref<128x8xf32, #tpu.memory_space<vmem>>) dst(%dma_wait3A_137 : memref<10112x8xf32, #tpu.memory_space<vmem_shared>>)
    }
    %scan3A_128 = arith.constant 78 : i32
    %barrier3A_129 = arith.constant 0 : index
    tpu.barrier barrier_id(%barrier3A_129)
    "tpu.region"() ({
      %run_scoped3A = tpu.sem_alloc : memref<!tpu.dma_semaphore, #tpu.memory_space<semaphore_mem>>
      %dma_start3A_130 = arith.constant 0 : i32
      %dma_start3A_131 = tpu.memref_slice %arg8[%arg0, %mul3A_2, %dma_start3A_130] : memref<2x10112x64xbf16, #tpu.memory_space<hbm>> -> memref<1x632x64xbf16, #tpu.memory_space<hbm>>
      %dma_start3A_132 = tpu.memref_squeeze %dma_start3A_131 : memref<1x632x64xbf16, #tpu.memory_space<hbm>> -> memref<632x64xbf16, #tpu.memory_space<hbm>>
      %dma_start3A_133 = arith.constant 0 : i32
      %dma_start3A_134 = tpu.memref_slice %arg14[%mul3A_2, %dma_start3A_133] : memref<10112x64xbf16, #tpu.memory_space<vmem_shared>> -> memref<632x64xbf16, #tpu.memory_space<vmem_shared>>
      tpu.enqueue_dma source(%dma_start3A_134 : memref<632x64xbf16, #tpu.memory_space<vmem_shared>>) target(%dma_start3A_132 : memref<632x64xbf16, #tpu.memory_space<hbm>>) target_semaphore(%run_scoped3A : memref<!tpu.dma_semaphore, #tpu.memory_space<semaphore_mem>>)
      %dma_wait3A_135 = arith.constant 0 : i32
      %dma_wait3A_136 = tpu.memref_slice %arg8[%arg0, %mul3A_2, %dma_wait3A_135] : memref<2x10112x64xbf16, #tpu.memory_space<hbm>> -> memref<1x632x64xbf16, #tpu.memory_space<hbm>>
      %dma_wait3A_137 = tpu.memref_squeeze %dma_wait3A_136 : memref<1x632x64xbf16, #tpu.memory_space<hbm>> -> memref<632x64xbf16, #tpu.memory_space<hbm>>
      %dma_wait3A_138 = arith.constant 0 : i32
      %dma_wait3A_139 = tpu.memref_slice %arg14[%mul3A_2, %dma_wait3A_138] : memref<10112x64xbf16, #tpu.memory_space<vmem_shared>> -> memref<632x64xbf16, #tpu.memory_space<vmem_shared>>
      tpu.wait_dma2 semaphore(%run_scoped3A : memref<!tpu.dma_semaphore, #tpu.memory_space<semaphore_mem>>) src(%dma_wait3A_139 : memref<632x64xbf16, #tpu.memory_space<vmem_shared>>) dst(%dma_wait3A_137 : memref<632x64xbf16, #tpu.memory_space<hbm>>)
      tpu.yield
    }) : () -> ()
    "tpu.region"() ({
      %run_scoped3A = tpu.sem_alloc : memref<!tpu.dma_semaphore, #tpu.memory_space<semaphore_mem>>
      %dma_start3A_130 = arith.constant 0 : i32
      %dma_start3A_131 = tpu.memref_slice %arg9[%arg0, %mul3A_2, %dma_start3A_130] : memref<2x10112x8xf32, #tpu.memory_space<hbm>> -> memref<1x632x8xf32, #tpu.memory_space<hbm>>
      %dma_start3A_132 = tpu.memref_squeeze %dma_start3A_131 : memref<1x632x8xf32, #tpu.memory_space<hbm>> -> memref<632x8xf32, #tpu.memory_space<hbm>>
      %dma_start3A_133 = arith.constant 0 : i32
      %dma_start3A_134 = tpu.memref_slice %arg15[%mul3A_2, %dma_start3A_133] : memref<10112x8xf32, #tpu.memory_space<vmem_shared>> -> memref<632x8xf32, #tpu.memory_space<vmem_shared>>
      tpu.enqueue_dma source(%dma_start3A_134 : memref<632x8xf32, #tpu.memory_space<vmem_shared>>) target(%dma_start3A_132 : memref<632x8xf32, #tpu.memory_space<hbm>>) target_semaphore(%run_scoped3A : memref<!tpu.dma_semaphore, #tpu.memory_space<semaphore_mem>>)
      %dma_wait3A_135 = arith.constant 0 : i32
      %dma_wait3A_136 = tpu.memref_slice %arg9[%arg0, %mul3A_2, %dma_wait3A_135] : memref<2x10112x8xf32, #tpu.memory_space<hbm>> -> memref<1x632x8xf32, #tpu.memory_space<hbm>>
      %dma_wait3A_137 = tpu.memref_squeeze %dma_wait3A_136 : memref<1x632x8xf32, #tpu.memory_space<hbm>> -> memref<632x8xf32, #tpu.memory_space<hbm>>
      %dma_wait3A_138 = arith.constant 0 : i32
      %dma_wait3A_139 = tpu.memref_slice %arg15[%mul3A_2, %dma_wait3A_138] : memref<10112x8xf32, #tpu.memory_space<vmem_shared>> -> memref<632x8xf32, #tpu.memory_space<vmem_shared>>
      tpu.wait_dma2 semaphore(%run_scoped3A : memref<!tpu.dma_semaphore, #tpu.memory_space<semaphore_mem>>) src(%dma_wait3A_139 : memref<632x8xf32, #tpu.memory_space<vmem_shared>>) dst(%dma_wait3A_137 : memref<632x8xf32, #tpu.memory_space<hbm>>)
      tpu.yield
    }) : () -> ()
    return
  }
}

#map = affine_map<(d0, d1) -> (0, 0)>
#map1 = affine_map<(d0, d1) -> (0, 0, 0)>
module attributes {stable_mosaic.version = 14 : i64} {
  func.func @_sc2(%arg0: i32, %arg1: i32, %arg2: memref<10112x64xbf16, #tpu.memory_space<hbm>>, %arg3: memref<10112x8xf32, #tpu.memory_space<hbm>>, %arg4: memref<2500x128xi32, #tpu.memory_space<hbm>>, %arg5: memref<2500x128xi32, #tpu.memory_space<hbm>>, %arg6: memref<632x64xbf16, #tpu.memory_space<hbm>>, %arg7: memref<632x8xf32, #tpu.memory_space<hbm>>, %arg8: memref<2x10112x64xbf16, #tpu.memory_space<hbm>>, %arg9: memref<2x10112x8xf32, #tpu.memory_space<hbm>>, %arg10: memref<79x128xi32, #tpu.memory_space<vmem>>, %arg11: memref<79x128xi32, #tpu.memory_space<vmem>>, %arg12: memref<6x128x64xbf16, #tpu.memory_space<vmem>>, %arg13: memref<6x128x8xf32, #tpu.memory_space<vmem>>, %arg14: memref<10112x64xbf16, #tpu.memory_space<vmem_shared>>, %arg15: memref<10112x8xf32, #tpu.memory_space<vmem_shared>>, %arg16: memref<!tpu.dma_semaphore, #tpu.memory_space<semaphore_mem>>, %arg17: memref<!tpu.dma_semaphore, #tpu.memory_space<semaphore_mem>>, %arg18: memref<!tpu.dma_semaphore, #tpu.memory_space<semaphore_mem>>, %arg19: memref<!tpu.dma_semaphore, #tpu.memory_space<semaphore_mem>>, %arg20: memref<!tpu.dma_semaphore, #tpu.memory_space<semaphore_mem>>, %arg21: memref<!tpu.dma_semaphore, #tpu.memory_space<semaphore_mem>>) attributes {dimension_semantics = [#tpu.dimension_semantics<core_parallel>, #tpu.dimension_semantics<subcore_parallel>], iteration_bounds = array<i64: 2, 16>, scalar_prefetch = 0 : i64, scratch_operands = 12 : i64, tpu.core_type = #tpu.core_type<sc_vector_subcore>, window_params = [{transform_indices = #map}, {transform_indices = #map}, {transform_indices = #map}, {transform_indices = #map}, {transform_indices = #map}, {transform_indices = #map}, {transform_indices = #map1}, {transform_indices = #map1}]} {
    %mul3A = arith.constant 2 : i32
    %mul3A_0 = arith.muli %arg1, %mul3A : i32
    %add3A = arith.addi %mul3A_0, %arg0 : i32
    %mul3A_1 = arith.constant 632 : i32
    %mul3A_2 = arith.muli %arg1, %mul3A_1 : i32
    %mul3A_3 = arith.constant 78 : i32
    %mul3A_4 = arith.muli %add3A, %mul3A_3 : i32
    %min3A = arith.constant 4 : i32
    %min3A_5 = arith.minsi %add3A, %min3A : i32
    %add3A_6 = arith.addi %mul3A_4, %min3A_5 : i32
    %lt3A = arith.constant 4 : i32
    %lt3A_7 = arith.cmpi slt, %add3A, %lt3A : i32
    "tpu.region"() ({
      %run_scoped3A = tpu.sem_alloc : memref<!tpu.dma_semaphore, #tpu.memory_space<semaphore_mem>>
      %dma_start3A_232 = arith.constant 0 : i32
      %dma_start3A_233 = tpu.memref_slice %arg14[%mul3A_2, %dma_start3A_232] : memref<10112x64xbf16, #tpu.memory_space<vmem_shared>> -> memref<632x64xbf16, #tpu.memory_space<vmem_shared>>
      tpu.enqueue_dma source(%arg6 : memref<632x64xbf16, #tpu.memory_space<hbm>>) target(%dma_start3A_233 : memref<632x64xbf16, #tpu.memory_space<vmem_shared>>) target_semaphore(%run_scoped3A : memref<!tpu.dma_semaphore, #tpu.memory_space<semaphore_mem>>)
      %dma_wait3A_234 = arith.constant 0 : i32
      %dma_wait3A_235 = tpu.memref_slice %arg14[%mul3A_2, %dma_wait3A_234] : memref<10112x64xbf16, #tpu.memory_space<vmem_shared>> -> memref<632x64xbf16, #tpu.memory_space<vmem_shared>>
      tpu.wait_dma2 semaphore(%run_scoped3A : memref<!tpu.dma_semaphore, #tpu.memory_space<semaphore_mem>>) src(%arg6 : memref<632x64xbf16, #tpu.memory_space<hbm>>) dst(%dma_wait3A_235 : memref<632x64xbf16, #tpu.memory_space<vmem_shared>>)
      tpu.yield
    }) : () -> ()
    "tpu.region"() ({
      %run_scoped3A = tpu.sem_alloc : memref<!tpu.dma_semaphore, #tpu.memory_space<semaphore_mem>>
      %dma_start3A_232 = arith.constant 0 : i32
      %dma_start3A_233 = tpu.memref_slice %arg15[%mul3A_2, %dma_start3A_232] : memref<10112x8xf32, #tpu.memory_space<vmem_shared>> -> memref<632x8xf32, #tpu.memory_space<vmem_shared>>
      tpu.enqueue_dma source(%arg7 : memref<632x8xf32, #tpu.memory_space<hbm>>) target(%dma_start3A_233 : memref<632x8xf32, #tpu.memory_space<vmem_shared>>) target_semaphore(%run_scoped3A : memref<!tpu.dma_semaphore, #tpu.memory_space<semaphore_mem>>)
      %dma_wait3A_234 = arith.constant 0 : i32
      %dma_wait3A_235 = tpu.memref_slice %arg15[%mul3A_2, %dma_wait3A_234] : memref<10112x8xf32, #tpu.memory_space<vmem_shared>> -> memref<632x8xf32, #tpu.memory_space<vmem_shared>>
      tpu.wait_dma2 semaphore(%run_scoped3A : memref<!tpu.dma_semaphore, #tpu.memory_space<semaphore_mem>>) src(%arg7 : memref<632x8xf32, #tpu.memory_space<hbm>>) dst(%dma_wait3A_235 : memref<632x8xf32, #tpu.memory_space<vmem_shared>>)
      tpu.yield
    }) : () -> ()
    "tpu.region"() ({
      %run_scoped3A = tpu.sem_alloc : memref<!tpu.dma_semaphore, #tpu.memory_space<semaphore_mem>>
      %dma_start3A_232 = arith.constant 0 : i32
      %dma_start3A_233 = arith.constant 0 : i32
      %dma_start3A_234 = tpu.memref_slice %arg10[%dma_start3A_232, %dma_start3A_233] : memref<79x128xi32, #tpu.memory_space<vmem>> -> memref<78x128xi32, #tpu.memory_space<vmem>>
      %dma_start3A_235 = arith.constant 0 : i32
      %dma_start3A_236 = tpu.memref_slice %arg4[%add3A_6, %dma_start3A_235] : memref<2500x128xi32, #tpu.memory_space<hbm>> -> memref<78x128xi32, #tpu.memory_space<hbm>>
      %dma_start3A_237 = arith.constant 0 : i32
      %dma_start3A_238 = arith.constant 0 : i32
      %dma_start3A_239 = tpu.memref_slice %arg10[%dma_start3A_237, %dma_start3A_238] : memref<79x128xi32, #tpu.memory_space<vmem>> -> memref<78x128xi32, #tpu.memory_space<vmem>>
      %dma_start3A_240 = arith.constant 0 : i32
      %dma_start3A_241 = tpu.memref_slice %arg4[%add3A_6, %dma_start3A_240] : memref<2500x128xi32, #tpu.memory_space<hbm>> -> memref<78x128xi32, #tpu.memory_space<hbm>>
      tpu.enqueue_dma source(%dma_start3A_241 : memref<78x128xi32, #tpu.memory_space<hbm>>) target(%dma_start3A_239 : memref<78x128xi32, #tpu.memory_space<vmem>>) target_semaphore(%run_scoped3A : memref<!tpu.dma_semaphore, #tpu.memory_space<semaphore_mem>>)
      %dma_wait3A_242 = arith.constant 0 : i32
      %dma_wait3A_243 = arith.constant 0 : i32
      %dma_wait3A_244 = tpu.memref_slice %arg10[%dma_wait3A_242, %dma_wait3A_243] : memref<79x128xi32, #tpu.memory_space<vmem>> -> memref<78x128xi32, #tpu.memory_space<vmem>>
      %dma_wait3A_245 = arith.constant 0 : i32
      %dma_wait3A_246 = tpu.memref_slice %arg4[%add3A_6, %dma_wait3A_245] : memref<2500x128xi32, #tpu.memory_space<hbm>> -> memref<78x128xi32, #tpu.memory_space<hbm>>
      %dma_wait3A_247 = arith.constant 0 : i32
      %dma_wait3A_248 = arith.constant 0 : i32
      %dma_wait3A_249 = tpu.memref_slice %arg10[%dma_wait3A_247, %dma_wait3A_248] : memref<79x128xi32, #tpu.memory_space<vmem>> -> memref<78x128xi32, #tpu.memory_space<vmem>>
      %dma_wait3A_250 = arith.constant 0 : i32
      %dma_wait3A_251 = tpu.memref_slice %arg4[%add3A_6, %dma_wait3A_250] : memref<2500x128xi32, #tpu.memory_space<hbm>> -> memref<78x128xi32, #tpu.memory_space<hbm>>
      tpu.wait_dma2 semaphore(%run_scoped3A : memref<!tpu.dma_semaphore, #tpu.memory_space<semaphore_mem>>) src(%dma_wait3A_251 : memref<78x128xi32, #tpu.memory_space<hbm>>) dst(%dma_wait3A_249 : memref<78x128xi32, #tpu.memory_space<vmem>>)
      tpu.yield
    }) : () -> ()
    "tpu.region"() ({
      %run_scoped3A = tpu.sem_alloc : memref<!tpu.dma_semaphore, #tpu.memory_space<semaphore_mem>>
      %dma_start3A_232 = arith.constant 0 : i32
      %dma_start3A_233 = arith.constant 0 : i32
      %dma_start3A_234 = tpu.memref_slice %arg11[%dma_start3A_232, %dma_start3A_233] : memref<79x128xi32, #tpu.memory_space<vmem>> -> memref<78x128xi32, #tpu.memory_space<vmem>>
      %dma_start3A_235 = arith.constant 0 : i32
      %dma_start3A_236 = tpu.memref_slice %arg5[%add3A_6, %dma_start3A_235] : memref<2500x128xi32, #tpu.memory_space<hbm>> -> memref<78x128xi32, #tpu.memory_space<hbm>>
      %dma_start3A_237 = arith.constant 0 : i32
      %dma_start3A_238 = arith.constant 0 : i32
      %dma_start3A_239 = tpu.memref_slice %arg11[%dma_start3A_237, %dma_start3A_238] : memref<79x128xi32, #tpu.memory_space<vmem>> -> memref<78x128xi32, #tpu.memory_space<vmem>>
      %dma_start3A_240 = arith.constant 0 : i32
      %dma_start3A_241 = tpu.memref_slice %arg5[%add3A_6, %dma_start3A_240] : memref<2500x128xi32, #tpu.memory_space<hbm>> -> memref<78x128xi32, #tpu.memory_space<hbm>>
      tpu.enqueue_dma source(%dma_start3A_241 : memref<78x128xi32, #tpu.memory_space<hbm>>) target(%dma_start3A_239 : memref<78x128xi32, #tpu.memory_space<vmem>>) target_semaphore(%run_scoped3A : memref<!tpu.dma_semaphore, #tpu.memory_space<semaphore_mem>>)
      %dma_wait3A_242 = arith.constant 0 : i32
      %dma_wait3A_243 = arith.constant 0 : i32
      %dma_wait3A_244 = tpu.memref_slice %arg11[%dma_wait3A_242, %dma_wait3A_243] : memref<79x128xi32, #tpu.memory_space<vmem>> -> memref<78x128xi32, #tpu.memory_space<vmem>>
      %dma_wait3A_245 = arith.constant 0 : i32
      %dma_wait3A_246 = tpu.memref_slice %arg5[%add3A_6, %dma_wait3A_245] : memref<2500x128xi32, #tpu.memory_space<hbm>> -> memref<78x128xi32, #tpu.memory_space<hbm>>
      %dma_wait3A_247 = arith.constant 0 : i32
      %dma_wait3A_248 = arith.constant 0 : i32
      %dma_wait3A_249 = tpu.memref_slice %arg11[%dma_wait3A_247, %dma_wait3A_248] : memref<79x128xi32, #tpu.memory_space<vmem>> -> memref<78x128xi32, #tpu.memory_space<vmem>>
      %dma_wait3A_250 = arith.constant 0 : i32
      %dma_wait3A_251 = tpu.memref_slice %arg5[%add3A_6, %dma_wait3A_250] : memref<2500x128xi32, #tpu.memory_space<hbm>> -> memref<78x128xi32, #tpu.memory_space<hbm>>
      tpu.wait_dma2 semaphore(%run_scoped3A : memref<!tpu.dma_semaphore, #tpu.memory_space<semaphore_mem>>) src(%dma_wait3A_251 : memref<78x128xi32, #tpu.memory_space<hbm>>) dst(%dma_wait3A_249 : memref<78x128xi32, #tpu.memory_space<vmem>>)
      tpu.yield
    }) : () -> ()
    %convert_element_type3A = arith.extui %lt3A_7 : i1 to i32
    %cond3A = arith.constant 0 : i32
    %cond3A_8 = arith.cmpi ne, %convert_element_type3A, %cond3A : i32
    scf.if %cond3A_8 {
      %add3A_232 = arith.constant 78 : i32
      %add3A_233 = arith.addi %add3A_6, %add3A_232 : i32
      "tpu.region"() ({
        %run_scoped3A = tpu.sem_alloc : memref<!tpu.dma_semaphore, #tpu.memory_space<semaphore_mem>>
        %dma_start3A_236 = arith.constant 78 : i32
        %dma_start3A_237 = arith.constant 0 : i32
        %dma_start3A_238 = tpu.memref_slice %arg10[%dma_start3A_236, %dma_start3A_237] : memref<79x128xi32, #tpu.memory_space<vmem>> -> memref<1x128xi32, #tpu.memory_space<vmem>>
        %dma_start3A_239 = arith.constant 0 : i32
        %dma_start3A_240 = tpu.memref_slice %arg4[%add3A_233, %dma_start3A_239] : memref<2500x128xi32, #tpu.memory_space<hbm>> -> memref<1x128xi32, #tpu.memory_space<hbm>>
        %dma_start3A_241 = arith.constant 78 : i32
        %dma_start3A_242 = arith.constant 0 : i32
        %dma_start3A_243 = tpu.memref_slice %arg10[%dma_start3A_241, %dma_start3A_242] : memref<79x128xi32, #tpu.memory_space<vmem>> -> memref<1x128xi32, #tpu.memory_space<vmem>>
        %dma_start3A_244 = arith.constant 0 : i32
        %dma_start3A_245 = tpu.memref_slice %arg4[%add3A_233, %dma_start3A_244] : memref<2500x128xi32, #tpu.memory_space<hbm>> -> memref<1x128xi32, #tpu.memory_space<hbm>>
        tpu.enqueue_dma source(%dma_start3A_245 : memref<1x128xi32, #tpu.memory_space<hbm>>) target(%dma_start3A_243 : memref<1x128xi32, #tpu.memory_space<vmem>>) target_semaphore(%run_scoped3A : memref<!tpu.dma_semaphore, #tpu.memory_space<semaphore_mem>>)
        %dma_wait3A_246 = arith.constant 78 : i32
        %dma_wait3A_247 = arith.constant 0 : i32
        %dma_wait3A_248 = tpu.memref_slice %arg10[%dma_wait3A_246, %dma_wait3A_247] : memref<79x128xi32, #tpu.memory_space<vmem>> -> memref<1x128xi32, #tpu.memory_space<vmem>>
        %dma_wait3A_249 = arith.constant 0 : i32
        %dma_wait3A_250 = tpu.memref_slice %arg4[%add3A_233, %dma_wait3A_249] : memref<2500x128xi32, #tpu.memory_space<hbm>> -> memref<1x128xi32, #tpu.memory_space<hbm>>
        %dma_wait3A_251 = arith.constant 78 : i32
        %dma_wait3A_252 = arith.constant 0 : i32
        %dma_wait3A_253 = tpu.memref_slice %arg10[%dma_wait3A_251, %dma_wait3A_252] : memref<79x128xi32, #tpu.memory_space<vmem>> -> memref<1x128xi32, #tpu.memory_space<vmem>>
        %dma_wait3A_254 = arith.constant 0 : i32
        %dma_wait3A_255 = tpu.memref_slice %arg4[%add3A_233, %dma_wait3A_254] : memref<2500x128xi32, #tpu.memory_space<hbm>> -> memref<1x128xi32, #tpu.memory_space<hbm>>
        tpu.wait_dma2 semaphore(%run_scoped3A : memref<!tpu.dma_semaphore, #tpu.memory_space<semaphore_mem>>) src(%dma_wait3A_255 : memref<1x128xi32, #tpu.memory_space<hbm>>) dst(%dma_wait3A_253 : memref<1x128xi32, #tpu.memory_space<vmem>>)
        tpu.yield
      }) : () -> ()
      %add3A_234 = arith.constant 78 : i32
      %add3A_235 = arith.addi %add3A_6, %add3A_234 : i32
      "tpu.region"() ({
        %run_scoped3A = tpu.sem_alloc : memref<!tpu.dma_semaphore, #tpu.memory_space<semaphore_mem>>
        %dma_start3A_236 = arith.constant 78 : i32
        %dma_start3A_237 = arith.constant 0 : i32
        %dma_start3A_238 = tpu.memref_slice %arg11[%dma_start3A_236, %dma_start3A_237] : memref<79x128xi32, #tpu.memory_space<vmem>> -> memref<1x128xi32, #tpu.memory_space<vmem>>
        %dma_start3A_239 = arith.constant 0 : i32
        %dma_start3A_240 = tpu.memref_slice %arg5[%add3A_235, %dma_start3A_239] : memref<2500x128xi32, #tpu.memory_space<hbm>> -> memref<1x128xi32, #tpu.memory_space<hbm>>
        %dma_start3A_241 = arith.constant 78 : i32
        %dma_start3A_242 = arith.constant 0 : i32
        %dma_start3A_243 = tpu.memref_slice %arg11[%dma_start3A_241, %dma_start3A_242] : memref<79x128xi32, #tpu.memory_space<vmem>> -> memref<1x128xi32, #tpu.memory_space<vmem>>
        %dma_start3A_244 = arith.constant 0 : i32
        %dma_start3A_245 = tpu.memref_slice %arg5[%add3A_235, %dma_start3A_244] : memref<2500x128xi32, #tpu.memory_space<hbm>> -> memref<1x128xi32, #tpu.memory_space<hbm>>
        tpu.enqueue_dma source(%dma_start3A_245 : memref<1x128xi32, #tpu.memory_space<hbm>>) target(%dma_start3A_243 : memref<1x128xi32, #tpu.memory_space<vmem>>) target_semaphore(%run_scoped3A : memref<!tpu.dma_semaphore, #tpu.memory_space<semaphore_mem>>)
        %dma_wait3A_246 = arith.constant 78 : i32
        %dma_wait3A_247 = arith.constant 0 : i32
        %dma_wait3A_248 = tpu.memref_slice %arg11[%dma_wait3A_246, %dma_wait3A_247] : memref<79x128xi32, #tpu.memory_space<vmem>> -> memref<1x128xi32, #tpu.memory_space<vmem>>
        %dma_wait3A_249 = arith.constant 0 : i32
        %dma_wait3A_250 = tpu.memref_slice %arg5[%add3A_235, %dma_wait3A_249] : memref<2500x128xi32, #tpu.memory_space<hbm>> -> memref<1x128xi32, #tpu.memory_space<hbm>>
        %dma_wait3A_251 = arith.constant 78 : i32
        %dma_wait3A_252 = arith.constant 0 : i32
        %dma_wait3A_253 = tpu.memref_slice %arg11[%dma_wait3A_251, %dma_wait3A_252] : memref<79x128xi32, #tpu.memory_space<vmem>> -> memref<1x128xi32, #tpu.memory_space<vmem>>
        %dma_wait3A_254 = arith.constant 0 : i32
        %dma_wait3A_255 = tpu.memref_slice %arg5[%add3A_235, %dma_wait3A_254] : memref<2500x128xi32, #tpu.memory_space<hbm>> -> memref<1x128xi32, #tpu.memory_space<hbm>>
        tpu.wait_dma2 semaphore(%run_scoped3A : memref<!tpu.dma_semaphore, #tpu.memory_space<semaphore_mem>>) src(%dma_wait3A_255 : memref<1x128xi32, #tpu.memory_space<hbm>>) dst(%dma_wait3A_253 : memref<1x128xi32, #tpu.memory_space<vmem>>)
        tpu.yield
      }) : () -> ()
    } else {
    }
    %barrier3A = arith.constant 0 : index
    tpu.barrier barrier_id(%barrier3A)
    %dma_start3A = arith.constant 0 : i32
    %dma_start3A_9 = arith.constant 0 : i32
    %dma_start3A_10 = arith.constant 0 : i32
    %dma_start3A_11 = arith.constant 0 : i32
    %dma_start3A_12 = tpu.memref_slice %arg12[%dma_start3A_9, %dma_start3A_10, %dma_start3A_11] : memref<6x128x64xbf16, #tpu.memory_space<vmem>> -> memref<1x128x64xbf16, #tpu.memory_space<vmem>>
    %dma_start3A_13 = tpu.memref_squeeze %dma_start3A_12 : memref<1x128x64xbf16, #tpu.memory_space<vmem>> -> memref<128x64xbf16, #tpu.memory_space<vmem>>
    %dma_start3A_14 = arith.constant 0 : i32
    %dma_start3A_15 = tpu.memref_slice %arg10[%dma_start3A, %dma_start3A_14] : memref<79x128xi32, #tpu.memory_space<vmem>> -> memref<1x128xi32, #tpu.memory_space<vmem>>
    %dma_start3A_16 = tpu.memref_squeeze %dma_start3A_15 : memref<1x128xi32, #tpu.memory_space<vmem>> -> memref<128xi32, #tpu.memory_space<vmem>>
    %dma_start3A_17 = arith.constant 0 : i32
    %dma_start3A_18 = arith.constant 0 : i32
    %dma_start3A_19 = tpu.memref_slice %arg2[%dma_start3A_17, %dma_start3A_18] : memref<10112x64xbf16, #tpu.memory_space<hbm>> -> memref<10112x64xbf16, #tpu.memory_space<hbm>>
    tpu.enqueue_indirect_dma source(%dma_start3A_19 : memref<10112x64xbf16, #tpu.memory_space<hbm>>) target(%dma_start3A_13 : memref<128x64xbf16, #tpu.memory_space<vmem>>) offsets(%dma_start3A_16 : memref<128xi32, #tpu.memory_space<vmem>>) semaphore(%arg16 : memref<!tpu.dma_semaphore, #tpu.memory_space<semaphore_mem>>)
    %dma_start3A_20 = arith.constant 0 : i32
    %dma_start3A_21 = arith.constant 0 : i32
    %dma_start3A_22 = arith.constant 0 : i32
    %dma_start3A_23 = arith.constant 0 : i32
    %dma_start3A_24 = tpu.memref_slice %arg13[%dma_start3A_21, %dma_start3A_22, %dma_start3A_23] : memref<6x128x8xf32, #tpu.memory_space<vmem>> -> memref<1x128x8xf32, #tpu.memory_space<vmem>>
    %dma_start3A_25 = tpu.memref_squeeze %dma_start3A_24 : memref<1x128x8xf32, #tpu.memory_space<vmem>> -> memref<128x8xf32, #tpu.memory_space<vmem>>
    %dma_start3A_26 = arith.constant 0 : i32
    %dma_start3A_27 = tpu.memref_slice %arg11[%dma_start3A_20, %dma_start3A_26] : memref<79x128xi32, #tpu.memory_space<vmem>> -> memref<1x128xi32, #tpu.memory_space<vmem>>
    %dma_start3A_28 = tpu.memref_squeeze %dma_start3A_27 : memref<1x128xi32, #tpu.memory_space<vmem>> -> memref<128xi32, #tpu.memory_space<vmem>>
    %dma_start3A_29 = arith.constant 0 : i32
    %dma_start3A_30 = arith.constant 0 : i32
    %dma_start3A_31 = tpu.memref_slice %arg3[%dma_start3A_29, %dma_start3A_30] : memref<10112x8xf32, #tpu.memory_space<hbm>> -> memref<10112x8xf32, #tpu.memory_space<hbm>>
    tpu.enqueue_indirect_dma source(%dma_start3A_31 : memref<10112x8xf32, #tpu.memory_space<hbm>>) target(%dma_start3A_25 : memref<128x8xf32, #tpu.memory_space<vmem>>) offsets(%dma_start3A_28 : memref<128xi32, #tpu.memory_space<vmem>>) semaphore(%arg16 : memref<!tpu.dma_semaphore, #tpu.memory_space<semaphore_mem>>)
    %dma_start3A_32 = arith.constant 1 : i32
    %dma_start3A_33 = arith.constant 1 : i32
    %dma_start3A_34 = arith.constant 0 : i32
    %dma_start3A_35 = arith.constant 0 : i32
    %dma_start3A_36 = tpu.memref_slice %arg12[%dma_start3A_33, %dma_start3A_34, %dma_start3A_35] : memref<6x128x64xbf16, #tpu.memory_space<vmem>> -> memref<1x128x64xbf16, #tpu.memory_space<vmem>>
    %dma_start3A_37 = tpu.memref_squeeze %dma_start3A_36 : memref<1x128x64xbf16, #tpu.memory_space<vmem>> -> memref<128x64xbf16, #tpu.memory_space<vmem>>
    %dma_start3A_38 = arith.constant 0 : i32
    %dma_start3A_39 = tpu.memref_slice %arg10[%dma_start3A_32, %dma_start3A_38] : memref<79x128xi32, #tpu.memory_space<vmem>> -> memref<1x128xi32, #tpu.memory_space<vmem>>
    %dma_start3A_40 = tpu.memref_squeeze %dma_start3A_39 : memref<1x128xi32, #tpu.memory_space<vmem>> -> memref<128xi32, #tpu.memory_space<vmem>>
    %dma_start3A_41 = arith.constant 0 : i32
    %dma_start3A_42 = arith.constant 0 : i32
    %dma_start3A_43 = tpu.memref_slice %arg2[%dma_start3A_41, %dma_start3A_42] : memref<10112x64xbf16, #tpu.memory_space<hbm>> -> memref<10112x64xbf16, #tpu.memory_space<hbm>>
    tpu.enqueue_indirect_dma source(%dma_start3A_43 : memref<10112x64xbf16, #tpu.memory_space<hbm>>) target(%dma_start3A_37 : memref<128x64xbf16, #tpu.memory_space<vmem>>) offsets(%dma_start3A_40 : memref<128xi32, #tpu.memory_space<vmem>>) semaphore(%arg16 : memref<!tpu.dma_semaphore, #tpu.memory_space<semaphore_mem>>)
    %dma_start3A_44 = arith.constant 1 : i32
    %dma_start3A_45 = arith.constant 1 : i32
    %dma_start3A_46 = arith.constant 0 : i32
    %dma_start3A_47 = arith.constant 0 : i32
    %dma_start3A_48 = tpu.memref_slice %arg13[%dma_start3A_45, %dma_start3A_46, %dma_start3A_47] : memref<6x128x8xf32, #tpu.memory_space<vmem>> -> memref<1x128x8xf32, #tpu.memory_space<vmem>>
    %dma_start3A_49 = tpu.memref_squeeze %dma_start3A_48 : memref<1x128x8xf32, #tpu.memory_space<vmem>> -> memref<128x8xf32, #tpu.memory_space<vmem>>
    %dma_start3A_50 = arith.constant 0 : i32
    %dma_start3A_51 = tpu.memref_slice %arg11[%dma_start3A_44, %dma_start3A_50] : memref<79x128xi32, #tpu.memory_space<vmem>> -> memref<1x128xi32, #tpu.memory_space<vmem>>
    %dma_start3A_52 = tpu.memref_squeeze %dma_start3A_51 : memref<1x128xi32, #tpu.memory_space<vmem>> -> memref<128xi32, #tpu.memory_space<vmem>>
    %dma_start3A_53 = arith.constant 0 : i32
    %dma_start3A_54 = arith.constant 0 : i32
    %dma_start3A_55 = tpu.memref_slice %arg3[%dma_start3A_53, %dma_start3A_54] : memref<10112x8xf32, #tpu.memory_space<hbm>> -> memref<10112x8xf32, #tpu.memory_space<hbm>>
    tpu.enqueue_indirect_dma source(%dma_start3A_55 : memref<10112x8xf32, #tpu.memory_space<hbm>>) target(%dma_start3A_49 : memref<128x8xf32, #tpu.memory_space<vmem>>) offsets(%dma_start3A_52 : memref<128xi32, #tpu.memory_space<vmem>>) semaphore(%arg16 : memref<!tpu.dma_semaphore, #tpu.memory_space<semaphore_mem>>)
    %dma_start3A_56 = arith.constant 2 : i32
    %dma_start3A_57 = arith.constant 2 : i32
    %dma_start3A_58 = arith.constant 0 : i32
    %dma_start3A_59 = arith.constant 0 : i32
    %dma_start3A_60 = tpu.memref_slice %arg12[%dma_start3A_57, %dma_start3A_58, %dma_start3A_59] : memref<6x128x64xbf16, #tpu.memory_space<vmem>> -> memref<1x128x64xbf16, #tpu.memory_space<vmem>>
    %dma_start3A_61 = tpu.memref_squeeze %dma_start3A_60 : memref<1x128x64xbf16, #tpu.memory_space<vmem>> -> memref<128x64xbf16, #tpu.memory_space<vmem>>
    %dma_start3A_62 = arith.constant 0 : i32
    %dma_start3A_63 = tpu.memref_slice %arg10[%dma_start3A_56, %dma_start3A_62] : memref<79x128xi32, #tpu.memory_space<vmem>> -> memref<1x128xi32, #tpu.memory_space<vmem>>
    %dma_start3A_64 = tpu.memref_squeeze %dma_start3A_63 : memref<1x128xi32, #tpu.memory_space<vmem>> -> memref<128xi32, #tpu.memory_space<vmem>>
    %dma_start3A_65 = arith.constant 0 : i32
    %dma_start3A_66 = arith.constant 0 : i32
    %dma_start3A_67 = tpu.memref_slice %arg2[%dma_start3A_65, %dma_start3A_66] : memref<10112x64xbf16, #tpu.memory_space<hbm>> -> memref<10112x64xbf16, #tpu.memory_space<hbm>>
    tpu.enqueue_indirect_dma source(%dma_start3A_67 : memref<10112x64xbf16, #tpu.memory_space<hbm>>) target(%dma_start3A_61 : memref<128x64xbf16, #tpu.memory_space<vmem>>) offsets(%dma_start3A_64 : memref<128xi32, #tpu.memory_space<vmem>>) semaphore(%arg16 : memref<!tpu.dma_semaphore, #tpu.memory_space<semaphore_mem>>)
    %dma_start3A_68 = arith.constant 2 : i32
    %dma_start3A_69 = arith.constant 2 : i32
    %dma_start3A_70 = arith.constant 0 : i32
    %dma_start3A_71 = arith.constant 0 : i32
    %dma_start3A_72 = tpu.memref_slice %arg13[%dma_start3A_69, %dma_start3A_70, %dma_start3A_71] : memref<6x128x8xf32, #tpu.memory_space<vmem>> -> memref<1x128x8xf32, #tpu.memory_space<vmem>>
    %dma_start3A_73 = tpu.memref_squeeze %dma_start3A_72 : memref<1x128x8xf32, #tpu.memory_space<vmem>> -> memref<128x8xf32, #tpu.memory_space<vmem>>
    %dma_start3A_74 = arith.constant 0 : i32
    %dma_start3A_75 = tpu.memref_slice %arg11[%dma_start3A_68, %dma_start3A_74] : memref<79x128xi32, #tpu.memory_space<vmem>> -> memref<1x128xi32, #tpu.memory_space<vmem>>
    %dma_start3A_76 = tpu.memref_squeeze %dma_start3A_75 : memref<1x128xi32, #tpu.memory_space<vmem>> -> memref<128xi32, #tpu.memory_space<vmem>>
    %dma_start3A_77 = arith.constant 0 : i32
    %dma_start3A_78 = arith.constant 0 : i32
    %dma_start3A_79 = tpu.memref_slice %arg3[%dma_start3A_77, %dma_start3A_78] : memref<10112x8xf32, #tpu.memory_space<hbm>> -> memref<10112x8xf32, #tpu.memory_space<hbm>>
    tpu.enqueue_indirect_dma source(%dma_start3A_79 : memref<10112x8xf32, #tpu.memory_space<hbm>>) target(%dma_start3A_73 : memref<128x8xf32, #tpu.memory_space<vmem>>) offsets(%dma_start3A_76 : memref<128xi32, #tpu.memory_space<vmem>>) semaphore(%arg16 : memref<!tpu.dma_semaphore, #tpu.memory_space<semaphore_mem>>)
    %scan3A = arith.constant 0 : i32
    %scan3A_80 = arith.constant 0 : i32
    %scan3A_81 = arith.constant 26 : i32
    %scan3A_82 = arith.addi %scan3A_80, %scan3A_81 : i32
    %scan3A_83 = arith.constant 1 : i32
    scf.for %scan3A_232 = %scan3A_80 to %scan3A_82 step %scan3A_83  : i32 {
      %jit3A = arith.constant 2 : i32
      %eq3A = arith.constant 0 : i32
      %eq3A_233 = arith.cmpi eq, %jit3A, %eq3A : i32
      %jit3A_234 = arith.constant 1 : i32
      %select_n3A = arith.select %eq3A_233, %jit3A_234, %jit3A : i32
      %rem3A = arith.remsi %scan3A_232, %select_n3A : i32
      %ne3A = arith.constant 0 : i32
      %ne3A_235 = arith.cmpi ne, %rem3A, %ne3A : i32
      %lt3A_236 = arith.constant 0 : i32
      %lt3A_237 = arith.cmpi slt, %rem3A, %lt3A_236 : i32
      %lt3A_238 = arith.constant 0 : i32
      %lt3A_239 = arith.cmpi slt, %select_n3A, %lt3A_238 : i32
      %ne3A_240 = arith.xori %lt3A_237, %lt3A_239 : i1
      %and3A = arith.andi %ne3A_240, %ne3A_235 : i1
      %add3A_241 = arith.addi %rem3A, %select_n3A : i32
      %select_n3A_242 = arith.select %and3A, %add3A_241, %rem3A : i32
      %eq3A_243 = arith.constant 0 : i32
      %eq3A_244 = arith.cmpi eq, %select_n3A_242, %eq3A_243 : i32
      %convert_element_type3A_245 = arith.extui %eq3A_244 : i1 to i32
      %cond3A_246 = arith.constant 0 : i32
      %cond3A_247 = arith.cmpi ne, %convert_element_type3A_245, %cond3A_246 : i32
      scf.if %cond3A_247 {
        %add3A_269 = arith.constant 1 : i32
        %add3A_270 = arith.addi %scan3A_232, %add3A_269 : i32
        %lt3A_271 = arith.constant 26 : i32
        %lt3A_272 = arith.cmpi slt, %add3A_270, %lt3A_271 : i32
        %convert_element_type3A_273 = arith.extui %lt3A_272 : i1 to i32
        %cond3A_274 = arith.constant 0 : i32
        %cond3A_275 = arith.cmpi ne, %convert_element_type3A_273, %cond3A_274 : i32
        scf.if %cond3A_275 {
          %ge3A = arith.constant 1 : i32
          %ge3A_432 = arith.cmpi sge, %scan3A_232, %ge3A : i32
          %convert_element_type3A_433 = arith.extui %ge3A_432 : i1 to i32
          %cond3A_434 = arith.constant 0 : i32
          %cond3A_435 = arith.cmpi ne, %convert_element_type3A_433, %cond3A_434 : i32
          scf.if %cond3A_435 {
            %dma_wait3A_520 = arith.constant 3 : i32
            %dma_wait3A_521 = arith.constant 0 : i32
            %dma_wait3A_522 = arith.constant 0 : i32
            %dma_wait3A_523 = arith.constant 0 : i32
            %dma_wait3A_524 = tpu.memref_slice %arg12[%dma_wait3A_520, %dma_wait3A_522, %dma_wait3A_523] : memref<6x128x64xbf16, #tpu.memory_space<vmem>> -> memref<1x128x64xbf16, #tpu.memory_space<vmem>>
            %dma_wait3A_525 = tpu.memref_squeeze %dma_wait3A_524 : memref<1x128x64xbf16, #tpu.memory_space<vmem>> -> memref<128x64xbf16, #tpu.memory_space<vmem>>
            %dma_wait3A_526 = arith.constant 0 : i32
            %dma_wait3A_527 = tpu.memref_slice %arg11[%dma_wait3A_521, %dma_wait3A_526] : memref<79x128xi32, #tpu.memory_space<vmem>> -> memref<1x128xi32, #tpu.memory_space<vmem>>
            %dma_wait3A_528 = tpu.memref_squeeze %dma_wait3A_527 : memref<1x128xi32, #tpu.memory_space<vmem>> -> memref<128xi32, #tpu.memory_space<vmem>>
            %dma_wait3A_529 = arith.constant 0 : i32
            %dma_wait3A_530 = arith.constant 0 : i32
            %dma_wait3A_531 = tpu.memref_slice %arg14[%dma_wait3A_529, %dma_wait3A_530] : memref<10112x64xbf16, #tpu.memory_space<vmem_shared>> -> memref<10112x64xbf16, #tpu.memory_space<vmem_shared>>
            tpu.wait_indirect_dma semaphore(%arg19 : memref<!tpu.dma_semaphore, #tpu.memory_space<semaphore_mem>>) src(%dma_wait3A_525 : memref<128x64xbf16, #tpu.memory_space<vmem>>) dst(%dma_wait3A_531 : memref<10112x64xbf16, #tpu.memory_space<vmem_shared>>)
            %dma_wait3A_532 = arith.constant 3 : i32
            %dma_wait3A_533 = arith.constant 0 : i32
            %dma_wait3A_534 = arith.constant 0 : i32
            %dma_wait3A_535 = arith.constant 0 : i32
            %dma_wait3A_536 = tpu.memref_slice %arg13[%dma_wait3A_532, %dma_wait3A_534, %dma_wait3A_535] : memref<6x128x8xf32, #tpu.memory_space<vmem>> -> memref<1x128x8xf32, #tpu.memory_space<vmem>>
            %dma_wait3A_537 = tpu.memref_squeeze %dma_wait3A_536 : memref<1x128x8xf32, #tpu.memory_space<vmem>> -> memref<128x8xf32, #tpu.memory_space<vmem>>
            %dma_wait3A_538 = arith.constant 0 : i32
            %dma_wait3A_539 = tpu.memref_slice %arg10[%dma_wait3A_533, %dma_wait3A_538] : memref<79x128xi32, #tpu.memory_space<vmem>> -> memref<1x128xi32, #tpu.memory_space<vmem>>
            %dma_wait3A_540 = tpu.memref_squeeze %dma_wait3A_539 : memref<1x128xi32, #tpu.memory_space<vmem>> -> memref<128xi32, #tpu.memory_space<vmem>>
            %dma_wait3A_541 = arith.constant 0 : i32
            %dma_wait3A_542 = arith.constant 0 : i32
            %dma_wait3A_543 = tpu.memref_slice %arg15[%dma_wait3A_541, %dma_wait3A_542] : memref<10112x8xf32, #tpu.memory_space<vmem_shared>> -> memref<10112x8xf32, #tpu.memory_space<vmem_shared>>
            tpu.wait_indirect_dma semaphore(%arg21 : memref<!tpu.dma_semaphore, #tpu.memory_space<semaphore_mem>>) src(%dma_wait3A_537 : memref<128x8xf32, #tpu.memory_space<vmem>>) dst(%dma_wait3A_543 : memref<10112x8xf32, #tpu.memory_space<vmem_shared>>)
            %dma_wait3A_544 = arith.constant 4 : i32
            %dma_wait3A_545 = arith.constant 0 : i32
            %dma_wait3A_546 = arith.constant 0 : i32
            %dma_wait3A_547 = arith.constant 0 : i32
            %dma_wait3A_548 = tpu.memref_slice %arg12[%dma_wait3A_544, %dma_wait3A_546, %dma_wait3A_547] : memref<6x128x64xbf16, #tpu.memory_space<vmem>> -> memref<1x128x64xbf16, #tpu.memory_space<vmem>>
            %dma_wait3A_549 = tpu.memref_squeeze %dma_wait3A_548 : memref<1x128x64xbf16, #tpu.memory_space<vmem>> -> memref<128x64xbf16, #tpu.memory_space<vmem>>
            %dma_wait3A_550 = arith.constant 0 : i32
            %dma_wait3A_551 = tpu.memref_slice %arg11[%dma_wait3A_545, %dma_wait3A_550] : memref<79x128xi32, #tpu.memory_space<vmem>> -> memref<1x128xi32, #tpu.memory_space<vmem>>
            %dma_wait3A_552 = tpu.memref_squeeze %dma_wait3A_551 : memref<1x128xi32, #tpu.memory_space<vmem>> -> memref<128xi32, #tpu.memory_space<vmem>>
            %dma_wait3A_553 = arith.constant 0 : i32
            %dma_wait3A_554 = arith.constant 0 : i32
            %dma_wait3A_555 = tpu.memref_slice %arg14[%dma_wait3A_553, %dma_wait3A_554] : memref<10112x64xbf16, #tpu.memory_space<vmem_shared>> -> memref<10112x64xbf16, #tpu.memory_space<vmem_shared>>
            tpu.wait_indirect_dma semaphore(%arg19 : memref<!tpu.dma_semaphore, #tpu.memory_space<semaphore_mem>>) src(%dma_wait3A_549 : memref<128x64xbf16, #tpu.memory_space<vmem>>) dst(%dma_wait3A_555 : memref<10112x64xbf16, #tpu.memory_space<vmem_shared>>)
            %dma_wait3A_556 = arith.constant 4 : i32
            %dma_wait3A_557 = arith.constant 0 : i32
            %dma_wait3A_558 = arith.constant 0 : i32
            %dma_wait3A_559 = arith.constant 0 : i32
            %dma_wait3A_560 = tpu.memref_slice %arg13[%dma_wait3A_556, %dma_wait3A_558, %dma_wait3A_559] : memref<6x128x8xf32, #tpu.memory_space<vmem>> -> memref<1x128x8xf32, #tpu.memory_space<vmem>>
            %dma_wait3A_561 = tpu.memref_squeeze %dma_wait3A_560 : memref<1x128x8xf32, #tpu.memory_space<vmem>> -> memref<128x8xf32, #tpu.memory_space<vmem>>
            %dma_wait3A_562 = arith.constant 0 : i32
            %dma_wait3A_563 = tpu.memref_slice %arg10[%dma_wait3A_557, %dma_wait3A_562] : memref<79x128xi32, #tpu.memory_space<vmem>> -> memref<1x128xi32, #tpu.memory_space<vmem>>
            %dma_wait3A_564 = tpu.memref_squeeze %dma_wait3A_563 : memref<1x128xi32, #tpu.memory_space<vmem>> -> memref<128xi32, #tpu.memory_space<vmem>>
            %dma_wait3A_565 = arith.constant 0 : i32
            %dma_wait3A_566 = arith.constant 0 : i32
            %dma_wait3A_567 = tpu.memref_slice %arg15[%dma_wait3A_565, %dma_wait3A_566] : memref<10112x8xf32, #tpu.memory_space<vmem_shared>> -> memref<10112x8xf32, #tpu.memory_space<vmem_shared>>
            tpu.wait_indirect_dma semaphore(%arg21 : memref<!tpu.dma_semaphore, #tpu.memory_space<semaphore_mem>>) src(%dma_wait3A_561 : memref<128x8xf32, #tpu.memory_space<vmem>>) dst(%dma_wait3A_567 : memref<10112x8xf32, #tpu.memory_space<vmem_shared>>)
            %dma_wait3A_568 = arith.constant 5 : i32
            %dma_wait3A_569 = arith.constant 0 : i32
            %dma_wait3A_570 = arith.constant 0 : i32
            %dma_wait3A_571 = arith.constant 0 : i32
            %dma_wait3A_572 = tpu.memref_slice %arg12[%dma_wait3A_568, %dma_wait3A_570, %dma_wait3A_571] : memref<6x128x64xbf16, #tpu.memory_space<vmem>> -> memref<1x128x64xbf16, #tpu.memory_space<vmem>>
            %dma_wait3A_573 = tpu.memref_squeeze %dma_wait3A_572 : memref<1x128x64xbf16, #tpu.memory_space<vmem>> -> memref<128x64xbf16, #tpu.memory_space<vmem>>
            %dma_wait3A_574 = arith.constant 0 : i32
            %dma_wait3A_575 = tpu.memref_slice %arg11[%dma_wait3A_569, %dma_wait3A_574] : memref<79x128xi32, #tpu.memory_space<vmem>> -> memref<1x128xi32, #tpu.memory_space<vmem>>
            %dma_wait3A_576 = tpu.memref_squeeze %dma_wait3A_575 : memref<1x128xi32, #tpu.memory_space<vmem>> -> memref<128xi32, #tpu.memory_space<vmem>>
            %dma_wait3A_577 = arith.constant 0 : i32
            %dma_wait3A_578 = arith.constant 0 : i32
            %dma_wait3A_579 = tpu.memref_slice %arg14[%dma_wait3A_577, %dma_wait3A_578] : memref<10112x64xbf16, #tpu.memory_space<vmem_shared>> -> memref<10112x64xbf16, #tpu.memory_space<vmem_shared>>
            tpu.wait_indirect_dma semaphore(%arg19 : memref<!tpu.dma_semaphore, #tpu.memory_space<semaphore_mem>>) src(%dma_wait3A_573 : memref<128x64xbf16, #tpu.memory_space<vmem>>) dst(%dma_wait3A_579 : memref<10112x64xbf16, #tpu.memory_space<vmem_shared>>)
            %dma_wait3A_580 = arith.constant 5 : i32
            %dma_wait3A_581 = arith.constant 0 : i32
            %dma_wait3A_582 = arith.constant 0 : i32
            %dma_wait3A_583 = arith.constant 0 : i32
            %dma_wait3A_584 = tpu.memref_slice %arg13[%dma_wait3A_580, %dma_wait3A_582, %dma_wait3A_583] : memref<6x128x8xf32, #tpu.memory_space<vmem>> -> memref<1x128x8xf32, #tpu.memory_space<vmem>>
            %dma_wait3A_585 = tpu.memref_squeeze %dma_wait3A_584 : memref<1x128x8xf32, #tpu.memory_space<vmem>> -> memref<128x8xf32, #tpu.memory_space<vmem>>
            %dma_wait3A_586 = arith.constant 0 : i32
            %dma_wait3A_587 = tpu.memref_slice %arg10[%dma_wait3A_581, %dma_wait3A_586] : memref<79x128xi32, #tpu.memory_space<vmem>> -> memref<1x128xi32, #tpu.memory_space<vmem>>
            %dma_wait3A_588 = tpu.memref_squeeze %dma_wait3A_587 : memref<1x128xi32, #tpu.memory_space<vmem>> -> memref<128xi32, #tpu.memory_space<vmem>>
            %dma_wait3A_589 = arith.constant 0 : i32
            %dma_wait3A_590 = arith.constant 0 : i32
            %dma_wait3A_591 = tpu.memref_slice %arg15[%dma_wait3A_589, %dma_wait3A_590] : memref<10112x8xf32, #tpu.memory_space<vmem_shared>> -> memref<10112x8xf32, #tpu.memory_space<vmem_shared>>
            tpu.wait_indirect_dma semaphore(%arg21 : memref<!tpu.dma_semaphore, #tpu.memory_space<semaphore_mem>>) src(%dma_wait3A_585 : memref<128x8xf32, #tpu.memory_space<vmem>>) dst(%dma_wait3A_591 : memref<10112x8xf32, #tpu.memory_space<vmem_shared>>)
          } else {
          }
          %add3A_436 = arith.constant 1 : i32
          %add3A_437 = arith.addi %scan3A_232, %add3A_436 : i32
          %mul3A_438 = arith.constant 3 : i32
          %mul3A_439 = arith.muli %add3A_437, %mul3A_438 : i32
          %add3A_440 = arith.constant 0 : i32
          %add3A_441 = arith.addi %mul3A_439, %add3A_440 : i32
          %dma_start3A_442 = arith.constant 3 : i32
          %dma_start3A_443 = arith.constant 0 : i32
          %dma_start3A_444 = arith.constant 0 : i32
          %dma_start3A_445 = tpu.memref_slice %arg12[%dma_start3A_442, %dma_start3A_443, %dma_start3A_444] : memref<6x128x64xbf16, #tpu.memory_space<vmem>> -> memref<1x128x64xbf16, #tpu.memory_space<vmem>>
          %dma_start3A_446 = tpu.memref_squeeze %dma_start3A_445 : memref<1x128x64xbf16, #tpu.memory_space<vmem>> -> memref<128x64xbf16, #tpu.memory_space<vmem>>
          %dma_start3A_447 = arith.constant 0 : i32
          %dma_start3A_448 = tpu.memref_slice %arg10[%add3A_441, %dma_start3A_447] : memref<79x128xi32, #tpu.memory_space<vmem>> -> memref<1x128xi32, #tpu.memory_space<vmem>>
          %dma_start3A_449 = tpu.memref_squeeze %dma_start3A_448 : memref<1x128xi32, #tpu.memory_space<vmem>> -> memref<128xi32, #tpu.memory_space<vmem>>
          %dma_start3A_450 = arith.constant 0 : i32
          %dma_start3A_451 = arith.constant 0 : i32
          %dma_start3A_452 = tpu.memref_slice %arg2[%dma_start3A_450, %dma_start3A_451] : memref<10112x64xbf16, #tpu.memory_space<hbm>> -> memref<10112x64xbf16, #tpu.memory_space<hbm>>
          tpu.enqueue_indirect_dma source(%dma_start3A_452 : memref<10112x64xbf16, #tpu.memory_space<hbm>>) target(%dma_start3A_446 : memref<128x64xbf16, #tpu.memory_space<vmem>>) offsets(%dma_start3A_449 : memref<128xi32, #tpu.memory_space<vmem>>) semaphore(%arg17 : memref<!tpu.dma_semaphore, #tpu.memory_space<semaphore_mem>>)
          %dma_start3A_453 = arith.constant 3 : i32
          %dma_start3A_454 = arith.constant 0 : i32
          %dma_start3A_455 = arith.constant 0 : i32
          %dma_start3A_456 = tpu.memref_slice %arg13[%dma_start3A_453, %dma_start3A_454, %dma_start3A_455] : memref<6x128x8xf32, #tpu.memory_space<vmem>> -> memref<1x128x8xf32, #tpu.memory_space<vmem>>
          %dma_start3A_457 = tpu.memref_squeeze %dma_start3A_456 : memref<1x128x8xf32, #tpu.memory_space<vmem>> -> memref<128x8xf32, #tpu.memory_space<vmem>>
          %dma_start3A_458 = arith.constant 0 : i32
          %dma_start3A_459 = tpu.memref_slice %arg11[%add3A_441, %dma_start3A_458] : memref<79x128xi32, #tpu.memory_space<vmem>> -> memref<1x128xi32, #tpu.memory_space<vmem>>
          %dma_start3A_460 = tpu.memref_squeeze %dma_start3A_459 : memref<1x128xi32, #tpu.memory_space<vmem>> -> memref<128xi32, #tpu.memory_space<vmem>>
          %dma_start3A_461 = arith.constant 0 : i32
          %dma_start3A_462 = arith.constant 0 : i32
          %dma_start3A_463 = tpu.memref_slice %arg3[%dma_start3A_461, %dma_start3A_462] : memref<10112x8xf32, #tpu.memory_space<hbm>> -> memref<10112x8xf32, #tpu.memory_space<hbm>>
          tpu.enqueue_indirect_dma source(%dma_start3A_463 : memref<10112x8xf32, #tpu.memory_space<hbm>>) target(%dma_start3A_457 : memref<128x8xf32, #tpu.memory_space<vmem>>) offsets(%dma_start3A_460 : memref<128xi32, #tpu.memory_space<vmem>>) semaphore(%arg17 : memref<!tpu.dma_semaphore, #tpu.memory_space<semaphore_mem>>)
          %add3A_464 = arith.constant 1 : i32
          %add3A_465 = arith.addi %scan3A_232, %add3A_464 : i32
          %mul3A_466 = arith.constant 3 : i32
          %mul3A_467 = arith.muli %add3A_465, %mul3A_466 : i32
          %add3A_468 = arith.constant 1 : i32
          %add3A_469 = arith.addi %mul3A_467, %add3A_468 : i32
          %dma_start3A_470 = arith.constant 4 : i32
          %dma_start3A_471 = arith.constant 0 : i32
          %dma_start3A_472 = arith.constant 0 : i32
          %dma_start3A_473 = tpu.memref_slice %arg12[%dma_start3A_470, %dma_start3A_471, %dma_start3A_472] : memref<6x128x64xbf16, #tpu.memory_space<vmem>> -> memref<1x128x64xbf16, #tpu.memory_space<vmem>>
          %dma_start3A_474 = tpu.memref_squeeze %dma_start3A_473 : memref<1x128x64xbf16, #tpu.memory_space<vmem>> -> memref<128x64xbf16, #tpu.memory_space<vmem>>
          %dma_start3A_475 = arith.constant 0 : i32
          %dma_start3A_476 = tpu.memref_slice %arg10[%add3A_469, %dma_start3A_475] : memref<79x128xi32, #tpu.memory_space<vmem>> -> memref<1x128xi32, #tpu.memory_space<vmem>>
          %dma_start3A_477 = tpu.memref_squeeze %dma_start3A_476 : memref<1x128xi32, #tpu.memory_space<vmem>> -> memref<128xi32, #tpu.memory_space<vmem>>
          %dma_start3A_478 = arith.constant 0 : i32
          %dma_start3A_479 = arith.constant 0 : i32
          %dma_start3A_480 = tpu.memref_slice %arg2[%dma_start3A_478, %dma_start3A_479] : memref<10112x64xbf16, #tpu.memory_space<hbm>> -> memref<10112x64xbf16, #tpu.memory_space<hbm>>
          tpu.enqueue_indirect_dma source(%dma_start3A_480 : memref<10112x64xbf16, #tpu.memory_space<hbm>>) target(%dma_start3A_474 : memref<128x64xbf16, #tpu.memory_space<vmem>>) offsets(%dma_start3A_477 : memref<128xi32, #tpu.memory_space<vmem>>) semaphore(%arg17 : memref<!tpu.dma_semaphore, #tpu.memory_space<semaphore_mem>>)
          %dma_start3A_481 = arith.constant 4 : i32
          %dma_start3A_482 = arith.constant 0 : i32
          %dma_start3A_483 = arith.constant 0 : i32
          %dma_start3A_484 = tpu.memref_slice %arg13[%dma_start3A_481, %dma_start3A_482, %dma_start3A_483] : memref<6x128x8xf32, #tpu.memory_space<vmem>> -> memref<1x128x8xf32, #tpu.memory_space<vmem>>
          %dma_start3A_485 = tpu.memref_squeeze %dma_start3A_484 : memref<1x128x8xf32, #tpu.memory_space<vmem>> -> memref<128x8xf32, #tpu.memory_space<vmem>>
          %dma_start3A_486 = arith.constant 0 : i32
          %dma_start3A_487 = tpu.memref_slice %arg11[%add3A_469, %dma_start3A_486] : memref<79x128xi32, #tpu.memory_space<vmem>> -> memref<1x128xi32, #tpu.memory_space<vmem>>
          %dma_start3A_488 = tpu.memref_squeeze %dma_start3A_487 : memref<1x128xi32, #tpu.memory_space<vmem>> -> memref<128xi32, #tpu.memory_space<vmem>>
          %dma_start3A_489 = arith.constant 0 : i32
          %dma_start3A_490 = arith.constant 0 : i32
          %dma_start3A_491 = tpu.memref_slice %arg3[%dma_start3A_489, %dma_start3A_490] : memref<10112x8xf32, #tpu.memory_space<hbm>> -> memref<10112x8xf32, #tpu.memory_space<hbm>>
          tpu.enqueue_indirect_dma source(%dma_start3A_491 : memref<10112x8xf32, #tpu.memory_space<hbm>>) target(%dma_start3A_485 : memref<128x8xf32, #tpu.memory_space<vmem>>) offsets(%dma_start3A_488 : memref<128xi32, #tpu.memory_space<vmem>>) semaphore(%arg17 : memref<!tpu.dma_semaphore, #tpu.memory_space<semaphore_mem>>)
          %add3A_492 = arith.constant 1 : i32
          %add3A_493 = arith.addi %scan3A_232, %add3A_492 : i32
          %mul3A_494 = arith.constant 3 : i32
          %mul3A_495 = arith.muli %add3A_493, %mul3A_494 : i32
          %add3A_496 = arith.constant 2 : i32
          %add3A_497 = arith.addi %mul3A_495, %add3A_496 : i32
          %dma_start3A_498 = arith.constant 5 : i32
          %dma_start3A_499 = arith.constant 0 : i32
          %dma_start3A_500 = arith.constant 0 : i32
          %dma_start3A_501 = tpu.memref_slice %arg12[%dma_start3A_498, %dma_start3A_499, %dma_start3A_500] : memref<6x128x64xbf16, #tpu.memory_space<vmem>> -> memref<1x128x64xbf16, #tpu.memory_space<vmem>>
          %dma_start3A_502 = tpu.memref_squeeze %dma_start3A_501 : memref<1x128x64xbf16, #tpu.memory_space<vmem>> -> memref<128x64xbf16, #tpu.memory_space<vmem>>
          %dma_start3A_503 = arith.constant 0 : i32
          %dma_start3A_504 = tpu.memref_slice %arg10[%add3A_497, %dma_start3A_503] : memref<79x128xi32, #tpu.memory_space<vmem>> -> memref<1x128xi32, #tpu.memory_space<vmem>>
          %dma_start3A_505 = tpu.memref_squeeze %dma_start3A_504 : memref<1x128xi32, #tpu.memory_space<vmem>> -> memref<128xi32, #tpu.memory_space<vmem>>
          %dma_start3A_506 = arith.constant 0 : i32
          %dma_start3A_507 = arith.constant 0 : i32
          %dma_start3A_508 = tpu.memref_slice %arg2[%dma_start3A_506, %dma_start3A_507] : memref<10112x64xbf16, #tpu.memory_space<hbm>> -> memref<10112x64xbf16, #tpu.memory_space<hbm>>
          tpu.enqueue_indirect_dma source(%dma_start3A_508 : memref<10112x64xbf16, #tpu.memory_space<hbm>>) target(%dma_start3A_502 : memref<128x64xbf16, #tpu.memory_space<vmem>>) offsets(%dma_start3A_505 : memref<128xi32, #tpu.memory_space<vmem>>) semaphore(%arg17 : memref<!tpu.dma_semaphore, #tpu.memory_space<semaphore_mem>>)
          %dma_start3A_509 = arith.constant 5 : i32
          %dma_start3A_510 = arith.constant 0 : i32
          %dma_start3A_511 = arith.constant 0 : i32
          %dma_start3A_512 = tpu.memref_slice %arg13[%dma_start3A_509, %dma_start3A_510, %dma_start3A_511] : memref<6x128x8xf32, #tpu.memory_space<vmem>> -> memref<1x128x8xf32, #tpu.memory_space<vmem>>
          %dma_start3A_513 = tpu.memref_squeeze %dma_start3A_512 : memref<1x128x8xf32, #tpu.memory_space<vmem>> -> memref<128x8xf32, #tpu.memory_space<vmem>>
          %dma_start3A_514 = arith.constant 0 : i32
          %dma_start3A_515 = tpu.memref_slice %arg11[%add3A_497, %dma_start3A_514] : memref<79x128xi32, #tpu.memory_space<vmem>> -> memref<1x128xi32, #tpu.memory_space<vmem>>
          %dma_start3A_516 = tpu.memref_squeeze %dma_start3A_515 : memref<1x128xi32, #tpu.memory_space<vmem>> -> memref<128xi32, #tpu.memory_space<vmem>>
          %dma_start3A_517 = arith.constant 0 : i32
          %dma_start3A_518 = arith.constant 0 : i32
          %dma_start3A_519 = tpu.memref_slice %arg3[%dma_start3A_517, %dma_start3A_518] : memref<10112x8xf32, #tpu.memory_space<hbm>> -> memref<10112x8xf32, #tpu.memory_space<hbm>>
          tpu.enqueue_indirect_dma source(%dma_start3A_519 : memref<10112x8xf32, #tpu.memory_space<hbm>>) target(%dma_start3A_513 : memref<128x8xf32, #tpu.memory_space<vmem>>) offsets(%dma_start3A_516 : memref<128xi32, #tpu.memory_space<vmem>>) semaphore(%arg17 : memref<!tpu.dma_semaphore, #tpu.memory_space<semaphore_mem>>)
        } else {
        }
        %mul3A_276 = arith.constant 3 : i32
        %mul3A_277 = arith.muli %scan3A_232, %mul3A_276 : i32
        %add3A_278 = arith.constant 0 : i32
        %add3A_279 = arith.addi %mul3A_277, %add3A_278 : i32
        %dma_wait3A_280 = arith.constant 0 : i32
        %dma_wait3A_281 = arith.constant 0 : i32
        %dma_wait3A_282 = arith.constant 0 : i32
        %dma_wait3A_283 = tpu.memref_slice %arg12[%dma_wait3A_280, %dma_wait3A_281, %dma_wait3A_282] : memref<6x128x64xbf16, #tpu.memory_space<vmem>> -> memref<1x128x64xbf16, #tpu.memory_space<vmem>>
        %dma_wait3A_284 = tpu.memref_squeeze %dma_wait3A_283 : memref<1x128x64xbf16, #tpu.memory_space<vmem>> -> memref<128x64xbf16, #tpu.memory_space<vmem>>
        %dma_wait3A_285 = arith.constant 0 : i32
        %dma_wait3A_286 = tpu.memref_slice %arg10[%add3A_279, %dma_wait3A_285] : memref<79x128xi32, #tpu.memory_space<vmem>> -> memref<1x128xi32, #tpu.memory_space<vmem>>
        %dma_wait3A_287 = tpu.memref_squeeze %dma_wait3A_286 : memref<1x128xi32, #tpu.memory_space<vmem>> -> memref<128xi32, #tpu.memory_space<vmem>>
        %dma_wait3A_288 = arith.constant 0 : i32
        %dma_wait3A_289 = arith.constant 0 : i32
        %dma_wait3A_290 = tpu.memref_slice %arg2[%dma_wait3A_288, %dma_wait3A_289] : memref<10112x64xbf16, #tpu.memory_space<hbm>> -> memref<10112x64xbf16, #tpu.memory_space<hbm>>
        tpu.wait_indirect_dma semaphore(%arg16 : memref<!tpu.dma_semaphore, #tpu.memory_space<semaphore_mem>>) src(%dma_wait3A_290 : memref<10112x64xbf16, #tpu.memory_space<hbm>>) dst(%dma_wait3A_284 : memref<128x64xbf16, #tpu.memory_space<vmem>>)
        %dma_wait3A_291 = arith.constant 0 : i32
        %dma_wait3A_292 = arith.constant 0 : i32
        %dma_wait3A_293 = arith.constant 0 : i32
        %dma_wait3A_294 = tpu.memref_slice %arg13[%dma_wait3A_291, %dma_wait3A_292, %dma_wait3A_293] : memref<6x128x8xf32, #tpu.memory_space<vmem>> -> memref<1x128x8xf32, #tpu.memory_space<vmem>>
        %dma_wait3A_295 = tpu.memref_squeeze %dma_wait3A_294 : memref<1x128x8xf32, #tpu.memory_space<vmem>> -> memref<128x8xf32, #tpu.memory_space<vmem>>
        %dma_wait3A_296 = arith.constant 0 : i32
        %dma_wait3A_297 = tpu.memref_slice %arg11[%add3A_279, %dma_wait3A_296] : memref<79x128xi32, #tpu.memory_space<vmem>> -> memref<1x128xi32, #tpu.memory_space<vmem>>
        %dma_wait3A_298 = tpu.memref_squeeze %dma_wait3A_297 : memref<1x128xi32, #tpu.memory_space<vmem>> -> memref<128xi32, #tpu.memory_space<vmem>>
        %dma_wait3A_299 = arith.constant 0 : i32
        %dma_wait3A_300 = arith.constant 0 : i32
        %dma_wait3A_301 = tpu.memref_slice %arg3[%dma_wait3A_299, %dma_wait3A_300] : memref<10112x8xf32, #tpu.memory_space<hbm>> -> memref<10112x8xf32, #tpu.memory_space<hbm>>
        tpu.wait_indirect_dma semaphore(%arg16 : memref<!tpu.dma_semaphore, #tpu.memory_space<semaphore_mem>>) src(%dma_wait3A_301 : memref<10112x8xf32, #tpu.memory_space<hbm>>) dst(%dma_wait3A_295 : memref<128x8xf32, #tpu.memory_space<vmem>>)
        %mul3A_302 = arith.constant 3 : i32
        %mul3A_303 = arith.muli %scan3A_232, %mul3A_302 : i32
        %add3A_304 = arith.constant 1 : i32
        %add3A_305 = arith.addi %mul3A_303, %add3A_304 : i32
        %dma_wait3A_306 = arith.constant 1 : i32
        %dma_wait3A_307 = arith.constant 0 : i32
        %dma_wait3A_308 = arith.constant 0 : i32
        %dma_wait3A_309 = tpu.memref_slice %arg12[%dma_wait3A_306, %dma_wait3A_307, %dma_wait3A_308] : memref<6x128x64xbf16, #tpu.memory_space<vmem>> -> memref<1x128x64xbf16, #tpu.memory_space<vmem>>
        %dma_wait3A_310 = tpu.memref_squeeze %dma_wait3A_309 : memref<1x128x64xbf16, #tpu.memory_space<vmem>> -> memref<128x64xbf16, #tpu.memory_space<vmem>>
        %dma_wait3A_311 = arith.constant 0 : i32
        %dma_wait3A_312 = tpu.memref_slice %arg10[%add3A_305, %dma_wait3A_311] : memref<79x128xi32, #tpu.memory_space<vmem>> -> memref<1x128xi32, #tpu.memory_space<vmem>>
        %dma_wait3A_313 = tpu.memref_squeeze %dma_wait3A_312 : memref<1x128xi32, #tpu.memory_space<vmem>> -> memref<128xi32, #tpu.memory_space<vmem>>
        %dma_wait3A_314 = arith.constant 0 : i32
        %dma_wait3A_315 = arith.constant 0 : i32
        %dma_wait3A_316 = tpu.memref_slice %arg2[%dma_wait3A_314, %dma_wait3A_315] : memref<10112x64xbf16, #tpu.memory_space<hbm>> -> memref<10112x64xbf16, #tpu.memory_space<hbm>>
        tpu.wait_indirect_dma semaphore(%arg16 : memref<!tpu.dma_semaphore, #tpu.memory_space<semaphore_mem>>) src(%dma_wait3A_316 : memref<10112x64xbf16, #tpu.memory_space<hbm>>) dst(%dma_wait3A_310 : memref<128x64xbf16, #tpu.memory_space<vmem>>)
        %dma_wait3A_317 = arith.constant 1 : i32
        %dma_wait3A_318 = arith.constant 0 : i32
        %dma_wait3A_319 = arith.constant 0 : i32
        %dma_wait3A_320 = tpu.memref_slice %arg13[%dma_wait3A_317, %dma_wait3A_318, %dma_wait3A_319] : memref<6x128x8xf32, #tpu.memory_space<vmem>> -> memref<1x128x8xf32, #tpu.memory_space<vmem>>
        %dma_wait3A_321 = tpu.memref_squeeze %dma_wait3A_320 : memref<1x128x8xf32, #tpu.memory_space<vmem>> -> memref<128x8xf32, #tpu.memory_space<vmem>>
        %dma_wait3A_322 = arith.constant 0 : i32
        %dma_wait3A_323 = tpu.memref_slice %arg11[%add3A_305, %dma_wait3A_322] : memref<79x128xi32, #tpu.memory_space<vmem>> -> memref<1x128xi32, #tpu.memory_space<vmem>>
        %dma_wait3A_324 = tpu.memref_squeeze %dma_wait3A_323 : memref<1x128xi32, #tpu.memory_space<vmem>> -> memref<128xi32, #tpu.memory_space<vmem>>
        %dma_wait3A_325 = arith.constant 0 : i32
        %dma_wait3A_326 = arith.constant 0 : i32
        %dma_wait3A_327 = tpu.memref_slice %arg3[%dma_wait3A_325, %dma_wait3A_326] : memref<10112x8xf32, #tpu.memory_space<hbm>> -> memref<10112x8xf32, #tpu.memory_space<hbm>>
        tpu.wait_indirect_dma semaphore(%arg16 : memref<!tpu.dma_semaphore, #tpu.memory_space<semaphore_mem>>) src(%dma_wait3A_327 : memref<10112x8xf32, #tpu.memory_space<hbm>>) dst(%dma_wait3A_321 : memref<128x8xf32, #tpu.memory_space<vmem>>)
        %mul3A_328 = arith.constant 3 : i32
        %mul3A_329 = arith.muli %scan3A_232, %mul3A_328 : i32
        %add3A_330 = arith.constant 2 : i32
        %add3A_331 = arith.addi %mul3A_329, %add3A_330 : i32
        %dma_wait3A_332 = arith.constant 2 : i32
        %dma_wait3A_333 = arith.constant 0 : i32
        %dma_wait3A_334 = arith.constant 0 : i32
        %dma_wait3A_335 = tpu.memref_slice %arg12[%dma_wait3A_332, %dma_wait3A_333, %dma_wait3A_334] : memref<6x128x64xbf16, #tpu.memory_space<vmem>> -> memref<1x128x64xbf16, #tpu.memory_space<vmem>>
        %dma_wait3A_336 = tpu.memref_squeeze %dma_wait3A_335 : memref<1x128x64xbf16, #tpu.memory_space<vmem>> -> memref<128x64xbf16, #tpu.memory_space<vmem>>
        %dma_wait3A_337 = arith.constant 0 : i32
        %dma_wait3A_338 = tpu.memref_slice %arg10[%add3A_331, %dma_wait3A_337] : memref<79x128xi32, #tpu.memory_space<vmem>> -> memref<1x128xi32, #tpu.memory_space<vmem>>
        %dma_wait3A_339 = tpu.memref_squeeze %dma_wait3A_338 : memref<1x128xi32, #tpu.memory_space<vmem>> -> memref<128xi32, #tpu.memory_space<vmem>>
        %dma_wait3A_340 = arith.constant 0 : i32
        %dma_wait3A_341 = arith.constant 0 : i32
        %dma_wait3A_342 = tpu.memref_slice %arg2[%dma_wait3A_340, %dma_wait3A_341] : memref<10112x64xbf16, #tpu.memory_space<hbm>> -> memref<10112x64xbf16, #tpu.memory_space<hbm>>
        tpu.wait_indirect_dma semaphore(%arg16 : memref<!tpu.dma_semaphore, #tpu.memory_space<semaphore_mem>>) src(%dma_wait3A_342 : memref<10112x64xbf16, #tpu.memory_space<hbm>>) dst(%dma_wait3A_336 : memref<128x64xbf16, #tpu.memory_space<vmem>>)
        %dma_wait3A_343 = arith.constant 2 : i32
        %dma_wait3A_344 = arith.constant 0 : i32
        %dma_wait3A_345 = arith.constant 0 : i32
        %dma_wait3A_346 = tpu.memref_slice %arg13[%dma_wait3A_343, %dma_wait3A_344, %dma_wait3A_345] : memref<6x128x8xf32, #tpu.memory_space<vmem>> -> memref<1x128x8xf32, #tpu.memory_space<vmem>>
        %dma_wait3A_347 = tpu.memref_squeeze %dma_wait3A_346 : memref<1x128x8xf32, #tpu.memory_space<vmem>> -> memref<128x8xf32, #tpu.memory_space<vmem>>
        %dma_wait3A_348 = arith.constant 0 : i32
        %dma_wait3A_349 = tpu.memref_slice %arg11[%add3A_331, %dma_wait3A_348] : memref<79x128xi32, #tpu.memory_space<vmem>> -> memref<1x128xi32, #tpu.memory_space<vmem>>
        %dma_wait3A_350 = tpu.memref_squeeze %dma_wait3A_349 : memref<1x128xi32, #tpu.memory_space<vmem>> -> memref<128xi32, #tpu.memory_space<vmem>>
        %dma_wait3A_351 = arith.constant 0 : i32
        %dma_wait3A_352 = arith.constant 0 : i32
        %dma_wait3A_353 = tpu.memref_slice %arg3[%dma_wait3A_351, %dma_wait3A_352] : memref<10112x8xf32, #tpu.memory_space<hbm>> -> memref<10112x8xf32, #tpu.memory_space<hbm>>
        tpu.wait_indirect_dma semaphore(%arg16 : memref<!tpu.dma_semaphore, #tpu.memory_space<semaphore_mem>>) src(%dma_wait3A_353 : memref<10112x8xf32, #tpu.memory_space<hbm>>) dst(%dma_wait3A_347 : memref<128x8xf32, #tpu.memory_space<vmem>>)
        %mul3A_354 = arith.constant 3 : i32
        %mul3A_355 = arith.muli %scan3A_232, %mul3A_354 : i32
        %add3A_356 = arith.constant 0 : i32
        %add3A_357 = arith.addi %mul3A_355, %add3A_356 : i32
        %dma_start3A_358 = arith.constant 0 : i32
        %dma_start3A_359 = arith.constant 0 : i32
        %dma_start3A_360 = arith.constant 0 : i32
        %dma_start3A_361 = tpu.memref_slice %arg12[%dma_start3A_358, %dma_start3A_359, %dma_start3A_360] : memref<6x128x64xbf16, #tpu.memory_space<vmem>> -> memref<1x128x64xbf16, #tpu.memory_space<vmem>>
        %dma_start3A_362 = tpu.memref_squeeze %dma_start3A_361 : memref<1x128x64xbf16, #tpu.memory_space<vmem>> -> memref<128x64xbf16, #tpu.memory_space<vmem>>
        %dma_start3A_363 = arith.constant 0 : i32
        %dma_start3A_364 = tpu.memref_slice %arg11[%add3A_357, %dma_start3A_363] : memref<79x128xi32, #tpu.memory_space<vmem>> -> memref<1x128xi32, #tpu.memory_space<vmem>>
        %dma_start3A_365 = tpu.memref_squeeze %dma_start3A_364 : memref<1x128xi32, #tpu.memory_space<vmem>> -> memref<128xi32, #tpu.memory_space<vmem>>
        %dma_start3A_366 = arith.constant 0 : i32
        %dma_start3A_367 = arith.constant 0 : i32
        %dma_start3A_368 = tpu.memref_slice %arg14[%dma_start3A_366, %dma_start3A_367] : memref<10112x64xbf16, #tpu.memory_space<vmem_shared>> -> memref<10112x64xbf16, #tpu.memory_space<vmem_shared>>
        tpu.enqueue_indirect_dma source(%dma_start3A_362 : memref<128x64xbf16, #tpu.memory_space<vmem>>) target(%dma_start3A_368 : memref<10112x64xbf16, #tpu.memory_space<vmem_shared>>) offsets(%dma_start3A_365 : memref<128xi32, #tpu.memory_space<vmem>>) semaphore(%arg18 : memref<!tpu.dma_semaphore, #tpu.memory_space<semaphore_mem>>) {add = true}
        %dma_start3A_369 = arith.constant 0 : i32
        %dma_start3A_370 = arith.constant 0 : i32
        %dma_start3A_371 = arith.constant 0 : i32
        %dma_start3A_372 = tpu.memref_slice %arg13[%dma_start3A_369, %dma_start3A_370, %dma_start3A_371] : memref<6x128x8xf32, #tpu.memory_space<vmem>> -> memref<1x128x8xf32, #tpu.memory_space<vmem>>
        %dma_start3A_373 = tpu.memref_squeeze %dma_start3A_372 : memref<1x128x8xf32, #tpu.memory_space<vmem>> -> memref<128x8xf32, #tpu.memory_space<vmem>>
        %dma_start3A_374 = arith.constant 0 : i32
        %dma_start3A_375 = tpu.memref_slice %arg10[%add3A_357, %dma_start3A_374] : memref<79x128xi32, #tpu.memory_space<vmem>> -> memref<1x128xi32, #tpu.memory_space<vmem>>
        %dma_start3A_376 = tpu.memref_squeeze %dma_start3A_375 : memref<1x128xi32, #tpu.memory_space<vmem>> -> memref<128xi32, #tpu.memory_space<vmem>>
        %dma_start3A_377 = arith.constant 0 : i32
        %dma_start3A_378 = arith.constant 0 : i32
        %dma_start3A_379 = tpu.memref_slice %arg15[%dma_start3A_377, %dma_start3A_378] : memref<10112x8xf32, #tpu.memory_space<vmem_shared>> -> memref<10112x8xf32, #tpu.memory_space<vmem_shared>>
        tpu.enqueue_indirect_dma source(%dma_start3A_373 : memref<128x8xf32, #tpu.memory_space<vmem>>) target(%dma_start3A_379 : memref<10112x8xf32, #tpu.memory_space<vmem_shared>>) offsets(%dma_start3A_376 : memref<128xi32, #tpu.memory_space<vmem>>) semaphore(%arg20 : memref<!tpu.dma_semaphore, #tpu.memory_space<semaphore_mem>>) {add = true}
        %mul3A_380 = arith.constant 3 : i32
        %mul3A_381 = arith.muli %scan3A_232, %mul3A_380 : i32
        %add3A_382 = arith.constant 1 : i32
        %add3A_383 = arith.addi %mul3A_381, %add3A_382 : i32
        %dma_start3A_384 = arith.constant 1 : i32
        %dma_start3A_385 = arith.constant 0 : i32
        %dma_start3A_386 = arith.constant 0 : i32
        %dma_start3A_387 = tpu.memref_slice %arg12[%dma_start3A_384, %dma_start3A_385, %dma_start3A_386] : memref<6x128x64xbf16, #tpu.memory_space<vmem>> -> memref<1x128x64xbf16, #tpu.memory_space<vmem>>
        %dma_start3A_388 = tpu.memref_squeeze %dma_start3A_387 : memref<1x128x64xbf16, #tpu.memory_space<vmem>> -> memref<128x64xbf16, #tpu.memory_space<vmem>>
        %dma_start3A_389 = arith.constant 0 : i32
        %dma_start3A_390 = tpu.memref_slice %arg11[%add3A_383, %dma_start3A_389] : memref<79x128xi32, #tpu.memory_space<vmem>> -> memref<1x128xi32, #tpu.memory_space<vmem>>
        %dma_start3A_391 = tpu.memref_squeeze %dma_start3A_390 : memref<1x128xi32, #tpu.memory_space<vmem>> -> memref<128xi32, #tpu.memory_space<vmem>>
        %dma_start3A_392 = arith.constant 0 : i32
        %dma_start3A_393 = arith.constant 0 : i32
        %dma_start3A_394 = tpu.memref_slice %arg14[%dma_start3A_392, %dma_start3A_393] : memref<10112x64xbf16, #tpu.memory_space<vmem_shared>> -> memref<10112x64xbf16, #tpu.memory_space<vmem_shared>>
        tpu.enqueue_indirect_dma source(%dma_start3A_388 : memref<128x64xbf16, #tpu.memory_space<vmem>>) target(%dma_start3A_394 : memref<10112x64xbf16, #tpu.memory_space<vmem_shared>>) offsets(%dma_start3A_391 : memref<128xi32, #tpu.memory_space<vmem>>) semaphore(%arg18 : memref<!tpu.dma_semaphore, #tpu.memory_space<semaphore_mem>>) {add = true}
        %dma_start3A_395 = arith.constant 1 : i32
        %dma_start3A_396 = arith.constant 0 : i32
        %dma_start3A_397 = arith.constant 0 : i32
        %dma_start3A_398 = tpu.memref_slice %arg13[%dma_start3A_395, %dma_start3A_396, %dma_start3A_397] : memref<6x128x8xf32, #tpu.memory_space<vmem>> -> memref<1x128x8xf32, #tpu.memory_space<vmem>>
        %dma_start3A_399 = tpu.memref_squeeze %dma_start3A_398 : memref<1x128x8xf32, #tpu.memory_space<vmem>> -> memref<128x8xf32, #tpu.memory_space<vmem>>
        %dma_start3A_400 = arith.constant 0 : i32
        %dma_start3A_401 = tpu.memref_slice %arg10[%add3A_383, %dma_start3A_400] : memref<79x128xi32, #tpu.memory_space<vmem>> -> memref<1x128xi32, #tpu.memory_space<vmem>>
        %dma_start3A_402 = tpu.memref_squeeze %dma_start3A_401 : memref<1x128xi32, #tpu.memory_space<vmem>> -> memref<128xi32, #tpu.memory_space<vmem>>
        %dma_start3A_403 = arith.constant 0 : i32
        %dma_start3A_404 = arith.constant 0 : i32
        %dma_start3A_405 = tpu.memref_slice %arg15[%dma_start3A_403, %dma_start3A_404] : memref<10112x8xf32, #tpu.memory_space<vmem_shared>> -> memref<10112x8xf32, #tpu.memory_space<vmem_shared>>
        tpu.enqueue_indirect_dma source(%dma_start3A_399 : memref<128x8xf32, #tpu.memory_space<vmem>>) target(%dma_start3A_405 : memref<10112x8xf32, #tpu.memory_space<vmem_shared>>) offsets(%dma_start3A_402 : memref<128xi32, #tpu.memory_space<vmem>>) semaphore(%arg20 : memref<!tpu.dma_semaphore, #tpu.memory_space<semaphore_mem>>) {add = true}
        %mul3A_406 = arith.constant 3 : i32
        %mul3A_407 = arith.muli %scan3A_232, %mul3A_406 : i32
        %add3A_408 = arith.constant 2 : i32
        %add3A_409 = arith.addi %mul3A_407, %add3A_408 : i32
        %dma_start3A_410 = arith.constant 2 : i32
        %dma_start3A_411 = arith.constant 0 : i32
        %dma_start3A_412 = arith.constant 0 : i32
        %dma_start3A_413 = tpu.memref_slice %arg12[%dma_start3A_410, %dma_start3A_411, %dma_start3A_412] : memref<6x128x64xbf16, #tpu.memory_space<vmem>> -> memref<1x128x64xbf16, #tpu.memory_space<vmem>>
        %dma_start3A_414 = tpu.memref_squeeze %dma_start3A_413 : memref<1x128x64xbf16, #tpu.memory_space<vmem>> -> memref<128x64xbf16, #tpu.memory_space<vmem>>
        %dma_start3A_415 = arith.constant 0 : i32
        %dma_start3A_416 = tpu.memref_slice %arg11[%add3A_409, %dma_start3A_415] : memref<79x128xi32, #tpu.memory_space<vmem>> -> memref<1x128xi32, #tpu.memory_space<vmem>>
        %dma_start3A_417 = tpu.memref_squeeze %dma_start3A_416 : memref<1x128xi32, #tpu.memory_space<vmem>> -> memref<128xi32, #tpu.memory_space<vmem>>
        %dma_start3A_418 = arith.constant 0 : i32
        %dma_start3A_419 = arith.constant 0 : i32
        %dma_start3A_420 = tpu.memref_slice %arg14[%dma_start3A_418, %dma_start3A_419] : memref<10112x64xbf16, #tpu.memory_space<vmem_shared>> -> memref<10112x64xbf16, #tpu.memory_space<vmem_shared>>
        tpu.enqueue_indirect_dma source(%dma_start3A_414 : memref<128x64xbf16, #tpu.memory_space<vmem>>) target(%dma_start3A_420 : memref<10112x64xbf16, #tpu.memory_space<vmem_shared>>) offsets(%dma_start3A_417 : memref<128xi32, #tpu.memory_space<vmem>>) semaphore(%arg18 : memref<!tpu.dma_semaphore, #tpu.memory_space<semaphore_mem>>) {add = true}
        %dma_start3A_421 = arith.constant 2 : i32
        %dma_start3A_422 = arith.constant 0 : i32
        %dma_start3A_423 = arith.constant 0 : i32
        %dma_start3A_424 = tpu.memref_slice %arg13[%dma_start3A_421, %dma_start3A_422, %dma_start3A_423] : memref<6x128x8xf32, #tpu.memory_space<vmem>> -> memref<1x128x8xf32, #tpu.memory_space<vmem>>
        %dma_start3A_425 = tpu.memref_squeeze %dma_start3A_424 : memref<1x128x8xf32, #tpu.memory_space<vmem>> -> memref<128x8xf32, #tpu.memory_space<vmem>>
        %dma_start3A_426 = arith.constant 0 : i32
        %dma_start3A_427 = tpu.memref_slice %arg10[%add3A_409, %dma_start3A_426] : memref<79x128xi32, #tpu.memory_space<vmem>> -> memref<1x128xi32, #tpu.memory_space<vmem>>
        %dma_start3A_428 = tpu.memref_squeeze %dma_start3A_427 : memref<1x128xi32, #tpu.memory_space<vmem>> -> memref<128xi32, #tpu.memory_space<vmem>>
        %dma_start3A_429 = arith.constant 0 : i32
        %dma_start3A_430 = arith.constant 0 : i32
        %dma_start3A_431 = tpu.memref_slice %arg15[%dma_start3A_429, %dma_start3A_430] : memref<10112x8xf32, #tpu.memory_space<vmem_shared>> -> memref<10112x8xf32, #tpu.memory_space<vmem_shared>>
        tpu.enqueue_indirect_dma source(%dma_start3A_425 : memref<128x8xf32, #tpu.memory_space<vmem>>) target(%dma_start3A_431 : memref<10112x8xf32, #tpu.memory_space<vmem_shared>>) offsets(%dma_start3A_428 : memref<128xi32, #tpu.memory_space<vmem>>) semaphore(%arg20 : memref<!tpu.dma_semaphore, #tpu.memory_space<semaphore_mem>>) {add = true}
      } else {
      }
      %jit3A_248 = arith.constant 2 : i32
      %eq3A_249 = arith.constant 0 : i32
      %eq3A_250 = arith.cmpi eq, %jit3A_248, %eq3A_249 : i32
      %jit3A_251 = arith.constant 1 : i32
      %select_n3A_252 = arith.select %eq3A_250, %jit3A_251, %jit3A_248 : i32
      %rem3A_253 = arith.remsi %scan3A_232, %select_n3A_252 : i32
      %ne3A_254 = arith.constant 0 : i32
      %ne3A_255 = arith.cmpi ne, %rem3A_253, %ne3A_254 : i32
      %lt3A_256 = arith.constant 0 : i32
      %lt3A_257 = arith.cmpi slt, %rem3A_253, %lt3A_256 : i32
      %lt3A_258 = arith.constant 0 : i32
      %lt3A_259 = arith.cmpi slt, %select_n3A_252, %lt3A_258 : i32
      %ne3A_260 = arith.xori %lt3A_257, %lt3A_259 : i1
      %and3A_261 = arith.andi %ne3A_260, %ne3A_255 : i1
      %add3A_262 = arith.addi %rem3A_253, %select_n3A_252 : i32
      %select_n3A_263 = arith.select %and3A_261, %add3A_262, %rem3A_253 : i32
      %eq3A_264 = arith.constant 1 : i32
      %eq3A_265 = arith.cmpi eq, %select_n3A_263, %eq3A_264 : i32
      %convert_element_type3A_266 = arith.extui %eq3A_265 : i1 to i32
      %cond3A_267 = arith.constant 0 : i32
      %cond3A_268 = arith.cmpi ne, %convert_element_type3A_266, %cond3A_267 : i32
      scf.if %cond3A_268 {
        %add3A_269 = arith.constant 1 : i32
        %add3A_270 = arith.addi %scan3A_232, %add3A_269 : i32
        %lt3A_271 = arith.constant 26 : i32
        %lt3A_272 = arith.cmpi slt, %add3A_270, %lt3A_271 : i32
        %convert_element_type3A_273 = arith.extui %lt3A_272 : i1 to i32
        %cond3A_274 = arith.constant 0 : i32
        %cond3A_275 = arith.cmpi ne, %convert_element_type3A_273, %cond3A_274 : i32
        scf.if %cond3A_275 {
          %ge3A = arith.constant 1 : i32
          %ge3A_432 = arith.cmpi sge, %scan3A_232, %ge3A : i32
          %convert_element_type3A_433 = arith.extui %ge3A_432 : i1 to i32
          %cond3A_434 = arith.constant 0 : i32
          %cond3A_435 = arith.cmpi ne, %convert_element_type3A_433, %cond3A_434 : i32
          scf.if %cond3A_435 {
            %dma_wait3A_520 = arith.constant 0 : i32
            %dma_wait3A_521 = arith.constant 0 : i32
            %dma_wait3A_522 = arith.constant 0 : i32
            %dma_wait3A_523 = arith.constant 0 : i32
            %dma_wait3A_524 = tpu.memref_slice %arg12[%dma_wait3A_520, %dma_wait3A_522, %dma_wait3A_523] : memref<6x128x64xbf16, #tpu.memory_space<vmem>> -> memref<1x128x64xbf16, #tpu.memory_space<vmem>>
            %dma_wait3A_525 = tpu.memref_squeeze %dma_wait3A_524 : memref<1x128x64xbf16, #tpu.memory_space<vmem>> -> memref<128x64xbf16, #tpu.memory_space<vmem>>
            %dma_wait3A_526 = arith.constant 0 : i32
            %dma_wait3A_527 = tpu.memref_slice %arg11[%dma_wait3A_521, %dma_wait3A_526] : memref<79x128xi32, #tpu.memory_space<vmem>> -> memref<1x128xi32, #tpu.memory_space<vmem>>
            %dma_wait3A_528 = tpu.memref_squeeze %dma_wait3A_527 : memref<1x128xi32, #tpu.memory_space<vmem>> -> memref<128xi32, #tpu.memory_space<vmem>>
            %dma_wait3A_529 = arith.constant 0 : i32
            %dma_wait3A_530 = arith.constant 0 : i32
            %dma_wait3A_531 = tpu.memref_slice %arg14[%dma_wait3A_529, %dma_wait3A_530] : memref<10112x64xbf16, #tpu.memory_space<vmem_shared>> -> memref<10112x64xbf16, #tpu.memory_space<vmem_shared>>
            tpu.wait_indirect_dma semaphore(%arg18 : memref<!tpu.dma_semaphore, #tpu.memory_space<semaphore_mem>>) src(%dma_wait3A_525 : memref<128x64xbf16, #tpu.memory_space<vmem>>) dst(%dma_wait3A_531 : memref<10112x64xbf16, #tpu.memory_space<vmem_shared>>)
            %dma_wait3A_532 = arith.constant 0 : i32
            %dma_wait3A_533 = arith.constant 0 : i32
            %dma_wait3A_534 = arith.constant 0 : i32
            %dma_wait3A_535 = arith.constant 0 : i32
            %dma_wait3A_536 = tpu.memref_slice %arg13[%dma_wait3A_532, %dma_wait3A_534, %dma_wait3A_535] : memref<6x128x8xf32, #tpu.memory_space<vmem>> -> memref<1x128x8xf32, #tpu.memory_space<vmem>>
            %dma_wait3A_537 = tpu.memref_squeeze %dma_wait3A_536 : memref<1x128x8xf32, #tpu.memory_space<vmem>> -> memref<128x8xf32, #tpu.memory_space<vmem>>
            %dma_wait3A_538 = arith.constant 0 : i32
            %dma_wait3A_539 = tpu.memref_slice %arg10[%dma_wait3A_533, %dma_wait3A_538] : memref<79x128xi32, #tpu.memory_space<vmem>> -> memref<1x128xi32, #tpu.memory_space<vmem>>
            %dma_wait3A_540 = tpu.memref_squeeze %dma_wait3A_539 : memref<1x128xi32, #tpu.memory_space<vmem>> -> memref<128xi32, #tpu.memory_space<vmem>>
            %dma_wait3A_541 = arith.constant 0 : i32
            %dma_wait3A_542 = arith.constant 0 : i32
            %dma_wait3A_543 = tpu.memref_slice %arg15[%dma_wait3A_541, %dma_wait3A_542] : memref<10112x8xf32, #tpu.memory_space<vmem_shared>> -> memref<10112x8xf32, #tpu.memory_space<vmem_shared>>
            tpu.wait_indirect_dma semaphore(%arg20 : memref<!tpu.dma_semaphore, #tpu.memory_space<semaphore_mem>>) src(%dma_wait3A_537 : memref<128x8xf32, #tpu.memory_space<vmem>>) dst(%dma_wait3A_543 : memref<10112x8xf32, #tpu.memory_space<vmem_shared>>)
            %dma_wait3A_544 = arith.constant 1 : i32
            %dma_wait3A_545 = arith.constant 0 : i32
            %dma_wait3A_546 = arith.constant 0 : i32
            %dma_wait3A_547 = arith.constant 0 : i32
            %dma_wait3A_548 = tpu.memref_slice %arg12[%dma_wait3A_544, %dma_wait3A_546, %dma_wait3A_547] : memref<6x128x64xbf16, #tpu.memory_space<vmem>> -> memref<1x128x64xbf16, #tpu.memory_space<vmem>>
            %dma_wait3A_549 = tpu.memref_squeeze %dma_wait3A_548 : memref<1x128x64xbf16, #tpu.memory_space<vmem>> -> memref<128x64xbf16, #tpu.memory_space<vmem>>
            %dma_wait3A_550 = arith.constant 0 : i32
            %dma_wait3A_551 = tpu.memref_slice %arg11[%dma_wait3A_545, %dma_wait3A_550] : memref<79x128xi32, #tpu.memory_space<vmem>> -> memref<1x128xi32, #tpu.memory_space<vmem>>
            %dma_wait3A_552 = tpu.memref_squeeze %dma_wait3A_551 : memref<1x128xi32, #tpu.memory_space<vmem>> -> memref<128xi32, #tpu.memory_space<vmem>>
            %dma_wait3A_553 = arith.constant 0 : i32
            %dma_wait3A_554 = arith.constant 0 : i32
            %dma_wait3A_555 = tpu.memref_slice %arg14[%dma_wait3A_553, %dma_wait3A_554] : memref<10112x64xbf16, #tpu.memory_space<vmem_shared>> -> memref<10112x64xbf16, #tpu.memory_space<vmem_shared>>
            tpu.wait_indirect_dma semaphore(%arg18 : memref<!tpu.dma_semaphore, #tpu.memory_space<semaphore_mem>>) src(%dma_wait3A_549 : memref<128x64xbf16, #tpu.memory_space<vmem>>) dst(%dma_wait3A_555 : memref<10112x64xbf16, #tpu.memory_space<vmem_shared>>)
            %dma_wait3A_556 = arith.constant 1 : i32
            %dma_wait3A_557 = arith.constant 0 : i32
            %dma_wait3A_558 = arith.constant 0 : i32
            %dma_wait3A_559 = arith.constant 0 : i32
            %dma_wait3A_560 = tpu.memref_slice %arg13[%dma_wait3A_556, %dma_wait3A_558, %dma_wait3A_559] : memref<6x128x8xf32, #tpu.memory_space<vmem>> -> memref<1x128x8xf32, #tpu.memory_space<vmem>>
            %dma_wait3A_561 = tpu.memref_squeeze %dma_wait3A_560 : memref<1x128x8xf32, #tpu.memory_space<vmem>> -> memref<128x8xf32, #tpu.memory_space<vmem>>
            %dma_wait3A_562 = arith.constant 0 : i32
            %dma_wait3A_563 = tpu.memref_slice %arg10[%dma_wait3A_557, %dma_wait3A_562] : memref<79x128xi32, #tpu.memory_space<vmem>> -> memref<1x128xi32, #tpu.memory_space<vmem>>
            %dma_wait3A_564 = tpu.memref_squeeze %dma_wait3A_563 : memref<1x128xi32, #tpu.memory_space<vmem>> -> memref<128xi32, #tpu.memory_space<vmem>>
            %dma_wait3A_565 = arith.constant 0 : i32
            %dma_wait3A_566 = arith.constant 0 : i32
            %dma_wait3A_567 = tpu.memref_slice %arg15[%dma_wait3A_565, %dma_wait3A_566] : memref<10112x8xf32, #tpu.memory_space<vmem_shared>> -> memref<10112x8xf32, #tpu.memory_space<vmem_shared>>
            tpu.wait_indirect_dma semaphore(%arg20 : memref<!tpu.dma_semaphore, #tpu.memory_space<semaphore_mem>>) src(%dma_wait3A_561 : memref<128x8xf32, #tpu.memory_space<vmem>>) dst(%dma_wait3A_567 : memref<10112x8xf32, #tpu.memory_space<vmem_shared>>)
            %dma_wait3A_568 = arith.constant 2 : i32
            %dma_wait3A_569 = arith.constant 0 : i32
            %dma_wait3A_570 = arith.constant 0 : i32
            %dma_wait3A_571 = arith.constant 0 : i32
            %dma_wait3A_572 = tpu.memref_slice %arg12[%dma_wait3A_568, %dma_wait3A_570, %dma_wait3A_571] : memref<6x128x64xbf16, #tpu.memory_space<vmem>> -> memref<1x128x64xbf16, #tpu.memory_space<vmem>>
            %dma_wait3A_573 = tpu.memref_squeeze %dma_wait3A_572 : memref<1x128x64xbf16, #tpu.memory_space<vmem>> -> memref<128x64xbf16, #tpu.memory_space<vmem>>
            %dma_wait3A_574 = arith.constant 0 : i32
            %dma_wait3A_575 = tpu.memref_slice %arg11[%dma_wait3A_569, %dma_wait3A_574] : memref<79x128xi32, #tpu.memory_space<vmem>> -> memref<1x128xi32, #tpu.memory_space<vmem>>
            %dma_wait3A_576 = tpu.memref_squeeze %dma_wait3A_575 : memref<1x128xi32, #tpu.memory_space<vmem>> -> memref<128xi32, #tpu.memory_space<vmem>>
            %dma_wait3A_577 = arith.constant 0 : i32
            %dma_wait3A_578 = arith.constant 0 : i32
            %dma_wait3A_579 = tpu.memref_slice %arg14[%dma_wait3A_577, %dma_wait3A_578] : memref<10112x64xbf16, #tpu.memory_space<vmem_shared>> -> memref<10112x64xbf16, #tpu.memory_space<vmem_shared>>
            tpu.wait_indirect_dma semaphore(%arg18 : memref<!tpu.dma_semaphore, #tpu.memory_space<semaphore_mem>>) src(%dma_wait3A_573 : memref<128x64xbf16, #tpu.memory_space<vmem>>) dst(%dma_wait3A_579 : memref<10112x64xbf16, #tpu.memory_space<vmem_shared>>)
            %dma_wait3A_580 = arith.constant 2 : i32
            %dma_wait3A_581 = arith.constant 0 : i32
            %dma_wait3A_582 = arith.constant 0 : i32
            %dma_wait3A_583 = arith.constant 0 : i32
            %dma_wait3A_584 = tpu.memref_slice %arg13[%dma_wait3A_580, %dma_wait3A_582, %dma_wait3A_583] : memref<6x128x8xf32, #tpu.memory_space<vmem>> -> memref<1x128x8xf32, #tpu.memory_space<vmem>>
            %dma_wait3A_585 = tpu.memref_squeeze %dma_wait3A_584 : memref<1x128x8xf32, #tpu.memory_space<vmem>> -> memref<128x8xf32, #tpu.memory_space<vmem>>
            %dma_wait3A_586 = arith.constant 0 : i32
            %dma_wait3A_587 = tpu.memref_slice %arg10[%dma_wait3A_581, %dma_wait3A_586] : memref<79x128xi32, #tpu.memory_space<vmem>> -> memref<1x128xi32, #tpu.memory_space<vmem>>
            %dma_wait3A_588 = tpu.memref_squeeze %dma_wait3A_587 : memref<1x128xi32, #tpu.memory_space<vmem>> -> memref<128xi32, #tpu.memory_space<vmem>>
            %dma_wait3A_589 = arith.constant 0 : i32
            %dma_wait3A_590 = arith.constant 0 : i32
            %dma_wait3A_591 = tpu.memref_slice %arg15[%dma_wait3A_589, %dma_wait3A_590] : memref<10112x8xf32, #tpu.memory_space<vmem_shared>> -> memref<10112x8xf32, #tpu.memory_space<vmem_shared>>
            tpu.wait_indirect_dma semaphore(%arg20 : memref<!tpu.dma_semaphore, #tpu.memory_space<semaphore_mem>>) src(%dma_wait3A_585 : memref<128x8xf32, #tpu.memory_space<vmem>>) dst(%dma_wait3A_591 : memref<10112x8xf32, #tpu.memory_space<vmem_shared>>)
          } else {
          }
          %add3A_436 = arith.constant 1 : i32
          %add3A_437 = arith.addi %scan3A_232, %add3A_436 : i32
          %mul3A_438 = arith.constant 3 : i32
          %mul3A_439 = arith.muli %add3A_437, %mul3A_438 : i32
          %add3A_440 = arith.constant 0 : i32
          %add3A_441 = arith.addi %mul3A_439, %add3A_440 : i32
          %dma_start3A_442 = arith.constant 0 : i32
          %dma_start3A_443 = arith.constant 0 : i32
          %dma_start3A_444 = arith.constant 0 : i32
          %dma_start3A_445 = tpu.memref_slice %arg12[%dma_start3A_442, %dma_start3A_443, %dma_start3A_444] : memref<6x128x64xbf16, #tpu.memory_space<vmem>> -> memref<1x128x64xbf16, #tpu.memory_space<vmem>>
          %dma_start3A_446 = tpu.memref_squeeze %dma_start3A_445 : memref<1x128x64xbf16, #tpu.memory_space<vmem>> -> memref<128x64xbf16, #tpu.memory_space<vmem>>
          %dma_start3A_447 = arith.constant 0 : i32
          %dma_start3A_448 = tpu.memref_slice %arg10[%add3A_441, %dma_start3A_447] : memref<79x128xi32, #tpu.memory_space<vmem>> -> memref<1x128xi32, #tpu.memory_space<vmem>>
          %dma_start3A_449 = tpu.memref_squeeze %dma_start3A_448 : memref<1x128xi32, #tpu.memory_space<vmem>> -> memref<128xi32, #tpu.memory_space<vmem>>
          %dma_start3A_450 = arith.constant 0 : i32
          %dma_start3A_451 = arith.constant 0 : i32
          %dma_start3A_452 = tpu.memref_slice %arg2[%dma_start3A_450, %dma_start3A_451] : memref<10112x64xbf16, #tpu.memory_space<hbm>> -> memref<10112x64xbf16, #tpu.memory_space<hbm>>
          tpu.enqueue_indirect_dma source(%dma_start3A_452 : memref<10112x64xbf16, #tpu.memory_space<hbm>>) target(%dma_start3A_446 : memref<128x64xbf16, #tpu.memory_space<vmem>>) offsets(%dma_start3A_449 : memref<128xi32, #tpu.memory_space<vmem>>) semaphore(%arg16 : memref<!tpu.dma_semaphore, #tpu.memory_space<semaphore_mem>>)
          %dma_start3A_453 = arith.constant 0 : i32
          %dma_start3A_454 = arith.constant 0 : i32
          %dma_start3A_455 = arith.constant 0 : i32
          %dma_start3A_456 = tpu.memref_slice %arg13[%dma_start3A_453, %dma_start3A_454, %dma_start3A_455] : memref<6x128x8xf32, #tpu.memory_space<vmem>> -> memref<1x128x8xf32, #tpu.memory_space<vmem>>
          %dma_start3A_457 = tpu.memref_squeeze %dma_start3A_456 : memref<1x128x8xf32, #tpu.memory_space<vmem>> -> memref<128x8xf32, #tpu.memory_space<vmem>>
          %dma_start3A_458 = arith.constant 0 : i32
          %dma_start3A_459 = tpu.memref_slice %arg11[%add3A_441, %dma_start3A_458] : memref<79x128xi32, #tpu.memory_space<vmem>> -> memref<1x128xi32, #tpu.memory_space<vmem>>
          %dma_start3A_460 = tpu.memref_squeeze %dma_start3A_459 : memref<1x128xi32, #tpu.memory_space<vmem>> -> memref<128xi32, #tpu.memory_space<vmem>>
          %dma_start3A_461 = arith.constant 0 : i32
          %dma_start3A_462 = arith.constant 0 : i32
          %dma_start3A_463 = tpu.memref_slice %arg3[%dma_start3A_461, %dma_start3A_462] : memref<10112x8xf32, #tpu.memory_space<hbm>> -> memref<10112x8xf32, #tpu.memory_space<hbm>>
          tpu.enqueue_indirect_dma source(%dma_start3A_463 : memref<10112x8xf32, #tpu.memory_space<hbm>>) target(%dma_start3A_457 : memref<128x8xf32, #tpu.memory_space<vmem>>) offsets(%dma_start3A_460 : memref<128xi32, #tpu.memory_space<vmem>>) semaphore(%arg16 : memref<!tpu.dma_semaphore, #tpu.memory_space<semaphore_mem>>)
          %add3A_464 = arith.constant 1 : i32
          %add3A_465 = arith.addi %scan3A_232, %add3A_464 : i32
          %mul3A_466 = arith.constant 3 : i32
          %mul3A_467 = arith.muli %add3A_465, %mul3A_466 : i32
          %add3A_468 = arith.constant 1 : i32
          %add3A_469 = arith.addi %mul3A_467, %add3A_468 : i32
          %dma_start3A_470 = arith.constant 1 : i32
          %dma_start3A_471 = arith.constant 0 : i32
          %dma_start3A_472 = arith.constant 0 : i32
          %dma_start3A_473 = tpu.memref_slice %arg12[%dma_start3A_470, %dma_start3A_471, %dma_start3A_472] : memref<6x128x64xbf16, #tpu.memory_space<vmem>> -> memref<1x128x64xbf16, #tpu.memory_space<vmem>>
          %dma_start3A_474 = tpu.memref_squeeze %dma_start3A_473 : memref<1x128x64xbf16, #tpu.memory_space<vmem>> -> memref<128x64xbf16, #tpu.memory_space<vmem>>
          %dma_start3A_475 = arith.constant 0 : i32
          %dma_start3A_476 = tpu.memref_slice %arg10[%add3A_469, %dma_start3A_475] : memref<79x128xi32, #tpu.memory_space<vmem>> -> memref<1x128xi32, #tpu.memory_space<vmem>>
          %dma_start3A_477 = tpu.memref_squeeze %dma_start3A_476 : memref<1x128xi32, #tpu.memory_space<vmem>> -> memref<128xi32, #tpu.memory_space<vmem>>
          %dma_start3A_478 = arith.constant 0 : i32
          %dma_start3A_479 = arith.constant 0 : i32
          %dma_start3A_480 = tpu.memref_slice %arg2[%dma_start3A_478, %dma_start3A_479] : memref<10112x64xbf16, #tpu.memory_space<hbm>> -> memref<10112x64xbf16, #tpu.memory_space<hbm>>
          tpu.enqueue_indirect_dma source(%dma_start3A_480 : memref<10112x64xbf16, #tpu.memory_space<hbm>>) target(%dma_start3A_474 : memref<128x64xbf16, #tpu.memory_space<vmem>>) offsets(%dma_start3A_477 : memref<128xi32, #tpu.memory_space<vmem>>) semaphore(%arg16 : memref<!tpu.dma_semaphore, #tpu.memory_space<semaphore_mem>>)
          %dma_start3A_481 = arith.constant 1 : i32
          %dma_start3A_482 = arith.constant 0 : i32
          %dma_start3A_483 = arith.constant 0 : i32
          %dma_start3A_484 = tpu.memref_slice %arg13[%dma_start3A_481, %dma_start3A_482, %dma_start3A_483] : memref<6x128x8xf32, #tpu.memory_space<vmem>> -> memref<1x128x8xf32, #tpu.memory_space<vmem>>
          %dma_start3A_485 = tpu.memref_squeeze %dma_start3A_484 : memref<1x128x8xf32, #tpu.memory_space<vmem>> -> memref<128x8xf32, #tpu.memory_space<vmem>>
          %dma_start3A_486 = arith.constant 0 : i32
          %dma_start3A_487 = tpu.memref_slice %arg11[%add3A_469, %dma_start3A_486] : memref<79x128xi32, #tpu.memory_space<vmem>> -> memref<1x128xi32, #tpu.memory_space<vmem>>
          %dma_start3A_488 = tpu.memref_squeeze %dma_start3A_487 : memref<1x128xi32, #tpu.memory_space<vmem>> -> memref<128xi32, #tpu.memory_space<vmem>>
          %dma_start3A_489 = arith.constant 0 : i32
          %dma_start3A_490 = arith.constant 0 : i32
          %dma_start3A_491 = tpu.memref_slice %arg3[%dma_start3A_489, %dma_start3A_490] : memref<10112x8xf32, #tpu.memory_space<hbm>> -> memref<10112x8xf32, #tpu.memory_space<hbm>>
          tpu.enqueue_indirect_dma source(%dma_start3A_491 : memref<10112x8xf32, #tpu.memory_space<hbm>>) target(%dma_start3A_485 : memref<128x8xf32, #tpu.memory_space<vmem>>) offsets(%dma_start3A_488 : memref<128xi32, #tpu.memory_space<vmem>>) semaphore(%arg16 : memref<!tpu.dma_semaphore, #tpu.memory_space<semaphore_mem>>)
          %add3A_492 = arith.constant 1 : i32
          %add3A_493 = arith.addi %scan3A_232, %add3A_492 : i32
          %mul3A_494 = arith.constant 3 : i32
          %mul3A_495 = arith.muli %add3A_493, %mul3A_494 : i32
          %add3A_496 = arith.constant 2 : i32
          %add3A_497 = arith.addi %mul3A_495, %add3A_496 : i32
          %dma_start3A_498 = arith.constant 2 : i32
          %dma_start3A_499 = arith.constant 0 : i32
          %dma_start3A_500 = arith.constant 0 : i32
          %dma_start3A_501 = tpu.memref_slice %arg12[%dma_start3A_498, %dma_start3A_499, %dma_start3A_500] : memref<6x128x64xbf16, #tpu.memory_space<vmem>> -> memref<1x128x64xbf16, #tpu.memory_space<vmem>>
          %dma_start3A_502 = tpu.memref_squeeze %dma_start3A_501 : memref<1x128x64xbf16, #tpu.memory_space<vmem>> -> memref<128x64xbf16, #tpu.memory_space<vmem>>
          %dma_start3A_503 = arith.constant 0 : i32
          %dma_start3A_504 = tpu.memref_slice %arg10[%add3A_497, %dma_start3A_503] : memref<79x128xi32, #tpu.memory_space<vmem>> -> memref<1x128xi32, #tpu.memory_space<vmem>>
          %dma_start3A_505 = tpu.memref_squeeze %dma_start3A_504 : memref<1x128xi32, #tpu.memory_space<vmem>> -> memref<128xi32, #tpu.memory_space<vmem>>
          %dma_start3A_506 = arith.constant 0 : i32
          %dma_start3A_507 = arith.constant 0 : i32
          %dma_start3A_508 = tpu.memref_slice %arg2[%dma_start3A_506, %dma_start3A_507] : memref<10112x64xbf16, #tpu.memory_space<hbm>> -> memref<10112x64xbf16, #tpu.memory_space<hbm>>
          tpu.enqueue_indirect_dma source(%dma_start3A_508 : memref<10112x64xbf16, #tpu.memory_space<hbm>>) target(%dma_start3A_502 : memref<128x64xbf16, #tpu.memory_space<vmem>>) offsets(%dma_start3A_505 : memref<128xi32, #tpu.memory_space<vmem>>) semaphore(%arg16 : memref<!tpu.dma_semaphore, #tpu.memory_space<semaphore_mem>>)
          %dma_start3A_509 = arith.constant 2 : i32
          %dma_start3A_510 = arith.constant 0 : i32
          %dma_start3A_511 = arith.constant 0 : i32
          %dma_start3A_512 = tpu.memref_slice %arg13[%dma_start3A_509, %dma_start3A_510, %dma_start3A_511] : memref<6x128x8xf32, #tpu.memory_space<vmem>> -> memref<1x128x8xf32, #tpu.memory_space<vmem>>
          %dma_start3A_513 = tpu.memref_squeeze %dma_start3A_512 : memref<1x128x8xf32, #tpu.memory_space<vmem>> -> memref<128x8xf32, #tpu.memory_space<vmem>>
          %dma_start3A_514 = arith.constant 0 : i32
          %dma_start3A_515 = tpu.memref_slice %arg11[%add3A_497, %dma_start3A_514] : memref<79x128xi32, #tpu.memory_space<vmem>> -> memref<1x128xi32, #tpu.memory_space<vmem>>
          %dma_start3A_516 = tpu.memref_squeeze %dma_start3A_515 : memref<1x128xi32, #tpu.memory_space<vmem>> -> memref<128xi32, #tpu.memory_space<vmem>>
          %dma_start3A_517 = arith.constant 0 : i32
          %dma_start3A_518 = arith.constant 0 : i32
          %dma_start3A_519 = tpu.memref_slice %arg3[%dma_start3A_517, %dma_start3A_518] : memref<10112x8xf32, #tpu.memory_space<hbm>> -> memref<10112x8xf32, #tpu.memory_space<hbm>>
          tpu.enqueue_indirect_dma source(%dma_start3A_519 : memref<10112x8xf32, #tpu.memory_space<hbm>>) target(%dma_start3A_513 : memref<128x8xf32, #tpu.memory_space<vmem>>) offsets(%dma_start3A_516 : memref<128xi32, #tpu.memory_space<vmem>>) semaphore(%arg16 : memref<!tpu.dma_semaphore, #tpu.memory_space<semaphore_mem>>)
        } else {
        }
        %mul3A_276 = arith.constant 3 : i32
        %mul3A_277 = arith.muli %scan3A_232, %mul3A_276 : i32
        %add3A_278 = arith.constant 0 : i32
        %add3A_279 = arith.addi %mul3A_277, %add3A_278 : i32
        %dma_wait3A_280 = arith.constant 3 : i32
        %dma_wait3A_281 = arith.constant 0 : i32
        %dma_wait3A_282 = arith.constant 0 : i32
        %dma_wait3A_283 = tpu.memref_slice %arg12[%dma_wait3A_280, %dma_wait3A_281, %dma_wait3A_282] : memref<6x128x64xbf16, #tpu.memory_space<vmem>> -> memref<1x128x64xbf16, #tpu.memory_space<vmem>>
        %dma_wait3A_284 = tpu.memref_squeeze %dma_wait3A_283 : memref<1x128x64xbf16, #tpu.memory_space<vmem>> -> memref<128x64xbf16, #tpu.memory_space<vmem>>
        %dma_wait3A_285 = arith.constant 0 : i32
        %dma_wait3A_286 = tpu.memref_slice %arg10[%add3A_279, %dma_wait3A_285] : memref<79x128xi32, #tpu.memory_space<vmem>> -> memref<1x128xi32, #tpu.memory_space<vmem>>
        %dma_wait3A_287 = tpu.memref_squeeze %dma_wait3A_286 : memref<1x128xi32, #tpu.memory_space<vmem>> -> memref<128xi32, #tpu.memory_space<vmem>>
        %dma_wait3A_288 = arith.constant 0 : i32
        %dma_wait3A_289 = arith.constant 0 : i32
        %dma_wait3A_290 = tpu.memref_slice %arg2[%dma_wait3A_288, %dma_wait3A_289] : memref<10112x64xbf16, #tpu.memory_space<hbm>> -> memref<10112x64xbf16, #tpu.memory_space<hbm>>
        tpu.wait_indirect_dma semaphore(%arg17 : memref<!tpu.dma_semaphore, #tpu.memory_space<semaphore_mem>>) src(%dma_wait3A_290 : memref<10112x64xbf16, #tpu.memory_space<hbm>>) dst(%dma_wait3A_284 : memref<128x64xbf16, #tpu.memory_space<vmem>>)
        %dma_wait3A_291 = arith.constant 3 : i32
        %dma_wait3A_292 = arith.constant 0 : i32
        %dma_wait3A_293 = arith.constant 0 : i32
        %dma_wait3A_294 = tpu.memref_slice %arg13[%dma_wait3A_291, %dma_wait3A_292, %dma_wait3A_293] : memref<6x128x8xf32, #tpu.memory_space<vmem>> -> memref<1x128x8xf32, #tpu.memory_space<vmem>>
        %dma_wait3A_295 = tpu.memref_squeeze %dma_wait3A_294 : memref<1x128x8xf32, #tpu.memory_space<vmem>> -> memref<128x8xf32, #tpu.memory_space<vmem>>
        %dma_wait3A_296 = arith.constant 0 : i32
        %dma_wait3A_297 = tpu.memref_slice %arg11[%add3A_279, %dma_wait3A_296] : memref<79x128xi32, #tpu.memory_space<vmem>> -> memref<1x128xi32, #tpu.memory_space<vmem>>
        %dma_wait3A_298 = tpu.memref_squeeze %dma_wait3A_297 : memref<1x128xi32, #tpu.memory_space<vmem>> -> memref<128xi32, #tpu.memory_space<vmem>>
        %dma_wait3A_299 = arith.constant 0 : i32
        %dma_wait3A_300 = arith.constant 0 : i32
        %dma_wait3A_301 = tpu.memref_slice %arg3[%dma_wait3A_299, %dma_wait3A_300] : memref<10112x8xf32, #tpu.memory_space<hbm>> -> memref<10112x8xf32, #tpu.memory_space<hbm>>
        tpu.wait_indirect_dma semaphore(%arg17 : memref<!tpu.dma_semaphore, #tpu.memory_space<semaphore_mem>>) src(%dma_wait3A_301 : memref<10112x8xf32, #tpu.memory_space<hbm>>) dst(%dma_wait3A_295 : memref<128x8xf32, #tpu.memory_space<vmem>>)
        %mul3A_302 = arith.constant 3 : i32
        %mul3A_303 = arith.muli %scan3A_232, %mul3A_302 : i32
        %add3A_304 = arith.constant 1 : i32
        %add3A_305 = arith.addi %mul3A_303, %add3A_304 : i32
        %dma_wait3A_306 = arith.constant 4 : i32
        %dma_wait3A_307 = arith.constant 0 : i32
        %dma_wait3A_308 = arith.constant 0 : i32
        %dma_wait3A_309 = tpu.memref_slice %arg12[%dma_wait3A_306, %dma_wait3A_307, %dma_wait3A_308] : memref<6x128x64xbf16, #tpu.memory_space<vmem>> -> memref<1x128x64xbf16, #tpu.memory_space<vmem>>
        %dma_wait3A_310 = tpu.memref_squeeze %dma_wait3A_309 : memref<1x128x64xbf16, #tpu.memory_space<vmem>> -> memref<128x64xbf16, #tpu.memory_space<vmem>>
        %dma_wait3A_311 = arith.constant 0 : i32
        %dma_wait3A_312 = tpu.memref_slice %arg10[%add3A_305, %dma_wait3A_311] : memref<79x128xi32, #tpu.memory_space<vmem>> -> memref<1x128xi32, #tpu.memory_space<vmem>>
        %dma_wait3A_313 = tpu.memref_squeeze %dma_wait3A_312 : memref<1x128xi32, #tpu.memory_space<vmem>> -> memref<128xi32, #tpu.memory_space<vmem>>
        %dma_wait3A_314 = arith.constant 0 : i32
        %dma_wait3A_315 = arith.constant 0 : i32
        %dma_wait3A_316 = tpu.memref_slice %arg2[%dma_wait3A_314, %dma_wait3A_315] : memref<10112x64xbf16, #tpu.memory_space<hbm>> -> memref<10112x64xbf16, #tpu.memory_space<hbm>>
        tpu.wait_indirect_dma semaphore(%arg17 : memref<!tpu.dma_semaphore, #tpu.memory_space<semaphore_mem>>) src(%dma_wait3A_316 : memref<10112x64xbf16, #tpu.memory_space<hbm>>) dst(%dma_wait3A_310 : memref<128x64xbf16, #tpu.memory_space<vmem>>)
        %dma_wait3A_317 = arith.constant 4 : i32
        %dma_wait3A_318 = arith.constant 0 : i32
        %dma_wait3A_319 = arith.constant 0 : i32
        %dma_wait3A_320 = tpu.memref_slice %arg13[%dma_wait3A_317, %dma_wait3A_318, %dma_wait3A_319] : memref<6x128x8xf32, #tpu.memory_space<vmem>> -> memref<1x128x8xf32, #tpu.memory_space<vmem>>
        %dma_wait3A_321 = tpu.memref_squeeze %dma_wait3A_320 : memref<1x128x8xf32, #tpu.memory_space<vmem>> -> memref<128x8xf32, #tpu.memory_space<vmem>>
        %dma_wait3A_322 = arith.constant 0 : i32
        %dma_wait3A_323 = tpu.memref_slice %arg11[%add3A_305, %dma_wait3A_322] : memref<79x128xi32, #tpu.memory_space<vmem>> -> memref<1x128xi32, #tpu.memory_space<vmem>>
        %dma_wait3A_324 = tpu.memref_squeeze %dma_wait3A_323 : memref<1x128xi32, #tpu.memory_space<vmem>> -> memref<128xi32, #tpu.memory_space<vmem>>
        %dma_wait3A_325 = arith.constant 0 : i32
        %dma_wait3A_326 = arith.constant 0 : i32
        %dma_wait3A_327 = tpu.memref_slice %arg3[%dma_wait3A_325, %dma_wait3A_326] : memref<10112x8xf32, #tpu.memory_space<hbm>> -> memref<10112x8xf32, #tpu.memory_space<hbm>>
        tpu.wait_indirect_dma semaphore(%arg17 : memref<!tpu.dma_semaphore, #tpu.memory_space<semaphore_mem>>) src(%dma_wait3A_327 : memref<10112x8xf32, #tpu.memory_space<hbm>>) dst(%dma_wait3A_321 : memref<128x8xf32, #tpu.memory_space<vmem>>)
        %mul3A_328 = arith.constant 3 : i32
        %mul3A_329 = arith.muli %scan3A_232, %mul3A_328 : i32
        %add3A_330 = arith.constant 2 : i32
        %add3A_331 = arith.addi %mul3A_329, %add3A_330 : i32
        %dma_wait3A_332 = arith.constant 5 : i32
        %dma_wait3A_333 = arith.constant 0 : i32
        %dma_wait3A_334 = arith.constant 0 : i32
        %dma_wait3A_335 = tpu.memref_slice %arg12[%dma_wait3A_332, %dma_wait3A_333, %dma_wait3A_334] : memref<6x128x64xbf16, #tpu.memory_space<vmem>> -> memref<1x128x64xbf16, #tpu.memory_space<vmem>>
        %dma_wait3A_336 = tpu.memref_squeeze %dma_wait3A_335 : memref<1x128x64xbf16, #tpu.memory_space<vmem>> -> memref<128x64xbf16, #tpu.memory_space<vmem>>
        %dma_wait3A_337 = arith.constant 0 : i32
        %dma_wait3A_338 = tpu.memref_slice %arg10[%add3A_331, %dma_wait3A_337] : memref<79x128xi32, #tpu.memory_space<vmem>> -> memref<1x128xi32, #tpu.memory_space<vmem>>
        %dma_wait3A_339 = tpu.memref_squeeze %dma_wait3A_338 : memref<1x128xi32, #tpu.memory_space<vmem>> -> memref<128xi32, #tpu.memory_space<vmem>>
        %dma_wait3A_340 = arith.constant 0 : i32
        %dma_wait3A_341 = arith.constant 0 : i32
        %dma_wait3A_342 = tpu.memref_slice %arg2[%dma_wait3A_340, %dma_wait3A_341] : memref<10112x64xbf16, #tpu.memory_space<hbm>> -> memref<10112x64xbf16, #tpu.memory_space<hbm>>
        tpu.wait_indirect_dma semaphore(%arg17 : memref<!tpu.dma_semaphore, #tpu.memory_space<semaphore_mem>>) src(%dma_wait3A_342 : memref<10112x64xbf16, #tpu.memory_space<hbm>>) dst(%dma_wait3A_336 : memref<128x64xbf16, #tpu.memory_space<vmem>>)
        %dma_wait3A_343 = arith.constant 5 : i32
        %dma_wait3A_344 = arith.constant 0 : i32
        %dma_wait3A_345 = arith.constant 0 : i32
        %dma_wait3A_346 = tpu.memref_slice %arg13[%dma_wait3A_343, %dma_wait3A_344, %dma_wait3A_345] : memref<6x128x8xf32, #tpu.memory_space<vmem>> -> memref<1x128x8xf32, #tpu.memory_space<vmem>>
        %dma_wait3A_347 = tpu.memref_squeeze %dma_wait3A_346 : memref<1x128x8xf32, #tpu.memory_space<vmem>> -> memref<128x8xf32, #tpu.memory_space<vmem>>
        %dma_wait3A_348 = arith.constant 0 : i32
        %dma_wait3A_349 = tpu.memref_slice %arg11[%add3A_331, %dma_wait3A_348] : memref<79x128xi32, #tpu.memory_space<vmem>> -> memref<1x128xi32, #tpu.memory_space<vmem>>
        %dma_wait3A_350 = tpu.memref_squeeze %dma_wait3A_349 : memref<1x128xi32, #tpu.memory_space<vmem>> -> memref<128xi32, #tpu.memory_space<vmem>>
        %dma_wait3A_351 = arith.constant 0 : i32
        %dma_wait3A_352 = arith.constant 0 : i32
        %dma_wait3A_353 = tpu.memref_slice %arg3[%dma_wait3A_351, %dma_wait3A_352] : memref<10112x8xf32, #tpu.memory_space<hbm>> -> memref<10112x8xf32, #tpu.memory_space<hbm>>
        tpu.wait_indirect_dma semaphore(%arg17 : memref<!tpu.dma_semaphore, #tpu.memory_space<semaphore_mem>>) src(%dma_wait3A_353 : memref<10112x8xf32, #tpu.memory_space<hbm>>) dst(%dma_wait3A_347 : memref<128x8xf32, #tpu.memory_space<vmem>>)
        %mul3A_354 = arith.constant 3 : i32
        %mul3A_355 = arith.muli %scan3A_232, %mul3A_354 : i32
        %add3A_356 = arith.constant 0 : i32
        %add3A_357 = arith.addi %mul3A_355, %add3A_356 : i32
        %dma_start3A_358 = arith.constant 3 : i32
        %dma_start3A_359 = arith.constant 0 : i32
        %dma_start3A_360 = arith.constant 0 : i32
        %dma_start3A_361 = tpu.memref_slice %arg12[%dma_start3A_358, %dma_start3A_359, %dma_start3A_360] : memref<6x128x64xbf16, #tpu.memory_space<vmem>> -> memref<1x128x64xbf16, #tpu.memory_space<vmem>>
        %dma_start3A_362 = tpu.memref_squeeze %dma_start3A_361 : memref<1x128x64xbf16, #tpu.memory_space<vmem>> -> memref<128x64xbf16, #tpu.memory_space<vmem>>
        %dma_start3A_363 = arith.constant 0 : i32
        %dma_start3A_364 = tpu.memref_slice %arg11[%add3A_357, %dma_start3A_363] : memref<79x128xi32, #tpu.memory_space<vmem>> -> memref<1x128xi32, #tpu.memory_space<vmem>>
        %dma_start3A_365 = tpu.memref_squeeze %dma_start3A_364 : memref<1x128xi32, #tpu.memory_space<vmem>> -> memref<128xi32, #tpu.memory_space<vmem>>
        %dma_start3A_366 = arith.constant 0 : i32
        %dma_start3A_367 = arith.constant 0 : i32
        %dma_start3A_368 = tpu.memref_slice %arg14[%dma_start3A_366, %dma_start3A_367] : memref<10112x64xbf16, #tpu.memory_space<vmem_shared>> -> memref<10112x64xbf16, #tpu.memory_space<vmem_shared>>
        tpu.enqueue_indirect_dma source(%dma_start3A_362 : memref<128x64xbf16, #tpu.memory_space<vmem>>) target(%dma_start3A_368 : memref<10112x64xbf16, #tpu.memory_space<vmem_shared>>) offsets(%dma_start3A_365 : memref<128xi32, #tpu.memory_space<vmem>>) semaphore(%arg19 : memref<!tpu.dma_semaphore, #tpu.memory_space<semaphore_mem>>) {add = true}
        %dma_start3A_369 = arith.constant 3 : i32
        %dma_start3A_370 = arith.constant 0 : i32
        %dma_start3A_371 = arith.constant 0 : i32
        %dma_start3A_372 = tpu.memref_slice %arg13[%dma_start3A_369, %dma_start3A_370, %dma_start3A_371] : memref<6x128x8xf32, #tpu.memory_space<vmem>> -> memref<1x128x8xf32, #tpu.memory_space<vmem>>
        %dma_start3A_373 = tpu.memref_squeeze %dma_start3A_372 : memref<1x128x8xf32, #tpu.memory_space<vmem>> -> memref<128x8xf32, #tpu.memory_space<vmem>>
        %dma_start3A_374 = arith.constant 0 : i32
        %dma_start3A_375 = tpu.memref_slice %arg10[%add3A_357, %dma_start3A_374] : memref<79x128xi32, #tpu.memory_space<vmem>> -> memref<1x128xi32, #tpu.memory_space<vmem>>
        %dma_start3A_376 = tpu.memref_squeeze %dma_start3A_375 : memref<1x128xi32, #tpu.memory_space<vmem>> -> memref<128xi32, #tpu.memory_space<vmem>>
        %dma_start3A_377 = arith.constant 0 : i32
        %dma_start3A_378 = arith.constant 0 : i32
        %dma_start3A_379 = tpu.memref_slice %arg15[%dma_start3A_377, %dma_start3A_378] : memref<10112x8xf32, #tpu.memory_space<vmem_shared>> -> memref<10112x8xf32, #tpu.memory_space<vmem_shared>>
        tpu.enqueue_indirect_dma source(%dma_start3A_373 : memref<128x8xf32, #tpu.memory_space<vmem>>) target(%dma_start3A_379 : memref<10112x8xf32, #tpu.memory_space<vmem_shared>>) offsets(%dma_start3A_376 : memref<128xi32, #tpu.memory_space<vmem>>) semaphore(%arg21 : memref<!tpu.dma_semaphore, #tpu.memory_space<semaphore_mem>>) {add = true}
        %mul3A_380 = arith.constant 3 : i32
        %mul3A_381 = arith.muli %scan3A_232, %mul3A_380 : i32
        %add3A_382 = arith.constant 1 : i32
        %add3A_383 = arith.addi %mul3A_381, %add3A_382 : i32
        %dma_start3A_384 = arith.constant 4 : i32
        %dma_start3A_385 = arith.constant 0 : i32
        %dma_start3A_386 = arith.constant 0 : i32
        %dma_start3A_387 = tpu.memref_slice %arg12[%dma_start3A_384, %dma_start3A_385, %dma_start3A_386] : memref<6x128x64xbf16, #tpu.memory_space<vmem>> -> memref<1x128x64xbf16, #tpu.memory_space<vmem>>
        %dma_start3A_388 = tpu.memref_squeeze %dma_start3A_387 : memref<1x128x64xbf16, #tpu.memory_space<vmem>> -> memref<128x64xbf16, #tpu.memory_space<vmem>>
        %dma_start3A_389 = arith.constant 0 : i32
        %dma_start3A_390 = tpu.memref_slice %arg11[%add3A_383, %dma_start3A_389] : memref<79x128xi32, #tpu.memory_space<vmem>> -> memref<1x128xi32, #tpu.memory_space<vmem>>
        %dma_start3A_391 = tpu.memref_squeeze %dma_start3A_390 : memref<1x128xi32, #tpu.memory_space<vmem>> -> memref<128xi32, #tpu.memory_space<vmem>>
        %dma_start3A_392 = arith.constant 0 : i32
        %dma_start3A_393 = arith.constant 0 : i32
        %dma_start3A_394 = tpu.memref_slice %arg14[%dma_start3A_392, %dma_start3A_393] : memref<10112x64xbf16, #tpu.memory_space<vmem_shared>> -> memref<10112x64xbf16, #tpu.memory_space<vmem_shared>>
        tpu.enqueue_indirect_dma source(%dma_start3A_388 : memref<128x64xbf16, #tpu.memory_space<vmem>>) target(%dma_start3A_394 : memref<10112x64xbf16, #tpu.memory_space<vmem_shared>>) offsets(%dma_start3A_391 : memref<128xi32, #tpu.memory_space<vmem>>) semaphore(%arg19 : memref<!tpu.dma_semaphore, #tpu.memory_space<semaphore_mem>>) {add = true}
        %dma_start3A_395 = arith.constant 4 : i32
        %dma_start3A_396 = arith.constant 0 : i32
        %dma_start3A_397 = arith.constant 0 : i32
        %dma_start3A_398 = tpu.memref_slice %arg13[%dma_start3A_395, %dma_start3A_396, %dma_start3A_397] : memref<6x128x8xf32, #tpu.memory_space<vmem>> -> memref<1x128x8xf32, #tpu.memory_space<vmem>>
        %dma_start3A_399 = tpu.memref_squeeze %dma_start3A_398 : memref<1x128x8xf32, #tpu.memory_space<vmem>> -> memref<128x8xf32, #tpu.memory_space<vmem>>
        %dma_start3A_400 = arith.constant 0 : i32
        %dma_start3A_401 = tpu.memref_slice %arg10[%add3A_383, %dma_start3A_400] : memref<79x128xi32, #tpu.memory_space<vmem>> -> memref<1x128xi32, #tpu.memory_space<vmem>>
        %dma_start3A_402 = tpu.memref_squeeze %dma_start3A_401 : memref<1x128xi32, #tpu.memory_space<vmem>> -> memref<128xi32, #tpu.memory_space<vmem>>
        %dma_start3A_403 = arith.constant 0 : i32
        %dma_start3A_404 = arith.constant 0 : i32
        %dma_start3A_405 = tpu.memref_slice %arg15[%dma_start3A_403, %dma_start3A_404] : memref<10112x8xf32, #tpu.memory_space<vmem_shared>> -> memref<10112x8xf32, #tpu.memory_space<vmem_shared>>
        tpu.enqueue_indirect_dma source(%dma_start3A_399 : memref<128x8xf32, #tpu.memory_space<vmem>>) target(%dma_start3A_405 : memref<10112x8xf32, #tpu.memory_space<vmem_shared>>) offsets(%dma_start3A_402 : memref<128xi32, #tpu.memory_space<vmem>>) semaphore(%arg21 : memref<!tpu.dma_semaphore, #tpu.memory_space<semaphore_mem>>) {add = true}
        %mul3A_406 = arith.constant 3 : i32
        %mul3A_407 = arith.muli %scan3A_232, %mul3A_406 : i32
        %add3A_408 = arith.constant 2 : i32
        %add3A_409 = arith.addi %mul3A_407, %add3A_408 : i32
        %dma_start3A_410 = arith.constant 5 : i32
        %dma_start3A_411 = arith.constant 0 : i32
        %dma_start3A_412 = arith.constant 0 : i32
        %dma_start3A_413 = tpu.memref_slice %arg12[%dma_start3A_410, %dma_start3A_411, %dma_start3A_412] : memref<6x128x64xbf16, #tpu.memory_space<vmem>> -> memref<1x128x64xbf16, #tpu.memory_space<vmem>>
        %dma_start3A_414 = tpu.memref_squeeze %dma_start3A_413 : memref<1x128x64xbf16, #tpu.memory_space<vmem>> -> memref<128x64xbf16, #tpu.memory_space<vmem>>
        %dma_start3A_415 = arith.constant 0 : i32
        %dma_start3A_416 = tpu.memref_slice %arg11[%add3A_409, %dma_start3A_415] : memref<79x128xi32, #tpu.memory_space<vmem>> -> memref<1x128xi32, #tpu.memory_space<vmem>>
        %dma_start3A_417 = tpu.memref_squeeze %dma_start3A_416 : memref<1x128xi32, #tpu.memory_space<vmem>> -> memref<128xi32, #tpu.memory_space<vmem>>
        %dma_start3A_418 = arith.constant 0 : i32
        %dma_start3A_419 = arith.constant 0 : i32
        %dma_start3A_420 = tpu.memref_slice %arg14[%dma_start3A_418, %dma_start3A_419] : memref<10112x64xbf16, #tpu.memory_space<vmem_shared>> -> memref<10112x64xbf16, #tpu.memory_space<vmem_shared>>
        tpu.enqueue_indirect_dma source(%dma_start3A_414 : memref<128x64xbf16, #tpu.memory_space<vmem>>) target(%dma_start3A_420 : memref<10112x64xbf16, #tpu.memory_space<vmem_shared>>) offsets(%dma_start3A_417 : memref<128xi32, #tpu.memory_space<vmem>>) semaphore(%arg19 : memref<!tpu.dma_semaphore, #tpu.memory_space<semaphore_mem>>) {add = true}
        %dma_start3A_421 = arith.constant 5 : i32
        %dma_start3A_422 = arith.constant 0 : i32
        %dma_start3A_423 = arith.constant 0 : i32
        %dma_start3A_424 = tpu.memref_slice %arg13[%dma_start3A_421, %dma_start3A_422, %dma_start3A_423] : memref<6x128x8xf32, #tpu.memory_space<vmem>> -> memref<1x128x8xf32, #tpu.memory_space<vmem>>
        %dma_start3A_425 = tpu.memref_squeeze %dma_start3A_424 : memref<1x128x8xf32, #tpu.memory_space<vmem>> -> memref<128x8xf32, #tpu.memory_space<vmem>>
        %dma_start3A_426 = arith.constant 0 : i32
        %dma_start3A_427 = tpu.memref_slice %arg10[%add3A_409, %dma_start3A_426] : memref<79x128xi32, #tpu.memory_space<vmem>> -> memref<1x128xi32, #tpu.memory_space<vmem>>
        %dma_start3A_428 = tpu.memref_squeeze %dma_start3A_427 : memref<1x128xi32, #tpu.memory_space<vmem>> -> memref<128xi32, #tpu.memory_space<vmem>>
        %dma_start3A_429 = arith.constant 0 : i32
        %dma_start3A_430 = arith.constant 0 : i32
        %dma_start3A_431 = tpu.memref_slice %arg15[%dma_start3A_429, %dma_start3A_430] : memref<10112x8xf32, #tpu.memory_space<vmem_shared>> -> memref<10112x8xf32, #tpu.memory_space<vmem_shared>>
        tpu.enqueue_indirect_dma source(%dma_start3A_425 : memref<128x8xf32, #tpu.memory_space<vmem>>) target(%dma_start3A_431 : memref<10112x8xf32, #tpu.memory_space<vmem_shared>>) offsets(%dma_start3A_428 : memref<128xi32, #tpu.memory_space<vmem>>) semaphore(%arg21 : memref<!tpu.dma_semaphore, #tpu.memory_space<semaphore_mem>>) {add = true}
      } else {
      }
    }
    %scan3A_84 = arith.constant 26 : i32
    %dma_wait3A = arith.constant 0 : i32
    %dma_wait3A_85 = arith.constant 0 : i32
    %dma_wait3A_86 = arith.constant 0 : i32
    %dma_wait3A_87 = arith.constant 0 : i32
    %dma_wait3A_88 = tpu.memref_slice %arg12[%dma_wait3A, %dma_wait3A_86, %dma_wait3A_87] : memref<6x128x64xbf16, #tpu.memory_space<vmem>> -> memref<1x128x64xbf16, #tpu.memory_space<vmem>>
    %dma_wait3A_89 = tpu.memref_squeeze %dma_wait3A_88 : memref<1x128x64xbf16, #tpu.memory_space<vmem>> -> memref<128x64xbf16, #tpu.memory_space<vmem>>
    %dma_wait3A_90 = arith.constant 0 : i32
    %dma_wait3A_91 = tpu.memref_slice %arg11[%dma_wait3A_85, %dma_wait3A_90] : memref<79x128xi32, #tpu.memory_space<vmem>> -> memref<1x128xi32, #tpu.memory_space<vmem>>
    %dma_wait3A_92 = tpu.memref_squeeze %dma_wait3A_91 : memref<1x128xi32, #tpu.memory_space<vmem>> -> memref<128xi32, #tpu.memory_space<vmem>>
    %dma_wait3A_93 = arith.constant 0 : i32
    %dma_wait3A_94 = arith.constant 0 : i32
    %dma_wait3A_95 = tpu.memref_slice %arg14[%dma_wait3A_93, %dma_wait3A_94] : memref<10112x64xbf16, #tpu.memory_space<vmem_shared>> -> memref<10112x64xbf16, #tpu.memory_space<vmem_shared>>
    tpu.wait_indirect_dma semaphore(%arg18 : memref<!tpu.dma_semaphore, #tpu.memory_space<semaphore_mem>>) src(%dma_wait3A_89 : memref<128x64xbf16, #tpu.memory_space<vmem>>) dst(%dma_wait3A_95 : memref<10112x64xbf16, #tpu.memory_space<vmem_shared>>)
    %dma_wait3A_96 = arith.constant 3 : i32
    %dma_wait3A_97 = arith.constant 0 : i32
    %dma_wait3A_98 = arith.constant 0 : i32
    %dma_wait3A_99 = arith.constant 0 : i32
    %dma_wait3A_100 = tpu.memref_slice %arg12[%dma_wait3A_96, %dma_wait3A_98, %dma_wait3A_99] : memref<6x128x64xbf16, #tpu.memory_space<vmem>> -> memref<1x128x64xbf16, #tpu.memory_space<vmem>>
    %dma_wait3A_101 = tpu.memref_squeeze %dma_wait3A_100 : memref<1x128x64xbf16, #tpu.memory_space<vmem>> -> memref<128x64xbf16, #tpu.memory_space<vmem>>
    %dma_wait3A_102 = arith.constant 0 : i32
    %dma_wait3A_103 = tpu.memref_slice %arg11[%dma_wait3A_97, %dma_wait3A_102] : memref<79x128xi32, #tpu.memory_space<vmem>> -> memref<1x128xi32, #tpu.memory_space<vmem>>
    %dma_wait3A_104 = tpu.memref_squeeze %dma_wait3A_103 : memref<1x128xi32, #tpu.memory_space<vmem>> -> memref<128xi32, #tpu.memory_space<vmem>>
    %dma_wait3A_105 = arith.constant 0 : i32
    %dma_wait3A_106 = arith.constant 0 : i32
    %dma_wait3A_107 = tpu.memref_slice %arg14[%dma_wait3A_105, %dma_wait3A_106] : memref<10112x64xbf16, #tpu.memory_space<vmem_shared>> -> memref<10112x64xbf16, #tpu.memory_space<vmem_shared>>
    tpu.wait_indirect_dma semaphore(%arg19 : memref<!tpu.dma_semaphore, #tpu.memory_space<semaphore_mem>>) src(%dma_wait3A_101 : memref<128x64xbf16, #tpu.memory_space<vmem>>) dst(%dma_wait3A_107 : memref<10112x64xbf16, #tpu.memory_space<vmem_shared>>)
    %dma_wait3A_108 = arith.constant 0 : i32
    %dma_wait3A_109 = arith.constant 0 : i32
    %dma_wait3A_110 = arith.constant 0 : i32
    %dma_wait3A_111 = arith.constant 0 : i32
    %dma_wait3A_112 = tpu.memref_slice %arg13[%dma_wait3A_108, %dma_wait3A_110, %dma_wait3A_111] : memref<6x128x8xf32, #tpu.memory_space<vmem>> -> memref<1x128x8xf32, #tpu.memory_space<vmem>>
    %dma_wait3A_113 = tpu.memref_squeeze %dma_wait3A_112 : memref<1x128x8xf32, #tpu.memory_space<vmem>> -> memref<128x8xf32, #tpu.memory_space<vmem>>
    %dma_wait3A_114 = arith.constant 0 : i32
    %dma_wait3A_115 = tpu.memref_slice %arg10[%dma_wait3A_109, %dma_wait3A_114] : memref<79x128xi32, #tpu.memory_space<vmem>> -> memref<1x128xi32, #tpu.memory_space<vmem>>
    %dma_wait3A_116 = tpu.memref_squeeze %dma_wait3A_115 : memref<1x128xi32, #tpu.memory_space<vmem>> -> memref<128xi32, #tpu.memory_space<vmem>>
    %dma_wait3A_117 = arith.constant 0 : i32
    %dma_wait3A_118 = arith.constant 0 : i32
    %dma_wait3A_119 = tpu.memref_slice %arg15[%dma_wait3A_117, %dma_wait3A_118] : memref<10112x8xf32, #tpu.memory_space<vmem_shared>> -> memref<10112x8xf32, #tpu.memory_space<vmem_shared>>
    tpu.wait_indirect_dma semaphore(%arg20 : memref<!tpu.dma_semaphore, #tpu.memory_space<semaphore_mem>>) src(%dma_wait3A_113 : memref<128x8xf32, #tpu.memory_space<vmem>>) dst(%dma_wait3A_119 : memref<10112x8xf32, #tpu.memory_space<vmem_shared>>)
    %dma_wait3A_120 = arith.constant 3 : i32
    %dma_wait3A_121 = arith.constant 0 : i32
    %dma_wait3A_122 = arith.constant 0 : i32
    %dma_wait3A_123 = arith.constant 0 : i32
    %dma_wait3A_124 = tpu.memref_slice %arg13[%dma_wait3A_120, %dma_wait3A_122, %dma_wait3A_123] : memref<6x128x8xf32, #tpu.memory_space<vmem>> -> memref<1x128x8xf32, #tpu.memory_space<vmem>>
    %dma_wait3A_125 = tpu.memref_squeeze %dma_wait3A_124 : memref<1x128x8xf32, #tpu.memory_space<vmem>> -> memref<128x8xf32, #tpu.memory_space<vmem>>
    %dma_wait3A_126 = arith.constant 0 : i32
    %dma_wait3A_127 = tpu.memref_slice %arg10[%dma_wait3A_121, %dma_wait3A_126] : memref<79x128xi32, #tpu.memory_space<vmem>> -> memref<1x128xi32, #tpu.memory_space<vmem>>
    %dma_wait3A_128 = tpu.memref_squeeze %dma_wait3A_127 : memref<1x128xi32, #tpu.memory_space<vmem>> -> memref<128xi32, #tpu.memory_space<vmem>>
    %dma_wait3A_129 = arith.constant 0 : i32
    %dma_wait3A_130 = arith.constant 0 : i32
    %dma_wait3A_131 = tpu.memref_slice %arg15[%dma_wait3A_129, %dma_wait3A_130] : memref<10112x8xf32, #tpu.memory_space<vmem_shared>> -> memref<10112x8xf32, #tpu.memory_space<vmem_shared>>
    tpu.wait_indirect_dma semaphore(%arg21 : memref<!tpu.dma_semaphore, #tpu.memory_space<semaphore_mem>>) src(%dma_wait3A_125 : memref<128x8xf32, #tpu.memory_space<vmem>>) dst(%dma_wait3A_131 : memref<10112x8xf32, #tpu.memory_space<vmem_shared>>)
    %dma_wait3A_132 = arith.constant 1 : i32
    %dma_wait3A_133 = arith.constant 0 : i32
    %dma_wait3A_134 = arith.constant 0 : i32
    %dma_wait3A_135 = arith.constant 0 : i32
    %dma_wait3A_136 = tpu.memref_slice %arg12[%dma_wait3A_132, %dma_wait3A_134, %dma_wait3A_135] : memref<6x128x64xbf16, #tpu.memory_space<vmem>> -> memref<1x128x64xbf16, #tpu.memory_space<vmem>>
    %dma_wait3A_137 = tpu.memref_squeeze %dma_wait3A_136 : memref<1x128x64xbf16, #tpu.memory_space<vmem>> -> memref<128x64xbf16, #tpu.memory_space<vmem>>
    %dma_wait3A_138 = arith.constant 0 : i32
    %dma_wait3A_139 = tpu.memref_slice %arg11[%dma_wait3A_133, %dma_wait3A_138] : memref<79x128xi32, #tpu.memory_space<vmem>> -> memref<1x128xi32, #tpu.memory_space<vmem>>
    %dma_wait3A_140 = tpu.memref_squeeze %dma_wait3A_139 : memref<1x128xi32, #tpu.memory_space<vmem>> -> memref<128xi32, #tpu.memory_space<vmem>>
    %dma_wait3A_141 = arith.constant 0 : i32
    %dma_wait3A_142 = arith.constant 0 : i32
    %dma_wait3A_143 = tpu.memref_slice %arg14[%dma_wait3A_141, %dma_wait3A_142] : memref<10112x64xbf16, #tpu.memory_space<vmem_shared>> -> memref<10112x64xbf16, #tpu.memory_space<vmem_shared>>
    tpu.wait_indirect_dma semaphore(%arg18 : memref<!tpu.dma_semaphore, #tpu.memory_space<semaphore_mem>>) src(%dma_wait3A_137 : memref<128x64xbf16, #tpu.memory_space<vmem>>) dst(%dma_wait3A_143 : memref<10112x64xbf16, #tpu.memory_space<vmem_shared>>)
    %dma_wait3A_144 = arith.constant 4 : i32
    %dma_wait3A_145 = arith.constant 0 : i32
    %dma_wait3A_146 = arith.constant 0 : i32
    %dma_wait3A_147 = arith.constant 0 : i32
    %dma_wait3A_148 = tpu.memref_slice %arg12[%dma_wait3A_144, %dma_wait3A_146, %dma_wait3A_147] : memref<6x128x64xbf16, #tpu.memory_space<vmem>> -> memref<1x128x64xbf16, #tpu.memory_space<vmem>>
    %dma_wait3A_149 = tpu.memref_squeeze %dma_wait3A_148 : memref<1x128x64xbf16, #tpu.memory_space<vmem>> -> memref<128x64xbf16, #tpu.memory_space<vmem>>
    %dma_wait3A_150 = arith.constant 0 : i32
    %dma_wait3A_151 = tpu.memref_slice %arg11[%dma_wait3A_145, %dma_wait3A_150] : memref<79x128xi32, #tpu.memory_space<vmem>> -> memref<1x128xi32, #tpu.memory_space<vmem>>
    %dma_wait3A_152 = tpu.memref_squeeze %dma_wait3A_151 : memref<1x128xi32, #tpu.memory_space<vmem>> -> memref<128xi32, #tpu.memory_space<vmem>>
    %dma_wait3A_153 = arith.constant 0 : i32
    %dma_wait3A_154 = arith.constant 0 : i32
    %dma_wait3A_155 = tpu.memref_slice %arg14[%dma_wait3A_153, %dma_wait3A_154] : memref<10112x64xbf16, #tpu.memory_space<vmem_shared>> -> memref<10112x64xbf16, #tpu.memory_space<vmem_shared>>
    tpu.wait_indirect_dma semaphore(%arg19 : memref<!tpu.dma_semaphore, #tpu.memory_space<semaphore_mem>>) src(%dma_wait3A_149 : memref<128x64xbf16, #tpu.memory_space<vmem>>) dst(%dma_wait3A_155 : memref<10112x64xbf16, #tpu.memory_space<vmem_shared>>)
    %dma_wait3A_156 = arith.constant 1 : i32
    %dma_wait3A_157 = arith.constant 0 : i32
    %dma_wait3A_158 = arith.constant 0 : i32
    %dma_wait3A_159 = arith.constant 0 : i32
    %dma_wait3A_160 = tpu.memref_slice %arg13[%dma_wait3A_156, %dma_wait3A_158, %dma_wait3A_159] : memref<6x128x8xf32, #tpu.memory_space<vmem>> -> memref<1x128x8xf32, #tpu.memory_space<vmem>>
    %dma_wait3A_161 = tpu.memref_squeeze %dma_wait3A_160 : memref<1x128x8xf32, #tpu.memory_space<vmem>> -> memref<128x8xf32, #tpu.memory_space<vmem>>
    %dma_wait3A_162 = arith.constant 0 : i32
    %dma_wait3A_163 = tpu.memref_slice %arg10[%dma_wait3A_157, %dma_wait3A_162] : memref<79x128xi32, #tpu.memory_space<vmem>> -> memref<1x128xi32, #tpu.memory_space<vmem>>
    %dma_wait3A_164 = tpu.memref_squeeze %dma_wait3A_163 : memref<1x128xi32, #tpu.memory_space<vmem>> -> memref<128xi32, #tpu.memory_space<vmem>>
    %dma_wait3A_165 = arith.constant 0 : i32
    %dma_wait3A_166 = arith.constant 0 : i32
    %dma_wait3A_167 = tpu.memref_slice %arg15[%dma_wait3A_165, %dma_wait3A_166] : memref<10112x8xf32, #tpu.memory_space<vmem_shared>> -> memref<10112x8xf32, #tpu.memory_space<vmem_shared>>
    tpu.wait_indirect_dma semaphore(%arg20 : memref<!tpu.dma_semaphore, #tpu.memory_space<semaphore_mem>>) src(%dma_wait3A_161 : memref<128x8xf32, #tpu.memory_space<vmem>>) dst(%dma_wait3A_167 : memref<10112x8xf32, #tpu.memory_space<vmem_shared>>)
    %dma_wait3A_168 = arith.constant 4 : i32
    %dma_wait3A_169 = arith.constant 0 : i32
    %dma_wait3A_170 = arith.constant 0 : i32
    %dma_wait3A_171 = arith.constant 0 : i32
    %dma_wait3A_172 = tpu.memref_slice %arg13[%dma_wait3A_168, %dma_wait3A_170, %dma_wait3A_171] : memref<6x128x8xf32, #tpu.memory_space<vmem>> -> memref<1x128x8xf32, #tpu.memory_space<vmem>>
    %dma_wait3A_173 = tpu.memref_squeeze %dma_wait3A_172 : memref<1x128x8xf32, #tpu.memory_space<vmem>> -> memref<128x8xf32, #tpu.memory_space<vmem>>
    %dma_wait3A_174 = arith.constant 0 : i32
    %dma_wait3A_175 = tpu.memref_slice %arg10[%dma_wait3A_169, %dma_wait3A_174] : memref<79x128xi32, #tpu.memory_space<vmem>> -> memref<1x128xi32, #tpu.memory_space<vmem>>
    %dma_wait3A_176 = tpu.memref_squeeze %dma_wait3A_175 : memref<1x128xi32, #tpu.memory_space<vmem>> -> memref<128xi32, #tpu.memory_space<vmem>>
    %dma_wait3A_177 = arith.constant 0 : i32
    %dma_wait3A_178 = arith.constant 0 : i32
    %dma_wait3A_179 = tpu.memref_slice %arg15[%dma_wait3A_177, %dma_wait3A_178] : memref<10112x8xf32, #tpu.memory_space<vmem_shared>> -> memref<10112x8xf32, #tpu.memory_space<vmem_shared>>
    tpu.wait_indirect_dma semaphore(%arg21 : memref<!tpu.dma_semaphore, #tpu.memory_space<semaphore_mem>>) src(%dma_wait3A_173 : memref<128x8xf32, #tpu.memory_space<vmem>>) dst(%dma_wait3A_179 : memref<10112x8xf32, #tpu.memory_space<vmem_shared>>)
    %dma_wait3A_180 = arith.constant 2 : i32
    %dma_wait3A_181 = arith.constant 0 : i32
    %dma_wait3A_182 = arith.constant 0 : i32
    %dma_wait3A_183 = arith.constant 0 : i32
    %dma_wait3A_184 = tpu.memref_slice %arg12[%dma_wait3A_180, %dma_wait3A_182, %dma_wait3A_183] : memref<6x128x64xbf16, #tpu.memory_space<vmem>> -> memref<1x128x64xbf16, #tpu.memory_space<vmem>>
    %dma_wait3A_185 = tpu.memref_squeeze %dma_wait3A_184 : memref<1x128x64xbf16, #tpu.memory_space<vmem>> -> memref<128x64xbf16, #tpu.memory_space<vmem>>
    %dma_wait3A_186 = arith.constant 0 : i32
    %dma_wait3A_187 = tpu.memref_slice %arg11[%dma_wait3A_181, %dma_wait3A_186] : memref<79x128xi32, #tpu.memory_space<vmem>> -> memref<1x128xi32, #tpu.memory_space<vmem>>
    %dma_wait3A_188 = tpu.memref_squeeze %dma_wait3A_187 : memref<1x128xi32, #tpu.memory_space<vmem>> -> memref<128xi32, #tpu.memory_space<vmem>>
    %dma_wait3A_189 = arith.constant 0 : i32
    %dma_wait3A_190 = arith.constant 0 : i32
    %dma_wait3A_191 = tpu.memref_slice %arg14[%dma_wait3A_189, %dma_wait3A_190] : memref<10112x64xbf16, #tpu.memory_space<vmem_shared>> -> memref<10112x64xbf16, #tpu.memory_space<vmem_shared>>
    tpu.wait_indirect_dma semaphore(%arg18 : memref<!tpu.dma_semaphore, #tpu.memory_space<semaphore_mem>>) src(%dma_wait3A_185 : memref<128x64xbf16, #tpu.memory_space<vmem>>) dst(%dma_wait3A_191 : memref<10112x64xbf16, #tpu.memory_space<vmem_shared>>)
    %dma_wait3A_192 = arith.constant 5 : i32
    %dma_wait3A_193 = arith.constant 0 : i32
    %dma_wait3A_194 = arith.constant 0 : i32
    %dma_wait3A_195 = arith.constant 0 : i32
    %dma_wait3A_196 = tpu.memref_slice %arg12[%dma_wait3A_192, %dma_wait3A_194, %dma_wait3A_195] : memref<6x128x64xbf16, #tpu.memory_space<vmem>> -> memref<1x128x64xbf16, #tpu.memory_space<vmem>>
    %dma_wait3A_197 = tpu.memref_squeeze %dma_wait3A_196 : memref<1x128x64xbf16, #tpu.memory_space<vmem>> -> memref<128x64xbf16, #tpu.memory_space<vmem>>
    %dma_wait3A_198 = arith.constant 0 : i32
    %dma_wait3A_199 = tpu.memref_slice %arg11[%dma_wait3A_193, %dma_wait3A_198] : memref<79x128xi32, #tpu.memory_space<vmem>> -> memref<1x128xi32, #tpu.memory_space<vmem>>
    %dma_wait3A_200 = tpu.memref_squeeze %dma_wait3A_199 : memref<1x128xi32, #tpu.memory_space<vmem>> -> memref<128xi32, #tpu.memory_space<vmem>>
    %dma_wait3A_201 = arith.constant 0 : i32
    %dma_wait3A_202 = arith.constant 0 : i32
    %dma_wait3A_203 = tpu.memref_slice %arg14[%dma_wait3A_201, %dma_wait3A_202] : memref<10112x64xbf16, #tpu.memory_space<vmem_shared>> -> memref<10112x64xbf16, #tpu.memory_space<vmem_shared>>
    tpu.wait_indirect_dma semaphore(%arg19 : memref<!tpu.dma_semaphore, #tpu.memory_space<semaphore_mem>>) src(%dma_wait3A_197 : memref<128x64xbf16, #tpu.memory_space<vmem>>) dst(%dma_wait3A_203 : memref<10112x64xbf16, #tpu.memory_space<vmem_shared>>)
    %dma_wait3A_204 = arith.constant 2 : i32
    %dma_wait3A_205 = arith.constant 0 : i32
    %dma_wait3A_206 = arith.constant 0 : i32
    %dma_wait3A_207 = arith.constant 0 : i32
    %dma_wait3A_208 = tpu.memref_slice %arg13[%dma_wait3A_204, %dma_wait3A_206, %dma_wait3A_207] : memref<6x128x8xf32, #tpu.memory_space<vmem>> -> memref<1x128x8xf32, #tpu.memory_space<vmem>>
    %dma_wait3A_209 = tpu.memref_squeeze %dma_wait3A_208 : memref<1x128x8xf32, #tpu.memory_space<vmem>> -> memref<128x8xf32, #tpu.memory_space<vmem>>
    %dma_wait3A_210 = arith.constant 0 : i32
    %dma_wait3A_211 = tpu.memref_slice %arg10[%dma_wait3A_205, %dma_wait3A_210] : memref<79x128xi32, #tpu.memory_space<vmem>> -> memref<1x128xi32, #tpu.memory_space<vmem>>
    %dma_wait3A_212 = tpu.memref_squeeze %dma_wait3A_211 : memref<1x128xi32, #tpu.memory_space<vmem>> -> memref<128xi32, #tpu.memory_space<vmem>>
    %dma_wait3A_213 = arith.constant 0 : i32
    %dma_wait3A_214 = arith.constant 0 : i32
    %dma_wait3A_215 = tpu.memref_slice %arg15[%dma_wait3A_213, %dma_wait3A_214] : memref<10112x8xf32, #tpu.memory_space<vmem_shared>> -> memref<10112x8xf32, #tpu.memory_space<vmem_shared>>
    tpu.wait_indirect_dma semaphore(%arg20 : memref<!tpu.dma_semaphore, #tpu.memory_space<semaphore_mem>>) src(%dma_wait3A_209 : memref<128x8xf32, #tpu.memory_space<vmem>>) dst(%dma_wait3A_215 : memref<10112x8xf32, #tpu.memory_space<vmem_shared>>)
    %dma_wait3A_216 = arith.constant 5 : i32
    %dma_wait3A_217 = arith.constant 0 : i32
    %dma_wait3A_218 = arith.constant 0 : i32
    %dma_wait3A_219 = arith.constant 0 : i32
    %dma_wait3A_220 = tpu.memref_slice %arg13[%dma_wait3A_216, %dma_wait3A_218, %dma_wait3A_219] : memref<6x128x8xf32, #tpu.memory_space<vmem>> -> memref<1x128x8xf32, #tpu.memory_space<vmem>>
    %dma_wait3A_221 = tpu.memref_squeeze %dma_wait3A_220 : memref<1x128x8xf32, #tpu.memory_space<vmem>> -> memref<128x8xf32, #tpu.memory_space<vmem>>
    %dma_wait3A_222 = arith.constant 0 : i32
    %dma_wait3A_223 = tpu.memref_slice %arg10[%dma_wait3A_217, %dma_wait3A_222] : memref<79x128xi32, #tpu.memory_space<vmem>> -> memref<1x128xi32, #tpu.memory_space<vmem>>
    %dma_wait3A_224 = tpu.memref_squeeze %dma_wait3A_223 : memref<1x128xi32, #tpu.memory_space<vmem>> -> memref<128xi32, #tpu.memory_space<vmem>>
    %dma_wait3A_225 = arith.constant 0 : i32
    %dma_wait3A_226 = arith.constant 0 : i32
    %dma_wait3A_227 = tpu.memref_slice %arg15[%dma_wait3A_225, %dma_wait3A_226] : memref<10112x8xf32, #tpu.memory_space<vmem_shared>> -> memref<10112x8xf32, #tpu.memory_space<vmem_shared>>
    tpu.wait_indirect_dma semaphore(%arg21 : memref<!tpu.dma_semaphore, #tpu.memory_space<semaphore_mem>>) src(%dma_wait3A_221 : memref<128x8xf32, #tpu.memory_space<vmem>>) dst(%dma_wait3A_227 : memref<10112x8xf32, #tpu.memory_space<vmem_shared>>)
    %convert_element_type3A_228 = arith.extui %lt3A_7 : i1 to i32
    %cond3A_229 = arith.constant 0 : i32
    %cond3A_230 = arith.cmpi ne, %convert_element_type3A_228, %cond3A_229 : i32
    scf.if %cond3A_230 {
      %dma_start3A_232 = arith.constant 78 : i32
      %dma_start3A_233 = arith.constant 0 : i32
      %dma_start3A_234 = arith.constant 0 : i32
      %dma_start3A_235 = arith.constant 0 : i32
      %dma_start3A_236 = tpu.memref_slice %arg12[%dma_start3A_233, %dma_start3A_234, %dma_start3A_235] : memref<6x128x64xbf16, #tpu.memory_space<vmem>> -> memref<1x128x64xbf16, #tpu.memory_space<vmem>>
      %dma_start3A_237 = tpu.memref_squeeze %dma_start3A_236 : memref<1x128x64xbf16, #tpu.memory_space<vmem>> -> memref<128x64xbf16, #tpu.memory_space<vmem>>
      %dma_start3A_238 = arith.constant 0 : i32
      %dma_start3A_239 = tpu.memref_slice %arg10[%dma_start3A_232, %dma_start3A_238] : memref<79x128xi32, #tpu.memory_space<vmem>> -> memref<1x128xi32, #tpu.memory_space<vmem>>
      %dma_start3A_240 = tpu.memref_squeeze %dma_start3A_239 : memref<1x128xi32, #tpu.memory_space<vmem>> -> memref<128xi32, #tpu.memory_space<vmem>>
      %dma_start3A_241 = arith.constant 0 : i32
      %dma_start3A_242 = arith.constant 0 : i32
      %dma_start3A_243 = tpu.memref_slice %arg2[%dma_start3A_241, %dma_start3A_242] : memref<10112x64xbf16, #tpu.memory_space<hbm>> -> memref<10112x64xbf16, #tpu.memory_space<hbm>>
      tpu.enqueue_indirect_dma source(%dma_start3A_243 : memref<10112x64xbf16, #tpu.memory_space<hbm>>) target(%dma_start3A_237 : memref<128x64xbf16, #tpu.memory_space<vmem>>) offsets(%dma_start3A_240 : memref<128xi32, #tpu.memory_space<vmem>>) semaphore(%arg16 : memref<!tpu.dma_semaphore, #tpu.memory_space<semaphore_mem>>)
      %dma_wait3A_244 = arith.constant 78 : i32
      %dma_wait3A_245 = arith.constant 0 : i32
      %dma_wait3A_246 = arith.constant 0 : i32
      %dma_wait3A_247 = arith.constant 0 : i32
      %dma_wait3A_248 = tpu.memref_slice %arg12[%dma_wait3A_245, %dma_wait3A_246, %dma_wait3A_247] : memref<6x128x64xbf16, #tpu.memory_space<vmem>> -> memref<1x128x64xbf16, #tpu.memory_space<vmem>>
      %dma_wait3A_249 = tpu.memref_squeeze %dma_wait3A_248 : memref<1x128x64xbf16, #tpu.memory_space<vmem>> -> memref<128x64xbf16, #tpu.memory_space<vmem>>
      %dma_wait3A_250 = arith.constant 0 : i32
      %dma_wait3A_251 = tpu.memref_slice %arg10[%dma_wait3A_244, %dma_wait3A_250] : memref<79x128xi32, #tpu.memory_space<vmem>> -> memref<1x128xi32, #tpu.memory_space<vmem>>
      %dma_wait3A_252 = tpu.memref_squeeze %dma_wait3A_251 : memref<1x128xi32, #tpu.memory_space<vmem>> -> memref<128xi32, #tpu.memory_space<vmem>>
      %dma_wait3A_253 = arith.constant 0 : i32
      %dma_wait3A_254 = arith.constant 0 : i32
      %dma_wait3A_255 = tpu.memref_slice %arg2[%dma_wait3A_253, %dma_wait3A_254] : memref<10112x64xbf16, #tpu.memory_space<hbm>> -> memref<10112x64xbf16, #tpu.memory_space<hbm>>
      tpu.wait_indirect_dma semaphore(%arg16 : memref<!tpu.dma_semaphore, #tpu.memory_space<semaphore_mem>>) src(%dma_wait3A_255 : memref<10112x64xbf16, #tpu.memory_space<hbm>>) dst(%dma_wait3A_249 : memref<128x64xbf16, #tpu.memory_space<vmem>>)
      %run_scoped3A = arith.constant 0 : i32
      %run_scoped3A_256 = arith.constant 78 : i32
      "tpu.region"() ({
        %run_scoped3A_283 = tpu.sem_alloc : memref<!tpu.dma_semaphore, #tpu.memory_space<semaphore_mem>>
        %dma_start3A_284 = arith.constant 0 : i32
        %dma_start3A_285 = arith.constant 0 : i32
        %dma_start3A_286 = tpu.memref_slice %arg12[%run_scoped3A, %dma_start3A_284, %dma_start3A_285] : memref<6x128x64xbf16, #tpu.memory_space<vmem>> -> memref<1x128x64xbf16, #tpu.memory_space<vmem>>
        %dma_start3A_287 = tpu.memref_squeeze %dma_start3A_286 : memref<1x128x64xbf16, #tpu.memory_space<vmem>> -> memref<128x64xbf16, #tpu.memory_space<vmem>>
        %dma_start3A_288 = arith.constant 0 : i32
        %dma_start3A_289 = tpu.memref_slice %arg11[%run_scoped3A_256, %dma_start3A_288] : memref<79x128xi32, #tpu.memory_space<vmem>> -> memref<1x128xi32, #tpu.memory_space<vmem>>
        %dma_start3A_290 = tpu.memref_squeeze %dma_start3A_289 : memref<1x128xi32, #tpu.memory_space<vmem>> -> memref<128xi32, #tpu.memory_space<vmem>>
        %dma_start3A_291 = arith.constant 0 : i32
        %dma_start3A_292 = arith.constant 0 : i32
        %dma_start3A_293 = tpu.memref_slice %arg14[%dma_start3A_291, %dma_start3A_292] : memref<10112x64xbf16, #tpu.memory_space<vmem_shared>> -> memref<10112x64xbf16, #tpu.memory_space<vmem_shared>>
        tpu.enqueue_indirect_dma source(%dma_start3A_287 : memref<128x64xbf16, #tpu.memory_space<vmem>>) target(%dma_start3A_293 : memref<10112x64xbf16, #tpu.memory_space<vmem_shared>>) offsets(%dma_start3A_290 : memref<128xi32, #tpu.memory_space<vmem>>) semaphore(%run_scoped3A_283 : memref<!tpu.dma_semaphore, #tpu.memory_space<semaphore_mem>>) {add = true}
        %dma_wait3A_294 = arith.constant 0 : i32
        %dma_wait3A_295 = arith.constant 0 : i32
        %dma_wait3A_296 = tpu.memref_slice %arg12[%run_scoped3A, %dma_wait3A_294, %dma_wait3A_295] : memref<6x128x64xbf16, #tpu.memory_space<vmem>> -> memref<1x128x64xbf16, #tpu.memory_space<vmem>>
        %dma_wait3A_297 = tpu.memref_squeeze %dma_wait3A_296 : memref<1x128x64xbf16, #tpu.memory_space<vmem>> -> memref<128x64xbf16, #tpu.memory_space<vmem>>
        %dma_wait3A_298 = arith.constant 0 : i32
        %dma_wait3A_299 = tpu.memref_slice %arg11[%run_scoped3A_256, %dma_wait3A_298] : memref<79x128xi32, #tpu.memory_space<vmem>> -> memref<1x128xi32, #tpu.memory_space<vmem>>
        %dma_wait3A_300 = tpu.memref_squeeze %dma_wait3A_299 : memref<1x128xi32, #tpu.memory_space<vmem>> -> memref<128xi32, #tpu.memory_space<vmem>>
        %dma_wait3A_301 = arith.constant 0 : i32
        %dma_wait3A_302 = arith.constant 0 : i32
        %dma_wait3A_303 = tpu.memref_slice %arg14[%dma_wait3A_301, %dma_wait3A_302] : memref<10112x64xbf16, #tpu.memory_space<vmem_shared>> -> memref<10112x64xbf16, #tpu.memory_space<vmem_shared>>
        tpu.wait_indirect_dma semaphore(%run_scoped3A_283 : memref<!tpu.dma_semaphore, #tpu.memory_space<semaphore_mem>>) src(%dma_wait3A_297 : memref<128x64xbf16, #tpu.memory_space<vmem>>) dst(%dma_wait3A_303 : memref<10112x64xbf16, #tpu.memory_space<vmem_shared>>)
        tpu.yield
      }) : () -> ()
      %dma_start3A_257 = arith.constant 78 : i32
      %dma_start3A_258 = arith.constant 0 : i32
      %dma_start3A_259 = arith.constant 0 : i32
      %dma_start3A_260 = arith.constant 0 : i32
      %dma_start3A_261 = tpu.memref_slice %arg13[%dma_start3A_258, %dma_start3A_259, %dma_start3A_260] : memref<6x128x8xf32, #tpu.memory_space<vmem>> -> memref<1x128x8xf32, #tpu.memory_space<vmem>>
      %dma_start3A_262 = tpu.memref_squeeze %dma_start3A_261 : memref<1x128x8xf32, #tpu.memory_space<vmem>> -> memref<128x8xf32, #tpu.memory_space<vmem>>
      %dma_start3A_263 = arith.constant 0 : i32
      %dma_start3A_264 = tpu.memref_slice %arg11[%dma_start3A_257, %dma_start3A_263] : memref<79x128xi32, #tpu.memory_space<vmem>> -> memref<1x128xi32, #tpu.memory_space<vmem>>
      %dma_start3A_265 = tpu.memref_squeeze %dma_start3A_264 : memref<1x128xi32, #tpu.memory_space<vmem>> -> memref<128xi32, #tpu.memory_space<vmem>>
      %dma_start3A_266 = arith.constant 0 : i32
      %dma_start3A_267 = arith.constant 0 : i32
      %dma_start3A_268 = tpu.memref_slice %arg3[%dma_start3A_266, %dma_start3A_267] : memref<10112x8xf32, #tpu.memory_space<hbm>> -> memref<10112x8xf32, #tpu.memory_space<hbm>>
      tpu.enqueue_indirect_dma source(%dma_start3A_268 : memref<10112x8xf32, #tpu.memory_space<hbm>>) target(%dma_start3A_262 : memref<128x8xf32, #tpu.memory_space<vmem>>) offsets(%dma_start3A_265 : memref<128xi32, #tpu.memory_space<vmem>>) semaphore(%arg16 : memref<!tpu.dma_semaphore, #tpu.memory_space<semaphore_mem>>)
      %dma_wait3A_269 = arith.constant 78 : i32
      %dma_wait3A_270 = arith.constant 0 : i32
      %dma_wait3A_271 = arith.constant 0 : i32
      %dma_wait3A_272 = arith.constant 0 : i32
      %dma_wait3A_273 = tpu.memref_slice %arg13[%dma_wait3A_270, %dma_wait3A_271, %dma_wait3A_272] : memref<6x128x8xf32, #tpu.memory_space<vmem>> -> memref<1x128x8xf32, #tpu.memory_space<vmem>>
      %dma_wait3A_274 = tpu.memref_squeeze %dma_wait3A_273 : memref<1x128x8xf32, #tpu.memory_space<vmem>> -> memref<128x8xf32, #tpu.memory_space<vmem>>
      %dma_wait3A_275 = arith.constant 0 : i32
      %dma_wait3A_276 = tpu.memref_slice %arg11[%dma_wait3A_269, %dma_wait3A_275] : memref<79x128xi32, #tpu.memory_space<vmem>> -> memref<1x128xi32, #tpu.memory_space<vmem>>
      %dma_wait3A_277 = tpu.memref_squeeze %dma_wait3A_276 : memref<1x128xi32, #tpu.memory_space<vmem>> -> memref<128xi32, #tpu.memory_space<vmem>>
      %dma_wait3A_278 = arith.constant 0 : i32
      %dma_wait3A_279 = arith.constant 0 : i32
      %dma_wait3A_280 = tpu.memref_slice %arg3[%dma_wait3A_278, %dma_wait3A_279] : memref<10112x8xf32, #tpu.memory_space<hbm>> -> memref<10112x8xf32, #tpu.memory_space<hbm>>
      tpu.wait_indirect_dma semaphore(%arg16 : memref<!tpu.dma_semaphore, #tpu.memory_space<semaphore_mem>>) src(%dma_wait3A_280 : memref<10112x8xf32, #tpu.memory_space<hbm>>) dst(%dma_wait3A_274 : memref<128x8xf32, #tpu.memory_space<vmem>>)
      %run_scoped3A_281 = arith.constant 0 : i32
      %run_scoped3A_282 = arith.constant 78 : i32
      "tpu.region"() ({
        %run_scoped3A_283 = tpu.sem_alloc : memref<!tpu.dma_semaphore, #tpu.memory_space<semaphore_mem>>
        %dma_start3A_284 = arith.constant 0 : i32
        %dma_start3A_285 = arith.constant 0 : i32
        %dma_start3A_286 = tpu.memref_slice %arg13[%run_scoped3A_281, %dma_start3A_284, %dma_start3A_285] : memref<6x128x8xf32, #tpu.memory_space<vmem>> -> memref<1x128x8xf32, #tpu.memory_space<vmem>>
        %dma_start3A_287 = tpu.memref_squeeze %dma_start3A_286 : memref<1x128x8xf32, #tpu.memory_space<vmem>> -> memref<128x8xf32, #tpu.memory_space<vmem>>
        %dma_start3A_288 = arith.constant 0 : i32
        %dma_start3A_289 = tpu.memref_slice %arg10[%run_scoped3A_282, %dma_start3A_288] : memref<79x128xi32, #tpu.memory_space<vmem>> -> memref<1x128xi32, #tpu.memory_space<vmem>>
        %dma_start3A_290 = tpu.memref_squeeze %dma_start3A_289 : memref<1x128xi32, #tpu.memory_space<vmem>> -> memref<128xi32, #tpu.memory_space<vmem>>
        %dma_start3A_291 = arith.constant 0 : i32
        %dma_start3A_292 = arith.constant 0 : i32
        %dma_start3A_293 = tpu.memref_slice %arg15[%dma_start3A_291, %dma_start3A_292] : memref<10112x8xf32, #tpu.memory_space<vmem_shared>> -> memref<10112x8xf32, #tpu.memory_space<vmem_shared>>
        tpu.enqueue_indirect_dma source(%dma_start3A_287 : memref<128x8xf32, #tpu.memory_space<vmem>>) target(%dma_start3A_293 : memref<10112x8xf32, #tpu.memory_space<vmem_shared>>) offsets(%dma_start3A_290 : memref<128xi32, #tpu.memory_space<vmem>>) semaphore(%run_scoped3A_283 : memref<!tpu.dma_semaphore, #tpu.memory_space<semaphore_mem>>) {add = true}
        %dma_wait3A_294 = arith.constant 0 : i32
        %dma_wait3A_295 = arith.constant 0 : i32
        %dma_wait3A_296 = tpu.memref_slice %arg13[%run_scoped3A_281, %dma_wait3A_294, %dma_wait3A_295] : memref<6x128x8xf32, #tpu.memory_space<vmem>> -> memref<1x128x8xf32, #tpu.memory_space<vmem>>
        %dma_wait3A_297 = tpu.memref_squeeze %dma_wait3A_296 : memref<1x128x8xf32, #tpu.memory_space<vmem>> -> memref<128x8xf32, #tpu.memory_space<vmem>>
        %dma_wait3A_298 = arith.constant 0 : i32
        %dma_wait3A_299 = tpu.memref_slice %arg10[%run_scoped3A_282, %dma_wait3A_298] : memref<79x128xi32, #tpu.memory_space<vmem>> -> memref<1x128xi32, #tpu.memory_space<vmem>>
        %dma_wait3A_300 = tpu.memref_squeeze %dma_wait3A_299 : memref<1x128xi32, #tpu.memory_space<vmem>> -> memref<128xi32, #tpu.memory_space<vmem>>
        %dma_wait3A_301 = arith.constant 0 : i32
        %dma_wait3A_302 = arith.constant 0 : i32
        %dma_wait3A_303 = tpu.memref_slice %arg15[%dma_wait3A_301, %dma_wait3A_302] : memref<10112x8xf32, #tpu.memory_space<vmem_shared>> -> memref<10112x8xf32, #tpu.memory_space<vmem_shared>>
        tpu.wait_indirect_dma semaphore(%run_scoped3A_283 : memref<!tpu.dma_semaphore, #tpu.memory_space<semaphore_mem>>) src(%dma_wait3A_297 : memref<128x8xf32, #tpu.memory_space<vmem>>) dst(%dma_wait3A_303 : memref<10112x8xf32, #tpu.memory_space<vmem_shared>>)
        tpu.yield
      }) : () -> ()
    } else {
    }
    %barrier3A_231 = arith.constant 0 : index
    tpu.barrier barrier_id(%barrier3A_231)
    "tpu.region"() ({
      %run_scoped3A = tpu.sem_alloc : memref<!tpu.dma_semaphore, #tpu.memory_space<semaphore_mem>>
      %dma_start3A_232 = arith.constant 0 : i32
      %dma_start3A_233 = tpu.memref_slice %arg8[%arg0, %mul3A_2, %dma_start3A_232] : memref<2x10112x64xbf16, #tpu.memory_space<hbm>> -> memref<1x632x64xbf16, #tpu.memory_space<hbm>>
      %dma_start3A_234 = tpu.memref_squeeze %dma_start3A_233 : memref<1x632x64xbf16, #tpu.memory_space<hbm>> -> memref<632x64xbf16, #tpu.memory_space<hbm>>
      %dma_start3A_235 = arith.constant 0 : i32
      %dma_start3A_236 = tpu.memref_slice %arg14[%mul3A_2, %dma_start3A_235] : memref<10112x64xbf16, #tpu.memory_space<vmem_shared>> -> memref<632x64xbf16, #tpu.memory_space<vmem_shared>>
      tpu.enqueue_dma source(%dma_start3A_236 : memref<632x64xbf16, #tpu.memory_space<vmem_shared>>) target(%dma_start3A_234 : memref<632x64xbf16, #tpu.memory_space<hbm>>) target_semaphore(%run_scoped3A : memref<!tpu.dma_semaphore, #tpu.memory_space<semaphore_mem>>)
      %dma_wait3A_237 = arith.constant 0 : i32
      %dma_wait3A_238 = tpu.memref_slice %arg8[%arg0, %mul3A_2, %dma_wait3A_237] : memref<2x10112x64xbf16, #tpu.memory_space<hbm>> -> memref<1x632x64xbf16, #tpu.memory_space<hbm>>
      %dma_wait3A_239 = tpu.memref_squeeze %dma_wait3A_238 : memref<1x632x64xbf16, #tpu.memory_space<hbm>> -> memref<632x64xbf16, #tpu.memory_space<hbm>>
      %dma_wait3A_240 = arith.constant 0 : i32
      %dma_wait3A_241 = tpu.memref_slice %arg14[%mul3A_2, %dma_wait3A_240] : memref<10112x64xbf16, #tpu.memory_space<vmem_shared>> -> memref<632x64xbf16, #tpu.memory_space<vmem_shared>>
      tpu.wait_dma2 semaphore(%run_scoped3A : memref<!tpu.dma_semaphore, #tpu.memory_space<semaphore_mem>>) src(%dma_wait3A_241 : memref<632x64xbf16, #tpu.memory_space<vmem_shared>>) dst(%dma_wait3A_239 : memref<632x64xbf16, #tpu.memory_space<hbm>>)
      tpu.yield
    }) : () -> ()
    "tpu.region"() ({
      %run_scoped3A = tpu.sem_alloc : memref<!tpu.dma_semaphore, #tpu.memory_space<semaphore_mem>>
      %dma_start3A_232 = arith.constant 0 : i32
      %dma_start3A_233 = tpu.memref_slice %arg9[%arg0, %mul3A_2, %dma_start3A_232] : memref<2x10112x8xf32, #tpu.memory_space<hbm>> -> memref<1x632x8xf32, #tpu.memory_space<hbm>>
      %dma_start3A_234 = tpu.memref_squeeze %dma_start3A_233 : memref<1x632x8xf32, #tpu.memory_space<hbm>> -> memref<632x8xf32, #tpu.memory_space<hbm>>
      %dma_start3A_235 = arith.constant 0 : i32
      %dma_start3A_236 = tpu.memref_slice %arg15[%mul3A_2, %dma_start3A_235] : memref<10112x8xf32, #tpu.memory_space<vmem_shared>> -> memref<632x8xf32, #tpu.memory_space<vmem_shared>>
      tpu.enqueue_dma source(%dma_start3A_236 : memref<632x8xf32, #tpu.memory_space<vmem_shared>>) target(%dma_start3A_234 : memref<632x8xf32, #tpu.memory_space<hbm>>) target_semaphore(%run_scoped3A : memref<!tpu.dma_semaphore, #tpu.memory_space<semaphore_mem>>)
      %dma_wait3A_237 = arith.constant 0 : i32
      %dma_wait3A_238 = tpu.memref_slice %arg9[%arg0, %mul3A_2, %dma_wait3A_237] : memref<2x10112x8xf32, #tpu.memory_space<hbm>> -> memref<1x632x8xf32, #tpu.memory_space<hbm>>
      %dma_wait3A_239 = tpu.memref_squeeze %dma_wait3A_238 : memref<1x632x8xf32, #tpu.memory_space<hbm>> -> memref<632x8xf32, #tpu.memory_space<hbm>>
      %dma_wait3A_240 = arith.constant 0 : i32
      %dma_wait3A_241 = tpu.memref_slice %arg15[%mul3A_2, %dma_wait3A_240] : memref<10112x8xf32, #tpu.memory_space<vmem_shared>> -> memref<632x8xf32, #tpu.memory_space<vmem_shared>>
      tpu.wait_dma2 semaphore(%run_scoped3A : memref<!tpu.dma_semaphore, #tpu.memory_space<semaphore_mem>>) src(%dma_wait3A_241 : memref<632x8xf32, #tpu.memory_space<vmem_shared>>) dst(%dma_wait3A_239 : memref<632x8xf32, #tpu.memory_space<hbm>>)
      tpu.yield
    }) : () -> ()
    return
  }
}

module attributes {stable_mosaic.version = 14 : i64} {
  func.func @_tc_a1_body(%arg0: memref<10000x128xf32, #tpu.memory_space<vmem>>, %arg1: memref<64x128xf32, #tpu.memory_space<vmem>>, %arg2: memref<10112x64xbf16, #tpu.memory_space<vmem>>) attributes {dimension_semantics = [], scalar_prefetch = 0 : i64, scratch_operands = 0 : i64, tpu.core_type = #tpu.core_type<tc>} {
    %get3A = arith.constant 0 : index
    %get3A_0 = arith.constant 0 : index
    %get3A_1 = vector.load %arg0[%get3A, %get3A_0] : memref<10000x128xf32, #tpu.memory_space<vmem>>, vector<10000x128xf32>
    %get3A_2 = arith.constant 0 : index
    %get3A_3 = arith.constant 0 : index
    %get3A_4 = vector.load %arg1[%get3A_2, %get3A_3] : memref<64x128xf32, #tpu.memory_space<vmem>>, vector<64x128xf32>
    %dot_general3A = arith.constant dense<0.000000e+00> : vector<10000x64xf32>
    %dot_general3A_5 = tpu.matmul %get3A_1, %get3A_4, %dot_general3A {dimension_numbers = #tpu.dot_dimension_numbers<[1], [1], [0], [0], [0, 0, 1, 0], [], []>, transpose_lhs_hint = false} : vector<10000x128xf32>, vector<64x128xf32>, vector<10000x64xf32> -> vector<10000x64xf32>
    %convert_element_type3A = arith.truncf %dot_general3A_5 : vector<10000x64xf32> to vector<10000x64xbf16>
    %swap3A = arith.constant 0 : index
    %swap3A_6 = arith.constant 0 : index
    %swap3A_7 = vector.load %arg2[%swap3A, %swap3A_6] : memref<10112x64xbf16, #tpu.memory_space<vmem>>, vector<10000x64xbf16>
    tpu.vector_store %arg2[%swap3A, %swap3A_6], %convert_element_type3A {strides = array<i32>} : memref<10112x64xbf16, #tpu.memory_space<vmem>>, vector<10000x64xbf16>,
    %broadcast_in_dim3A = arith.constant 0.000000e+00 : bf16
    %broadcast_in_dim3A_8 = vector.broadcast %broadcast_in_dim3A : bf16 to vector<112x64xbf16>
    %swap3A_9 = arith.constant 10000 : index
    %swap3A_10 = arith.constant 0 : index
    %swap3A_11 = vector.load %arg2[%swap3A_9, %swap3A_10] : memref<10112x64xbf16, #tpu.memory_space<vmem>>, vector<112x64xbf16>
    tpu.vector_store %arg2[%swap3A_9, %swap3A_10], %broadcast_in_dim3A_8 {strides = array<i32>} : memref<10112x64xbf16, #tpu.memory_space<vmem>>, vector<112x64xbf16>,
    return
  }
}

module attributes {stable_mosaic.version = 14 : i64} {
  func.func @_tc_a2_body(%arg0: memref<10000x128xf32, #tpu.memory_space<vmem>>, %arg1: memref<64x128xf32, #tpu.memory_space<vmem>>, %arg2: memref<1x64xf32, #tpu.memory_space<vmem>>, %arg3: memref<10000x64xf32, #tpu.memory_space<vmem>>) attributes {dimension_semantics = [], scalar_prefetch = 0 : i64, scratch_operands = 0 : i64, tpu.core_type = #tpu.core_type<tc>} {
    %get3A = arith.constant 0 : index
    %get3A_0 = arith.constant 0 : index
    %get3A_1 = vector.load %arg0[%get3A, %get3A_0] : memref<10000x128xf32, #tpu.memory_space<vmem>>, vector<10000x128xf32>
    %get3A_2 = arith.constant 0 : index
    %get3A_3 = arith.constant 0 : index
    %get3A_4 = vector.load %arg1[%get3A_2, %get3A_3] : memref<64x128xf32, #tpu.memory_space<vmem>>, vector<64x128xf32>
    %dot_general3A = arith.constant dense<0.000000e+00> : vector<10000x64xf32>
    %dot_general3A_5 = tpu.matmul %get3A_1, %get3A_4, %dot_general3A {dimension_numbers = #tpu.dot_dimension_numbers<[1], [1], [0], [0], [0, 0, 1, 0], [], []>, transpose_lhs_hint = false} : vector<10000x128xf32>, vector<64x128xf32>, vector<10000x64xf32> -> vector<10000x64xf32>
    %get3A_6 = arith.constant 0 : index
    %get3A_7 = arith.constant 0 : index
    %get3A_8 = vector.load %arg2[%get3A_6, %get3A_7] : memref<1x64xf32, #tpu.memory_space<vmem>>, vector<1x64xf32>
    %add3A = vector.broadcast %get3A_8 : vector<1x64xf32> to vector<10000x64xf32>
    %add3A_9 = arith.addf %dot_general3A_5, %add3A : vector<10000x64xf32>
    %swap3A = arith.constant 0 : index
    %swap3A_10 = arith.constant 0 : index
    %swap3A_11 = vector.load %arg3[%swap3A, %swap3A_10] : memref<10000x64xf32, #tpu.memory_space<vmem>>, vector<10000x64xf32>
    tpu.vector_store %arg3[%swap3A, %swap3A_10], %add3A_9 {strides = array<i32>} : memref<10000x64xf32, #tpu.memory_space<vmem>>, vector<10000x64xf32>,
    return
  }
}

module attributes {stable_mosaic.version = 14 : i64} {
  func.func @_tc_b_body(%arg0: memref<2x10112x64xbf16, #tpu.memory_space<vmem>>, %arg1: memref<2x10112x8xf32, #tpu.memory_space<vmem>>, %arg2: memref<10000x64xf32, #tpu.memory_space<vmem>>, %arg3: memref<64x64xf32, #tpu.memory_space<vmem>>, %arg4: memref<1x64xf32, #tpu.memory_space<vmem>>, %arg5: memref<1x64xf32, #tpu.memory_space<vmem>>, %arg6: memref<10112x64xbf16, #tpu.memory_space<vmem>>, %arg7: memref<10000x64xf32, #tpu.memory_space<vmem>>, %arg8: memref<10112x8xf32, #tpu.memory_space<vmem>>) attributes {dimension_semantics = [], scalar_prefetch = 0 : i64, scratch_operands = 0 : i64, tpu.core_type = #tpu.core_type<tc>} {
    %get3A = arith.constant 0 : index
    %get3A_0 = arith.constant 0 : index
    %get3A_1 = arith.constant 0 : index
    %get3A_2 = vector.load %arg1[%get3A, %get3A_0, %get3A_1] : memref<2x10112x8xf32, #tpu.memory_space<vmem>>, vector<1x10000x8xf32>
    %get3A_3 = vector.shape_cast %get3A_2 : vector<1x10000x8xf32> to vector<10000x8xf32>
    %get3A_4 = arith.constant 1 : index
    %get3A_5 = arith.constant 0 : index
    %get3A_6 = arith.constant 0 : index
    %get3A_7 = vector.load %arg1[%get3A_4, %get3A_5, %get3A_6] : memref<2x10112x8xf32, #tpu.memory_space<vmem>>, vector<1x10000x8xf32>
    %get3A_8 = vector.shape_cast %get3A_7 : vector<1x10000x8xf32> to vector<10000x8xf32>
    %add3A = arith.addf %get3A_3, %get3A_8 : vector<10000x8xf32>
    %slice3A = vector.extract_strided_slice %add3A {offsets = [0, 0], sizes = [10000, 1], strides = [1, 1]} : vector<10000x8xf32> to vector<10000x1xf32>
    %max3A = arith.constant 1.000000e+00 : f32
    %max3A_9 = vector.broadcast %max3A : f32 to vector<10000x1xf32>
    %max3A_10 = arith.maximumf %slice3A, %max3A_9 : vector<10000x1xf32>
    %div3A = arith.constant 1.000000e+00 : f32
    %div3A_11 = vector.broadcast %div3A : f32 to vector<10000x1xf32>
    %div3A_12 = arith.divf %div3A_11, %max3A_10 : vector<10000x1xf32>
    %get3A_13 = arith.constant 0 : index
    %get3A_14 = arith.constant 0 : index
    %get3A_15 = arith.constant 0 : index
    %get3A_16 = vector.load %arg0[%get3A_13, %get3A_14, %get3A_15] : memref<2x10112x64xbf16, #tpu.memory_space<vmem>>, vector<1x10000x64xbf16>
    %get3A_17 = vector.shape_cast %get3A_16 : vector<1x10000x64xbf16> to vector<10000x64xbf16>
    %convert_element_type3A = arith.extf %get3A_17 : vector<10000x64xbf16> to vector<10000x64xf32>
    %get3A_18 = arith.constant 1 : index
    %get3A_19 = arith.constant 0 : index
    %get3A_20 = arith.constant 0 : index
    %get3A_21 = vector.load %arg0[%get3A_18, %get3A_19, %get3A_20] : memref<2x10112x64xbf16, #tpu.memory_space<vmem>>, vector<1x10000x64xbf16>
    %get3A_22 = vector.shape_cast %get3A_21 : vector<1x10000x64xbf16> to vector<10000x64xbf16>
    %convert_element_type3A_23 = arith.extf %get3A_22 : vector<10000x64xbf16> to vector<10000x64xf32>
    %add3A_24 = arith.addf %convert_element_type3A, %convert_element_type3A_23 : vector<10000x64xf32>
    %mul3A = vector.broadcast %div3A_12 : vector<10000x1xf32> to vector<10000x64xf32>
    %mul3A_25 = arith.mulf %add3A_24, %mul3A : vector<10000x64xf32>
    %get3A_26 = arith.constant 0 : index
    %get3A_27 = arith.constant 0 : index
    %get3A_28 = vector.load %arg2[%get3A_26, %get3A_27] : memref<10000x64xf32, #tpu.memory_space<vmem>>, vector<10000x64xf32>
    %add3A_29 = arith.addf %mul3A_25, %get3A_28 : vector<10000x64xf32>
    %get3A_30 = arith.constant 0 : index
    %get3A_31 = arith.constant 0 : index
    %get3A_32 = vector.load %arg4[%get3A_30, %get3A_31] : memref<1x64xf32, #tpu.memory_space<vmem>>, vector<1x64xf32>
    %get3A_33 = arith.constant 0 : index
    %get3A_34 = arith.constant 0 : index
    %get3A_35 = vector.load %arg5[%get3A_33, %get3A_34] : memref<1x64xf32, #tpu.memory_space<vmem>>, vector<1x64xf32>
    %reduce_sum3A = arith.constant dense<0.000000e+00> : vector<64xf32>
    %reduce_sum3A_36 = vector.multi_reduction <add>, %add3A_29, %reduce_sum3A [0] : vector<10000x64xf32> to vector<64xf32>
    %broadcast_in_dim3A = vector.shape_cast %reduce_sum3A_36 : vector<64xf32> to vector<1x64xf32>
    %div3A_37 = arith.constant 1.000000e+04 : f32
    %div3A_38 = vector.broadcast %div3A_37 : f32 to vector<1x64xf32>
    %div3A_39 = arith.divf %broadcast_in_dim3A, %div3A_38 : vector<1x64xf32>
    %sub3A = vector.broadcast %div3A_39 : vector<1x64xf32> to vector<10000x64xf32>
    %sub3A_40 = arith.subf %add3A_29, %sub3A : vector<10000x64xf32>
    %sub3A_41 = vector.broadcast %div3A_39 : vector<1x64xf32> to vector<10000x64xf32>
    %sub3A_42 = arith.subf %add3A_29, %sub3A_41 : vector<10000x64xf32>
    %mul3A_43 = arith.mulf %sub3A_40, %sub3A_42 : vector<10000x64xf32>
    %reduce_sum3A_44 = arith.constant dense<0.000000e+00> : vector<64xf32>
    %reduce_sum3A_45 = vector.multi_reduction <add>, %mul3A_43, %reduce_sum3A_44 [0] : vector<10000x64xf32> to vector<64xf32>
    %broadcast_in_dim3A_46 = vector.shape_cast %reduce_sum3A_45 : vector<64xf32> to vector<1x64xf32>
    %div3A_47 = arith.constant 1.000000e+04 : f32
    %div3A_48 = vector.broadcast %div3A_47 : f32 to vector<1x64xf32>
    %div3A_49 = arith.divf %broadcast_in_dim3A_46, %div3A_48 : vector<1x64xf32>
    %sub3A_50 = vector.broadcast %div3A_39 : vector<1x64xf32> to vector<10000x64xf32>
    %sub3A_51 = arith.subf %add3A_29, %sub3A_50 : vector<10000x64xf32>
    %add3A_52 = arith.constant 9.99999974E-6 : f32
    %add3A_53 = vector.broadcast %add3A_52 : f32 to vector<1x64xf32>
    %add3A_54 = arith.addf %div3A_49, %add3A_53 : vector<1x64xf32>
    %sqrt3A = math.sqrt %add3A_54 : vector<1x64xf32>
    %div3A_55 = vector.broadcast %sqrt3A : vector<1x64xf32> to vector<10000x64xf32>
    %div3A_56 = arith.divf %sub3A_51, %div3A_55 : vector<10000x64xf32>
    %mul3A_57 = vector.broadcast %get3A_32 : vector<1x64xf32> to vector<10000x64xf32>
    %mul3A_58 = arith.mulf %div3A_56, %mul3A_57 : vector<10000x64xf32>
    %add3A_59 = vector.broadcast %get3A_35 : vector<1x64xf32> to vector<10000x64xf32>
    %add3A_60 = arith.addf %mul3A_58, %add3A_59 : vector<10000x64xf32>
    %max3A_61 = arith.constant 0.000000e+00 : f32
    %max3A_62 = vector.broadcast %max3A_61 : f32 to vector<10000x64xf32>
    %max3A_63 = arith.maximumf %add3A_60, %max3A_62 : vector<10000x64xf32>
    %get3A_64 = arith.constant 0 : index
    %get3A_65 = arith.constant 0 : index
    %get3A_66 = vector.load %arg3[%get3A_64, %get3A_65] : memref<64x64xf32, #tpu.memory_space<vmem>>, vector<64x64xf32>
    %dot_general3A = arith.constant dense<0.000000e+00> : vector<10000x64xf32>
    %dot_general3A_67 = tpu.matmul %max3A_63, %get3A_66, %dot_general3A {dimension_numbers = #tpu.dot_dimension_numbers<[1], [1], [0], [0], [0, 0, 1, 0], [], []>, transpose_lhs_hint = false} : vector<10000x64xf32>, vector<64x64xf32>, vector<10000x64xf32> -> vector<10000x64xf32>
    %convert_element_type3A_68 = arith.truncf %dot_general3A_67 : vector<10000x64xf32> to vector<10000x64xbf16>
    %swap3A = arith.constant 0 : index
    %swap3A_69 = arith.constant 0 : index
    %swap3A_70 = vector.load %arg6[%swap3A, %swap3A_69] : memref<10112x64xbf16, #tpu.memory_space<vmem>>, vector<10000x64xbf16>
    tpu.vector_store %arg6[%swap3A, %swap3A_69], %convert_element_type3A_68 {strides = array<i32>} : memref<10112x64xbf16, #tpu.memory_space<vmem>>, vector<10000x64xbf16>,
    %broadcast_in_dim3A_71 = arith.constant 0.000000e+00 : bf16
    %broadcast_in_dim3A_72 = vector.broadcast %broadcast_in_dim3A_71 : bf16 to vector<112x64xbf16>
    %swap3A_73 = arith.constant 10000 : index
    %swap3A_74 = arith.constant 0 : index
    %swap3A_75 = vector.load %arg6[%swap3A_73, %swap3A_74] : memref<10112x64xbf16, #tpu.memory_space<vmem>>, vector<112x64xbf16>
    tpu.vector_store %arg6[%swap3A_73, %swap3A_74], %broadcast_in_dim3A_72 {strides = array<i32>} : memref<10112x64xbf16, #tpu.memory_space<vmem>>, vector<112x64xbf16>,
    %swap3A_76 = arith.constant 0 : index
    %swap3A_77 = arith.constant 0 : index
    %swap3A_78 = vector.load %arg7[%swap3A_76, %swap3A_77] : memref<10000x64xf32, #tpu.memory_space<vmem>>, vector<10000x64xf32>
    tpu.vector_store %arg7[%swap3A_76, %swap3A_77], %max3A_63 {strides = array<i32>} : memref<10000x64xf32, #tpu.memory_space<vmem>>, vector<10000x64xf32>,
    %broadcast_in_dim3A_79 = vector.shape_cast %div3A_12 : vector<10000x1xf32> to vector<10000x1xf32>
    %broadcast_in_dim3A_80 = vector.broadcast %broadcast_in_dim3A_79 : vector<10000x1xf32> to vector<10000x8xf32>
    %swap3A_81 = arith.constant 0 : index
    %swap3A_82 = arith.constant 0 : index
    %swap3A_83 = vector.load %arg8[%swap3A_81, %swap3A_82] : memref<10112x8xf32, #tpu.memory_space<vmem>>, vector<10000x8xf32>
    tpu.vector_store %arg8[%swap3A_81, %swap3A_82], %broadcast_in_dim3A_80 {strides = array<i32>} : memref<10112x8xf32, #tpu.memory_space<vmem>>, vector<10000x8xf32>,
    %broadcast_in_dim3A_84 = arith.constant 0.000000e+00 : f32
    %broadcast_in_dim3A_85 = vector.broadcast %broadcast_in_dim3A_84 : f32 to vector<112x8xf32>
    %swap3A_86 = arith.constant 10000 : index
    %swap3A_87 = arith.constant 0 : index
    %swap3A_88 = vector.load %arg8[%swap3A_86, %swap3A_87] : memref<10112x8xf32, #tpu.memory_space<vmem>>, vector<112x8xf32>
    tpu.vector_store %arg8[%swap3A_86, %swap3A_87], %broadcast_in_dim3A_85 {strides = array<i32>} : memref<10112x8xf32, #tpu.memory_space<vmem>>, vector<112x8xf32>,
    return
  }
}

module attributes {stable_mosaic.version = 14 : i64} {
  func.func @_tc_b2_body(%arg0: memref<10000x64xf32, #tpu.memory_space<vmem>>, %arg1: memref<64x64xf32, #tpu.memory_space<vmem>>, %arg2: memref<1x64xf32, #tpu.memory_space<vmem>>, %arg3: memref<10000x64xf32, #tpu.memory_space<vmem>>) attributes {dimension_semantics = [], scalar_prefetch = 0 : i64, scratch_operands = 0 : i64, tpu.core_type = #tpu.core_type<tc>} {
    %get3A = arith.constant 0 : index
    %get3A_0 = arith.constant 0 : index
    %get3A_1 = vector.load %arg0[%get3A, %get3A_0] : memref<10000x64xf32, #tpu.memory_space<vmem>>, vector<10000x64xf32>
    %get3A_2 = arith.constant 0 : index
    %get3A_3 = arith.constant 0 : index
    %get3A_4 = vector.load %arg1[%get3A_2, %get3A_3] : memref<64x64xf32, #tpu.memory_space<vmem>>, vector<64x64xf32>
    %dot_general3A = arith.constant dense<0.000000e+00> : vector<10000x64xf32>
    %dot_general3A_5 = tpu.matmul %get3A_1, %get3A_4, %dot_general3A {dimension_numbers = #tpu.dot_dimension_numbers<[1], [1], [0], [0], [0, 0, 1, 0], [], []>, transpose_lhs_hint = false} : vector<10000x64xf32>, vector<64x64xf32>, vector<10000x64xf32> -> vector<10000x64xf32>
    %get3A_6 = arith.constant 0 : index
    %get3A_7 = arith.constant 0 : index
    %get3A_8 = vector.load %arg2[%get3A_6, %get3A_7] : memref<1x64xf32, #tpu.memory_space<vmem>>, vector<1x64xf32>
    %add3A = vector.broadcast %get3A_8 : vector<1x64xf32> to vector<10000x64xf32>
    %add3A_9 = arith.addf %dot_general3A_5, %add3A : vector<10000x64xf32>
    %swap3A = arith.constant 0 : index
    %swap3A_10 = arith.constant 0 : index
    %swap3A_11 = vector.load %arg3[%swap3A, %swap3A_10] : memref<10000x64xf32, #tpu.memory_space<vmem>>, vector<10000x64xf32>
    tpu.vector_store %arg3[%swap3A, %swap3A_10], %add3A_9 {strides = array<i32>} : memref<10000x64xf32, #tpu.memory_space<vmem>>, vector<10000x64xf32>,
    return
  }
}

module attributes {stable_mosaic.version = 14 : i64} {
  func.func @_tc_c_body(%arg0: memref<2x10112x64xbf16, #tpu.memory_space<vmem>>, %arg1: memref<2x10112x8xf32, #tpu.memory_space<vmem>>, %arg2: memref<10112x8xf32, #tpu.memory_space<vmem>>, %arg3: memref<10000x64xf32, #tpu.memory_space<vmem>>, %arg4: memref<1x64xf32, #tpu.memory_space<vmem>>, %arg5: memref<1x64xf32, #tpu.memory_space<vmem>>, %arg6: memref<1x1xf32, #tpu.memory_space<vmem>>, %arg7: memref<1x64xf32, #tpu.memory_space<vmem>>, %arg8: memref<1x64xf32, #tpu.memory_space<vmem>>, %arg9: memref<1x64xf32, #tpu.memory_space<vmem>>, %arg10: memref<1x64xf32, #tpu.memory_space<vmem>>, %arg11: memref<1x64xf32, #tpu.memory_space<vmem>>, %arg12: memref<1x1xf32, #tpu.memory_space<vmem>>, %arg13: memref<1x1xf32, #tpu.memory_space<vmem>>) attributes {dimension_semantics = [], scalar_prefetch = 0 : i64, scratch_operands = 0 : i64, tpu.core_type = #tpu.core_type<tc>} {
    %get3A = arith.constant 0 : index
    %get3A_0 = arith.constant 0 : index
    %get3A_1 = vector.load %arg2[%get3A, %get3A_0] : memref<10112x8xf32, #tpu.memory_space<vmem>>, vector<10000x8xf32>
    %slice3A = vector.extract_strided_slice %get3A_1 {offsets = [0, 0], sizes = [10000, 1], strides = [1, 1]} : vector<10000x8xf32> to vector<10000x1xf32>
    %get3A_2 = arith.constant 0 : index
    %get3A_3 = arith.constant 0 : index
    %get3A_4 = arith.constant 0 : index
    %get3A_5 = vector.load %arg0[%get3A_2, %get3A_3, %get3A_4] : memref<2x10112x64xbf16, #tpu.memory_space<vmem>>, vector<1x10000x64xbf16>
    %get3A_6 = vector.shape_cast %get3A_5 : vector<1x10000x64xbf16> to vector<10000x64xbf16>
    %convert_element_type3A = arith.extf %get3A_6 : vector<10000x64xbf16> to vector<10000x64xf32>
    %get3A_7 = arith.constant 1 : index
    %get3A_8 = arith.constant 0 : index
    %get3A_9 = arith.constant 0 : index
    %get3A_10 = vector.load %arg0[%get3A_7, %get3A_8, %get3A_9] : memref<2x10112x64xbf16, #tpu.memory_space<vmem>>, vector<1x10000x64xbf16>
    %get3A_11 = vector.shape_cast %get3A_10 : vector<1x10000x64xbf16> to vector<10000x64xbf16>
    %convert_element_type3A_12 = arith.extf %get3A_11 : vector<10000x64xbf16> to vector<10000x64xf32>
    %add3A = arith.addf %convert_element_type3A, %convert_element_type3A_12 : vector<10000x64xf32>
    %mul3A = vector.broadcast %slice3A : vector<10000x1xf32> to vector<10000x64xf32>
    %mul3A_13 = arith.mulf %add3A, %mul3A : vector<10000x64xf32>
    %get3A_14 = arith.constant 0 : index
    %get3A_15 = arith.constant 0 : index
    %get3A_16 = vector.load %arg3[%get3A_14, %get3A_15] : memref<10000x64xf32, #tpu.memory_space<vmem>>, vector<10000x64xf32>
    %add3A_17 = arith.addf %mul3A_13, %get3A_16 : vector<10000x64xf32>
    %get3A_18 = arith.constant 0 : index
    %get3A_19 = arith.constant 0 : index
    %get3A_20 = vector.load %arg7[%get3A_18, %get3A_19] : memref<1x64xf32, #tpu.memory_space<vmem>>, vector<1x64xf32>
    %get3A_21 = arith.constant 0 : index
    %get3A_22 = arith.constant 0 : index
    %get3A_23 = vector.load %arg8[%get3A_21, %get3A_22] : memref<1x64xf32, #tpu.memory_space<vmem>>, vector<1x64xf32>
    %reduce_sum3A = arith.constant dense<0.000000e+00> : vector<64xf32>
    %reduce_sum3A_24 = vector.multi_reduction <add>, %add3A_17, %reduce_sum3A [0] : vector<10000x64xf32> to vector<64xf32>
    %broadcast_in_dim3A = vector.shape_cast %reduce_sum3A_24 : vector<64xf32> to vector<1x64xf32>
    %div3A = arith.constant 1.000000e+04 : f32
    %div3A_25 = vector.broadcast %div3A : f32 to vector<1x64xf32>
    %div3A_26 = arith.divf %broadcast_in_dim3A, %div3A_25 : vector<1x64xf32>
    %sub3A = vector.broadcast %div3A_26 : vector<1x64xf32> to vector<10000x64xf32>
    %sub3A_27 = arith.subf %add3A_17, %sub3A : vector<10000x64xf32>
    %sub3A_28 = vector.broadcast %div3A_26 : vector<1x64xf32> to vector<10000x64xf32>
    %sub3A_29 = arith.subf %add3A_17, %sub3A_28 : vector<10000x64xf32>
    %mul3A_30 = arith.mulf %sub3A_27, %sub3A_29 : vector<10000x64xf32>
    %reduce_sum3A_31 = arith.constant dense<0.000000e+00> : vector<64xf32>
    %reduce_sum3A_32 = vector.multi_reduction <add>, %mul3A_30, %reduce_sum3A_31 [0] : vector<10000x64xf32> to vector<64xf32>
    %broadcast_in_dim3A_33 = vector.shape_cast %reduce_sum3A_32 : vector<64xf32> to vector<1x64xf32>
    %div3A_34 = arith.constant 1.000000e+04 : f32
    %div3A_35 = vector.broadcast %div3A_34 : f32 to vector<1x64xf32>
    %div3A_36 = arith.divf %broadcast_in_dim3A_33, %div3A_35 : vector<1x64xf32>
    %sub3A_37 = vector.broadcast %div3A_26 : vector<1x64xf32> to vector<10000x64xf32>
    %sub3A_38 = arith.subf %add3A_17, %sub3A_37 : vector<10000x64xf32>
    %add3A_39 = arith.constant 9.99999974E-6 : f32
    %add3A_40 = vector.broadcast %add3A_39 : f32 to vector<1x64xf32>
    %add3A_41 = arith.addf %div3A_36, %add3A_40 : vector<1x64xf32>
    %sqrt3A = math.sqrt %add3A_41 : vector<1x64xf32>
    %div3A_42 = vector.broadcast %sqrt3A : vector<1x64xf32> to vector<10000x64xf32>
    %div3A_43 = arith.divf %sub3A_38, %div3A_42 : vector<10000x64xf32>
    %mul3A_44 = vector.broadcast %get3A_20 : vector<1x64xf32> to vector<10000x64xf32>
    %mul3A_45 = arith.mulf %div3A_43, %mul3A_44 : vector<10000x64xf32>
    %add3A_46 = vector.broadcast %get3A_23 : vector<1x64xf32> to vector<10000x64xf32>
    %add3A_47 = arith.addf %mul3A_45, %add3A_46 : vector<10000x64xf32>
    %max3A = arith.constant 0.000000e+00 : f32
    %max3A_48 = vector.broadcast %max3A : f32 to vector<10000x64xf32>
    %max3A_49 = arith.maximumf %add3A_47, %max3A_48 : vector<10000x64xf32>
    %get3A_50 = arith.constant 0 : index
    %get3A_51 = arith.constant 0 : index
    %get3A_52 = vector.load %arg4[%get3A_50, %get3A_51] : memref<1x64xf32, #tpu.memory_space<vmem>>, vector<1x64xf32>
    %dot_general3A = arith.constant dense<0.000000e+00> : vector<10000x1xf32>
    %dot_general3A_53 = tpu.matmul %max3A_49, %get3A_52, %dot_general3A {dimension_numbers = #tpu.dot_dimension_numbers<[1], [1], [0], [0], [0, 0, 1, 0], [], []>, transpose_lhs_hint = false} : vector<10000x64xf32>, vector<1x64xf32>, vector<10000x1xf32> -> vector<10000x1xf32>
    %get3A_54 = arith.constant 0 : index
    %get3A_55 = arith.constant 0 : index
    %get3A_56 = vector.load %arg5[%get3A_54, %get3A_55] : memref<1x64xf32, #tpu.memory_space<vmem>>, vector<1x64xf32>
    %dot_general3A_57 = arith.constant dense<0.000000e+00> : vector<10000x1xf32>
    %dot_general3A_58 = tpu.matmul %max3A_49, %get3A_56, %dot_general3A_57 {dimension_numbers = #tpu.dot_dimension_numbers<[1], [1], [0], [0], [0, 0, 1, 0], [], []>, transpose_lhs_hint = false} : vector<10000x64xf32>, vector<1x64xf32>, vector<10000x1xf32> -> vector<10000x1xf32>
    %get3A_59 = arith.constant 0 : index
    %get3A_60 = arith.constant 0 : index
    %get3A_61 = arith.constant 0 : index
    %get3A_62 = vector.load %arg1[%get3A_59, %get3A_60, %get3A_61] : memref<2x10112x8xf32, #tpu.memory_space<vmem>>, vector<1x10000x8xf32>
    %get3A_63 = vector.shape_cast %get3A_62 : vector<1x10000x8xf32> to vector<10000x8xf32>
    %get3A_64 = arith.constant 1 : index
    %get3A_65 = arith.constant 0 : index
    %get3A_66 = arith.constant 0 : index
    %get3A_67 = vector.load %arg1[%get3A_64, %get3A_65, %get3A_66] : memref<2x10112x8xf32, #tpu.memory_space<vmem>>, vector<1x10000x8xf32>
    %get3A_68 = vector.shape_cast %get3A_67 : vector<1x10000x8xf32> to vector<10000x8xf32>
    %add3A_69 = arith.addf %get3A_63, %get3A_68 : vector<10000x8xf32>
    %slice3A_70 = vector.extract_strided_slice %add3A_69 {offsets = [0, 0], sizes = [10000, 1], strides = [1, 1]} : vector<10000x8xf32> to vector<10000x1xf32>
    %mul3A_71 = arith.mulf %dot_general3A_53, %slice3A_70 : vector<10000x1xf32>
    %reduce_sum3A_72 = vector.shape_cast %mul3A_71 : vector<10000x1xf32> to vector<1x10000x1xf32>
    %reduce_sum3A_73 = arith.constant dense<0.000000e+00> : vector<1xf32>
    %reduce_sum3A_74 = vector.multi_reduction <add>, %reduce_sum3A_72, %reduce_sum3A_73 [1, 2] : vector<1x10000x1xf32> to vector<1xf32>
    %reduce_sum3A_75 = vector.shape_cast %reduce_sum3A_74 : vector<1xf32> to vector<1x1x1xf32>
    %reduce_sum3A_76 = vector.extract %reduce_sum3A_75[0, 0, 0] : f32 from vector<1x1x1xf32>
    %reduce_sum3A_77 = vector.shape_cast %dot_general3A_58 : vector<10000x1xf32> to vector<1x10000x1xf32>
    %reduce_sum3A_78 = arith.constant dense<0.000000e+00> : vector<1xf32>
    %reduce_sum3A_79 = vector.multi_reduction <add>, %reduce_sum3A_77, %reduce_sum3A_78 [1, 2] : vector<1x10000x1xf32> to vector<1xf32>
    %reduce_sum3A_80 = vector.shape_cast %reduce_sum3A_79 : vector<1xf32> to vector<1x1x1xf32>
    %reduce_sum3A_81 = vector.extract %reduce_sum3A_80[0, 0, 0] : f32 from vector<1x1x1xf32>
    %add3A_82 = arith.addf %reduce_sum3A_76, %reduce_sum3A_81 : f32
    %mul3A_83 = arith.constant 9.99999974E-5 : f32
    %mul3A_84 = arith.mulf %add3A_82, %mul3A_83 : f32
    %get3A_85 = arith.constant 0 : index
    %get3A_86 = arith.constant 0 : index
    %get3A_87 = vector.load %arg6[%get3A_85, %get3A_86] : memref<1x1xf32, #tpu.memory_space<vmem>>, vector<1x1xf32>
    %get3A_88 = vector.extract %get3A_87[0, 0] : f32 from vector<1x1xf32>
    %add3A_89 = arith.addf %mul3A_84, %get3A_88 : f32
    %get3A_90 = arith.constant 0 : index
    %get3A_91 = arith.constant 0 : index
    %get3A_92 = vector.load %arg9[%get3A_90, %get3A_91] : memref<1x64xf32, #tpu.memory_space<vmem>>, vector<1x64xf32>
    %mul3A_93 = vector.broadcast %add3A_89 : f32 to vector<1x64xf32>
    %mul3A_94 = arith.mulf %mul3A_93, %get3A_92 : vector<1x64xf32>
    %get3A_95 = arith.constant 0 : index
    %get3A_96 = arith.constant 0 : index
    %get3A_97 = vector.load %arg10[%get3A_95, %get3A_96] : memref<1x64xf32, #tpu.memory_space<vmem>>, vector<1x64xf32>
    %add3A_98 = arith.addf %mul3A_94, %get3A_97 : vector<1x64xf32>
    %max3A_99 = arith.constant 0.000000e+00 : f32
    %max3A_100 = vector.broadcast %max3A_99 : f32 to vector<1x64xf32>
    %max3A_101 = arith.maximumf %add3A_98, %max3A_100 : vector<1x64xf32>
    %get3A_102 = arith.constant 0 : index
    %get3A_103 = arith.constant 0 : index
    %get3A_104 = vector.load %arg11[%get3A_102, %get3A_103] : memref<1x64xf32, #tpu.memory_space<vmem>>, vector<1x64xf32>
    %mul3A_105 = arith.mulf %max3A_101, %get3A_104 : vector<1x64xf32>
    %reduce_sum3A_106 = vector.shape_cast %mul3A_105 : vector<1x64xf32> to vector<1x1x64xf32>
    %reduce_sum3A_107 = arith.constant dense<0.000000e+00> : vector<1xf32>
    %reduce_sum3A_108 = vector.multi_reduction <add>, %reduce_sum3A_106, %reduce_sum3A_107 [1, 2] : vector<1x1x64xf32> to vector<1xf32>
    %reduce_sum3A_109 = vector.shape_cast %reduce_sum3A_108 : vector<1xf32> to vector<1x1x1xf32>
    %reduce_sum3A_110 = vector.extract %reduce_sum3A_109[0, 0, 0] : f32 from vector<1x1x1xf32>
    %get3A_111 = arith.constant 0 : index
    %get3A_112 = arith.constant 0 : index
    %get3A_113 = vector.load %arg12[%get3A_111, %get3A_112] : memref<1x1xf32, #tpu.memory_space<vmem>>, vector<1x1xf32>
    %get3A_114 = vector.extract %get3A_113[0, 0] : f32 from vector<1x1xf32>
    %add3A_115 = arith.addf %reduce_sum3A_110, %get3A_114 : f32
    %neg3A = arith.constant 0.000000e+00 : f32
    %neg3A_116 = arith.subf %neg3A, %add3A_115 : f32
    %exp3A = math.exp %neg3A_116 : f32
    %add3A_117 = arith.constant 1.000000e+00 : f32
    %add3A_118 = arith.addf %add3A_117, %exp3A : f32
    %div3A_119 = arith.constant 1.000000e+00 : f32
    %div3A_120 = arith.divf %div3A_119, %add3A_118 : f32
    %reshape3A = vector.broadcast %div3A_120 : f32 to vector<1x1xf32>
    %swap3A = arith.constant 0 : index
    %swap3A_121 = arith.constant 0 : index
    %swap3A_122 = vector.load %arg13[%swap3A, %swap3A_121] : memref<1x1xf32, #tpu.memory_space<vmem>>, vector<1x1xf32>
    tpu.vector_store %arg13[%swap3A, %swap3A_121], %reshape3A {strides = array<i32>} : memref<1x1xf32, #tpu.memory_space<vmem>>, vector<1x1xf32>,
    return
  }
}

</mosaic_0001>

<sc_bundles>
// kernel: kernel.12.cloned.1.call-start
scs
__scs_entry_jumppad:
0x0: {  	(pc) =	sbr.rel $0x88, $3  }
0x1: {  	(tag) =	ssettag $0x0;
	lr =	simm.s32 $0x1  }
0x2: {  	[smem:$0x3F8E] =	sst lr;
	_ =	strace $0xD0000000  }
0x3: {  	_ = 	snop  }
0x4: {  	_ = 	snop  }
0x5: {  	_ = 	snop  }
0x6: {  	_ = 	snop  }
0x7: {  	_ = 	snop  }
__scs_overlays_trampoline_lowered:
0x8: {  	[smem:$0x3F9D] =	sst s0  }
0x9: {  	[smem:$0x3F9E] =	sst s1  }
0xa: {  	[smem:$0x3F9F] =	sst s2  }
0xb: {  	[smem:$0x3FA0] =	sst s3  }
0xc: {  	[smem:$0x3FA1] =	sst s4  }
0xd: {  	[smem:$0x3FA2] =	sst s5  }
0xe: {  	[smem:$0x3FA3] =	sst s6  }
0xf: {  	[smem:$0x3FA4] =	sst s7  }
0x10: {  	[smem:$0x3FA5] =	sst s8  }
0x11: {  	[smem:$0x3FA6] =	sst s9;
	s0 =	simm.s32 @!p0 $0x0  }
0x12: {  	s1 =	sld [smem:$0x3F8C];
	s0 =	simm.s32 @p0 $0x1  }
0x13: {  	[smem:$0x3FA7] =	sst s0;
	s0 =	simm.s32 @!p1 $0x0  }
0x14: {  	s2 =	sld [smem:$0x3F8B];
	s0 =	simm.s32 @p1 $0x1  }
0x15: {  	[smem:$0x3FA8] =	sst s0;
	s0 =	simm.s32 @!p2 $0x0  }
0x16: {  	s3 =	sld [smem:$0x3FDB];
	s0 =	simm.s32 @p2 $0x1  }
0x17: {  	s4 =	simm.s32 $0x1BF5;
	[smem:$0x3FAA] =	sst s0  }
0x18: {  	s0 =	sld [smem:$0x3F8D];
	_ =	swait.ge [sflag:s4], $0x0  }
0x19: {  	s7 =	sld [smem:$0x3F8E]  }
0x1a: {  	s8 =	sadd.s32 $0xFFFFE003, lr  }
0x1b: {  	s9 =	sadd.s32 $0xFFFFFEF7, lr;
	s5 =	simm.s32 $0xFFFFFFFF;
	p2 =	slt.u32 s8, $0xFFFFF086  }
0x1c: {  	p1 =	slt.u32 s9, $0xF7A;
	s5 =	simm.s32 @!p2 $0x0  }
0x1d: {  	s5 =	simm.s32 @p1 $0x1;
	p0 =	seq.s32 s7, s2  }
0x1e: {  	s7 =	smul.u32 @!p0 $0xF7A, s2;
	p2 =	seq.s32 @!p0 s5, $0x0  }
0x1f: {  	s9 =	smul.u32 $0xF7A, s1;
	s8 =	simm.s32 @!p0 $0x1BF5;
	p2 =	por !p2, p0  }
0x20: {  	[sflag:s8] =	ssyncset.s32 @!p0 $0xFFFFF086;
	s6 =	sadd.s32 @!p0 s3, s7;
	s7 =	simm.s32 @!p0 $0x108  }
0x21: {  	s3 =	sadd.s32 s3, s9;
	s6 =	sadd.s32 @!p0 $0x88, s6;
	s7 =	simm.s32 @p2 $0x1082  }
0x22: {  	[simem:s7], [sflag:s8] =	dma.local @!p0 [hbm:s6], $0xF7A  }
0x23: {  	s9 =	sor.u32 $0xD0000000, s2;
	s6 =	simm.s32 $0x108;
	_ =	swait.ge @!p0 [sflag:s8], $0x0  }
0x24: {  	s3 =	sadd.s32 $0x88, s3;
	s6 =	simm.s32 @!p1 $0x1082;
	[sflag:s4] =	ssyncset.s32 $0xFFFFF086  }
0x25: {  	[simem:s6], [sflag:s4] =	dma.local [hbm:s3], $0xF7A  }
0x26: {  	[smem:$0x3F8E] =	sst s1;
	(tag) =	ssettag s2;
	_ =	strace s9  }
0x27: {  	s1 =	sld [smem:$0x3F9E]  }
0x28: {  	s2 =	sld [smem:$0x3F9F]  }
0x29: {  	s4 =	sld [smem:$0x3FA1]  }
0x2a: {  	p0 =	seq.s32 s5, $0x0;
	s5 =	sld [smem:$0x3FA2]  }
0x2b: {  	s6 =	sld [smem:$0x3FA3]  }
0x2c: {  	s7 =	sld [smem:$0x3FA4]  }
0x2d: {  	s3 =	simm.s32 $0x108;
	s8 =	sld [smem:$0x3FA5]  }
0x2e: {  	s3 =	simm.s32 @!p0 $0x1082;
	s9 =	sld [smem:$0x3FA6]  }
0x2f: {  	lr =	sadd.s32 s0, s3;
	s0 =	sld [smem:$0x3F9D]  }
0x30: {  	s3 =	sld [smem:$0x3FA0]  }
0x31: {  	[smem:$0x3FA9] =	sst s10  }
0x32: {  	s10 =	sld [smem:$0x3FA7];
	_ =	sdelay $0x3  }
0x33: {  	p0 =	seq.s32 s10, $0x1;
	s10 =	sld [smem:$0x3FA9];
	_ =	sdelay $0x3  }
0x34: {  	[smem:$0x3FA9] =	sst s10  }
0x35: {  	s10 =	sld [smem:$0x3FA8];
	_ =	sdelay $0x3  }
0x36: {  	p1 =	seq.s32 s10, $0x1;
	s10 =	sld [smem:$0x3FA9];
	_ =	sdelay $0x3  }
0x37: {  	[smem:$0x3FA9] =	sst s10  }
0x38: {  	s10 =	sld [smem:$0x3FAA]  }
0x39: {  	_ = 	snop;
	(pc) =	sbr.ind lr, $3  }
0x3a: {  	_ = 	snop  }
0x3b: {  	_ = 	snop  }
0x3c: {  	p2 =	seq.s32 s10, $0x1;
	s10 =	sld [smem:$0x3FA9]  }
0x3d: {  	_ =	shalt  }
0x3e: {  	_ =	shalt  }
0x3f: {  	_ =	shalt  }
0x40: {  	_ =	shalt  }
0x41: {  	_ =	shalt  }
0x42: {  	_ =	shalt  }
0x43: {  	_ =	shalt  }
0x44: {  	_ =	shalt  }
0x45: {  	_ =	shalt  }
0x46: {  	_ =	shalt  }
0x47: {  	_ =	shalt  }
0x48: {  	_ =	shalt  }
0x49: {  	_ =	shalt  }
0x4a: {  	_ =	shalt  }
0x4b: {  	_ =	shalt  }
0x4c: {  	_ =	shalt  }
0x4d: {  	_ =	shalt  }
0x4e: {  	_ =	shalt  }
0x4f: {  	_ =	shalt  }
0x50: {  	_ =	shalt  }
0x51: {  	_ =	shalt  }
0x52: {  	_ =	shalt  }
0x53: {  	_ =	shalt  }
0x54: {  	_ =	shalt  }
0x55: {  	_ =	shalt  }
0x56: {  	_ =	shalt  }
0x57: {  	_ =	shalt  }
0x58: {  	_ =	shalt  }
0x59: {  	_ =	shalt  }
0x5a: {  	_ =	shalt  }
0x5b: {  	_ =	shalt  }
0x5c: {  	_ =	shalt  }
0x5d: {  	_ =	shalt  }
0x5e: {  	_ =	shalt  }
0x5f: {  	_ =	shalt  }
0x60: {  	_ =	shalt  }
0x61: {  	_ =	shalt  }
0x62: {  	_ =	shalt  }
0x63: {  	_ =	shalt  }
0x64: {  	_ =	shalt  }
0x65: {  	_ =	shalt  }
0x66: {  	_ =	shalt  }
0x67: {  	_ =	shalt  }
0x68: {  	_ =	shalt  }
0x69: {  	_ =	shalt  }
0x6a: {  	_ =	shalt  }
0x6b: {  	_ =	shalt  }
0x6c: {  	_ =	shalt  }
0x6d: {  	_ =	shalt  }
0x6e: {  	_ =	shalt  }
0x6f: {  	_ =	shalt  }
0x70: {  	_ =	shalt  }
0x71: {  	_ =	shalt  }
0x72: {  	_ =	shalt  }
0x73: {  	_ =	shalt  }
0x74: {  	_ =	shalt  }
0x75: {  	_ =	shalt  }
0x76: {  	_ =	shalt  }
0x77: {  	_ =	shalt  }
0x78: {  	_ =	shalt  }
0x79: {  	_ =	shalt  }
0x7a: {  	_ =	shalt  }
0x7b: {  	_ =	shalt  }
0x7c: {  	_ =	shalt  }
0x7d: {  	_ =	shalt  }
0x7e: {  	_ =	shalt  }
0x7f: {  	_ =	shalt  }
0x80: {  	_ =	shalt  }
0x81: {  	_ =	shalt  }
0x82: {  	_ =	shalt  }
0x83: {  	_ =	shalt  }
0x84: {  	_ =	shalt  }
0x85: {  	_ =	shalt  }
0x86: {  	_ =	shalt  }
0x87: {  	_ =	shalt  }
.Lfunc_end0:
.L_simem_size_0:
called_computation.1_lowered:
.L_overlay_start_0:
0x88: {  	s2 =	sld [smem:$0x3FD9]  }
0x89: {  	s3 =	sld [smem:$0x3FFE];
	_ =	sdelay $0x1  }
0x8a: {  	s1 =	srdreg.scid  }
0x8b: {  	s0 =	sand.u32 $0x1, s1  }
0x8c: {  	s16 =	sshll.u32 s0, $0xA;
	s2 =	sadd.s32 s3, s2  }
0x8d: {  	s2 =	sadd.s32 s2, s16  }
0x8e: {  	[smem:$0x3FB5] =	sst s2  }
0x8f: {  	_ = 	snop  }
0x90: {  	(tm) =	ssettm $0x1  }
0x91: {  	s17 =	sld [smem:$0x3FFB];
	_ =	sdelay $0x3  }
0x92: {  	_ =	strace s17  }
0x93: {  	s2 =	sld [smem:$0x3FFC];
	_ =	sdelay $0x3  }
0x94: {  	_ =	strace s2  }
0x95: {  	s2 =	sld [smem:$0x3FFD];
	_ =	sdelay $0x3  }
0x96: {  	_ =	strace s2  }
0x97: {  	_ =	strace $0x8FFFFFFF  }
0x98: {  	s18 =	sld [smem:$0x3FDB];
	_ =	sdelay $0x1  }
0x99: {  	s19 =	simm.s32 $_scs_section_size  }
0x9a: {  	s4 =	simm.s32 $_size__tile_overlayer_lowered;
	s5 =	simm.s32 $_tile_overlayer_lowered  }
0x9b: {  	s22 =	simm.s32 $0x1BFF;
	s21 =	sshll.u32 s5, $0x1;
	s2 =	sadd.s32 s19, s18  }
0x9c: {  	s6 =	simm.s32 $0x0;
	s20 =	sshll.u32 s4, $0x1;
	s4 =	sadd.s32 s21, s2  }
0x9d: {  	[timem:s6], [sflag:s22] =	dma.local [hbm:s4], s20  }
0x9e: {  	_ =	swait.ge [sflag:s22], s20  }
0x9f: {  	s3 =	ssub.s32 $0x0, s20;
	[sflag:s22] =	ssyncset.done $0x0  }
0xa0: {  	[sflag:s22] =	ssyncadd.s32 s3;
	_ =	sdelay $0x1  }
0xa1: {  	s23 =	simm.s32 $0x1B8B  }
0xa2: {  	_ =	swait.ge [sflag:s23], $0x1  }
0xa3: {  	[sflag:s23] =	ssyncset.done $0x0  }
0xa4: {  	s25 =	simm.s32 $0x1B8E;
	s24 =	sld [smem:$0x3FFE];
	[sflag:s23] =	ssyncadd.s32 $0xFFFFFFFF  }
0xa5: {  	s26 =	simm.s32 $execute0_lowered;
	[smem:$0x3FD2] =	sst s25  }
0xa6: {  	s4 =	sshll.u32 s26, $0x1;
	_ =	strace $0x80000049;
	[dreg:$0x1] =	wrdreg $0xFFFFFFFF  }
0xa7: {  	s28 =	simm.s32 $_size_execute0_lowered;
	s2 =	sadd.s32 s2, s4;
	[dreg:$0x0] =	wrdreg $0x0  }
0xa8: {  	s4 =	sshll.u32 s28, $0x1;
	[dreg:$0x2] =	wrdreg s2  }
0xa9: {  	[dreg:$0x3] =	wrdreg s4  }
0xaa: {  	[dreg:$0x4] =	wrdreg $0xC0  }
0xab: {  	_ =	task [dreg:s6], $0x5FFFF  }
0xac: {  	[dreg:$0x1] =	wrdreg $0xFFFFFFFF  }
0xad: {  	[dreg:$0x0] =	wrdreg $0x60  }
0xae: {  	[dreg:$0x2] =	wrdreg s24  }
0xaf: {  	[dreg:$0x3] =	wrdreg $0xC7000  }
0xb0: {  	[dreg:$0x4] =	wrdreg $0x116000  }
0xb1: {  	[dreg:$0x5] =	wrdreg $0x9  }
0xb2: {  	_ =	task.clear_ibuf [dreg:s6], $0x6FFFF;
	_ =	strace $0x90000049  }
0xb3: {  	s29 =	simm.s32 $0x9;
	_ =	strace $0x8000004B  }
0xb4: {  	_ =	swait.ge [sflag:s29], $0x1  }
0xb5: {  	[sflag:s29] =	ssyncadd.s32 $0xFFFFFFFF  }
0xb6: {  	_ =	strace $0x9000004B  }
0xb7: {  	_ =	sfence  }
0xb8: {  	s30 =	sld [smem:$0x0];
	_ =	sdelay $0x2  }
0xb9: {  	s31 =	sshll.u32 s1, $0xD;
	s1 =	sshrl.u32 s1, $0x2  }
0xba: {  	s3 =	sand.u32 $0x4000, s31;
	s1 =	sadd.s32 s1, s30  }
0xbb: {  	s0 =	sor.u32 s3, s0;
	s1 =	sshll.u32 s1, $0x11  }
0xbc: {  	s0 =	sor.u32 s1, s0  }
0xbd: {  	s0 =	sadd.s32 $0x8F2B, s0  }
0xbe: {  	[sflag:s0] =	ssyncadd.remote.s32 $0x1  }
0xbf: {  	_ =	sfence.sel $0xFFFF  }
0xc0: {  	[dreg:$0x0] =	wrdreg $0xFFFFFFFF;
	(pc) =	sbr.abs _section_cstart, $3  }
0xc1: {  	[dreg:$0x1] =	wrdreg $0xFFFFFFFF  }
0xc2: {  	_ =	task.clear_ibuf [dreg:s6], $0x2FFFF;
	_ =	strace $0x9FFFFFFF  }
0xc3: {  	(tm) =	ssettm $0x7FFFFFFF  }
tec
execute0_lowered:
.L_overlay_start_1:
0x0: {  	(tag) =	ssettag $0x1  }
0x1: {  	s0 =	rddreg [dreg:$0x0]  }
0x2: {  	s1 =	rddreg [dreg:$0x1]  }
0x3: {  	s3 =	rddreg [dreg:$0x2];
	s4 =	simm.s32 $0x0  }
0x4: {  	s2 =	srdreg.scid;
	s15 =	stileid.u32;
	s29 =	simm.s32 $0x6F00  }
0x5: {  	s31 =	simm.s32 $0xB700;
	s28 =	simm.s32 $0x8F00;
	s30 =	simm.s32 $0xBF00  }
0x6: {  	[smem:$0x7FF] =	sst s4;
	s2 =	sand.u32 $0x1, s2;
	s16 =	smul.u32 $0x9E00, s15  }
0x7: {  	s5 =	sadd.s32 $0x21600, s0;
	s6 =	sadd.s32 $0x17400, s0;
	s8 =	sadd.s32 $0xCC00, s0  }
0x8: {  	s10 =	sadd.s32 $0x2E00, s0;
	s11 =	smul.u32 $0x13C0, s15;
	s9 =	sadd.s32 $0x16A00, s0  }
0x9: {  	s12 =	sadd.s32 $0x21200, s0;
	s18 =	sshll.u32 s15, $0x1;
	s20 =	sshll.u32 s15, $0x6  }
0xa: {  	p0 =	sgt.u32 s15, $0x1;
	s15 =	simm.s32 $0x0;
	s7 =	smul.u32 $0x9E000, s2  }
0xb: {  	_ =	strace $0x8000004A;
	[dreg:$0x4] =	wrdreg s9;
	s17 =	smul.u32 $0x13C00, s2  }
0xc: {  	[dreg:$0x5] =	wrdreg s12;
	s13 =	ssub.s32 $0x2, s2;
	s2 =	sor.u32 s2, s18  }
0xd: {  	s19 =	sshrl.u32 s13, $0x1;
	s14 =	smul.u32 $0x4E, s2;
	s2 =	smin.u32 s2, $0x4  }
0xe: {  	s4 =	sshrl.u32 s16, $0x1;
	s7 =	sadd.s32 s16, s7;
	s9 =	sadd.s32 s11, s17  }
0xf: {  	s12 =	ssub.s32 s13, s19;
	s4 =	sadd.s32 s4, s1;
	s11 =	sadd.s32 s11, s3  }
0x10: {  	s19 =	simm.s32 $0x7;
	s13 =	simm.s32 $0x6;
	s7 =	sshrl.u32 s7, $0x4  }
0x11: {  	s9 =	sshrl.u32 s9, $0x3;
	s2 =	sadd.s32 s2, s14;
	[dreg:$0x7] =	wrdreg s11  }
0x12: {  	s26 =	smax.u32 s12, $0x1;
	s11 =	simm.s32 $0x4;
	s12 =	simm.s32 $0x5  }
0x13: {  	s14 =	simm.s32 $0x1;
	s7 =	sadd.s32 s7, s0;
	s0 =	sadd.s32 s9, s0  }
0x14: {  	s9 =	sor.u32 $0x1C07, s20;
	s2 =	sshll.u32 s2, $0x4;
	[dreg:$0xe] =	wrdreg s26  }
0x15: {  	s26 =	simm.s32 $0xB300;
	s21 =	sadd.s32 s8, s2;
	[dreg:$0x6] =	wrdreg s9  }
0x16: {  	s22 =	sadd.s32 $0x4E0, s2;
	s2 =	sadd.s32 s10, s2;
	[dreg:$0x8] =	wrdreg s21  }
0x17: {  	s25 =	sadd.s32 $0x2B400, s7;
	s0 =	sadd.s32 $0x19C00, s0;
	[dreg:$0x9] =	wrdreg s2  }
0x18: {  	s7 =	simm.s32 $0x9F00;
	s23 =	sadd.s32 s8, s22;
	[dreg:$0xc] =	wrdreg s25  }
.Ltmp0:
0x19: {  	s24 =	sadd.s32 s10, s22;
	[dreg:$0xd] =	wrdreg s0;
	(pc) =	sbr.rel .LBB2_1-.Ltmp0, $4  }
0x1a: {  	s10 =	sshrl.u32 s4, $0x3;
	s21 =	simm.s32 $0x80;
	s22 =	simm.s32 $0x4F00  }
0x1b: {  	s0 =	simm.s32 $0x2;
	s2 =	simm.s32 $0x7F00;
	[dreg:$0xa] =	wrdreg s23  }
0x1c: {  	s25 =	simm.s32 $0xBB00;
	s8 =	simm.s32 $0xC300;
	[dreg:$0xb] =	wrdreg s24  }
0x1d: {  	s23 =	simm.s32 $0xAF00;
	s24 =	simm.s32 $0x5F00;
	[dreg:$0xf] =	wrdreg s10  }
.LBB2_10:
0x1e: {  	s4 =	simm.s32 $0x3  }
0x1f: {  	_ =	swait.ge [sflag:s4], $0x1000  }
0x20: {  	[sflag:s4] =	ssyncset.done $0x0  }
0x21: {  	[sflag:s4] =	ssyncadd.s32 $0xFFFFF000  }
0x22: {  	_ =	swait.ge [sflag:s11], $0x1000  }
0x23: {  	[sflag:s11] =	ssyncset.done $0x0  }
0x24: {  	[sflag:s11] =	ssyncadd.s32 $0xFFFFF000  }
0x25: {  	_ =	swait.ge [sflag:s12], $0x400  }
0x26: {  	[sflag:s12] =	ssyncset.done $0x0  }
0x27: {  	[sflag:s12] =	ssyncadd.s32 $0xFFFFFC00  }
0x28: {  	_ =	swait.ge [sflag:s13], $0x400  }
0x29: {  	[sflag:s13] =	ssyncset.done $0x0  }
0x2a: {  	[sflag:s13] =	ssyncadd.s32 $0xFFFFFC00  }
0x2b: {  	_ =	swait.ge [sflag:s4], $0x1000  }
0x2c: {  	[sflag:s4] =	ssyncset.done $0x0  }
0x2d: {  	[sflag:s4] =	ssyncadd.s32 $0xFFFFF000  }
0x2e: {  	_ =	swait.ge [sflag:s11], $0x1000  }
0x2f: {  	[sflag:s11] =	ssyncset.done $0x0  }
0x30: {  	[sflag:s11] =	ssyncadd.s32 $0xFFFFF000  }
0x31: {  	_ =	swait.ge [sflag:s12], $0x400  }
0x32: {  	[sflag:s12] =	ssyncset.done $0x0  }
0x33: {  	[sflag:s12] =	ssyncadd.s32 $0xFFFFFC00  }
0x34: {  	_ =	swait.ge [sflag:s13], $0x400  }
0x35: {  	[sflag:s13] =	ssyncset.done $0x0  }
0x36: {  	[sflag:s13] =	ssyncadd.s32 $0xFFFFFC00  }
0x37: {  	_ =	swait.ge [sflag:s4], $0x1000  }
0x38: {  	[sflag:s4] =	ssyncset.done $0x0  }
0x39: {  	[sflag:s4] =	ssyncadd.s32 $0xFFFFF000  }
0x3a: {  	_ =	swait.ge [sflag:s11], $0x1000  }
0x3b: {  	[sflag:s11] =	ssyncset.done $0x0  }
0x3c: {  	[sflag:s11] =	ssyncadd.s32 $0xFFFFF000  }
0x3d: {  	_ =	swait.ge [sflag:s12], $0x400  }
0x3e: {  	[sflag:s12] =	ssyncset.done $0x0  }
0x3f: {  	[sflag:s12] =	ssyncadd.s32 $0xFFFFFC00  }
0x40: {  	_ =	swait.ge [sflag:s13], $0x400  }
0x41: {  	s9 =	simm.s32 @!p0 $0x2700;
	s10 =	simm.s32 @!p0 $0x4F00;
	[sflag:s13] =	ssyncset.done $0x0  }
0x42: {  	s16 =	simm.s32 @!p0 $0x1;
	s4 =	simm.s32 @!p0 $0x80;
	[sflag:s13] =	ssyncadd.s32 $0xFFFFFC00  }
0x43: {  	[tilespmem:s10], [sflag:$0x1] =	stream.indirect.gather @!p0 [hbm4b:s5+s4], $0x20, s9, s4, $0xb8;
	[tilespmem:$0x129C0] =	vst v63  }
0x44: {  	_ =	swait.ge @!p0 [sflag:s16], $0x1000  }
0x45: {  	[sflag:s16] =	ssyncset.done @!p0 $0x0  }
0x46: {  	s17 =	simm.s32 @!p0 $0x4E80;
	[sflag:s16] =	ssyncadd.s32 @!p0 $0xFFFFF000  }
0x47: {  	[spmem:s1] =	stream.indirect.scatter.add.bf16 @!p0 [tilespmem:s10], [sflag:$0x7], $0x20, s17, s4, $0xb8;
	[tilespmem:$0x129C0] =	vst v63  }
0x48: {  	s10 =	simm.s32 @!p0 $0x7  }
0x49: {  	_ =	swait.ge @!p0 [sflag:s10], $0x1000  }
0x4a: {  	[sflag:s10] =	ssyncset.done @!p0 $0x0  }
0x4b: {  	s18 =	simm.s32 @!p0 $0xAF00;
	[sflag:s10] =	ssyncadd.s32 @!p0 $0xFFFFF000  }
0x4c: {  	[tilespmem:s18], [sflag:$0x1] =	stream.indirect.gather @!p0 [hbm4b:s6+s4], $0x8, s17, s4, $0xb8;
	[tilespmem:$0x129C0] =	vst v63  }
0x4d: {  	_ =	swait.ge @!p0 [sflag:s16], $0x400  }
0x4e: {  	[sflag:s16] =	ssyncset.done @!p0 $0x0  }
0x4f: {  	[sflag:s16] =	ssyncadd.s32 @!p0 $0xFFFFFC00  }
0x50: {  	[spmem:s3] =	stream.indirect.scatter.add.f32 @!p0 [tilespmem:s18], [sflag:$0x7], $0x8, s9, s4, $0xb8;
	[tilespmem:$0x129C0] =	vst v63  }
0x51: {  	_ =	swait.ge @!p0 [sflag:s10], $0x400  }
0x52: {  	[sflag:s10] =	ssyncset.done @!p0 $0x0  }
0x53: {  	[sflag:s10] =	ssyncadd.s32 @!p0 $0xFFFFFC00  }
0x54: {  	[bflag:$0x0] =	sbarrier.arrive $0xFFFF  }
0x55: {  	s9 =	rddreg [dreg:$0x6]  }
0x56: {  	s16 =	rddreg [dreg:$0xc]  }
0x57: {  	s10 =	rddreg [dreg:$0xf]  }
0x58: {  	[hbm:s16], [sflag:s9] =	dma.local [spmem:s10], $0x9E0  }
0x59: {  	_ =	swait.ge [sflag:s19], $0x9E0  }
0x5a: {  	[sflag:s19] =	ssyncset.done $0x0;
	s17 =	rddreg [dreg:$0xd]  }
0x5b: {  	s18 =	rddreg [dreg:$0x10];
	[sflag:s19] =	ssyncadd.s32 $0xFFFFF620  }
0x5c: {  	[hbm:s17], [sflag:s9] =	dma.local [spmem:s18], $0x278  }
0x5d: {  	_ =	swait.ge [sflag:s19], $0x278  }
0x5e: {  	s15 =	sadd.s32 $0x1, s15;
	s20 =	rddreg [dreg:$0xe]  }
0x5f: {  	p1 =	sne.s32 s15, s20  }
.Ltmp1:
0x60: {  	_ = 	snop;
	(pc) =	sbr.rel @!p1 .LBB2_11-.Ltmp1, $3  }
0x61: {  	_ =	sdelay $0x1  }
0x62: {  	[sflag:s19] =	ssyncset.done $0x0  }
0x63: {  	[sflag:s19] =	ssyncadd.s32 $0xFFFFFD88  }
.LBB2_1:
0x64: {  	s4 =	rddreg [dreg:$0x4]  }
0x65: {  	[spmem:s10], [sflag:s9] =	dma.local [hbm:s4], $0x9E0  }
0x66: {  	_ =	swait.ge [sflag:s19], $0x9E0  }
0x67: {  	s16 =	rddreg [dreg:$0x7]  }
0x68: {  	[sflag:s19] =	ssyncset.done $0x0;
	s18 =	rddreg [dreg:$0x5];
	s17 =	sshrl.u32 s16, $0x3  }
0x69: {  	[sflag:s19] =	ssyncadd.s32 $0xFFFFF620;
	[dreg:$0x10] =	wrdreg s17  }
0x6a: {  	[spmem:s17], [sflag:s9] =	dma.local [hbm:s18], $0x278  }
0x6b: {  	_ =	swait.ge [sflag:s19], $0x278  }
0x6c: {  	[sflag:s19] =	ssyncset.done $0x0  }
0x6d: {  	s20 =	simm.s32 $0x0;
	s10 =	rddreg [dreg:$0x8];
	[sflag:s19] =	ssyncadd.s32 $0xFFFFFD88  }
0x6e: {  	[tilespmem:s20], [sflag:$0x7] =	stream.linear.gather [hbm4b:s10+s20], $0x2700, $0x38;
	[tilespmem:$0x129C0] =	vst v63  }
0x6f: {  	_ =	swait.ge [sflag:s19], $0x2700  }
0x70: {  	[sflag:s19] =	ssyncset.done $0x0  }
0x71: {  	s18 =	simm.s32 $0x2780;
	s16 =	rddreg [dreg:$0x9];
	[sflag:s19] =	ssyncadd.s32 $0xFFFFD900  }
0x72: {  	[tilespmem:s18], [sflag:$0x7] =	stream.linear.gather [hbm4b:s16+s20], $0x2700, $0x38;
	[tilespmem:$0x129C0] =	vst v63  }
0x73: {  	_ =	swait.ge [sflag:s19], $0x2700  }
0x74: {  	s4 =	simm.s32 @!p0 $0x0;
	[sflag:s19] =	ssyncset.done $0x0  }
0x75: {  	s16 =	simm.s32 @!p0 $0x2700;
	s10 =	rddreg [dreg:$0xa];
	[sflag:s19] =	ssyncadd.s32 $0xFFFFD900  }
0x76: {  	[tilespmem:s16], [sflag:$0x7] =	stream.linear.gather @!p0 [hbm4b:s10+s4], $0x80, $0x38;
	[tilespmem:$0x129C0] =	vst v63  }
0x77: {  	s16 =	simm.s32 @!p0 $0x7  }
0x78: {  	_ =	swait.ge @!p0 [sflag:s16], $0x80  }
0x79: {  	[sflag:s16] =	ssyncset.done @!p0 $0x0  }
0x7a: {  	s17 =	simm.s32 @!p0 $0x4E80;
	s10 =	rddreg [dreg:$0xb];
	[sflag:s16] =	ssyncadd.s32 @!p0 $0xFFFFFF80  }
0x7b: {  	[tilespmem:s17], [sflag:$0x7] =	stream.linear.gather @!p0 [hbm4b:s10+s4], $0x80, $0x38;
	[tilespmem:$0x129C0] =	vst v63  }
0x7c: {  	_ =	swait.ge @!p0 [sflag:s16], $0x80  }
0x7d: {  	[sflag:s16] =	ssyncset.done @!p0 $0x0  }
0x7e: {  	[sflag:s16] =	ssyncadd.s32 @!p0 $0xFFFFFF80  }
0x7f: {  	[bflag:$0x0] =	sbarrier.arrive $0xFFFF  }
0x80: {  	[tilespmem:s22], [sflag:$0x1] =	stream.indirect.gather [hbm4b:s5+s21], $0x20, s20, s21, $0xb8;
	[tilespmem:$0x129C0] =	vst v63  }
0x81: {  	_ = 	snop  }
0x82: {  	[tilespmem:s23], [sflag:$0x1] =	stream.indirect.gather [hbm4b:s6+s21], $0x8, s18, s21, $0xb8;
	[tilespmem:$0x129C0] =	vst v63  }
0x83: {  	_ = 	snop  }
0x84: {  	[tilespmem:s24], [sflag:$0x1] =	stream.indirect.gather [hbm4b:s5+s21], $0x20, s21, s21, $0xb8;
	[tilespmem:$0x129C0] =	vst v63  }
0x85: {  	s17 =	simm.s32 $0x2800  }
0x86: {  	[tilespmem:s26], [sflag:$0x1] =	stream.indirect.gather [hbm4b:s6+s21], $0x8, s17, s21, $0xb8;
	[tilespmem:$0x129C0] =	vst v63  }
.Ltmp2:
0x87: {  	s18 =	simm.s32 $0x100;
	(pc) =	sbr.rel .LBB2_2-.Ltmp2, $4  }
0x88: {  	[tilespmem:s29], [sflag:$0x1] =	stream.indirect.gather [hbm4b:s5+s21], $0x20, s18, s21, $0xb8;
	[tilespmem:$0x129C0] =	vst v63  }
0x89: {  	s20 =	simm.s32 $0x2880  }
0x8a: {  	[tilespmem:s31], [sflag:$0x1] =	stream.indirect.gather [hbm4b:s6+s21], $0x8, s20, s21, $0xb8;
	[tilespmem:$0x129C0] =	vst v63  }
0x8b: {  	s4 =	simm.s32 $0x0;
	s16 =	simm.s32 $0x0;
	s20 =	simm.s32 $0x0  }
.LBB2_8:
0x8c: {  	p1 =	seq.s32 s20, $0x9600  }
0x8d: {  	s9 =	simm.s32 @!p1 $0x3  }
0x8e: {  	_ =	swait.ge @!p1 [sflag:s9], $0x1000  }
0x8f: {  	[sflag:s9] =	ssyncset.done @!p1 $0x0  }
0x90: {  	s17 =	simm.s32 @!p1 $0x5;
	[sflag:s9] =	ssyncadd.s32 @!p1 $0xFFFFF000  }
0x91: {  	_ =	swait.ge @!p1 [sflag:s17], $0x400  }
0x92: {  	[sflag:s17] =	ssyncset.done @!p1 $0x0  }
0x93: {  	[sflag:s17] =	ssyncadd.s32 @!p1 $0xFFFFFC00  }
0x94: {  	_ =	swait.ge @!p1 [sflag:s9], $0x1000  }
0x95: {  	[sflag:s9] =	ssyncset.done @!p1 $0x0  }
0x96: {  	[sflag:s9] =	ssyncadd.s32 @!p1 $0xFFFFF000  }
0x97: {  	_ =	swait.ge @!p1 [sflag:s17], $0x400  }
0x98: {  	[sflag:s17] =	ssyncset.done @!p1 $0x0  }
0x99: {  	[sflag:s17] =	ssyncadd.s32 @!p1 $0xFFFFFC00  }
0x9a: {  	_ =	swait.ge @!p1 [sflag:s9], $0x1000  }
0x9b: {  	[sflag:s9] =	ssyncset.done @!p1 $0x0  }
0x9c: {  	[sflag:s9] =	ssyncadd.s32 @!p1 $0xFFFFF000  }
0x9d: {  	_ =	swait.ge @!p1 [sflag:s17], $0x400  }
0x9e: {  	s18 =	simm.s32 @!p1 $0x80;
	s9 =	sshra.s32 @!p1 s20, $0x2;
	[sflag:s17] =	ssyncset.done @!p1 $0x0  }
0x9f: {  	s10 =	simm.s32 @!p1 $0x4F00;
	[sflag:s17] =	ssyncadd.s32 @!p1 $0xFFFFFC00;
	s17 =	sadd.s32 @!p1 $0x180, s9  }
0xa0: {  	[tilespmem:s10], [sflag:$0x1] =	stream.indirect.gather @!p1 [hbm4b:s5+s18], $0x20, s17, s18, $0xb8;
	[tilespmem:$0x129C0] =	vst v63  }
0xa1: {  	s10 =	sadd.s32 @!p1 $0x2900, s9;
	s17 =	simm.s32 @!p1 $0xAF00  }
0xa2: {  	[tilespmem:s17], [sflag:$0x1] =	stream.indirect.gather @!p1 [hbm4b:s6+s18], $0x8, s10, s18, $0xb8;
	[tilespmem:$0x129C0] =	vst v63  }
0xa3: {  	s10 =	sadd.s32 @!p1 $0x200, s9;
	s17 =	simm.s32 @!p1 $0x5F00  }
0xa4: {  	[tilespmem:s17], [sflag:$0x1] =	stream.indirect.gather @!p1 [hbm4b:s5+s18], $0x20, s10, s18, $0xb8;
	[tilespmem:$0x129C0] =	vst v63  }
0xa5: {  	s10 =	sadd.s32 @!p1 $0x2980, s9;
	s17 =	simm.s32 @!p1 $0xB300  }
0xa6: {  	[tilespmem:s17], [sflag:$0x1] =	stream.indirect.gather @!p1 [hbm4b:s6+s18], $0x8, s10, s18, $0xb8;
	[tilespmem:$0x129C0] =	vst v63  }
0xa7: {  	s10 =	sadd.s32 @!p1 $0x280, s9;
	s17 =	simm.s32 @!p1 $0x6F00  }
0xa8: {  	[tilespmem:s17], [sflag:$0x1] =	stream.indirect.gather @!p1 [hbm4b:s5+s18], $0x20, s10, s18, $0xb8;
	[tilespmem:$0x129C0] =	vst v63  }
0xa9: {  	s9 =	sadd.s32 @!p1 $0x2A00, s9;
	s10 =	simm.s32 @!p1 $0xB700  }
0xaa: {  	[tilespmem:s10], [sflag:$0x1] =	stream.indirect.gather @!p1 [hbm4b:s6+s18], $0x8, s9, s18, $0xb8;
	[tilespmem:$0x129C0] =	vst v63  }
0xab: {  	_ =	swait.ge [sflag:s0], $0x1000  }
0xac: {  	[sflag:s0] =	ssyncset.done $0x0  }
0xad: {  	[sflag:s0] =	ssyncadd.s32 $0xFFFFF000  }
0xae: {  	_ =	swait.ge [sflag:s0], $0x400  }
0xaf: {  	[sflag:s0] =	ssyncset.done $0x0  }
0xb0: {  	[sflag:s0] =	ssyncadd.s32 $0xFFFFFC00  }
0xb1: {  	_ =	swait.ge [sflag:s0], $0x1000  }
0xb2: {  	[sflag:s0] =	ssyncset.done $0x0  }
0xb3: {  	[sflag:s0] =	ssyncadd.s32 $0xFFFFF000  }
0xb4: {  	_ =	swait.ge [sflag:s0], $0x400  }
0xb5: {  	[sflag:s0] =	ssyncset.done $0x0  }
0xb6: {  	[sflag:s0] =	ssyncadd.s32 $0xFFFFFC00  }
0xb7: {  	_ =	swait.ge [sflag:s0], $0x1000  }
0xb8: {  	[sflag:s0] =	ssyncset.done $0x0  }
0xb9: {  	[sflag:s0] =	ssyncadd.s32 $0xFFFFF000  }
0xba: {  	s9 =	smov.u32 s16;
	_ =	swait.ge [sflag:s0], $0x400  }
0xbb: {  	s9 =	simm.s32 @p1 $0x2580;
	[sflag:s0] =	ssyncset.done $0x0  }
0xbc: {  	s17 =	sadd.s32 $0x2780, s9;
	[sflag:s0] =	ssyncadd.s32 $0xFFFFFC00  }
0xbd: {  	[spmem:s1] =	stream.indirect.scatter.add.bf16 [tilespmem:s2], [sflag:$0x4], $0x20, s17, s21, $0xb8;
	[tilespmem:$0x129C0] =	vst v63  }
0xbe: {  	_ = 	snop  }
0xbf: {  	[spmem:s3] =	stream.indirect.scatter.add.f32 [tilespmem:s25], [sflag:$0x6], $0x8, s9, s21, $0xb8;
	[tilespmem:$0x129C0] =	vst v63  }
0xc0: {  	s18 =	sadd.s32 $0x2800, s9  }
0xc1: {  	[spmem:s1] =	stream.indirect.scatter.add.bf16 [tilespmem:s28], [sflag:$0x4], $0x20, s18, s21, $0xb8;
	[tilespmem:$0x129C0] =	vst v63  }
0xc2: {  	s17 =	sadd.s32 $0x80, s9  }
0xc3: {  	[spmem:s3] =	stream.indirect.scatter.add.f32 [tilespmem:s30], [sflag:$0x6], $0x8, s17, s21, $0xb8;
	[tilespmem:$0x129C0] =	vst v63  }
0xc4: {  	s18 =	sadd.s32 $0x2880, s9  }
0xc5: {  	[spmem:s1] =	stream.indirect.scatter.add.bf16 [tilespmem:s7], [sflag:$0x4], $0x20, s18, s21, $0xb8;
	[tilespmem:$0x129C0] =	vst v63  }
0xc6: {  	s9 =	sadd.s32 $0x100, s9  }
0xc7: {  	[spmem:s3] =	stream.indirect.scatter.add.f32 [tilespmem:s8], [sflag:$0x6], $0x8, s9, s21, $0xb8;
	[tilespmem:$0x129C0] =	vst v63  }
.LBB2_9:
0xc8: {  	s20 =	sadd.s32 $0x600, s20  }
0xc9: {  	p1 =	sne.s32 s20, $0x9C00  }
.Ltmp3:
0xca: {  	_ = 	snop;
	(pc) =	sbr.rel @!p1 .LBB2_10-.Ltmp3, $2  }
0xcb: {  	_ =	sdelay $0x2  }
0xcc: {  	s4 =	sadd.s32 $0x1, s4;
	s16 =	sadd.s32 $0x180, s16  }
.LBB2_2:
0xcd: {  	s18 =	sand.u32 $0x1, s4  }
0xce: {  	p1 =	seq.s32 s18, $0x1  }
.Ltmp4:
0xcf: {  	_ = 	snop;
	(pc) =	sbr.rel @p1 .LBB2_8-.Ltmp4, $1  }
0xd0: {  	_ =	sdelay $0x3  }
0xd1: {  	p1 =	seq.s32 s4, $0x0  }
.Ltmp5:
0xd2: {  	_ = 	snop;
	(pc) =	sbr.rel @p1 .LBB2_6-.Ltmp5, $1  }
0xd3: {  	_ =	sdelay $0x3  }
0xd4: {  	p1 =	seq.s32 s4, $0x19  }
.Ltmp6:
0xd5: {  	_ = 	snop;
	(pc) =	sbr.rel @p1 .LBB2_7-.Ltmp6, $2  }
0xd6: {  	_ =	sdelay $0x2  }
0xd7: {  	s17 =	simm.s32 $0x2580  }
0xd8: {  	_ =	swait.ge [sflag:s11], $0x1000  }
0xd9: {  	[sflag:s11] =	ssyncset.done $0x0  }
0xda: {  	[sflag:s11] =	ssyncadd.s32 $0xFFFFF000  }
0xdb: {  	_ =	swait.ge [sflag:s13], $0x400  }
0xdc: {  	[sflag:s13] =	ssyncset.done $0x0  }
0xdd: {  	[sflag:s13] =	ssyncadd.s32 $0xFFFFFC00  }
0xde: {  	_ =	swait.ge [sflag:s11], $0x1000  }
0xdf: {  	[sflag:s11] =	ssyncset.done $0x0  }
0xe0: {  	[sflag:s11] =	ssyncadd.s32 $0xFFFFF000  }
0xe1: {  	_ =	swait.ge [sflag:s13], $0x400  }
0xe2: {  	[sflag:s13] =	ssyncset.done $0x0  }
0xe3: {  	[sflag:s13] =	ssyncadd.s32 $0xFFFFFC00  }
0xe4: {  	_ =	swait.ge [sflag:s11], $0x1000  }
0xe5: {  	[sflag:s11] =	ssyncset.done $0x0  }
0xe6: {  	[sflag:s11] =	ssyncadd.s32 $0xFFFFF000  }
0xe7: {  	_ =	swait.ge [sflag:s13], $0x400  }
0xe8: {  	[sflag:s13] =	ssyncset.done $0x0  }
0xe9: {  	[sflag:s13] =	ssyncadd.s32 $0xFFFFFC00  }
.LBB2_6:
0xea: {  	s17 =	sshra.s32 s20, $0x2  }
0xeb: {  	s9 =	sadd.s32 $0x180, s17  }
0xec: {  	[tilespmem:s2], [sflag:$0x2] =	stream.indirect.gather [hbm4b:s5+s21], $0x20, s9, s21, $0xb8;
	[tilespmem:$0x129C0] =	vst v63  }
0xed: {  	s10 =	sadd.s32 $0x2900, s17  }
0xee: {  	[tilespmem:s25], [sflag:$0x2] =	stream.indirect.gather [hbm4b:s6+s21], $0x8, s10, s21, $0xb8;
	[tilespmem:$0x129C0] =	vst v63  }
0xef: {  	s10 =	sadd.s32 $0x200, s17  }
0xf0: {  	[tilespmem:s28], [sflag:$0x2] =	stream.indirect.gather [hbm4b:s5+s21], $0x20, s10, s21, $0xb8;
	[tilespmem:$0x129C0] =	vst v63  }
0xf1: {  	s10 =	sadd.s32 $0x2980, s17  }
0xf2: {  	[tilespmem:s30], [sflag:$0x2] =	stream.indirect.gather [hbm4b:s6+s21], $0x8, s10, s21, $0xb8;
	[tilespmem:$0x129C0] =	vst v63  }
0xf3: {  	s10 =	sadd.s32 $0x280, s17  }
0xf4: {  	[tilespmem:s7], [sflag:$0x2] =	stream.indirect.gather [hbm4b:s5+s21], $0x20, s10, s21, $0xb8;
	[tilespmem:$0x129C0] =	vst v63  }
0xf5: {  	s17 =	sadd.s32 $0x2A00, s17  }
0xf6: {  	[tilespmem:s8], [sflag:$0x2] =	stream.indirect.gather [hbm4b:s6+s21], $0x8, s17, s21, $0xb8;
	[tilespmem:$0x129C0] =	vst v63  }
0xf7: {  	s17 =	smov.u32 s16  }
.LBB2_7:
0xf8: {  	_ =	swait.ge [sflag:s14], $0x1000  }
0xf9: {  	[sflag:s14] =	ssyncset.done $0x0  }
0xfa: {  	[sflag:s14] =	ssyncadd.s32 $0xFFFFF000  }
0xfb: {  	_ =	swait.ge [sflag:s14], $0x400  }
0xfc: {  	[sflag:s14] =	ssyncset.done $0x0  }
0xfd: {  	[sflag:s14] =	ssyncadd.s32 $0xFFFFFC00  }
0xfe: {  	_ =	swait.ge [sflag:s14], $0x1000  }
0xff: {  	[sflag:s14] =	ssyncset.done $0x0  }
0x100: {  	[sflag:s14] =	ssyncadd.s32 $0xFFFFF000  }
0x101: {  	_ =	swait.ge [sflag:s14], $0x400  }
0x102: {  	[sflag:s14] =	ssyncset.done $0x0  }
0x103: {  	[sflag:s14] =	ssyncadd.s32 $0xFFFFFC00  }
0x104: {  	_ =	swait.ge [sflag:s14], $0x1000  }
0x105: {  	[sflag:s14] =	ssyncset.done $0x0  }
0x106: {  	[sflag:s14] =	ssyncadd.s32 $0xFFFFF000  }
0x107: {  	_ =	swait.ge [sflag:s14], $0x400  }
0x108: {  	[sflag:s14] =	ssyncset.done $0x0  }
0x109: {  	s9 =	sadd.s32 $0x2780, s17;
	[sflag:s14] =	ssyncadd.s32 $0xFFFFFC00  }
0x10a: {  	[spmem:s1] =	stream.indirect.scatter.add.bf16 [tilespmem:s22], [sflag:$0x3], $0x20, s9, s21, $0xb8;
	[tilespmem:$0x129C0] =	vst v63  }
0x10b: {  	_ = 	snop  }
0x10c: {  	[spmem:s3] =	stream.indirect.scatter.add.f32 [tilespmem:s23], [sflag:$0x5], $0x8, s17, s21, $0xb8;
	[tilespmem:$0x129C0] =	vst v63  }
0x10d: {  	s10 =	sadd.s32 $0x2800, s17  }
0x10e: {  	[spmem:s1] =	stream.indirect.scatter.add.bf16 [tilespmem:s24], [sflag:$0x3], $0x20, s10, s21, $0xb8;
	[tilespmem:$0x129C0] =	vst v63  }
0x10f: {  	p1 =	seq.s32 s18, $0x0;
	s10 =	sor.u32 $0x80, s17  }
0x110: {  	[spmem:s3] =	stream.indirect.scatter.add.f32 [tilespmem:s26], [sflag:$0x5], $0x8, s10, s21, $0xb8;
	[tilespmem:$0x129C0] =	vst v63  }
.Ltmp7:
0x111: {  	_ = 	snop;
	(pc) =	sbr.rel @p1 .LBB2_9-.Ltmp7, $4  }
.Ltmp8:
0x112: {  	s10 =	sadd.s32 $0x2880, s17;
	(pc) =	sbr.rel @!p1 .LBB2_8-.Ltmp8, $4  }
0x113: {  	[spmem:s1] =	stream.indirect.scatter.add.bf16 [tilespmem:s29], [sflag:$0x3], $0x20, s10, s21, $0xb8;
	[tilespmem:$0x129C0] =	vst v63  }
0x114: {  	s17 =	sadd.s32 $0x100, s17  }
0x115: {  	[spmem:s3] =	stream.indirect.scatter.add.f32 [tilespmem:s31], [sflag:$0x5], $0x8, s17, s21, $0xb8;
	[tilespmem:$0x129C0] =	vst v63  }
0x116: {  	_ = 	snop  }
.LBB2_11:
0x117: {  	_ =	sfence.sel $0x180000  }
0x118: {  	[bflag:$0x0] =	sbarrier.arrive $0xFFFF  }
0x119: {  	_ =	strace $0x9000004A  }
0x11a: {  	s0 =	stileid.u32;
	[bflag:$0x2] =	sbarrier.arrive $0xFFFF  }
0x11b: {  	p0 =	sne.s32 s0, $0x0;
	s0 =	rddreg [dreg:$0x3]  }
0x11c: {  	s0 =	sadd.s32 @!p0 $0x100000, s0  }
0x11d: {  	[sflag:s0] =	ssyncadd.tile.s32 @!p0 $0x1;
	_ =	shalt  }
.Lfunc_end2:
_tile_overlayer_lowered:
.L_overlay_start_2:
0x11e: {  	(tag) =	ssettag $0x2  }
0x11f: {  	s0 =	rddreg [dreg:$0x0];
	s2 =	stileid.u32  }
0x120: {  	s1 =	rddreg [dreg:$0x1];
	p0 =	sne.s32 s2, $0x0  }
0x121: {  	s3 =	rddreg [dreg:$0x2];
	[bflag:$0x3] =	sbarrier.arrive $0xFFFF;
	s2 =	simm.s32 @!p0 $0x1C07  }
0x122: {  	[timem:s3], [sflag:s2] =	dma.local @!p0 [hbm:s0], s1  }
0x123: {  	s0 =	simm.s32 @!p0 $0x7  }
0x124: {  	_ =	swait.ge @!p0 [sflag:s0], s1  }
0x125: {  	s1 =	ssub.s32 @!p0 $0x0, s1;
	[sflag:s0] =	ssyncset.done @!p0 $0x0  }
0x126: {  	[sflag:s0] =	ssyncadd.s32 @!p0 s1  }
0x127: {  	[bflag:$0x3] =	sbarrier.arrive $0xFFFF  }
0x128: {  	_ =	shalt  }

// kernel: kernel.9.cloned.1.call-start
scs
__scs_entry_jumppad:
0x0: {  	(pc) =	sbr.rel $0x88, $3  }
0x1: {  	(tag) =	ssettag $0x0;
	lr =	simm.s32 $0x1  }
0x2: {  	[smem:$0x3F8E] =	sst lr;
	_ =	strace $0xD0000000  }
0x3: {  	_ = 	snop  }
0x4: {  	_ = 	snop  }
0x5: {  	_ = 	snop  }
0x6: {  	_ = 	snop  }
0x7: {  	_ = 	snop  }
__scs_overlays_trampoline_lowered:
0x8: {  	[smem:$0x3F9D] =	sst s0  }
0x9: {  	[smem:$0x3F9E] =	sst s1  }
0xa: {  	[smem:$0x3F9F] =	sst s2  }
0xb: {  	[smem:$0x3FA0] =	sst s3  }
0xc: {  	[smem:$0x3FA1] =	sst s4  }
0xd: {  	[smem:$0x3FA2] =	sst s5  }
0xe: {  	[smem:$0x3FA3] =	sst s6  }
0xf: {  	[smem:$0x3FA4] =	sst s7  }
0x10: {  	[smem:$0x3FA5] =	sst s8  }
0x11: {  	[smem:$0x3FA6] =	sst s9;
	s0 =	simm.s32 @!p0 $0x0  }
0x12: {  	s1 =	sld [smem:$0x3F8C];
	s0 =	simm.s32 @p0 $0x1  }
0x13: {  	[smem:$0x3FA7] =	sst s0;
	s0 =	simm.s32 @!p1 $0x0  }
0x14: {  	s2 =	sld [smem:$0x3F8B];
	s0 =	simm.s32 @p1 $0x1  }
0x15: {  	[smem:$0x3FA8] =	sst s0;
	s0 =	simm.s32 @!p2 $0x0  }
0x16: {  	s3 =	sld [smem:$0x3FDB];
	s0 =	simm.s32 @p2 $0x1  }
0x17: {  	s4 =	simm.s32 $0x1BF5;
	[smem:$0x3FAA] =	sst s0  }
0x18: {  	s0 =	sld [smem:$0x3F8D];
	_ =	swait.ge [sflag:s4], $0x0  }
0x19: {  	s7 =	sld [smem:$0x3F8E]  }
0x1a: {  	s8 =	sadd.s32 $0xFFFFE003, lr  }
0x1b: {  	s9 =	sadd.s32 $0xFFFFFEF7, lr;
	s5 =	simm.s32 $0xFFFFFFFF;
	p2 =	slt.u32 s8, $0xFFFFF086  }
0x1c: {  	p1 =	slt.u32 s9, $0xF7A;
	s5 =	simm.s32 @!p2 $0x0  }
0x1d: {  	s5 =	simm.s32 @p1 $0x1;
	p0 =	seq.s32 s7, s2  }
0x1e: {  	s7 =	smul.u32 @!p0 $0xF7A, s2;
	p2 =	seq.s32 @!p0 s5, $0x0  }
0x1f: {  	s9 =	smul.u32 $0xF7A, s1;
	s8 =	simm.s32 @!p0 $0x1BF5;
	p2 =	por !p2, p0  }
0x20: {  	[sflag:s8] =	ssyncset.s32 @!p0 $0xFFFFF086;
	s6 =	sadd.s32 @!p0 s3, s7;
	s7 =	simm.s32 @!p0 $0x108  }
0x21: {  	s3 =	sadd.s32 s3, s9;
	s6 =	sadd.s32 @!p0 $0x88, s6;
	s7 =	simm.s32 @p2 $0x1082  }
0x22: {  	[simem:s7], [sflag:s8] =	dma.local @!p0 [hbm:s6], $0xF7A  }
0x23: {  	s9 =	sor.u32 $0xD0000000, s2;
	s6 =	simm.s32 $0x108;
	_ =	swait.ge @!p0 [sflag:s8], $0x0  }
0x24: {  	s3 =	sadd.s32 $0x88, s3;
	s6 =	simm.s32 @!p1 $0x1082;
	[sflag:s4] =	ssyncset.s32 $0xFFFFF086  }
0x25: {  	[simem:s6], [sflag:s4] =	dma.local [hbm:s3], $0xF7A  }
0x26: {  	[smem:$0x3F8E] =	sst s1;
	(tag) =	ssettag s2;
	_ =	strace s9  }
0x27: {  	s1 =	sld [smem:$0x3F9E]  }
0x28: {  	s2 =	sld [smem:$0x3F9F]  }
0x29: {  	s4 =	sld [smem:$0x3FA1]  }
0x2a: {  	p0 =	seq.s32 s5, $0x0;
	s5 =	sld [smem:$0x3FA2]  }
0x2b: {  	s6 =	sld [smem:$0x3FA3]  }
0x2c: {  	s7 =	sld [smem:$0x3FA4]  }
0x2d: {  	s3 =	simm.s32 $0x108;
	s8 =	sld [smem:$0x3FA5]  }
0x2e: {  	s3 =	simm.s32 @!p0 $0x1082;
	s9 =	sld [smem:$0x3FA6]  }
0x2f: {  	lr =	sadd.s32 s0, s3;
	s0 =	sld [smem:$0x3F9D]  }
0x30: {  	s3 =	sld [smem:$0x3FA0]  }
0x31: {  	[smem:$0x3FA9] =	sst s10  }
0x32: {  	s10 =	sld [smem:$0x3FA7];
	_ =	sdelay $0x3  }
0x33: {  	p0 =	seq.s32 s10, $0x1;
	s10 =	sld [smem:$0x3FA9];
	_ =	sdelay $0x3  }
0x34: {  	[smem:$0x3FA9] =	sst s10  }
0x35: {  	s10 =	sld [smem:$0x3FA8];
	_ =	sdelay $0x3  }
0x36: {  	p1 =	seq.s32 s10, $0x1;
	s10 =	sld [smem:$0x3FA9];
	_ =	sdelay $0x3  }
0x37: {  	[smem:$0x3FA9] =	sst s10  }
0x38: {  	s10 =	sld [smem:$0x3FAA]  }
0x39: {  	_ = 	snop;
	(pc) =	sbr.ind lr, $3  }
0x3a: {  	_ = 	snop  }
0x3b: {  	_ = 	snop  }
0x3c: {  	p2 =	seq.s32 s10, $0x1;
	s10 =	sld [smem:$0x3FA9]  }
0x3d: {  	_ =	shalt  }
0x3e: {  	_ =	shalt  }
0x3f: {  	_ =	shalt  }
0x40: {  	_ =	shalt  }
0x41: {  	_ =	shalt  }
0x42: {  	_ =	shalt  }
0x43: {  	_ =	shalt  }
0x44: {  	_ =	shalt  }
0x45: {  	_ =	shalt  }
0x46: {  	_ =	shalt  }
0x47: {  	_ =	shalt  }
0x48: {  	_ =	shalt  }
0x49: {  	_ =	shalt  }
0x4a: {  	_ =	shalt  }
0x4b: {  	_ =	shalt  }
0x4c: {  	_ =	shalt  }
0x4d: {  	_ =	shalt  }
0x4e: {  	_ =	shalt  }
0x4f: {  	_ =	shalt  }
0x50: {  	_ =	shalt  }
0x51: {  	_ =	shalt  }
0x52: {  	_ =	shalt  }
0x53: {  	_ =	shalt  }
0x54: {  	_ =	shalt  }
0x55: {  	_ =	shalt  }
0x56: {  	_ =	shalt  }
0x57: {  	_ =	shalt  }
0x58: {  	_ =	shalt  }
0x59: {  	_ =	shalt  }
0x5a: {  	_ =	shalt  }
0x5b: {  	_ =	shalt  }
0x5c: {  	_ =	shalt  }
0x5d: {  	_ =	shalt  }
0x5e: {  	_ =	shalt  }
0x5f: {  	_ =	shalt  }
0x60: {  	_ =	shalt  }
0x61: {  	_ =	shalt  }
0x62: {  	_ =	shalt  }
0x63: {  	_ =	shalt  }
0x64: {  	_ =	shalt  }
0x65: {  	_ =	shalt  }
0x66: {  	_ =	shalt  }
0x67: {  	_ =	shalt  }
0x68: {  	_ =	shalt  }
0x69: {  	_ =	shalt  }
0x6a: {  	_ =	shalt  }
0x6b: {  	_ =	shalt  }
0x6c: {  	_ =	shalt  }
0x6d: {  	_ =	shalt  }
0x6e: {  	_ =	shalt  }
0x6f: {  	_ =	shalt  }
0x70: {  	_ =	shalt  }
0x71: {  	_ =	shalt  }
0x72: {  	_ =	shalt  }
0x73: {  	_ =	shalt  }
0x74: {  	_ =	shalt  }
0x75: {  	_ =	shalt  }
0x76: {  	_ =	shalt  }
0x77: {  	_ =	shalt  }
0x78: {  	_ =	shalt  }
0x79: {  	_ =	shalt  }
0x7a: {  	_ =	shalt  }
0x7b: {  	_ =	shalt  }
0x7c: {  	_ =	shalt  }
0x7d: {  	_ =	shalt  }
0x7e: {  	_ =	shalt  }
0x7f: {  	_ =	shalt  }
0x80: {  	_ =	shalt  }
0x81: {  	_ =	shalt  }
0x82: {  	_ =	shalt  }
0x83: {  	_ =	shalt  }
0x84: {  	_ =	shalt  }
0x85: {  	_ =	shalt  }
0x86: {  	_ =	shalt  }
0x87: {  	_ =	shalt  }
.Lfunc_end0:
.L_simem_size_0:
called_computation_lowered:
.L_overlay_start_0:
0x88: {  	s2 =	sld [smem:$0x3FD9]  }
0x89: {  	s3 =	sld [smem:$0x3FFE];
	_ =	sdelay $0x1  }
0x8a: {  	s1 =	srdreg.scid  }
0x8b: {  	s0 =	sand.u32 $0x1, s1  }
0x8c: {  	s16 =	sshll.u32 s0, $0xA;
	s2 =	sadd.s32 s3, s2  }
0x8d: {  	s2 =	sadd.s32 s2, s16  }
0x8e: {  	[smem:$0x3FB5] =	sst s2  }
0x8f: {  	_ = 	snop  }
0x90: {  	(tm) =	ssettm $0x1  }
0x91: {  	s17 =	sld [smem:$0x3FFB];
	_ =	sdelay $0x3  }
0x92: {  	_ =	strace s17  }
0x93: {  	s2 =	sld [smem:$0x3FFC];
	_ =	sdelay $0x3  }
0x94: {  	_ =	strace s2  }
0x95: {  	s2 =	sld [smem:$0x3FFD];
	_ =	sdelay $0x3  }
0x96: {  	_ =	strace s2  }
0x97: {  	_ =	strace $0x8FFFFFFF  }
0x98: {  	s18 =	sld [smem:$0x3FDB];
	_ =	sdelay $0x1  }
0x99: {  	s19 =	simm.s32 $_scs_section_size  }
0x9a: {  	s4 =	simm.s32 $_size__tile_overlayer_lowered;
	s5 =	simm.s32 $_tile_overlayer_lowered  }
0x9b: {  	s22 =	simm.s32 $0x1BFF;
	s21 =	sshll.u32 s5, $0x1;
	s2 =	sadd.s32 s19, s18  }
0x9c: {  	s6 =	simm.s32 $0x0;
	s20 =	sshll.u32 s4, $0x1;
	s4 =	sadd.s32 s21, s2  }
0x9d: {  	[timem:s6], [sflag:s22] =	dma.local [hbm:s4], s20  }
0x9e: {  	_ =	swait.ge [sflag:s22], s20  }
0x9f: {  	s3 =	ssub.s32 $0x0, s20;
	[sflag:s22] =	ssyncset.done $0x0  }
0xa0: {  	[sflag:s22] =	ssyncadd.s32 s3;
	_ =	sdelay $0x1  }
0xa1: {  	s23 =	simm.s32 $0x1B8B  }
0xa2: {  	_ =	swait.ge [sflag:s23], $0x1  }
0xa3: {  	[sflag:s23] =	ssyncset.done $0x0  }
0xa4: {  	s25 =	simm.s32 $0x1B8E;
	s24 =	sld [smem:$0x3FFE];
	[sflag:s23] =	ssyncadd.s32 $0xFFFFFFFF  }
0xa5: {  	s26 =	simm.s32 $execute0_lowered;
	[smem:$0x3FD2] =	sst s25  }
0xa6: {  	s4 =	sshll.u32 s26, $0x1;
	_ =	strace $0x80000046;
	[dreg:$0x1] =	wrdreg $0xFFFFFFFF  }
0xa7: {  	s28 =	simm.s32 $_size_execute0_lowered;
	s2 =	sadd.s32 s2, s4;
	[dreg:$0x0] =	wrdreg $0x0  }
0xa8: {  	s4 =	sshll.u32 s28, $0x1;
	[dreg:$0x2] =	wrdreg s2  }
0xa9: {  	[dreg:$0x3] =	wrdreg s4  }
0xaa: {  	[dreg:$0x4] =	wrdreg $0xC0  }
0xab: {  	_ =	task [dreg:s6], $0x5FFFF  }
0xac: {  	[dreg:$0x1] =	wrdreg $0xFFFFFFFF  }
0xad: {  	[dreg:$0x0] =	wrdreg $0x60  }
0xae: {  	[dreg:$0x2] =	wrdreg s24  }
0xaf: {  	[dreg:$0x3] =	wrdreg $0xB3000  }
0xb0: {  	[dreg:$0x4] =	wrdreg $0x102000  }
0xb1: {  	[dreg:$0x5] =	wrdreg $0x9  }
0xb2: {  	_ =	task.clear_ibuf [dreg:s6], $0x6FFFF;
	_ =	strace $0x90000046  }
0xb3: {  	s29 =	simm.s32 $0x9;
	_ =	strace $0x80000048  }
0xb4: {  	_ =	swait.ge [sflag:s29], $0x1  }
0xb5: {  	[sflag:s29] =	ssyncadd.s32 $0xFFFFFFFF  }
0xb6: {  	_ =	strace $0x90000048  }
0xb7: {  	_ =	sfence  }
0xb8: {  	s30 =	sld [smem:$0x0];
	_ =	sdelay $0x2  }
0xb9: {  	s31 =	sshll.u32 s1, $0xD;
	s1 =	sshrl.u32 s1, $0x2  }
0xba: {  	s3 =	sand.u32 $0x4000, s31;
	s1 =	sadd.s32 s1, s30  }
0xbb: {  	s0 =	sor.u32 s3, s0;
	s1 =	sshll.u32 s1, $0x11  }
0xbc: {  	s0 =	sor.u32 s1, s0  }
0xbd: {  	s0 =	sadd.s32 $0x8F2B, s0  }
0xbe: {  	[sflag:s0] =	ssyncadd.remote.s32 $0x1  }
0xbf: {  	_ =	sfence.sel $0xFFFF  }
0xc0: {  	[dreg:$0x0] =	wrdreg $0xFFFFFFFF;
	(pc) =	sbr.abs _section_cstart, $3  }
0xc1: {  	[dreg:$0x1] =	wrdreg $0xFFFFFFFF  }
0xc2: {  	_ =	task.clear_ibuf [dreg:s6], $0x2FFFF;
	_ =	strace $0x9FFFFFFF  }
0xc3: {  	(tm) =	ssettm $0x7FFFFFFF  }
tec
execute0_lowered:
.L_overlay_start_1:
0x0: {  	(tag) =	ssettag $0x1  }
0x1: {  	s0 =	rddreg [dreg:$0x0]  }
0x2: {  	s1 =	rddreg [dreg:$0x1]  }
0x3: {  	s3 =	rddreg [dreg:$0x2];
	s4 =	simm.s32 $0x0;
	s2 =	srdreg.scid  }
0x4: {  	s14 =	stileid.u32;
	s28 =	simm.s32 $0x3;
	s29 =	simm.s32 $0x2  }
0x5: {  	s30 =	simm.s32 $0x7F00;
	s31 =	simm.s32 $0x8F00;
	[smem:$0x7FF] =	sst s4  }
0x6: {  	s2 =	sand.u32 $0x1, s2;
	s6 =	smul.u32 $0x9E00, s14;
	s5 =	sadd.s32 $0x17400, s0  }
0x7: {  	s8 =	sadd.s32 $0xCC00, s0;
	s10 =	sadd.s32 $0x2E00, s0;
	s11 =	smul.u32 $0x13C0, s14  }
0x8: {  	s9 =	sadd.s32 $0x16A00, s0;
	s12 =	sadd.s32 $0x21200, s0;
	s20 =	sadd.s32 $0x21600, s0  }
0x9: {  	s21 =	sshll.u32 s14, $0x1;
	_ =	strace $0x80000047;
	[dreg:$0x4] =	wrdreg s9  }
0xa: {  	s23 =	sshll.u32 s14, $0x6;
	s7 =	smul.u32 $0x9E000, s2;
	[dreg:$0x5] =	wrdreg s12  }
0xb: {  	p0 =	sgt.u32 s14, $0x1;
	s19 =	smul.u32 $0x13C00, s2;
	[dreg:$0x6] =	wrdreg s20  }
0xc: {  	s13 =	ssub.s32 $0x2, s2;
	s2 =	sor.u32 s2, s21;
	s20 =	simm.s32 $0xAF00  }
0xd: {  	s21 =	simm.s32 $0x4D80;
	s22 =	sshrl.u32 s13, $0x1;
	s12 =	smul.u32 $0x4E, s2  }
0xe: {  	s2 =	smin.u32 s2, $0x4;
	s7 =	sadd.s32 s6, s7;
	s9 =	sadd.s32 s11, s19  }
0xf: {  	s13 =	ssub.s32 s13, s22;
	s6 =	sshrl.u32 s6, $0x1;
	s11 =	sadd.s32 s11, s3  }
0x10: {  	s19 =	simm.s32 $0x6;
	s22 =	simm.s32 $0x80;
	s7 =	sshrl.u32 s7, $0x4  }
0x11: {  	s9 =	sshrl.u32 s9, $0x3;
	s2 =	sadd.s32 s2, s12;
	s6 =	sadd.s32 s6, s1  }
0x12: {  	[dreg:$0x7] =	wrdreg s11;
	s17 =	smax.u32 s13, $0x1;
	s7 =	sadd.s32 s7, s0  }
0x13: {  	s0 =	sadd.s32 s9, s0;
	s9 =	sor.u32 $0x1C06, s23;
	s2 =	sshll.u32 s2, $0x4  }
0x14: {  	s18 =	sshrl.u32 s6, $0x3;
	s23 =	simm.s32 $0x4F00;
	s24 =	sadd.s32 s8, s2  }
0x15: {  	s6 =	simm.s32 $0x4;
	s25 =	sadd.s32 s10, s2;
	[dreg:$0x8] =	wrdreg s24  }
0x16: {  	s2 =	sadd.s32 $0x4E0, s2;
	s26 =	sadd.s32 $0x26800, s7;
	[dreg:$0x9] =	wrdreg s25  }
0x17: {  	s0 =	sadd.s32 $0x21800, s0;
	s7 =	simm.s32 $0x5;
	[dreg:$0xc] =	wrdreg s26  }
0x18: {  	s8 =	sadd.s32 s8, s2;
	s2 =	sadd.s32 s10, s2;
	[dreg:$0xd] =	wrdreg s0  }
0x19: {  	s24 =	simm.s32 $0x5F00;
	s26 =	simm.s32 $0x6F00;
	s0 =	simm.s32 $0x9F00  }
0x1a: {  	s25 =	simm.s32 $0x4E00;
	s10 =	simm.s32 $0x0;
	[dreg:$0xa] =	wrdreg s8  }
0x1b: {  	[dreg:$0xb] =	wrdreg s2;
	s2 =	simm.s32 $0x4D00;
	s8 =	simm.s32 $0x1  }
.LBB2_1:
0x1c: {  	s11 =	rddreg [dreg:$0x4]  }
0x1d: {  	[spmem:s18], [sflag:s9] =	dma.local [hbm:s11], $0x9E0  }
0x1e: {  	_ =	swait.ge [sflag:s19], $0x9E0  }
0x1f: {  	[sflag:s19] =	ssyncset.done $0x0;
	s12 =	rddreg [dreg:$0x7]  }
0x20: {  	[sflag:s19] =	ssyncadd.s32 $0xFFFFF620;
	s11 =	sshrl.u32 s12, $0x3;
	s12 =	rddreg [dreg:$0x5]  }
0x21: {  	[spmem:s11], [sflag:s9] =	dma.local [hbm:s12], $0x278  }
0x22: {  	_ =	swait.ge [sflag:s19], $0x278  }
0x23: {  	[sflag:s19] =	ssyncset.done $0x0  }
0x24: {  	s13 =	rddreg [dreg:$0x6];
	[sflag:s19] =	ssyncadd.s32 $0xFFFFFD88  }
0x25: {  	[tilespmem:s20], [sflag:$0x6] =	stream.linear.gather [hbm4b:s13+s4], $0x400, $0x38;
	[tilespmem:$0x115C0] =	vst v63  }
0x26: {  	_ =	swait.ge [sflag:s19], $0x400  }
0x27: {  	[sflag:s19] =	ssyncset.done $0x0  }
0x28: {  	s14 =	rddreg [dreg:$0x8];
	[sflag:s19] =	ssyncadd.s32 $0xFFFFFC00  }
0x29: {  	[tilespmem:s4], [sflag:$0x6] =	stream.linear.gather [hbm4b:s14+s4], $0x2700, $0x38;
	[tilespmem:$0x115C0] =	vst v63  }
0x2a: {  	_ =	swait.ge [sflag:s19], $0x2700  }
0x2b: {  	[sflag:s19] =	ssyncset.done $0x0  }
0x2c: {  	s13 =	simm.s32 $0x2780;
	s15 =	rddreg [dreg:$0x9];
	[sflag:s19] =	ssyncadd.s32 $0xFFFFD900  }
0x2d: {  	[tilespmem:s13], [sflag:$0x6] =	stream.linear.gather [hbm4b:s15+s4], $0x2700, $0x38;
	[tilespmem:$0x115C0] =	vst v63  }
0x2e: {  	_ =	swait.ge [sflag:s19], $0x2700  }
0x2f: {  	s12 =	simm.s32 @!p0 $0x0;
	[sflag:s19] =	ssyncset.done $0x0  }
0x30: {  	s13 =	simm.s32 @!p0 $0x2700;
	s14 =	rddreg [dreg:$0xa];
	[sflag:s19] =	ssyncadd.s32 $0xFFFFD900  }
0x31: {  	[tilespmem:s13], [sflag:$0x6] =	stream.linear.gather @!p0 [hbm4b:s14+s12], $0x80, $0x38;
	[tilespmem:$0x115C0] =	vst v63  }
0x32: {  	s13 =	simm.s32 @!p0 $0x6  }
0x33: {  	_ =	swait.ge @!p0 [sflag:s13], $0x80  }
0x34: {  	[sflag:s13] =	ssyncset.done @!p0 $0x0  }
0x35: {  	s14 =	simm.s32 @!p0 $0x4E80;
	s15 =	rddreg [dreg:$0xb];
	[sflag:s13] =	ssyncadd.s32 @!p0 $0xFFFFFF80  }
0x36: {  	[tilespmem:s14], [sflag:$0x6] =	stream.linear.gather @!p0 [hbm4b:s15+s12], $0x80, $0x38;
	[tilespmem:$0x115C0] =	vst v63  }
0x37: {  	_ =	swait.ge @!p0 [sflag:s13], $0x80  }
0x38: {  	[sflag:s13] =	ssyncset.done @!p0 $0x0  }
0x39: {  	[sflag:s13] =	ssyncadd.s32 @!p0 $0xFFFFFF80  }
0x3a: {  	[bflag:$0x0] =	sbarrier.arrive $0xFFFF  }
0x3b: {  	[tilespmem:s23], [sflag:$0x1] =	stream.indirect.gather [hbm4b:s5+s22], $0x20, s4, s22, $0xb8;
	[tilespmem:$0x115C0] =	vst v63  }
.Ltmp0:
0x3c: {  	_ = 	snop;
	(pc) =	sbr.rel .LBB2_2-.Ltmp0, $4  }
0x3d: {  	_ = 	snop  }
0x3e: {  	[tilespmem:s24], [sflag:$0x1] =	stream.indirect.gather [hbm4b:s5+s22], $0x20, s22, s22, $0xb8;
	[tilespmem:$0x115C0] =	vst v63  }
0x3f: {  	s16 =	simm.s32 $0x100;
	s12 =	simm.s32 $0x0;
	s13 =	simm.s32 $0x0  }
0x40: {  	[tilespmem:s26], [sflag:$0x1] =	stream.indirect.gather [hbm4b:s5+s22], $0x20, s16, s22, $0xb8;
	[tilespmem:$0x115C0] =	vst v63  }
.LBB2_8:
0x41: {  	_ =	swait.ge [sflag:s28], $0x1000  }
0x42: {  	[sflag:s28] =	ssyncset.done $0x0  }
0x43: {  	[sflag:s28] =	ssyncadd.s32 $0xFFFFF000  }
0x44: {  	_ =	swait.ge [sflag:s28], $0x1000  }
0x45: {  	[sflag:s28] =	ssyncset.done $0x0  }
0x46: {  	[sflag:s28] =	ssyncadd.s32 $0xFFFFF000  }
0x47: {  	_ =	swait.ge [sflag:s28], $0x1000  }
0x48: {  	s14 =	sshra.s32 s12, $0x2;
	[sflag:s28] =	ssyncset.done $0x0  }
0x49: {  	s15 =	sadd.s32 $0x180, s14;
	[sflag:s28] =	ssyncadd.s32 $0xFFFFF000  }
0x4a: {  	[tilespmem:s23], [sflag:$0x1] =	stream.indirect.gather [hbm4b:s5+s22], $0x20, s15, s22, $0xb8;
	[tilespmem:$0x115C0] =	vst v63  }
0x4b: {  	s16 =	sadd.s32 $0x200, s14  }
0x4c: {  	[tilespmem:s24], [sflag:$0x1] =	stream.indirect.gather [hbm4b:s5+s22], $0x20, s16, s22, $0xb8;
	[tilespmem:$0x115C0] =	vst v63  }
0x4d: {  	s16 =	sadd.s32 $0x280, s14  }
0x4e: {  	[tilespmem:s26], [sflag:$0x1] =	stream.indirect.gather [hbm4b:s5+s22], $0x20, s16, s22, $0xb8;
	[tilespmem:$0x115C0] =	vst v63  }
0x4f: {  	_ =	swait.ge [sflag:s29], $0x1000  }
0x50: {  	[sflag:s29] =	ssyncset.done $0x0  }
0x51: {  	[sflag:s29] =	ssyncadd.s32 $0xFFFFF000  }
0x52: {  	_ =	swait.ge [sflag:s29], $0x1000  }
0x53: {  	[sflag:s29] =	ssyncset.done $0x0  }
0x54: {  	[sflag:s29] =	ssyncadd.s32 $0xFFFFF000  }
0x55: {  	_ =	swait.ge [sflag:s29], $0x1000  }
0x56: {  	[sflag:s29] =	ssyncset.done $0x0  }
0x57: {  	s16 =	sadd.s32 $0x2780, s14;
	[sflag:s29] =	ssyncadd.s32 $0xFFFFF000  }
0x58: {  	[spmem:s1] =	stream.indirect.scatter.add.bf16 [tilespmem:s30], [sflag:$0x4], $0x20, s16, s22, $0xb8;
	[tilespmem:$0x115C0] =	vst v63  }
0x59: {  	_ = 	snop  }
0x5a: {  	[spmem:s3] =	stream.indirect.scatter.add.f32 [tilespmem:s20], [sflag:$0x5], $0x8, s16, s22, $0xb8;
	[tilespmem:$0x115C0] =	vst v63  }
0x5b: {  	s16 =	sadd.s32 $0x2800, s14  }
0x5c: {  	[spmem:s1] =	stream.indirect.scatter.add.bf16 [tilespmem:s31], [sflag:$0x4], $0x20, s16, s22, $0xb8;
	[tilespmem:$0x115C0] =	vst v63  }
0x5d: {  	_ = 	snop  }
0x5e: {  	[spmem:s3] =	stream.indirect.scatter.add.f32 [tilespmem:s20], [sflag:$0x5], $0x8, s16, s22, $0xb8;
	[tilespmem:$0x115C0] =	vst v63  }
0x5f: {  	s14 =	sadd.s32 $0x2880, s14  }
0x60: {  	[spmem:s1] =	stream.indirect.scatter.add.bf16 [tilespmem:s0], [sflag:$0x4], $0x20, s14, s22, $0xb8;
	[tilespmem:$0x115C0] =	vst v63  }
0x61: {  	_ = 	snop  }
0x62: {  	[spmem:s3] =	stream.indirect.scatter.add.f32 [tilespmem:s20], [sflag:$0x5], $0x8, s14, s22, $0xb8;
	[tilespmem:$0x115C0] =	vst v63  }
.LBB2_9:
0x63: {  	s12 =	sadd.s32 $0x600, s12  }
0x64: {  	p1 =	sne.s32 s12, $0x9600  }
.Ltmp1:
0x65: {  	_ = 	snop;
	(pc) =	sbr.rel @!p1 .LBB2_10-.Ltmp1, $2  }
0x66: {  	_ =	sdelay $0x2  }
0x67: {  	s13 =	sadd.s32 $0x1, s13  }
.LBB2_2:
0x68: {  	s14 =	sand.u32 $0x1, s13  }
0x69: {  	p1 =	seq.s32 s14, $0x1  }
.Ltmp2:
0x6a: {  	_ = 	snop;
	(pc) =	sbr.rel @p1 .LBB2_8-.Ltmp2, $1  }
0x6b: {  	_ =	sdelay $0x3  }
0x6c: {  	p1 =	seq.s32 s13, $0x0  }
.Ltmp3:
0x6d: {  	_ = 	snop;
	(pc) =	sbr.rel @p1 .LBB2_6-.Ltmp3, $1  }
0x6e: {  	_ =	sdelay $0x3  }
0x6f: {  	p1 =	seq.s32 s13, $0x19  }
.Ltmp4:
0x70: {  	_ = 	snop;
	(pc) =	sbr.rel @p1 .LBB2_7-.Ltmp4, $2  }
0x71: {  	_ =	sdelay $0x2  }
0x72: {  	s15 =	simm.s32 $0x9600  }
0x73: {  	_ =	swait.ge [sflag:s6], $0x1000  }
0x74: {  	[sflag:s6] =	ssyncset.done $0x0  }
0x75: {  	[sflag:s6] =	ssyncadd.s32 $0xFFFFF000  }
0x76: {  	_ =	swait.ge [sflag:s6], $0x1000  }
0x77: {  	[sflag:s6] =	ssyncset.done $0x0  }
0x78: {  	[sflag:s6] =	ssyncadd.s32 $0xFFFFF000  }
0x79: {  	_ =	swait.ge [sflag:s6], $0x1000  }
0x7a: {  	[sflag:s6] =	ssyncset.done $0x0  }
0x7b: {  	[sflag:s6] =	ssyncadd.s32 $0xFFFFF000  }
.LBB2_6:
0x7c: {  	s15 =	sshra.s32 s12, $0x2  }
0x7d: {  	s16 =	sadd.s32 $0x180, s15  }
0x7e: {  	[tilespmem:s30], [sflag:$0x2] =	stream.indirect.gather [hbm4b:s5+s22], $0x20, s16, s22, $0xb8;
	[tilespmem:$0x115C0] =	vst v63  }
0x7f: {  	s16 =	sadd.s32 $0x200, s15  }
0x80: {  	[tilespmem:s31], [sflag:$0x2] =	stream.indirect.gather [hbm4b:s5+s22], $0x20, s16, s22, $0xb8;
	[tilespmem:$0x115C0] =	vst v63  }
0x81: {  	s15 =	sadd.s32 $0x280, s15  }
0x82: {  	[tilespmem:s0], [sflag:$0x2] =	stream.indirect.gather [hbm4b:s5+s22], $0x20, s15, s22, $0xb8;
	[tilespmem:$0x115C0] =	vst v63  }
0x83: {  	s15 =	smov.u32 s12  }
.LBB2_7:
0x84: {  	_ =	swait.ge [sflag:s8], $0x1000  }
0x85: {  	[sflag:s8] =	ssyncset.done $0x0  }
0x86: {  	[sflag:s8] =	ssyncadd.s32 $0xFFFFF000  }
0x87: {  	_ =	swait.ge [sflag:s8], $0x1000  }
0x88: {  	[sflag:s8] =	ssyncset.done $0x0  }
0x89: {  	[sflag:s8] =	ssyncadd.s32 $0xFFFFF000  }
0x8a: {  	_ =	swait.ge [sflag:s8], $0x1000  }
0x8b: {  	s15 =	sshra.s32 s15, $0x2;
	[sflag:s8] =	ssyncset.done $0x0  }
0x8c: {  	s16 =	sadd.s32 $0x2780, s15;
	[sflag:s8] =	ssyncadd.s32 $0xFFFFF000  }
0x8d: {  	[spmem:s1] =	stream.indirect.scatter.add.bf16 [tilespmem:s23], [sflag:$0x3], $0x20, s16, s22, $0xb8;
	[tilespmem:$0x115C0] =	vst v63  }
0x8e: {  	_ = 	snop  }
0x8f: {  	[spmem:s3] =	stream.indirect.scatter.add.f32 [tilespmem:s20], [sflag:$0x5], $0x8, s16, s22, $0xb8;
	[tilespmem:$0x115C0] =	vst v63  }
0x90: {  	s16 =	sadd.s32 $0x2800, s15  }
0x91: {  	[spmem:s1] =	stream.indirect.scatter.add.bf16 [tilespmem:s24], [sflag:$0x3], $0x20, s16, s22, $0xb8;
	[tilespmem:$0x115C0] =	vst v63  }
0x92: {  	p1 =	seq.s32 s14, $0x0  }
0x93: {  	[spmem:s3] =	stream.indirect.scatter.add.f32 [tilespmem:s20], [sflag:$0x5], $0x8, s16, s22, $0xb8;
	[tilespmem:$0x115C0] =	vst v63  }
.Ltmp5:
0x94: {  	_ = 	snop;
	(pc) =	sbr.rel @p1 .LBB2_9-.Ltmp5, $4  }
.Ltmp6:
0x95: {  	s15 =	sadd.s32 $0x2880, s15;
	(pc) =	sbr.rel @!p1 .LBB2_8-.Ltmp6, $4  }
0x96: {  	[spmem:s1] =	stream.indirect.scatter.add.bf16 [tilespmem:s26], [sflag:$0x3], $0x20, s15, s22, $0xb8;
	[tilespmem:$0x115C0] =	vst v63  }
0x97: {  	_ = 	snop  }
0x98: {  	[spmem:s3] =	stream.indirect.scatter.add.f32 [tilespmem:s20], [sflag:$0x5], $0x8, s15, s22, $0xb8;
	[tilespmem:$0x115C0] =	vst v63  }
0x99: {  	_ = 	snop  }
.LBB2_10:
0x9a: {  	_ =	swait.ge [sflag:s29], $0x1000  }
0x9b: {  	[sflag:s29] =	ssyncset.done $0x0  }
0x9c: {  	[sflag:s29] =	ssyncadd.s32 $0xFFFFF000  }
0x9d: {  	_ =	swait.ge [sflag:s29], $0x1000  }
0x9e: {  	[sflag:s29] =	ssyncset.done $0x0  }
0x9f: {  	[sflag:s29] =	ssyncadd.s32 $0xFFFFF000  }
0xa0: {  	_ =	swait.ge [sflag:s29], $0x1000  }
0xa1: {  	[sflag:s29] =	ssyncset.done $0x0  }
0xa2: {  	[sflag:s29] =	ssyncadd.s32 $0xFFFFF000  }
0xa3: {  	[spmem:s1] =	stream.indirect.scatter.add.bf16 [tilespmem:s30], [sflag:$0x4], $0x20, s2, s22, $0xb8;
	[tilespmem:$0x115C0] =	vst v63  }
0xa4: {  	_ = 	snop  }
0xa5: {  	[spmem:s3] =	stream.indirect.scatter.add.f32 [tilespmem:s20], [sflag:$0x5], $0x8, s2, s22, $0xb8;
	[tilespmem:$0x115C0] =	vst v63  }
0xa6: {  	_ = 	snop  }
0xa7: {  	[spmem:s1] =	stream.indirect.scatter.add.bf16 [tilespmem:s31], [sflag:$0x4], $0x20, s21, s22, $0xb8;
	[tilespmem:$0x115C0] =	vst v63  }
0xa8: {  	_ = 	snop  }
0xa9: {  	[spmem:s3] =	stream.indirect.scatter.add.f32 [tilespmem:s20], [sflag:$0x5], $0x8, s21, s22, $0xb8;
	[tilespmem:$0x115C0] =	vst v63  }
0xaa: {  	_ = 	snop  }
0xab: {  	[spmem:s1] =	stream.indirect.scatter.add.bf16 [tilespmem:s0], [sflag:$0x4], $0x20, s25, s22, $0xb8;
	[tilespmem:$0x115C0] =	vst v63  }
0xac: {  	_ = 	snop  }
0xad: {  	[spmem:s3] =	stream.indirect.scatter.add.f32 [tilespmem:s20], [sflag:$0x5], $0x8, s25, s22, $0xb8;
	[tilespmem:$0x115C0] =	vst v63  }
0xae: {  	_ =	swait.ge [sflag:s28], $0x1000  }
0xaf: {  	[sflag:s28] =	ssyncset.done $0x0  }
0xb0: {  	[sflag:s28] =	ssyncadd.s32 $0xFFFFF000  }
0xb1: {  	_ =	swait.ge [sflag:s6], $0x1000  }
0xb2: {  	[sflag:s6] =	ssyncset.done $0x0  }
0xb3: {  	[sflag:s6] =	ssyncadd.s32 $0xFFFFF000  }
0xb4: {  	_ =	swait.ge [sflag:s28], $0x1000  }
0xb5: {  	[sflag:s28] =	ssyncset.done $0x0  }
0xb6: {  	[sflag:s28] =	ssyncadd.s32 $0xFFFFF000  }
0xb7: {  	_ =	swait.ge [sflag:s6], $0x1000  }
0xb8: {  	[sflag:s6] =	ssyncset.done $0x0  }
0xb9: {  	[sflag:s6] =	ssyncadd.s32 $0xFFFFF000  }
0xba: {  	_ =	swait.ge [sflag:s28], $0x1000  }
0xbb: {  	[sflag:s28] =	ssyncset.done $0x0  }
0xbc: {  	[sflag:s28] =	ssyncadd.s32 $0xFFFFF000  }
0xbd: {  	_ =	swait.ge [sflag:s6], $0x1000  }
0xbe: {  	s12 =	simm.s32 @!p0 $0x80;
	[sflag:s6] =	ssyncset.done $0x0  }
0xbf: {  	s13 =	simm.s32 @!p0 $0x2700;
	s14 =	simm.s32 @!p0 $0x4F00;
	[sflag:s6] =	ssyncadd.s32 $0xFFFFF000  }
0xc0: {  	[tilespmem:s14], [sflag:$0x1] =	stream.indirect.gather @!p0 [hbm4b:s5+s12], $0x20, s13, s12, $0xb8;
	[tilespmem:$0x115C0] =	vst v63  }
0xc1: {  	s13 =	simm.s32 @!p0 $0x1  }
0xc2: {  	_ =	swait.ge @!p0 [sflag:s13], $0x1000  }
0xc3: {  	[sflag:s13] =	ssyncset.done @!p0 $0x0  }
0xc4: {  	[sflag:s13] =	ssyncadd.s32 @!p0 $0xFFFFF000;
	s13 =	simm.s32 @!p0 $0x4E80  }
0xc5: {  	[spmem:s1] =	stream.indirect.scatter.add.bf16 @!p0 [tilespmem:s14], [sflag:$0x6], $0x20, s13, s12, $0xb8;
	[tilespmem:$0x115C0] =	vst v63  }
0xc6: {  	s14 =	simm.s32 @!p0 $0x6  }
0xc7: {  	_ =	swait.ge @!p0 [sflag:s14], $0x1000  }
0xc8: {  	[sflag:s14] =	ssyncset.done @!p0 $0x0  }
0xc9: {  	s15 =	simm.s32 @!p0 $0xAF00;
	[sflag:s14] =	ssyncadd.s32 @!p0 $0xFFFFF000  }
0xca: {  	[spmem:s3] =	stream.indirect.scatter.add.f32 @!p0 [tilespmem:s15], [sflag:$0x6], $0x8, s13, s12, $0xb8;
	[tilespmem:$0x115C0] =	vst v63  }
0xcb: {  	_ =	swait.ge @!p0 [sflag:s14], $0x400  }
0xcc: {  	[sflag:s14] =	ssyncset.done @!p0 $0x0  }
0xcd: {  	[sflag:s14] =	ssyncadd.s32 @!p0 $0xFFFFFC00  }
0xce: {  	_ =	swait.ge [sflag:s7], $0x400  }
0xcf: {  	s12 =	simm.s32 $0x4D;
	[sflag:s7] =	ssyncset.done $0x0  }
.LBB2_11:
0xd0: {  	p1 =	sne.s32 s12, $0x1;
	s12 =	sadd.s32 $0xFFFFFFFF, s12;
	[sflag:s7] =	ssyncadd.s32 $0xFFFFFC00  }
.Ltmp7:
0xd1: {  	(pc) =	sbr.rel @p1 .LBB2_11-.Ltmp7, $3  }
0xd2: {  	_ =	sdelay $0x1  }
0xd3: {  	_ =	swait.ge [sflag:s7], $0x400  }
0xd4: {  	[sflag:s7] =	ssyncset.done $0x0  }
0xd5: {  	[sflag:s7] =	ssyncadd.s32 $0xFFFFFC00  }
0xd6: {  	[bflag:$0x0] =	sbarrier.arrive $0xFFFF  }
0xd7: {  	s12 =	rddreg [dreg:$0xc]  }
0xd8: {  	[hbm:s12], [sflag:s9] =	dma.local [spmem:s18], $0x9E0  }
0xd9: {  	s10 =	sadd.s32 $0x1, s10;
	_ =	swait.ge [sflag:s19], $0x9E0  }
0xda: {  	p1 =	sne.s32 s10, s17;
	[sflag:s19] =	ssyncset.done $0x0  }
.Ltmp8:
0xdb: {  	s16 =	rddreg [dreg:$0xd];
	[sflag:s19] =	ssyncadd.s32 $0xFFFFF620;
	(pc) =	sbr.rel @p1 .LBB2_1-.Ltmp8, $4  }
0xdc: {  	[hbm:s16], [sflag:s9] =	dma.local [spmem:s11], $0x278  }
0xdd: {  	_ =	swait.ge [sflag:s19], $0x278  }
0xde: {  	[sflag:s19] =	ssyncset.done $0x0  }
0xdf: {  	[sflag:s19] =	ssyncadd.s32 $0xFFFFFD88  }
0xe0: {  	_ =	sfence.sel $0x180000  }
0xe1: {  	[bflag:$0x0] =	sbarrier.arrive $0xFFFF  }
0xe2: {  	_ =	strace $0x90000047  }
0xe3: {  	s0 =	stileid.u32;
	[bflag:$0x2] =	sbarrier.arrive $0xFFFF  }
0xe4: {  	p0 =	sne.s32 s0, $0x0;
	s0 =	rddreg [dreg:$0x3]  }
0xe5: {  	s0 =	sadd.s32 @!p0 $0x100000, s0  }
0xe6: {  	[sflag:s0] =	ssyncadd.tile.s32 @!p0 $0x1;
	_ =	shalt  }
.Lfunc_end2:
_tile_overlayer_lowered:
.L_overlay_start_2:
0xe7: {  	(tag) =	ssettag $0x2  }
0xe8: {  	s0 =	rddreg [dreg:$0x0];
	s2 =	stileid.u32  }
0xe9: {  	s1 =	rddreg [dreg:$0x1];
	p0 =	sne.s32 s2, $0x0  }
0xea: {  	s3 =	rddreg [dreg:$0x2];
	[bflag:$0x3] =	sbarrier.arrive $0xFFFF;
	s2 =	simm.s32 @!p0 $0x1C06  }
0xeb: {  	[timem:s3], [sflag:s2] =	dma.local @!p0 [hbm:s0], s1  }
0xec: {  	s0 =	simm.s32 @!p0 $0x6  }
0xed: {  	_ =	swait.ge @!p0 [sflag:s0], s1  }
0xee: {  	s1 =	ssub.s32 @!p0 $0x0, s1;
	[sflag:s0] =	ssyncset.done @!p0 $0x0  }
0xef: {  	[sflag:s0] =	ssyncadd.s32 @!p0 s1  }
0xf0: {  	[bflag:$0x3] =	sbarrier.arrive $0xFFFF  }
0xf1: {  	_ =	shalt  }

</sc_bundles>
